<compile_context>
chip_gen: v7x
topology: tpu7x:2x2x1
jax: 0.10.2.dev20260603
libtpu: 0.0.44.dev20260713+nightly
codegen_flags: <defaults>
</compile_context>

<pallas_src>
import functools

import jax
import jax.numpy as jnp
from jax import lax
from jax.experimental import pallas as pl
from jax.experimental.pallas import tpu as pltpu
from jax.experimental.pallas import tpu_sc as plsc

VOCAB = 1000000
EMBED_DIM = 32
BATCH = 16384
HIST = 50
B = BATCH * HIST

NUM_CORES = 2
NUM_SUBCORES = 16
NW = NUM_CORES * NUM_SUBCORES
JL = 4
B_PER_W = B // NW
OUT_FLAT = BATCH * HIST * EMBED_DIM
HG = 5
NQ = HIST // HG

_mesh = plsc.VectorSubcoreMesh(core_axis_name="c", subcore_axis_name="s")


@functools.partial(
    pl.kernel,
    out_type=jax.ShapeDtypeStruct((OUT_FLAT,), jnp.float32),
    mesh=_mesh,
    scratch_types=[
        pltpu.VMEM((B_PER_W,), jnp.int32),
        pltpu.VMEM((B_PER_W,), jnp.int32),
        [pltpu.VMEM((HG * 128, EMBED_DIM), jnp.float32) for _ in range(2)],
        [pltpu.VMEM((8 * 128 * 4,), jnp.float32) for _ in range(2)],
        [pltpu.SemaphoreType.DMA for _ in range(2)],
        [pltpu.SemaphoreType.DMA for _ in range(2)],
    ],
    compiler_params=pltpu.CompilerParams(
        use_tc_tiling_on_sc=False, needs_layout_passes=False
    ),
)
def _gather_kernel(idx_hbm, table_hbm, out_hbm, xbuf, idx_t, rows, tr,
                   sem_g, sem_s):
    wid = lax.axis_index("s") * NUM_CORES + lax.axis_index("c")

    iota16 = lax.iota(jnp.int32, 16)
    pre = [(iota16 + 16 * m) * HIST for m in range(8)]
    colbase = [(iota16 + 16 * m) * EMBED_DIM for m in range(8)]

    pltpu.sync_copy(idx_hbm.at[pl.ds(wid * B_PER_W, B_PER_W)], xbuf)

    @plsc.parallel_loop(0, HIST, unroll=2)
    def idx_body(h):
        for jl in range(JL):
            base = jl * (128 * HIST) + h
            vs = [plsc.load_gather(xbuf, [pre[m] + base]) for m in range(8)]
            for m in range(8):
                idx_t[pl.ds((jl * HIST + h) * 128 + 16 * m, 16)] = vs[m]

    def fire_gather(c, s):
        pltpu.async_copy(
            table_hbm.at[idx_t.at[pl.ds(c * 128, HG * 128)]], rows[s], sem_g[s]
        )

    def wait_gather(s):
        pltpu.make_async_copy(
            table_hbm.at[idx_t.at[pl.ds(0, HG * 128)]], rows[s], sem_g[s]
        ).wait()

    rowids = [iota16 + 16 * m for m in range(8)]

    def transpose(s, hh2, t):
        @plsc.parallel_loop(0, EMBED_DIM, unroll=4)
        def t_body(d):
            dcol = jnp.full((16,), 0, jnp.int32) + d
            vs = [
                plsc.load_gather(rows[s], [rowids[m] + hh2 * 128, dcol])
                for m in range(8)
            ]
            for m in range(8):
                tr[t][pl.ds(d * 128 + 16 * m, 16)] = vs[m]

    def fire_stores(jg, h, t):
        for i in range(4):
            pltpu.async_copy(
                tr[t].at[pl.ds(i * 1024, 1024)],
                out_hbm.at[pl.ds((h * 4 + i) * 131072 + jg * 1024, 1024)],
                sem_s[t],
            )

    def wait_stores(t):
        for _ in range(4):
            pltpu.make_async_copy(
                tr[t].at[pl.ds(0, 1024)],
                out_hbm.at[pl.ds(0, 1024)],
                sem_s[t],
            ).wait()

    def jl_body(jl, carry):
        jg = wid * JL + jl
        c0 = jl * HIST
        fire_gather(c0, 0)

        def q_group(qq, carry2):
            for par in range(2):
                q = 2 * qq + par
                s = par

                @pl.when(q <= NQ - 2)
                def _():
                    fire_gather(c0 + (q + 1) * HG, 1 - s)

                wait_gather(s)

                for hh2 in range(HG):
                    t = (HG * par + hh2) % 2
                    sb = NQ * HG * 0 + q * HG + hh2

                    @pl.when(sb >= 2)
                    def _():
                        wait_stores(t)

                    transpose(s, hh2, t)
                    fire_stores(jg, q * HG + hh2, t)
            return carry2

        lax.fori_loop(0, NQ // 2, q_group, 0, unroll=False)
        wait_stores(0)
        wait_stores(1)
        return carry

    lax.fori_loop(0, JL, jl_body, 0, unroll=False)


def kernel(x, table):
    idx = x.reshape(-1).astype(jnp.int32)
    flat = _gather_kernel(idx, table)
    o = flat.reshape(HIST, 4, 128, 8, 128)
    o = o.transpose(2, 4, 0, 1, 3)
    return o.reshape(BATCH, HIST, EMBED_DIM)

# --- scband reference (transcript-rebuilt; emitter-appended) ---
"""Pipeline reference for scband-feedforward-embedding-7146825580686 (READ-ONLY COPY).

The authoritative reference and input builder live on the scoring server;
editing this copy changes nothing except your own understanding.
"""

import jax, jax.numpy as jnp
import numpy as np

VOCAB = 1000000
EMBED_DIM = 32
BATCH = 16384
HIST = 50

def setup_inputs(seed: int = 0) -> dict:
    key = jax.random.key(seed)
    k_idx, k_tab = jax.random.split(key)
    x = jax.random.randint(k_idx, (BATCH, HIST), 0, VOCAB, dtype=jnp.int64)
    table = jax.random.normal(k_tab, (VOCAB, EMBED_DIM), dtype=jnp.float32)
    return {"x": x, "table": table}

def reference(x, table):
    # nn.Embedding forward: row gather from the embedding table
    return jnp.take(table, x, axis=0)

if __name__ == "__main__":
    import jax
    _d = setup_inputs()
    print(jax.jit(kernel)(*tuple(_d.values())))

</pallas_src>

<mosaic_0001>
#map = affine_map<(d0, d1) -> (0)>
#map1 = affine_map<(d0, d1) -> (0, 0)>
module attributes {stable_mosaic.version = 14 : i64} {
  func.func @_gather_kernel(%arg0: i32, %arg1: i32, %arg2: memref<819200xi32, #tpu.memory_space<hbm>>, %arg3: memref<1000000x32xf32, #tpu.memory_space<hbm>>, %arg4: memref<26214400xf32, #tpu.memory_space<hbm>>, %arg5: memref<25600xi32, #tpu.memory_space<vmem>>, %arg6: memref<25600xi32, #tpu.memory_space<vmem>>, %arg7: memref<640x32xf32, #tpu.memory_space<vmem>>, %arg8: memref<640x32xf32, #tpu.memory_space<vmem>>, %arg9: memref<4096xf32, #tpu.memory_space<vmem>>, %arg10: memref<4096xf32, #tpu.memory_space<vmem>>, %arg11: memref<!tpu.dma_semaphore, #tpu.memory_space<semaphore_mem>>, %arg12: memref<!tpu.dma_semaphore, #tpu.memory_space<semaphore_mem>>, %arg13: memref<!tpu.dma_semaphore, #tpu.memory_space<semaphore_mem>>, %arg14: memref<!tpu.dma_semaphore, #tpu.memory_space<semaphore_mem>>) attributes {dimension_semantics = [#tpu.dimension_semantics<core_parallel>, #tpu.dimension_semantics<subcore_parallel>], iteration_bounds = array<i64: 2, 16>, scalar_prefetch = 0 : i64, scratch_operands = 10 : i64, tpu.core_type = #tpu.core_type<sc_vector_subcore>, window_params = [{transform_indices = #map}, {transform_indices = #map1}, {transform_indices = #map}]} {
    %mul3A = arith.constant 2 : i32
    %mul3A_0 = arith.muli %arg1, %mul3A : i32
    %add3A = arith.addi %mul3A_0, %arg0 : i32
    %iota3A = tpu.iota {dimensions = array<i32: 0>} : vector<16xi32>
    %add3A_1 = arith.constant 0 : i32
    %add3A_2 = vector.broadcast %add3A_1 : i32 to vector<16xi32>
    %add3A_3 = arith.addi %iota3A, %add3A_2 : vector<16xi32>
    %mul3A_4 = arith.constant 50 : i32
    %mul3A_5 = vector.broadcast %mul3A_4 : i32 to vector<16xi32>
    %mul3A_6 = arith.muli %add3A_3, %mul3A_5 : vector<16xi32>
    %add3A_7 = arith.constant 16 : i32
    %add3A_8 = vector.broadcast %add3A_7 : i32 to vector<16xi32>
    %add3A_9 = arith.addi %iota3A, %add3A_8 : vector<16xi32>
    %mul3A_10 = arith.constant 50 : i32
    %mul3A_11 = vector.broadcast %mul3A_10 : i32 to vector<16xi32>
    %mul3A_12 = arith.muli %add3A_9, %mul3A_11 : vector<16xi32>
    %add3A_13 = arith.constant 32 : i32
    %add3A_14 = vector.broadcast %add3A_13 : i32 to vector<16xi32>
    %add3A_15 = arith.addi %iota3A, %add3A_14 : vector<16xi32>
    %mul3A_16 = arith.constant 50 : i32
    %mul3A_17 = vector.broadcast %mul3A_16 : i32 to vector<16xi32>
    %mul3A_18 = arith.muli %add3A_15, %mul3A_17 : vector<16xi32>
    %add3A_19 = arith.constant 48 : i32
    %add3A_20 = vector.broadcast %add3A_19 : i32 to vector<16xi32>
    %add3A_21 = arith.addi %iota3A, %add3A_20 : vector<16xi32>
    %mul3A_22 = arith.constant 50 : i32
    %mul3A_23 = vector.broadcast %mul3A_22 : i32 to vector<16xi32>
    %mul3A_24 = arith.muli %add3A_21, %mul3A_23 : vector<16xi32>
    %add3A_25 = arith.constant 64 : i32
    %add3A_26 = vector.broadcast %add3A_25 : i32 to vector<16xi32>
    %add3A_27 = arith.addi %iota3A, %add3A_26 : vector<16xi32>
    %mul3A_28 = arith.constant 50 : i32
    %mul3A_29 = vector.broadcast %mul3A_28 : i32 to vector<16xi32>
    %mul3A_30 = arith.muli %add3A_27, %mul3A_29 : vector<16xi32>
    %add3A_31 = arith.constant 80 : i32
    %add3A_32 = vector.broadcast %add3A_31 : i32 to vector<16xi32>
    %add3A_33 = arith.addi %iota3A, %add3A_32 : vector<16xi32>
    %mul3A_34 = arith.constant 50 : i32
    %mul3A_35 = vector.broadcast %mul3A_34 : i32 to vector<16xi32>
    %mul3A_36 = arith.muli %add3A_33, %mul3A_35 : vector<16xi32>
    %add3A_37 = arith.constant 96 : i32
    %add3A_38 = vector.broadcast %add3A_37 : i32 to vector<16xi32>
    %add3A_39 = arith.addi %iota3A, %add3A_38 : vector<16xi32>
    %mul3A_40 = arith.constant 50 : i32
    %mul3A_41 = vector.broadcast %mul3A_40 : i32 to vector<16xi32>
    %mul3A_42 = arith.muli %add3A_39, %mul3A_41 : vector<16xi32>
    %add3A_43 = arith.constant 112 : i32
    %add3A_44 = vector.broadcast %add3A_43 : i32 to vector<16xi32>
    %add3A_45 = arith.addi %iota3A, %add3A_44 : vector<16xi32>
    %mul3A_46 = arith.constant 50 : i32
    %mul3A_47 = vector.broadcast %mul3A_46 : i32 to vector<16xi32>
    %mul3A_48 = arith.muli %add3A_45, %mul3A_47 : vector<16xi32>
    %add3A_49 = arith.constant 0 : i32
    %add3A_50 = vector.broadcast %add3A_49 : i32 to vector<16xi32>
    %add3A_51 = arith.addi %iota3A, %add3A_50 : vector<16xi32>
    %mul3A_52 = arith.constant 32 : i32
    %mul3A_53 = vector.broadcast %mul3A_52 : i32 to vector<16xi32>
    %mul3A_54 = arith.muli %add3A_51, %mul3A_53 : vector<16xi32>
    %add3A_55 = arith.constant 16 : i32
    %add3A_56 = vector.broadcast %add3A_55 : i32 to vector<16xi32>
    %add3A_57 = arith.addi %iota3A, %add3A_56 : vector<16xi32>
    %mul3A_58 = arith.constant 32 : i32
    %mul3A_59 = vector.broadcast %mul3A_58 : i32 to vector<16xi32>
    %mul3A_60 = arith.muli %add3A_57, %mul3A_59 : vector<16xi32>
    %add3A_61 = arith.constant 32 : i32
    %add3A_62 = vector.broadcast %add3A_61 : i32 to vector<16xi32>
    %add3A_63 = arith.addi %iota3A, %add3A_62 : vector<16xi32>
    %mul3A_64 = arith.constant 32 : i32
    %mul3A_65 = vector.broadcast %mul3A_64 : i32 to vector<16xi32>
    %mul3A_66 = arith.muli %add3A_63, %mul3A_65 : vector<16xi32>
    %add3A_67 = arith.constant 48 : i32
    %add3A_68 = vector.broadcast %add3A_67 : i32 to vector<16xi32>
    %add3A_69 = arith.addi %iota3A, %add3A_68 : vector<16xi32>
    %mul3A_70 = arith.constant 32 : i32
    %mul3A_71 = vector.broadcast %mul3A_70 : i32 to vector<16xi32>
    %mul3A_72 = arith.muli %add3A_69, %mul3A_71 : vector<16xi32>
    %add3A_73 = arith.constant 64 : i32
    %add3A_74 = vector.broadcast %add3A_73 : i32 to vector<16xi32>
    %add3A_75 = arith.addi %iota3A, %add3A_74 : vector<16xi32>
    %mul3A_76 = arith.constant 32 : i32
    %mul3A_77 = vector.broadcast %mul3A_76 : i32 to vector<16xi32>
    %mul3A_78 = arith.muli %add3A_75, %mul3A_77 : vector<16xi32>
    %add3A_79 = arith.constant 80 : i32
    %add3A_80 = vector.broadcast %add3A_79 : i32 to vector<16xi32>
    %add3A_81 = arith.addi %iota3A, %add3A_80 : vector<16xi32>
    %mul3A_82 = arith.constant 32 : i32
    %mul3A_83 = vector.broadcast %mul3A_82 : i32 to vector<16xi32>
    %mul3A_84 = arith.muli %add3A_81, %mul3A_83 : vector<16xi32>
    %add3A_85 = arith.constant 96 : i32
    %add3A_86 = vector.broadcast %add3A_85 : i32 to vector<16xi32>
    %add3A_87 = arith.addi %iota3A, %add3A_86 : vector<16xi32>
    %mul3A_88 = arith.constant 32 : i32
    %mul3A_89 = vector.broadcast %mul3A_88 : i32 to vector<16xi32>
    %mul3A_90 = arith.muli %add3A_87, %mul3A_89 : vector<16xi32>
    %add3A_91 = arith.constant 112 : i32
    %add3A_92 = vector.broadcast %add3A_91 : i32 to vector<16xi32>
    %add3A_93 = arith.addi %iota3A, %add3A_92 : vector<16xi32>
    %mul3A_94 = arith.constant 32 : i32
    %mul3A_95 = vector.broadcast %mul3A_94 : i32 to vector<16xi32>
    %mul3A_96 = arith.muli %add3A_93, %mul3A_95 : vector<16xi32>
    %mul3A_97 = arith.constant 25600 : i32
    %mul3A_98 = arith.muli %add3A, %mul3A_97 : i32
    "tpu.region"() ({
      %run_scoped3A = tpu.sem_alloc : memref<!tpu.dma_semaphore, #tpu.memory_space<semaphore_mem>>
      %dma_start3A = tpu.memref_slice %arg2[%mul3A_98] : memref<819200xi32, #tpu.memory_space<hbm>> -> memref<25600xi32, #tpu.memory_space<hbm>>
      %dma_start3A_130 = tpu.memref_slice %arg2[%mul3A_98] : memref<819200xi32, #tpu.memory_space<hbm>> -> memref<25600xi32, #tpu.memory_space<hbm>>
      tpu.enqueue_dma source(%dma_start3A_130 : memref<25600xi32, #tpu.memory_space<hbm>>) target(%arg5 : memref<25600xi32, #tpu.memory_space<vmem>>) target_semaphore(%run_scoped3A : memref<!tpu.dma_semaphore, #tpu.memory_space<semaphore_mem>>)
      %dma_wait3A = tpu.memref_slice %arg2[%mul3A_98] : memref<819200xi32, #tpu.memory_space<hbm>> -> memref<25600xi32, #tpu.memory_space<hbm>>
      %dma_wait3A_131 = tpu.memref_slice %arg2[%mul3A_98] : memref<819200xi32, #tpu.memory_space<hbm>> -> memref<25600xi32, #tpu.memory_space<hbm>>
      tpu.wait_dma2 semaphore(%run_scoped3A : memref<!tpu.dma_semaphore, #tpu.memory_space<semaphore_mem>>) src(%dma_wait3A_131 : memref<25600xi32, #tpu.memory_space<hbm>>) dst(%arg5 : memref<25600xi32, #tpu.memory_space<vmem>>)
      tpu.yield
    }) : () -> ()
    %parallel_loop3A = arith.constant 0 : i32
    %parallel_loop3A_99 = arith.constant 50 : i32
    %parallel_loop3A_100 = arith.constant 1 : i32
    scf.for %parallel_loop3A_130 = %parallel_loop3A to %parallel_loop3A_99 step %parallel_loop3A_100  : i32 {
      %parallel_loop3A_131 = arith.constant 0 : i32
      %parallel_loop3A_132 = arith.addi %parallel_loop3A_131, %parallel_loop3A_130 : i32
      %parallel_loop3A_133 = vector.broadcast %parallel_loop3A_132 : i32 to vector<16xi32>
      %parallel_loop3A_134 = arith.addi %mul3A_6, %parallel_loop3A_133 : vector<16xi32>
      %parallel_loop3A_135 = tpu.vector_load_idx %arg5[%parallel_loop3A_134] : memref<25600xi32, #tpu.memory_space<vmem>>[vector<16xi32>], vector<16xi32>,
      %parallel_loop3A_136 = vector.broadcast %parallel_loop3A_132 : i32 to vector<16xi32>
      %parallel_loop3A_137 = arith.addi %mul3A_12, %parallel_loop3A_136 : vector<16xi32>
      %parallel_loop3A_138 = tpu.vector_load_idx %arg5[%parallel_loop3A_137] : memref<25600xi32, #tpu.memory_space<vmem>>[vector<16xi32>], vector<16xi32>,
      %parallel_loop3A_139 = vector.broadcast %parallel_loop3A_132 : i32 to vector<16xi32>
      %parallel_loop3A_140 = arith.addi %mul3A_18, %parallel_loop3A_139 : vector<16xi32>
      %parallel_loop3A_141 = tpu.vector_load_idx %arg5[%parallel_loop3A_140] : memref<25600xi32, #tpu.memory_space<vmem>>[vector<16xi32>], vector<16xi32>,
      %parallel_loop3A_142 = vector.broadcast %parallel_loop3A_132 : i32 to vector<16xi32>
      %parallel_loop3A_143 = arith.addi %mul3A_24, %parallel_loop3A_142 : vector<16xi32>
      %parallel_loop3A_144 = tpu.vector_load_idx %arg5[%parallel_loop3A_143] : memref<25600xi32, #tpu.memory_space<vmem>>[vector<16xi32>], vector<16xi32>,
      %parallel_loop3A_145 = vector.broadcast %parallel_loop3A_132 : i32 to vector<16xi32>
      %parallel_loop3A_146 = arith.addi %mul3A_30, %parallel_loop3A_145 : vector<16xi32>
      %parallel_loop3A_147 = tpu.vector_load_idx %arg5[%parallel_loop3A_146] : memref<25600xi32, #tpu.memory_space<vmem>>[vector<16xi32>], vector<16xi32>,
      %parallel_loop3A_148 = vector.broadcast %parallel_loop3A_132 : i32 to vector<16xi32>
      %parallel_loop3A_149 = arith.addi %mul3A_36, %parallel_loop3A_148 : vector<16xi32>
      %parallel_loop3A_150 = tpu.vector_load_idx %arg5[%parallel_loop3A_149] : memref<25600xi32, #tpu.memory_space<vmem>>[vector<16xi32>], vector<16xi32>,
      %parallel_loop3A_151 = vector.broadcast %parallel_loop3A_132 : i32 to vector<16xi32>
      %parallel_loop3A_152 = arith.addi %mul3A_42, %parallel_loop3A_151 : vector<16xi32>
      %parallel_loop3A_153 = tpu.vector_load_idx %arg5[%parallel_loop3A_152] : memref<25600xi32, #tpu.memory_space<vmem>>[vector<16xi32>], vector<16xi32>,
      %parallel_loop3A_154 = vector.broadcast %parallel_loop3A_132 : i32 to vector<16xi32>
      %parallel_loop3A_155 = arith.addi %mul3A_48, %parallel_loop3A_154 : vector<16xi32>
      %parallel_loop3A_156 = tpu.vector_load_idx %arg5[%parallel_loop3A_155] : memref<25600xi32, #tpu.memory_space<vmem>>[vector<16xi32>], vector<16xi32>,
      %parallel_loop3A_157 = arith.constant 0 : i32
      %parallel_loop3A_158 = arith.addi %parallel_loop3A_157, %parallel_loop3A_130 : i32
      %parallel_loop3A_159 = arith.constant 128 : i32
      %parallel_loop3A_160 = arith.muli %parallel_loop3A_158, %parallel_loop3A_159 : i32
      %parallel_loop3A_161 = arith.constant 0 : i32
      %parallel_loop3A_162 = arith.addi %parallel_loop3A_160, %parallel_loop3A_161 : i32
      %parallel_loop3A_163 = arith.index_cast %parallel_loop3A_162 : i32 to index
      %parallel_loop3A_164 = tpu.vector_load %arg6[%parallel_loop3A_163] {strides = array<i32>} : memref<25600xi32, #tpu.memory_space<vmem>>, vector<16xi32>,
      tpu.vector_store %arg6[%parallel_loop3A_163], %parallel_loop3A_135 {strides = array<i32>} : memref<25600xi32, #tpu.memory_space<vmem>>, vector<16xi32>,
      %parallel_loop3A_165 = arith.constant 0 : i32
      %parallel_loop3A_166 = arith.addi %parallel_loop3A_165, %parallel_loop3A_130 : i32
      %parallel_loop3A_167 = arith.constant 128 : i32
      %parallel_loop3A_168 = arith.muli %parallel_loop3A_166, %parallel_loop3A_167 : i32
      %parallel_loop3A_169 = arith.constant 16 : i32
      %parallel_loop3A_170 = arith.addi %parallel_loop3A_168, %parallel_loop3A_169 : i32
      %parallel_loop3A_171 = arith.index_cast %parallel_loop3A_170 : i32 to index
      %parallel_loop3A_172 = tpu.vector_load %arg6[%parallel_loop3A_171] {strides = array<i32>} : memref<25600xi32, #tpu.memory_space<vmem>>, vector<16xi32>,
      tpu.vector_store %arg6[%parallel_loop3A_171], %parallel_loop3A_138 {strides = array<i32>} : memref<25600xi32, #tpu.memory_space<vmem>>, vector<16xi32>,
      %parallel_loop3A_173 = arith.constant 0 : i32
      %parallel_loop3A_174 = arith.addi %parallel_loop3A_173, %parallel_loop3A_130 : i32
      %parallel_loop3A_175 = arith.constant 128 : i32
      %parallel_loop3A_176 = arith.muli %parallel_loop3A_174, %parallel_loop3A_175 : i32
      %parallel_loop3A_177 = arith.constant 32 : i32
      %parallel_loop3A_178 = arith.addi %parallel_loop3A_176, %parallel_loop3A_177 : i32
      %parallel_loop3A_179 = arith.index_cast %parallel_loop3A_178 : i32 to index
      %parallel_loop3A_180 = tpu.vector_load %arg6[%parallel_loop3A_179] {strides = array<i32>} : memref<25600xi32, #tpu.memory_space<vmem>>, vector<16xi32>,
      tpu.vector_store %arg6[%parallel_loop3A_179], %parallel_loop3A_141 {strides = array<i32>} : memref<25600xi32, #tpu.memory_space<vmem>>, vector<16xi32>,
      %parallel_loop3A_181 = arith.constant 0 : i32
      %parallel_loop3A_182 = arith.addi %parallel_loop3A_181, %parallel_loop3A_130 : i32
      %parallel_loop3A_183 = arith.constant 128 : i32
      %parallel_loop3A_184 = arith.muli %parallel_loop3A_182, %parallel_loop3A_183 : i32
      %parallel_loop3A_185 = arith.constant 48 : i32
      %parallel_loop3A_186 = arith.addi %parallel_loop3A_184, %parallel_loop3A_185 : i32
      %parallel_loop3A_187 = arith.index_cast %parallel_loop3A_186 : i32 to index
      %parallel_loop3A_188 = tpu.vector_load %arg6[%parallel_loop3A_187] {strides = array<i32>} : memref<25600xi32, #tpu.memory_space<vmem>>, vector<16xi32>,
      tpu.vector_store %arg6[%parallel_loop3A_187], %parallel_loop3A_144 {strides = array<i32>} : memref<25600xi32, #tpu.memory_space<vmem>>, vector<16xi32>,
      %parallel_loop3A_189 = arith.constant 0 : i32
      %parallel_loop3A_190 = arith.addi %parallel_loop3A_189, %parallel_loop3A_130 : i32
      %parallel_loop3A_191 = arith.constant 128 : i32
      %parallel_loop3A_192 = arith.muli %parallel_loop3A_190, %parallel_loop3A_191 : i32
      %parallel_loop3A_193 = arith.constant 64 : i32
      %parallel_loop3A_194 = arith.addi %parallel_loop3A_192, %parallel_loop3A_193 : i32
      %parallel_loop3A_195 = arith.index_cast %parallel_loop3A_194 : i32 to index
      %parallel_loop3A_196 = tpu.vector_load %arg6[%parallel_loop3A_195] {strides = array<i32>} : memref<25600xi32, #tpu.memory_space<vmem>>, vector<16xi32>,
      tpu.vector_store %arg6[%parallel_loop3A_195], %parallel_loop3A_147 {strides = array<i32>} : memref<25600xi32, #tpu.memory_space<vmem>>, vector<16xi32>,
      %parallel_loop3A_197 = arith.constant 0 : i32
      %parallel_loop3A_198 = arith.addi %parallel_loop3A_197, %parallel_loop3A_130 : i32
      %parallel_loop3A_199 = arith.constant 128 : i32
      %parallel_loop3A_200 = arith.muli %parallel_loop3A_198, %parallel_loop3A_199 : i32
      %parallel_loop3A_201 = arith.constant 80 : i32
      %parallel_loop3A_202 = arith.addi %parallel_loop3A_200, %parallel_loop3A_201 : i32
      %parallel_loop3A_203 = arith.index_cast %parallel_loop3A_202 : i32 to index
      %parallel_loop3A_204 = tpu.vector_load %arg6[%parallel_loop3A_203] {strides = array<i32>} : memref<25600xi32, #tpu.memory_space<vmem>>, vector<16xi32>,
      tpu.vector_store %arg6[%parallel_loop3A_203], %parallel_loop3A_150 {strides = array<i32>} : memref<25600xi32, #tpu.memory_space<vmem>>, vector<16xi32>,
      %parallel_loop3A_205 = arith.constant 0 : i32
      %parallel_loop3A_206 = arith.addi %parallel_loop3A_205, %parallel_loop3A_130 : i32
      %parallel_loop3A_207 = arith.constant 128 : i32
      %parallel_loop3A_208 = arith.muli %parallel_loop3A_206, %parallel_loop3A_207 : i32
      %parallel_loop3A_209 = arith.constant 96 : i32
      %parallel_loop3A_210 = arith.addi %parallel_loop3A_208, %parallel_loop3A_209 : i32
      %parallel_loop3A_211 = arith.index_cast %parallel_loop3A_210 : i32 to index
      %parallel_loop3A_212 = tpu.vector_load %arg6[%parallel_loop3A_211] {strides = array<i32>} : memref<25600xi32, #tpu.memory_space<vmem>>, vector<16xi32>,
      tpu.vector_store %arg6[%parallel_loop3A_211], %parallel_loop3A_153 {strides = array<i32>} : memref<25600xi32, #tpu.memory_space<vmem>>, vector<16xi32>,
      %parallel_loop3A_213 = arith.constant 0 : i32
      %parallel_loop3A_214 = arith.addi %parallel_loop3A_213, %parallel_loop3A_130 : i32
      %parallel_loop3A_215 = arith.constant 128 : i32
      %parallel_loop3A_216 = arith.muli %parallel_loop3A_214, %parallel_loop3A_215 : i32
      %parallel_loop3A_217 = arith.constant 112 : i32
      %parallel_loop3A_218 = arith.addi %parallel_loop3A_216, %parallel_loop3A_217 : i32
      %parallel_loop3A_219 = arith.index_cast %parallel_loop3A_218 : i32 to index
      %parallel_loop3A_220 = tpu.vector_load %arg6[%parallel_loop3A_219] {strides = array<i32>} : memref<25600xi32, #tpu.memory_space<vmem>>, vector<16xi32>,
      tpu.vector_store %arg6[%parallel_loop3A_219], %parallel_loop3A_156 {strides = array<i32>} : memref<25600xi32, #tpu.memory_space<vmem>>, vector<16xi32>,
      %parallel_loop3A_221 = arith.constant 6400 : i32
      %parallel_loop3A_222 = arith.addi %parallel_loop3A_221, %parallel_loop3A_130 : i32
      %parallel_loop3A_223 = vector.broadcast %parallel_loop3A_222 : i32 to vector<16xi32>
      %parallel_loop3A_224 = arith.addi %mul3A_6, %parallel_loop3A_223 : vector<16xi32>
      %parallel_loop3A_225 = tpu.vector_load_idx %arg5[%parallel_loop3A_224] : memref<25600xi32, #tpu.memory_space<vmem>>[vector<16xi32>], vector<16xi32>,
      %parallel_loop3A_226 = vector.broadcast %parallel_loop3A_222 : i32 to vector<16xi32>
      %parallel_loop3A_227 = arith.addi %mul3A_12, %parallel_loop3A_226 : vector<16xi32>
      %parallel_loop3A_228 = tpu.vector_load_idx %arg5[%parallel_loop3A_227] : memref<25600xi32, #tpu.memory_space<vmem>>[vector<16xi32>], vector<16xi32>,
      %parallel_loop3A_229 = vector.broadcast %parallel_loop3A_222 : i32 to vector<16xi32>
      %parallel_loop3A_230 = arith.addi %mul3A_18, %parallel_loop3A_229 : vector<16xi32>
      %parallel_loop3A_231 = tpu.vector_load_idx %arg5[%parallel_loop3A_230] : memref<25600xi32, #tpu.memory_space<vmem>>[vector<16xi32>], vector<16xi32>,
      %parallel_loop3A_232 = vector.broadcast %parallel_loop3A_222 : i32 to vector<16xi32>
      %parallel_loop3A_233 = arith.addi %mul3A_24, %parallel_loop3A_232 : vector<16xi32>
      %parallel_loop3A_234 = tpu.vector_load_idx %arg5[%parallel_loop3A_233] : memref<25600xi32, #tpu.memory_space<vmem>>[vector<16xi32>], vector<16xi32>,
      %parallel_loop3A_235 = vector.broadcast %parallel_loop3A_222 : i32 to vector<16xi32>
      %parallel_loop3A_236 = arith.addi %mul3A_30, %parallel_loop3A_235 : vector<16xi32>
      %parallel_loop3A_237 = tpu.vector_load_idx %arg5[%parallel_loop3A_236] : memref<25600xi32, #tpu.memory_space<vmem>>[vector<16xi32>], vector<16xi32>,
      %parallel_loop3A_238 = vector.broadcast %parallel_loop3A_222 : i32 to vector<16xi32>
      %parallel_loop3A_239 = arith.addi %mul3A_36, %parallel_loop3A_238 : vector<16xi32>
      %parallel_loop3A_240 = tpu.vector_load_idx %arg5[%parallel_loop3A_239] : memref<25600xi32, #tpu.memory_space<vmem>>[vector<16xi32>], vector<16xi32>,
      %parallel_loop3A_241 = vector.broadcast %parallel_loop3A_222 : i32 to vector<16xi32>
      %parallel_loop3A_242 = arith.addi %mul3A_42, %parallel_loop3A_241 : vector<16xi32>
      %parallel_loop3A_243 = tpu.vector_load_idx %arg5[%parallel_loop3A_242] : memref<25600xi32, #tpu.memory_space<vmem>>[vector<16xi32>], vector<16xi32>,
      %parallel_loop3A_244 = vector.broadcast %parallel_loop3A_222 : i32 to vector<16xi32>
      %parallel_loop3A_245 = arith.addi %mul3A_48, %parallel_loop3A_244 : vector<16xi32>
      %parallel_loop3A_246 = tpu.vector_load_idx %arg5[%parallel_loop3A_245] : memref<25600xi32, #tpu.memory_space<vmem>>[vector<16xi32>], vector<16xi32>,
      %parallel_loop3A_247 = arith.constant 50 : i32
      %parallel_loop3A_248 = arith.addi %parallel_loop3A_247, %parallel_loop3A_130 : i32
      %parallel_loop3A_249 = arith.constant 128 : i32
      %parallel_loop3A_250 = arith.muli %parallel_loop3A_248, %parallel_loop3A_249 : i32
      %parallel_loop3A_251 = arith.constant 0 : i32
      %parallel_loop3A_252 = arith.addi %parallel_loop3A_250, %parallel_loop3A_251 : i32
      %parallel_loop3A_253 = arith.index_cast %parallel_loop3A_252 : i32 to index
      %parallel_loop3A_254 = tpu.vector_load %arg6[%parallel_loop3A_253] {strides = array<i32>} : memref<25600xi32, #tpu.memory_space<vmem>>, vector<16xi32>,
      tpu.vector_store %arg6[%parallel_loop3A_253], %parallel_loop3A_225 {strides = array<i32>} : memref<25600xi32, #tpu.memory_space<vmem>>, vector<16xi32>,
      %parallel_loop3A_255 = arith.constant 50 : i32
      %parallel_loop3A_256 = arith.addi %parallel_loop3A_255, %parallel_loop3A_130 : i32
      %parallel_loop3A_257 = arith.constant 128 : i32
      %parallel_loop3A_258 = arith.muli %parallel_loop3A_256, %parallel_loop3A_257 : i32
      %parallel_loop3A_259 = arith.constant 16 : i32
      %parallel_loop3A_260 = arith.addi %parallel_loop3A_258, %parallel_loop3A_259 : i32
      %parallel_loop3A_261 = arith.index_cast %parallel_loop3A_260 : i32 to index
      %parallel_loop3A_262 = tpu.vector_load %arg6[%parallel_loop3A_261] {strides = array<i32>} : memref<25600xi32, #tpu.memory_space<vmem>>, vector<16xi32>,
      tpu.vector_store %arg6[%parallel_loop3A_261], %parallel_loop3A_228 {strides = array<i32>} : memref<25600xi32, #tpu.memory_space<vmem>>, vector<16xi32>,
      %parallel_loop3A_263 = arith.constant 50 : i32
      %parallel_loop3A_264 = arith.addi %parallel_loop3A_263, %parallel_loop3A_130 : i32
      %parallel_loop3A_265 = arith.constant 128 : i32
      %parallel_loop3A_266 = arith.muli %parallel_loop3A_264, %parallel_loop3A_265 : i32
      %parallel_loop3A_267 = arith.constant 32 : i32
      %parallel_loop3A_268 = arith.addi %parallel_loop3A_266, %parallel_loop3A_267 : i32
      %parallel_loop3A_269 = arith.index_cast %parallel_loop3A_268 : i32 to index
      %parallel_loop3A_270 = tpu.vector_load %arg6[%parallel_loop3A_269] {strides = array<i32>} : memref<25600xi32, #tpu.memory_space<vmem>>, vector<16xi32>,
      tpu.vector_store %arg6[%parallel_loop3A_269], %parallel_loop3A_231 {strides = array<i32>} : memref<25600xi32, #tpu.memory_space<vmem>>, vector<16xi32>,
      %parallel_loop3A_271 = arith.constant 50 : i32
      %parallel_loop3A_272 = arith.addi %parallel_loop3A_271, %parallel_loop3A_130 : i32
      %parallel_loop3A_273 = arith.constant 128 : i32
      %parallel_loop3A_274 = arith.muli %parallel_loop3A_272, %parallel_loop3A_273 : i32
      %parallel_loop3A_275 = arith.constant 48 : i32
      %parallel_loop3A_276 = arith.addi %parallel_loop3A_274, %parallel_loop3A_275 : i32
      %parallel_loop3A_277 = arith.index_cast %parallel_loop3A_276 : i32 to index
      %parallel_loop3A_278 = tpu.vector_load %arg6[%parallel_loop3A_277] {strides = array<i32>} : memref<25600xi32, #tpu.memory_space<vmem>>, vector<16xi32>,
      tpu.vector_store %arg6[%parallel_loop3A_277], %parallel_loop3A_234 {strides = array<i32>} : memref<25600xi32, #tpu.memory_space<vmem>>, vector<16xi32>,
      %parallel_loop3A_279 = arith.constant 50 : i32
      %parallel_loop3A_280 = arith.addi %parallel_loop3A_279, %parallel_loop3A_130 : i32
      %parallel_loop3A_281 = arith.constant 128 : i32
      %parallel_loop3A_282 = arith.muli %parallel_loop3A_280, %parallel_loop3A_281 : i32
      %parallel_loop3A_283 = arith.constant 64 : i32
      %parallel_loop3A_284 = arith.addi %parallel_loop3A_282, %parallel_loop3A_283 : i32
      %parallel_loop3A_285 = arith.index_cast %parallel_loop3A_284 : i32 to index
      %parallel_loop3A_286 = tpu.vector_load %arg6[%parallel_loop3A_285] {strides = array<i32>} : memref<25600xi32, #tpu.memory_space<vmem>>, vector<16xi32>,
      tpu.vector_store %arg6[%parallel_loop3A_285], %parallel_loop3A_237 {strides = array<i32>} : memref<25600xi32, #tpu.memory_space<vmem>>, vector<16xi32>,
      %parallel_loop3A_287 = arith.constant 50 : i32
      %parallel_loop3A_288 = arith.addi %parallel_loop3A_287, %parallel_loop3A_130 : i32
      %parallel_loop3A_289 = arith.constant 128 : i32
      %parallel_loop3A_290 = arith.muli %parallel_loop3A_288, %parallel_loop3A_289 : i32
      %parallel_loop3A_291 = arith.constant 80 : i32
      %parallel_loop3A_292 = arith.addi %parallel_loop3A_290, %parallel_loop3A_291 : i32
      %parallel_loop3A_293 = arith.index_cast %parallel_loop3A_292 : i32 to index
      %parallel_loop3A_294 = tpu.vector_load %arg6[%parallel_loop3A_293] {strides = array<i32>} : memref<25600xi32, #tpu.memory_space<vmem>>, vector<16xi32>,
      tpu.vector_store %arg6[%parallel_loop3A_293], %parallel_loop3A_240 {strides = array<i32>} : memref<25600xi32, #tpu.memory_space<vmem>>, vector<16xi32>,
      %parallel_loop3A_295 = arith.constant 50 : i32
      %parallel_loop3A_296 = arith.addi %parallel_loop3A_295, %parallel_loop3A_130 : i32
      %parallel_loop3A_297 = arith.constant 128 : i32
      %parallel_loop3A_298 = arith.muli %parallel_loop3A_296, %parallel_loop3A_297 : i32
      %parallel_loop3A_299 = arith.constant 96 : i32
      %parallel_loop3A_300 = arith.addi %parallel_loop3A_298, %parallel_loop3A_299 : i32
      %parallel_loop3A_301 = arith.index_cast %parallel_loop3A_300 : i32 to index
      %parallel_loop3A_302 = tpu.vector_load %arg6[%parallel_loop3A_301] {strides = array<i32>} : memref<25600xi32, #tpu.memory_space<vmem>>, vector<16xi32>,
      tpu.vector_store %arg6[%parallel_loop3A_301], %parallel_loop3A_243 {strides = array<i32>} : memref<25600xi32, #tpu.memory_space<vmem>>, vector<16xi32>,
      %parallel_loop3A_303 = arith.constant 50 : i32
      %parallel_loop3A_304 = arith.addi %parallel_loop3A_303, %parallel_loop3A_130 : i32
      %parallel_loop3A_305 = arith.constant 128 : i32
      %parallel_loop3A_306 = arith.muli %parallel_loop3A_304, %parallel_loop3A_305 : i32
      %parallel_loop3A_307 = arith.constant 112 : i32
      %parallel_loop3A_308 = arith.addi %parallel_loop3A_306, %parallel_loop3A_307 : i32
      %parallel_loop3A_309 = arith.index_cast %parallel_loop3A_308 : i32 to index
      %parallel_loop3A_310 = tpu.vector_load %arg6[%parallel_loop3A_309] {strides = array<i32>} : memref<25600xi32, #tpu.memory_space<vmem>>, vector<16xi32>,
      tpu.vector_store %arg6[%parallel_loop3A_309], %parallel_loop3A_246 {strides = array<i32>} : memref<25600xi32, #tpu.memory_space<vmem>>, vector<16xi32>,
      %parallel_loop3A_311 = arith.constant 12800 : i32
      %parallel_loop3A_312 = arith.addi %parallel_loop3A_311, %parallel_loop3A_130 : i32
      %parallel_loop3A_313 = vector.broadcast %parallel_loop3A_312 : i32 to vector<16xi32>
      %parallel_loop3A_314 = arith.addi %mul3A_6, %parallel_loop3A_313 : vector<16xi32>
      %parallel_loop3A_315 = tpu.vector_load_idx %arg5[%parallel_loop3A_314] : memref<25600xi32, #tpu.memory_space<vmem>>[vector<16xi32>], vector<16xi32>,
      %parallel_loop3A_316 = vector.broadcast %parallel_loop3A_312 : i32 to vector<16xi32>
      %parallel_loop3A_317 = arith.addi %mul3A_12, %parallel_loop3A_316 : vector<16xi32>
      %parallel_loop3A_318 = tpu.vector_load_idx %arg5[%parallel_loop3A_317] : memref<25600xi32, #tpu.memory_space<vmem>>[vector<16xi32>], vector<16xi32>,
      %parallel_loop3A_319 = vector.broadcast %parallel_loop3A_312 : i32 to vector<16xi32>
      %parallel_loop3A_320 = arith.addi %mul3A_18, %parallel_loop3A_319 : vector<16xi32>
      %parallel_loop3A_321 = tpu.vector_load_idx %arg5[%parallel_loop3A_320] : memref<25600xi32, #tpu.memory_space<vmem>>[vector<16xi32>], vector<16xi32>,
      %parallel_loop3A_322 = vector.broadcast %parallel_loop3A_312 : i32 to vector<16xi32>
      %parallel_loop3A_323 = arith.addi %mul3A_24, %parallel_loop3A_322 : vector<16xi32>
      %parallel_loop3A_324 = tpu.vector_load_idx %arg5[%parallel_loop3A_323] : memref<25600xi32, #tpu.memory_space<vmem>>[vector<16xi32>], vector<16xi32>,
      %parallel_loop3A_325 = vector.broadcast %parallel_loop3A_312 : i32 to vector<16xi32>
      %parallel_loop3A_326 = arith.addi %mul3A_30, %parallel_loop3A_325 : vector<16xi32>
      %parallel_loop3A_327 = tpu.vector_load_idx %arg5[%parallel_loop3A_326] : memref<25600xi32, #tpu.memory_space<vmem>>[vector<16xi32>], vector<16xi32>,
      %parallel_loop3A_328 = vector.broadcast %parallel_loop3A_312 : i32 to vector<16xi32>
      %parallel_loop3A_329 = arith.addi %mul3A_36, %parallel_loop3A_328 : vector<16xi32>
      %parallel_loop3A_330 = tpu.vector_load_idx %arg5[%parallel_loop3A_329] : memref<25600xi32, #tpu.memory_space<vmem>>[vector<16xi32>], vector<16xi32>,
      %parallel_loop3A_331 = vector.broadcast %parallel_loop3A_312 : i32 to vector<16xi32>
      %parallel_loop3A_332 = arith.addi %mul3A_42, %parallel_loop3A_331 : vector<16xi32>
      %parallel_loop3A_333 = tpu.vector_load_idx %arg5[%parallel_loop3A_332] : memref<25600xi32, #tpu.memory_space<vmem>>[vector<16xi32>], vector<16xi32>,
      %parallel_loop3A_334 = vector.broadcast %parallel_loop3A_312 : i32 to vector<16xi32>
      %parallel_loop3A_335 = arith.addi %mul3A_48, %parallel_loop3A_334 : vector<16xi32>
      %parallel_loop3A_336 = tpu.vector_load_idx %arg5[%parallel_loop3A_335] : memref<25600xi32, #tpu.memory_space<vmem>>[vector<16xi32>], vector<16xi32>,
      %parallel_loop3A_337 = arith.constant 100 : i32
      %parallel_loop3A_338 = arith.addi %parallel_loop3A_337, %parallel_loop3A_130 : i32
      %parallel_loop3A_339 = arith.constant 128 : i32
      %parallel_loop3A_340 = arith.muli %parallel_loop3A_338, %parallel_loop3A_339 : i32
      %parallel_loop3A_341 = arith.constant 0 : i32
      %parallel_loop3A_342 = arith.addi %parallel_loop3A_340, %parallel_loop3A_341 : i32
      %parallel_loop3A_343 = arith.index_cast %parallel_loop3A_342 : i32 to index
      %parallel_loop3A_344 = tpu.vector_load %arg6[%parallel_loop3A_343] {strides = array<i32>} : memref<25600xi32, #tpu.memory_space<vmem>>, vector<16xi32>,
      tpu.vector_store %arg6[%parallel_loop3A_343], %parallel_loop3A_315 {strides = array<i32>} : memref<25600xi32, #tpu.memory_space<vmem>>, vector<16xi32>,
      %parallel_loop3A_345 = arith.constant 100 : i32
      %parallel_loop3A_346 = arith.addi %parallel_loop3A_345, %parallel_loop3A_130 : i32
      %parallel_loop3A_347 = arith.constant 128 : i32
      %parallel_loop3A_348 = arith.muli %parallel_loop3A_346, %parallel_loop3A_347 : i32
      %parallel_loop3A_349 = arith.constant 16 : i32
      %parallel_loop3A_350 = arith.addi %parallel_loop3A_348, %parallel_loop3A_349 : i32
      %parallel_loop3A_351 = arith.index_cast %parallel_loop3A_350 : i32 to index
      %parallel_loop3A_352 = tpu.vector_load %arg6[%parallel_loop3A_351] {strides = array<i32>} : memref<25600xi32, #tpu.memory_space<vmem>>, vector<16xi32>,
      tpu.vector_store %arg6[%parallel_loop3A_351], %parallel_loop3A_318 {strides = array<i32>} : memref<25600xi32, #tpu.memory_space<vmem>>, vector<16xi32>,
      %parallel_loop3A_353 = arith.constant 100 : i32
      %parallel_loop3A_354 = arith.addi %parallel_loop3A_353, %parallel_loop3A_130 : i32
      %parallel_loop3A_355 = arith.constant 128 : i32
      %parallel_loop3A_356 = arith.muli %parallel_loop3A_354, %parallel_loop3A_355 : i32
      %parallel_loop3A_357 = arith.constant 32 : i32
      %parallel_loop3A_358 = arith.addi %parallel_loop3A_356, %parallel_loop3A_357 : i32
      %parallel_loop3A_359 = arith.index_cast %parallel_loop3A_358 : i32 to index
      %parallel_loop3A_360 = tpu.vector_load %arg6[%parallel_loop3A_359] {strides = array<i32>} : memref<25600xi32, #tpu.memory_space<vmem>>, vector<16xi32>,
      tpu.vector_store %arg6[%parallel_loop3A_359], %parallel_loop3A_321 {strides = array<i32>} : memref<25600xi32, #tpu.memory_space<vmem>>, vector<16xi32>,
      %parallel_loop3A_361 = arith.constant 100 : i32
      %parallel_loop3A_362 = arith.addi %parallel_loop3A_361, %parallel_loop3A_130 : i32
      %parallel_loop3A_363 = arith.constant 128 : i32
      %parallel_loop3A_364 = arith.muli %parallel_loop3A_362, %parallel_loop3A_363 : i32
      %parallel_loop3A_365 = arith.constant 48 : i32
      %parallel_loop3A_366 = arith.addi %parallel_loop3A_364, %parallel_loop3A_365 : i32
      %parallel_loop3A_367 = arith.index_cast %parallel_loop3A_366 : i32 to index
      %parallel_loop3A_368 = tpu.vector_load %arg6[%parallel_loop3A_367] {strides = array<i32>} : memref<25600xi32, #tpu.memory_space<vmem>>, vector<16xi32>,
      tpu.vector_store %arg6[%parallel_loop3A_367], %parallel_loop3A_324 {strides = array<i32>} : memref<25600xi32, #tpu.memory_space<vmem>>, vector<16xi32>,
      %parallel_loop3A_369 = arith.constant 100 : i32
      %parallel_loop3A_370 = arith.addi %parallel_loop3A_369, %parallel_loop3A_130 : i32
      %parallel_loop3A_371 = arith.constant 128 : i32
      %parallel_loop3A_372 = arith.muli %parallel_loop3A_370, %parallel_loop3A_371 : i32
      %parallel_loop3A_373 = arith.constant 64 : i32
      %parallel_loop3A_374 = arith.addi %parallel_loop3A_372, %parallel_loop3A_373 : i32
      %parallel_loop3A_375 = arith.index_cast %parallel_loop3A_374 : i32 to index
      %parallel_loop3A_376 = tpu.vector_load %arg6[%parallel_loop3A_375] {strides = array<i32>} : memref<25600xi32, #tpu.memory_space<vmem>>, vector<16xi32>,
      tpu.vector_store %arg6[%parallel_loop3A_375], %parallel_loop3A_327 {strides = array<i32>} : memref<25600xi32, #tpu.memory_space<vmem>>, vector<16xi32>,
      %parallel_loop3A_377 = arith.constant 100 : i32
      %parallel_loop3A_378 = arith.addi %parallel_loop3A_377, %parallel_loop3A_130 : i32
      %parallel_loop3A_379 = arith.constant 128 : i32
      %parallel_loop3A_380 = arith.muli %parallel_loop3A_378, %parallel_loop3A_379 : i32
      %parallel_loop3A_381 = arith.constant 80 : i32
      %parallel_loop3A_382 = arith.addi %parallel_loop3A_380, %parallel_loop3A_381 : i32
      %parallel_loop3A_383 = arith.index_cast %parallel_loop3A_382 : i32 to index
      %parallel_loop3A_384 = tpu.vector_load %arg6[%parallel_loop3A_383] {strides = array<i32>} : memref<25600xi32, #tpu.memory_space<vmem>>, vector<16xi32>,
      tpu.vector_store %arg6[%parallel_loop3A_383], %parallel_loop3A_330 {strides = array<i32>} : memref<25600xi32, #tpu.memory_space<vmem>>, vector<16xi32>,
      %parallel_loop3A_385 = arith.constant 100 : i32
      %parallel_loop3A_386 = arith.addi %parallel_loop3A_385, %parallel_loop3A_130 : i32
      %parallel_loop3A_387 = arith.constant 128 : i32
      %parallel_loop3A_388 = arith.muli %parallel_loop3A_386, %parallel_loop3A_387 : i32
      %parallel_loop3A_389 = arith.constant 96 : i32
      %parallel_loop3A_390 = arith.addi %parallel_loop3A_388, %parallel_loop3A_389 : i32
      %parallel_loop3A_391 = arith.index_cast %parallel_loop3A_390 : i32 to index
      %parallel_loop3A_392 = tpu.vector_load %arg6[%parallel_loop3A_391] {strides = array<i32>} : memref<25600xi32, #tpu.memory_space<vmem>>, vector<16xi32>,
      tpu.vector_store %arg6[%parallel_loop3A_391], %parallel_loop3A_333 {strides = array<i32>} : memref<25600xi32, #tpu.memory_space<vmem>>, vector<16xi32>,
      %parallel_loop3A_393 = arith.constant 100 : i32
      %parallel_loop3A_394 = arith.addi %parallel_loop3A_393, %parallel_loop3A_130 : i32
      %parallel_loop3A_395 = arith.constant 128 : i32
      %parallel_loop3A_396 = arith.muli %parallel_loop3A_394, %parallel_loop3A_395 : i32
      %parallel_loop3A_397 = arith.constant 112 : i32
      %parallel_loop3A_398 = arith.addi %parallel_loop3A_396, %parallel_loop3A_397 : i32
      %parallel_loop3A_399 = arith.index_cast %parallel_loop3A_398 : i32 to index
      %parallel_loop3A_400 = tpu.vector_load %arg6[%parallel_loop3A_399] {strides = array<i32>} : memref<25600xi32, #tpu.memory_space<vmem>>, vector<16xi32>,
      tpu.vector_store %arg6[%parallel_loop3A_399], %parallel_loop3A_336 {strides = array<i32>} : memref<25600xi32, #tpu.memory_space<vmem>>, vector<16xi32>,
      %parallel_loop3A_401 = arith.constant 19200 : i32
      %parallel_loop3A_402 = arith.addi %parallel_loop3A_401, %parallel_loop3A_130 : i32
      %parallel_loop3A_403 = vector.broadcast %parallel_loop3A_402 : i32 to vector<16xi32>
      %parallel_loop3A_404 = arith.addi %mul3A_6, %parallel_loop3A_403 : vector<16xi32>
      %parallel_loop3A_405 = tpu.vector_load_idx %arg5[%parallel_loop3A_404] : memref<25600xi32, #tpu.memory_space<vmem>>[vector<16xi32>], vector<16xi32>,
      %parallel_loop3A_406 = vector.broadcast %parallel_loop3A_402 : i32 to vector<16xi32>
      %parallel_loop3A_407 = arith.addi %mul3A_12, %parallel_loop3A_406 : vector<16xi32>
      %parallel_loop3A_408 = tpu.vector_load_idx %arg5[%parallel_loop3A_407] : memref<25600xi32, #tpu.memory_space<vmem>>[vector<16xi32>], vector<16xi32>,
      %parallel_loop3A_409 = vector.broadcast %parallel_loop3A_402 : i32 to vector<16xi32>
      %parallel_loop3A_410 = arith.addi %mul3A_18, %parallel_loop3A_409 : vector<16xi32>
      %parallel_loop3A_411 = tpu.vector_load_idx %arg5[%parallel_loop3A_410] : memref<25600xi32, #tpu.memory_space<vmem>>[vector<16xi32>], vector<16xi32>,
      %parallel_loop3A_412 = vector.broadcast %parallel_loop3A_402 : i32 to vector<16xi32>
      %parallel_loop3A_413 = arith.addi %mul3A_24, %parallel_loop3A_412 : vector<16xi32>
      %parallel_loop3A_414 = tpu.vector_load_idx %arg5[%parallel_loop3A_413] : memref<25600xi32, #tpu.memory_space<vmem>>[vector<16xi32>], vector<16xi32>,
      %parallel_loop3A_415 = vector.broadcast %parallel_loop3A_402 : i32 to vector<16xi32>
      %parallel_loop3A_416 = arith.addi %mul3A_30, %parallel_loop3A_415 : vector<16xi32>
      %parallel_loop3A_417 = tpu.vector_load_idx %arg5[%parallel_loop3A_416] : memref<25600xi32, #tpu.memory_space<vmem>>[vector<16xi32>], vector<16xi32>,
      %parallel_loop3A_418 = vector.broadcast %parallel_loop3A_402 : i32 to vector<16xi32>
      %parallel_loop3A_419 = arith.addi %mul3A_36, %parallel_loop3A_418 : vector<16xi32>
      %parallel_loop3A_420 = tpu.vector_load_idx %arg5[%parallel_loop3A_419] : memref<25600xi32, #tpu.memory_space<vmem>>[vector<16xi32>], vector<16xi32>,
      %parallel_loop3A_421 = vector.broadcast %parallel_loop3A_402 : i32 to vector<16xi32>
      %parallel_loop3A_422 = arith.addi %mul3A_42, %parallel_loop3A_421 : vector<16xi32>
      %parallel_loop3A_423 = tpu.vector_load_idx %arg5[%parallel_loop3A_422] : memref<25600xi32, #tpu.memory_space<vmem>>[vector<16xi32>], vector<16xi32>,
      %parallel_loop3A_424 = vector.broadcast %parallel_loop3A_402 : i32 to vector<16xi32>
      %parallel_loop3A_425 = arith.addi %mul3A_48, %parallel_loop3A_424 : vector<16xi32>
      %parallel_loop3A_426 = tpu.vector_load_idx %arg5[%parallel_loop3A_425] : memref<25600xi32, #tpu.memory_space<vmem>>[vector<16xi32>], vector<16xi32>,
      %parallel_loop3A_427 = arith.constant 150 : i32
      %parallel_loop3A_428 = arith.addi %parallel_loop3A_427, %parallel_loop3A_130 : i32
      %parallel_loop3A_429 = arith.constant 128 : i32
      %parallel_loop3A_430 = arith.muli %parallel_loop3A_428, %parallel_loop3A_429 : i32
      %parallel_loop3A_431 = arith.constant 0 : i32
      %parallel_loop3A_432 = arith.addi %parallel_loop3A_430, %parallel_loop3A_431 : i32
      %parallel_loop3A_433 = arith.index_cast %parallel_loop3A_432 : i32 to index
      %parallel_loop3A_434 = tpu.vector_load %arg6[%parallel_loop3A_433] {strides = array<i32>} : memref<25600xi32, #tpu.memory_space<vmem>>, vector<16xi32>,
      tpu.vector_store %arg6[%parallel_loop3A_433], %parallel_loop3A_405 {strides = array<i32>} : memref<25600xi32, #tpu.memory_space<vmem>>, vector<16xi32>,
      %parallel_loop3A_435 = arith.constant 150 : i32
      %parallel_loop3A_436 = arith.addi %parallel_loop3A_435, %parallel_loop3A_130 : i32
      %parallel_loop3A_437 = arith.constant 128 : i32
      %parallel_loop3A_438 = arith.muli %parallel_loop3A_436, %parallel_loop3A_437 : i32
      %parallel_loop3A_439 = arith.constant 16 : i32
      %parallel_loop3A_440 = arith.addi %parallel_loop3A_438, %parallel_loop3A_439 : i32
      %parallel_loop3A_441 = arith.index_cast %parallel_loop3A_440 : i32 to index
      %parallel_loop3A_442 = tpu.vector_load %arg6[%parallel_loop3A_441] {strides = array<i32>} : memref<25600xi32, #tpu.memory_space<vmem>>, vector<16xi32>,
      tpu.vector_store %arg6[%parallel_loop3A_441], %parallel_loop3A_408 {strides = array<i32>} : memref<25600xi32, #tpu.memory_space<vmem>>, vector<16xi32>,
      %parallel_loop3A_443 = arith.constant 150 : i32
      %parallel_loop3A_444 = arith.addi %parallel_loop3A_443, %parallel_loop3A_130 : i32
      %parallel_loop3A_445 = arith.constant 128 : i32
      %parallel_loop3A_446 = arith.muli %parallel_loop3A_444, %parallel_loop3A_445 : i32
      %parallel_loop3A_447 = arith.constant 32 : i32
      %parallel_loop3A_448 = arith.addi %parallel_loop3A_446, %parallel_loop3A_447 : i32
      %parallel_loop3A_449 = arith.index_cast %parallel_loop3A_448 : i32 to index
      %parallel_loop3A_450 = tpu.vector_load %arg6[%parallel_loop3A_449] {strides = array<i32>} : memref<25600xi32, #tpu.memory_space<vmem>>, vector<16xi32>,
      tpu.vector_store %arg6[%parallel_loop3A_449], %parallel_loop3A_411 {strides = array<i32>} : memref<25600xi32, #tpu.memory_space<vmem>>, vector<16xi32>,
      %parallel_loop3A_451 = arith.constant 150 : i32
      %parallel_loop3A_452 = arith.addi %parallel_loop3A_451, %parallel_loop3A_130 : i32
      %parallel_loop3A_453 = arith.constant 128 : i32
      %parallel_loop3A_454 = arith.muli %parallel_loop3A_452, %parallel_loop3A_453 : i32
      %parallel_loop3A_455 = arith.constant 48 : i32
      %parallel_loop3A_456 = arith.addi %parallel_loop3A_454, %parallel_loop3A_455 : i32
      %parallel_loop3A_457 = arith.index_cast %parallel_loop3A_456 : i32 to index
      %parallel_loop3A_458 = tpu.vector_load %arg6[%parallel_loop3A_457] {strides = array<i32>} : memref<25600xi32, #tpu.memory_space<vmem>>, vector<16xi32>,
      tpu.vector_store %arg6[%parallel_loop3A_457], %parallel_loop3A_414 {strides = array<i32>} : memref<25600xi32, #tpu.memory_space<vmem>>, vector<16xi32>,
      %parallel_loop3A_459 = arith.constant 150 : i32
      %parallel_loop3A_460 = arith.addi %parallel_loop3A_459, %parallel_loop3A_130 : i32
      %parallel_loop3A_461 = arith.constant 128 : i32
      %parallel_loop3A_462 = arith.muli %parallel_loop3A_460, %parallel_loop3A_461 : i32
      %parallel_loop3A_463 = arith.constant 64 : i32
      %parallel_loop3A_464 = arith.addi %parallel_loop3A_462, %parallel_loop3A_463 : i32
      %parallel_loop3A_465 = arith.index_cast %parallel_loop3A_464 : i32 to index
      %parallel_loop3A_466 = tpu.vector_load %arg6[%parallel_loop3A_465] {strides = array<i32>} : memref<25600xi32, #tpu.memory_space<vmem>>, vector<16xi32>,
      tpu.vector_store %arg6[%parallel_loop3A_465], %parallel_loop3A_417 {strides = array<i32>} : memref<25600xi32, #tpu.memory_space<vmem>>, vector<16xi32>,
      %parallel_loop3A_467 = arith.constant 150 : i32
      %parallel_loop3A_468 = arith.addi %parallel_loop3A_467, %parallel_loop3A_130 : i32
      %parallel_loop3A_469 = arith.constant 128 : i32
      %parallel_loop3A_470 = arith.muli %parallel_loop3A_468, %parallel_loop3A_469 : i32
      %parallel_loop3A_471 = arith.constant 80 : i32
      %parallel_loop3A_472 = arith.addi %parallel_loop3A_470, %parallel_loop3A_471 : i32
      %parallel_loop3A_473 = arith.index_cast %parallel_loop3A_472 : i32 to index
      %parallel_loop3A_474 = tpu.vector_load %arg6[%parallel_loop3A_473] {strides = array<i32>} : memref<25600xi32, #tpu.memory_space<vmem>>, vector<16xi32>,
      tpu.vector_store %arg6[%parallel_loop3A_473], %parallel_loop3A_420 {strides = array<i32>} : memref<25600xi32, #tpu.memory_space<vmem>>, vector<16xi32>,
      %parallel_loop3A_475 = arith.constant 150 : i32
      %parallel_loop3A_476 = arith.addi %parallel_loop3A_475, %parallel_loop3A_130 : i32
      %parallel_loop3A_477 = arith.constant 128 : i32
      %parallel_loop3A_478 = arith.muli %parallel_loop3A_476, %parallel_loop3A_477 : i32
      %parallel_loop3A_479 = arith.constant 96 : i32
      %parallel_loop3A_480 = arith.addi %parallel_loop3A_478, %parallel_loop3A_479 : i32
      %parallel_loop3A_481 = arith.index_cast %parallel_loop3A_480 : i32 to index
      %parallel_loop3A_482 = tpu.vector_load %arg6[%parallel_loop3A_481] {strides = array<i32>} : memref<25600xi32, #tpu.memory_space<vmem>>, vector<16xi32>,
      tpu.vector_store %arg6[%parallel_loop3A_481], %parallel_loop3A_423 {strides = array<i32>} : memref<25600xi32, #tpu.memory_space<vmem>>, vector<16xi32>,
      %parallel_loop3A_483 = arith.constant 150 : i32
      %parallel_loop3A_484 = arith.addi %parallel_loop3A_483, %parallel_loop3A_130 : i32
      %parallel_loop3A_485 = arith.constant 128 : i32
      %parallel_loop3A_486 = arith.muli %parallel_loop3A_484, %parallel_loop3A_485 : i32
      %parallel_loop3A_487 = arith.constant 112 : i32
      %parallel_loop3A_488 = arith.addi %parallel_loop3A_486, %parallel_loop3A_487 : i32
      %parallel_loop3A_489 = arith.index_cast %parallel_loop3A_488 : i32 to index
      %parallel_loop3A_490 = tpu.vector_load %arg6[%parallel_loop3A_489] {strides = array<i32>} : memref<25600xi32, #tpu.memory_space<vmem>>, vector<16xi32>,
      tpu.vector_store %arg6[%parallel_loop3A_489], %parallel_loop3A_426 {strides = array<i32>} : memref<25600xi32, #tpu.memory_space<vmem>>, vector<16xi32>,
    } {sc.loop_unroll_factor = 2 : i64, sc.parallel_access}
    %add3A_101 = arith.constant 0 : i32
    %add3A_102 = vector.broadcast %add3A_101 : i32 to vector<16xi32>
    %add3A_103 = arith.addi %iota3A, %add3A_102 : vector<16xi32>
    %add3A_104 = arith.constant 16 : i32
    %add3A_105 = vector.broadcast %add3A_104 : i32 to vector<16xi32>
    %add3A_106 = arith.addi %iota3A, %add3A_105 : vector<16xi32>
    %add3A_107 = arith.constant 32 : i32
    %add3A_108 = vector.broadcast %add3A_107 : i32 to vector<16xi32>
    %add3A_109 = arith.addi %iota3A, %add3A_108 : vector<16xi32>
    %add3A_110 = arith.constant 48 : i32
    %add3A_111 = vector.broadcast %add3A_110 : i32 to vector<16xi32>
    %add3A_112 = arith.addi %iota3A, %add3A_111 : vector<16xi32>
    %add3A_113 = arith.constant 64 : i32
    %add3A_114 = vector.broadcast %add3A_113 : i32 to vector<16xi32>
    %add3A_115 = arith.addi %iota3A, %add3A_114 : vector<16xi32>
    %add3A_116 = arith.constant 80 : i32
    %add3A_117 = vector.broadcast %add3A_116 : i32 to vector<16xi32>
    %add3A_118 = arith.addi %iota3A, %add3A_117 : vector<16xi32>
    %add3A_119 = arith.constant 96 : i32
    %add3A_120 = vector.broadcast %add3A_119 : i32 to vector<16xi32>
    %add3A_121 = arith.addi %iota3A, %add3A_120 : vector<16xi32>
    %add3A_122 = arith.constant 112 : i32
    %add3A_123 = vector.broadcast %add3A_122 : i32 to vector<16xi32>
    %add3A_124 = arith.addi %iota3A, %add3A_123 : vector<16xi32>
    %scan3A = arith.constant 0 : i32
    %scan3A_125 = arith.constant 0 : i32
    %scan3A_126 = arith.constant 4 : i32
    %scan3A_127 = arith.addi %scan3A_125, %scan3A_126 : i32
    %scan3A_128 = arith.constant 1 : i32
    scf.for %scan3A_130 = %scan3A_125 to %scan3A_127 step %scan3A_128  : i32 {
      %mul3A_131 = arith.constant 4 : i32
      %mul3A_132 = arith.muli %add3A, %mul3A_131 : i32
      %add3A_133 = arith.addi %mul3A_132, %scan3A_130 : i32
      %mul3A_134 = arith.constant 50 : i32
      %mul3A_135 = arith.muli %scan3A_130, %mul3A_134 : i32
      %mul3A_136 = arith.constant 128 : i32
      %mul3A_137 = arith.muli %mul3A_135, %mul3A_136 : i32
      %dma_start3A = tpu.memref_slice %arg6[%mul3A_137] : memref<25600xi32, #tpu.memory_space<vmem>> -> memref<640xi32, #tpu.memory_space<vmem>>
      %dma_start3A_138 = arith.constant 0 : i32
      %dma_start3A_139 = arith.constant 0 : i32
      %dma_start3A_140 = tpu.memref_slice %arg3[%dma_start3A_138, %dma_start3A_139] : memref<1000000x32xf32, #tpu.memory_space<hbm>> -> memref<1000000x32xf32, #tpu.memory_space<hbm>>
      tpu.enqueue_indirect_dma source(%dma_start3A_140 : memref<1000000x32xf32, #tpu.memory_space<hbm>>) target(%arg7 : memref<640x32xf32, #tpu.memory_space<vmem>>) offsets(%dma_start3A : memref<640xi32, #tpu.memory_space<vmem>>) semaphore(%arg11 : memref<!tpu.dma_semaphore, #tpu.memory_space<semaphore_mem>>)
      %scan3A_141 = arith.constant 0 : i32
      %scan3A_142 = arith.constant 0 : i32
      %scan3A_143 = arith.constant 5 : i32
      %scan3A_144 = arith.addi %scan3A_142, %scan3A_143 : i32
      %scan3A_145 = arith.constant 1 : i32
      scf.for %scan3A_210 = %scan3A_142 to %scan3A_144 step %scan3A_145  : i32 {
        %mul3A_211 = arith.constant 2 : i32
        %mul3A_212 = arith.muli %mul3A_211, %scan3A_210 : i32
        %add3A_213 = arith.constant 0 : i32
        %add3A_214 = arith.addi %mul3A_212, %add3A_213 : i32
        %le3A = arith.constant 8 : i32
        %le3A_215 = arith.cmpi sle, %add3A_214, %le3A : i32
        %convert_element_type3A = arith.extui %le3A_215 : i1 to i32
        %cond3A = arith.constant 0 : i32
        %cond3A_216 = arith.cmpi ne, %convert_element_type3A, %cond3A : i32
        scf.if %cond3A_216 {
          %add3A_1015 = arith.constant 1 : i32
          %add3A_1016 = arith.addi %add3A_214, %add3A_1015 : i32
          %mul3A_1017 = arith.constant 5 : i32
          %mul3A_1018 = arith.muli %add3A_1016, %mul3A_1017 : i32
          %add3A_1019 = arith.addi %mul3A_135, %mul3A_1018 : i32
          %mul3A_1020 = arith.constant 128 : i32
          %mul3A_1021 = arith.muli %add3A_1019, %mul3A_1020 : i32
          %dma_start3A_1022 = tpu.memref_slice %arg6[%mul3A_1021] : memref<25600xi32, #tpu.memory_space<vmem>> -> memref<640xi32, #tpu.memory_space<vmem>>
          %dma_start3A_1023 = arith.constant 0 : i32
          %dma_start3A_1024 = arith.constant 0 : i32
          %dma_start3A_1025 = tpu.memref_slice %arg3[%dma_start3A_1023, %dma_start3A_1024] : memref<1000000x32xf32, #tpu.memory_space<hbm>> -> memref<1000000x32xf32, #tpu.memory_space<hbm>>
          tpu.enqueue_indirect_dma source(%dma_start3A_1025 : memref<1000000x32xf32, #tpu.memory_space<hbm>>) target(%arg8 : memref<640x32xf32, #tpu.memory_space<vmem>>) offsets(%dma_start3A_1022 : memref<640xi32, #tpu.memory_space<vmem>>) semaphore(%arg12 : memref<!tpu.dma_semaphore, #tpu.memory_space<semaphore_mem>>)
        } else {
        }
        %dma_wait3A_217 = arith.constant 0 : i32
        %dma_wait3A_218 = tpu.memref_slice %arg6[%dma_wait3A_217] : memref<25600xi32, #tpu.memory_space<vmem>> -> memref<640xi32, #tpu.memory_space<vmem>>
        %dma_wait3A_219 = arith.constant 0 : i32
        %dma_wait3A_220 = arith.constant 0 : i32
        %dma_wait3A_221 = tpu.memref_slice %arg3[%dma_wait3A_219, %dma_wait3A_220] : memref<1000000x32xf32, #tpu.memory_space<hbm>> -> memref<1000000x32xf32, #tpu.memory_space<hbm>>
        tpu.wait_indirect_dma semaphore(%arg11 : memref<!tpu.dma_semaphore, #tpu.memory_space<semaphore_mem>>) src(%dma_wait3A_221 : memref<1000000x32xf32, #tpu.memory_space<hbm>>) dst(%arg7 : memref<640x32xf32, #tpu.memory_space<vmem>>)
        %mul3A_222 = arith.constant 5 : i32
        %mul3A_223 = arith.muli %add3A_214, %mul3A_222 : i32
        %add3A_224 = arith.constant 0 : i32
        %add3A_225 = arith.addi %add3A_224, %mul3A_223 : i32
        %add3A_226 = arith.constant 0 : i32
        %add3A_227 = arith.addi %add3A_225, %add3A_226 : i32
        %ge3A = arith.constant 2 : i32
        %ge3A_228 = arith.cmpi sge, %add3A_227, %ge3A : i32
        %convert_element_type3A_229 = arith.extui %ge3A_228 : i1 to i32
        %cond3A_230 = arith.constant 0 : i32
        %cond3A_231 = arith.cmpi ne, %convert_element_type3A_229, %cond3A_230 : i32
        scf.if %cond3A_231 {
          %dma_wait3A_1015 = arith.constant 0 : i32
          %dma_wait3A_1016 = tpu.memref_slice %arg9[%dma_wait3A_1015] : memref<4096xf32, #tpu.memory_space<vmem>> -> memref<1024xf32, #tpu.memory_space<vmem>>
          %dma_wait3A_1017 = arith.constant 0 : i32
          %dma_wait3A_1018 = tpu.memref_slice %arg4[%dma_wait3A_1017] : memref<26214400xf32, #tpu.memory_space<hbm>> -> memref<1024xf32, #tpu.memory_space<hbm>>
          %dma_wait3A_1019 = arith.constant 0 : i32
          %dma_wait3A_1020 = tpu.memref_slice %arg4[%dma_wait3A_1019] : memref<26214400xf32, #tpu.memory_space<hbm>> -> memref<1024xf32, #tpu.memory_space<hbm>>
          %dma_wait3A_1021 = arith.constant 0 : i32
          %dma_wait3A_1022 = tpu.memref_slice %arg9[%dma_wait3A_1021] : memref<4096xf32, #tpu.memory_space<vmem>> -> memref<1024xf32, #tpu.memory_space<vmem>>
          tpu.wait_dma2 semaphore(%arg13 : memref<!tpu.dma_semaphore, #tpu.memory_space<semaphore_mem>>) src(%dma_wait3A_1022 : memref<1024xf32, #tpu.memory_space<vmem>>) dst(%dma_wait3A_1020 : memref<1024xf32, #tpu.memory_space<hbm>>)
          %dma_wait3A_1023 = arith.constant 0 : i32
          %dma_wait3A_1024 = tpu.memref_slice %arg9[%dma_wait3A_1023] : memref<4096xf32, #tpu.memory_space<vmem>> -> memref<1024xf32, #tpu.memory_space<vmem>>
          %dma_wait3A_1025 = arith.constant 0 : i32
          %dma_wait3A_1026 = tpu.memref_slice %arg4[%dma_wait3A_1025] : memref<26214400xf32, #tpu.memory_space<hbm>> -> memref<1024xf32, #tpu.memory_space<hbm>>
          %dma_wait3A_1027 = arith.constant 0 : i32
          %dma_wait3A_1028 = tpu.memref_slice %arg4[%dma_wait3A_1027] : memref<26214400xf32, #tpu.memory_space<hbm>> -> memref<1024xf32, #tpu.memory_space<hbm>>
          %dma_wait3A_1029 = arith.constant 0 : i32
          %dma_wait3A_1030 = tpu.memref_slice %arg9[%dma_wait3A_1029] : memref<4096xf32, #tpu.memory_space<vmem>> -> memref<1024xf32, #tpu.memory_space<vmem>>
          tpu.wait_dma2 semaphore(%arg13 : memref<!tpu.dma_semaphore, #tpu.memory_space<semaphore_mem>>) src(%dma_wait3A_1030 : memref<1024xf32, #tpu.memory_space<vmem>>) dst(%dma_wait3A_1028 : memref<1024xf32, #tpu.memory_space<hbm>>)
          %dma_wait3A_1031 = arith.constant 0 : i32
          %dma_wait3A_1032 = tpu.memref_slice %arg9[%dma_wait3A_1031] : memref<4096xf32, #tpu.memory_space<vmem>> -> memref<1024xf32, #tpu.memory_space<vmem>>
          %dma_wait3A_1033 = arith.constant 0 : i32
          %dma_wait3A_1034 = tpu.memref_slice %arg4[%dma_wait3A_1033] : memref<26214400xf32, #tpu.memory_space<hbm>> -> memref<1024xf32, #tpu.memory_space<hbm>>
          %dma_wait3A_1035 = arith.constant 0 : i32
          %dma_wait3A_1036 = tpu.memref_slice %arg4[%dma_wait3A_1035] : memref<26214400xf32, #tpu.memory_space<hbm>> -> memref<1024xf32, #tpu.memory_space<hbm>>
          %dma_wait3A_1037 = arith.constant 0 : i32
          %dma_wait3A_1038 = tpu.memref_slice %arg9[%dma_wait3A_1037] : memref<4096xf32, #tpu.memory_space<vmem>> -> memref<1024xf32, #tpu.memory_space<vmem>>
          tpu.wait_dma2 semaphore(%arg13 : memref<!tpu.dma_semaphore, #tpu.memory_space<semaphore_mem>>) src(%dma_wait3A_1038 : memref<1024xf32, #tpu.memory_space<vmem>>) dst(%dma_wait3A_1036 : memref<1024xf32, #tpu.memory_space<hbm>>)
          %dma_wait3A_1039 = arith.constant 0 : i32
          %dma_wait3A_1040 = tpu.memref_slice %arg9[%dma_wait3A_1039] : memref<4096xf32, #tpu.memory_space<vmem>> -> memref<1024xf32, #tpu.memory_space<vmem>>
          %dma_wait3A_1041 = arith.constant 0 : i32
          %dma_wait3A_1042 = tpu.memref_slice %arg4[%dma_wait3A_1041] : memref<26214400xf32, #tpu.memory_space<hbm>> -> memref<1024xf32, #tpu.memory_space<hbm>>
          %dma_wait3A_1043 = arith.constant 0 : i32
          %dma_wait3A_1044 = tpu.memref_slice %arg4[%dma_wait3A_1043] : memref<26214400xf32, #tpu.memory_space<hbm>> -> memref<1024xf32, #tpu.memory_space<hbm>>
          %dma_wait3A_1045 = arith.constant 0 : i32
          %dma_wait3A_1046 = tpu.memref_slice %arg9[%dma_wait3A_1045] : memref<4096xf32, #tpu.memory_space<vmem>> -> memref<1024xf32, #tpu.memory_space<vmem>>
          tpu.wait_dma2 semaphore(%arg13 : memref<!tpu.dma_semaphore, #tpu.memory_space<semaphore_mem>>) src(%dma_wait3A_1046 : memref<1024xf32, #tpu.memory_space<vmem>>) dst(%dma_wait3A_1044 : memref<1024xf32, #tpu.memory_space<hbm>>)
        } else {
        }
        %parallel_loop3A_232 = arith.constant 0 : i32
        %parallel_loop3A_233 = arith.constant 32 : i32
        %parallel_loop3A_234 = arith.constant 1 : i32
        scf.for %parallel_loop3A_1015 = %parallel_loop3A_232 to %parallel_loop3A_233 step %parallel_loop3A_234  : i32 {
          %parallel_loop3A_1016 = arith.constant 0 : i32
          %parallel_loop3A_1017 = vector.broadcast %parallel_loop3A_1016 : i32 to vector<16xi32>
          %parallel_loop3A_1018 = vector.broadcast %parallel_loop3A_1015 : i32 to vector<16xi32>
          %parallel_loop3A_1019 = arith.addi %parallel_loop3A_1017, %parallel_loop3A_1018 : vector<16xi32>
          %parallel_loop3A_1020 = arith.constant 0 : i32
          %parallel_loop3A_1021 = vector.broadcast %parallel_loop3A_1020 : i32 to vector<16xi32>
          %parallel_loop3A_1022 = arith.addi %add3A_103, %parallel_loop3A_1021 : vector<16xi32>
          %parallel_loop3A_1023 = tpu.vector_load_idx %arg7[%parallel_loop3A_1022, %parallel_loop3A_1019] : memref<640x32xf32, #tpu.memory_space<vmem>>[vector<16xi32>, vector<16xi32>], vector<16xf32>,
          %parallel_loop3A_1024 = arith.constant 0 : i32
          %parallel_loop3A_1025 = vector.broadcast %parallel_loop3A_1024 : i32 to vector<16xi32>
          %parallel_loop3A_1026 = arith.addi %add3A_106, %parallel_loop3A_1025 : vector<16xi32>
          %parallel_loop3A_1027 = tpu.vector_load_idx %arg7[%parallel_loop3A_1026, %parallel_loop3A_1019] : memref<640x32xf32, #tpu.memory_space<vmem>>[vector<16xi32>, vector<16xi32>], vector<16xf32>,
          %parallel_loop3A_1028 = arith.constant 0 : i32
          %parallel_loop3A_1029 = vector.broadcast %parallel_loop3A_1028 : i32 to vector<16xi32>
          %parallel_loop3A_1030 = arith.addi %add3A_109, %parallel_loop3A_1029 : vector<16xi32>
          %parallel_loop3A_1031 = tpu.vector_load_idx %arg7[%parallel_loop3A_1030, %parallel_loop3A_1019] : memref<640x32xf32, #tpu.memory_space<vmem>>[vector<16xi32>, vector<16xi32>], vector<16xf32>,
          %parallel_loop3A_1032 = arith.constant 0 : i32
          %parallel_loop3A_1033 = vector.broadcast %parallel_loop3A_1032 : i32 to vector<16xi32>
          %parallel_loop3A_1034 = arith.addi %add3A_112, %parallel_loop3A_1033 : vector<16xi32>
          %parallel_loop3A_1035 = tpu.vector_load_idx %arg7[%parallel_loop3A_1034, %parallel_loop3A_1019] : memref<640x32xf32, #tpu.memory_space<vmem>>[vector<16xi32>, vector<16xi32>], vector<16xf32>,
          %parallel_loop3A_1036 = arith.constant 0 : i32
          %parallel_loop3A_1037 = vector.broadcast %parallel_loop3A_1036 : i32 to vector<16xi32>
          %parallel_loop3A_1038 = arith.addi %add3A_115, %parallel_loop3A_1037 : vector<16xi32>
          %parallel_loop3A_1039 = tpu.vector_load_idx %arg7[%parallel_loop3A_1038, %parallel_loop3A_1019] : memref<640x32xf32, #tpu.memory_space<vmem>>[vector<16xi32>, vector<16xi32>], vector<16xf32>,
          %parallel_loop3A_1040 = arith.constant 0 : i32
          %parallel_loop3A_1041 = vector.broadcast %parallel_loop3A_1040 : i32 to vector<16xi32>
          %parallel_loop3A_1042 = arith.addi %add3A_118, %parallel_loop3A_1041 : vector<16xi32>
          %parallel_loop3A_1043 = tpu.vector_load_idx %arg7[%parallel_loop3A_1042, %parallel_loop3A_1019] : memref<640x32xf32, #tpu.memory_space<vmem>>[vector<16xi32>, vector<16xi32>], vector<16xf32>,
          %parallel_loop3A_1044 = arith.constant 0 : i32
          %parallel_loop3A_1045 = vector.broadcast %parallel_loop3A_1044 : i32 to vector<16xi32>
          %parallel_loop3A_1046 = arith.addi %add3A_121, %parallel_loop3A_1045 : vector<16xi32>
          %parallel_loop3A_1047 = tpu.vector_load_idx %arg7[%parallel_loop3A_1046, %parallel_loop3A_1019] : memref<640x32xf32, #tpu.memory_space<vmem>>[vector<16xi32>, vector<16xi32>], vector<16xf32>,
          %parallel_loop3A_1048 = arith.constant 0 : i32
          %parallel_loop3A_1049 = vector.broadcast %parallel_loop3A_1048 : i32 to vector<16xi32>
          %parallel_loop3A_1050 = arith.addi %add3A_124, %parallel_loop3A_1049 : vector<16xi32>
          %parallel_loop3A_1051 = tpu.vector_load_idx %arg7[%parallel_loop3A_1050, %parallel_loop3A_1019] : memref<640x32xf32, #tpu.memory_space<vmem>>[vector<16xi32>, vector<16xi32>], vector<16xf32>,
          %parallel_loop3A_1052 = arith.constant 128 : i32
          %parallel_loop3A_1053 = arith.muli %parallel_loop3A_1015, %parallel_loop3A_1052 : i32
          %parallel_loop3A_1054 = arith.constant 0 : i32
          %parallel_loop3A_1055 = arith.addi %parallel_loop3A_1053, %parallel_loop3A_1054 : i32
          %parallel_loop3A_1056 = arith.index_cast %parallel_loop3A_1055 : i32 to index
          %parallel_loop3A_1057 = tpu.vector_load %arg9[%parallel_loop3A_1056] {strides = array<i32>} : memref<4096xf32, #tpu.memory_space<vmem>>, vector<16xf32>,
          tpu.vector_store %arg9[%parallel_loop3A_1056], %parallel_loop3A_1023 {strides = array<i32>} : memref<4096xf32, #tpu.memory_space<vmem>>, vector<16xf32>,
          %parallel_loop3A_1058 = arith.constant 128 : i32
          %parallel_loop3A_1059 = arith.muli %parallel_loop3A_1015, %parallel_loop3A_1058 : i32
          %parallel_loop3A_1060 = arith.constant 16 : i32
          %parallel_loop3A_1061 = arith.addi %parallel_loop3A_1059, %parallel_loop3A_1060 : i32
          %parallel_loop3A_1062 = arith.index_cast %parallel_loop3A_1061 : i32 to index
          %parallel_loop3A_1063 = tpu.vector_load %arg9[%parallel_loop3A_1062] {strides = array<i32>} : memref<4096xf32, #tpu.memory_space<vmem>>, vector<16xf32>,
          tpu.vector_store %arg9[%parallel_loop3A_1062], %parallel_loop3A_1027 {strides = array<i32>} : memref<4096xf32, #tpu.memory_space<vmem>>, vector<16xf32>,
          %parallel_loop3A_1064 = arith.constant 128 : i32
          %parallel_loop3A_1065 = arith.muli %parallel_loop3A_1015, %parallel_loop3A_1064 : i32
          %parallel_loop3A_1066 = arith.constant 32 : i32
          %parallel_loop3A_1067 = arith.addi %parallel_loop3A_1065, %parallel_loop3A_1066 : i32
          %parallel_loop3A_1068 = arith.index_cast %parallel_loop3A_1067 : i32 to index
          %parallel_loop3A_1069 = tpu.vector_load %arg9[%parallel_loop3A_1068] {strides = array<i32>} : memref<4096xf32, #tpu.memory_space<vmem>>, vector<16xf32>,
          tpu.vector_store %arg9[%parallel_loop3A_1068], %parallel_loop3A_1031 {strides = array<i32>} : memref<4096xf32, #tpu.memory_space<vmem>>, vector<16xf32>,
          %parallel_loop3A_1070 = arith.constant 128 : i32
          %parallel_loop3A_1071 = arith.muli %parallel_loop3A_1015, %parallel_loop3A_1070 : i32
          %parallel_loop3A_1072 = arith.constant 48 : i32
          %parallel_loop3A_1073 = arith.addi %parallel_loop3A_1071, %parallel_loop3A_1072 : i32
          %parallel_loop3A_1074 = arith.index_cast %parallel_loop3A_1073 : i32 to index
          %parallel_loop3A_1075 = tpu.vector_load %arg9[%parallel_loop3A_1074] {strides = array<i32>} : memref<4096xf32, #tpu.memory_space<vmem>>, vector<16xf32>,
          tpu.vector_store %arg9[%parallel_loop3A_1074], %parallel_loop3A_1035 {strides = array<i32>} : memref<4096xf32, #tpu.memory_space<vmem>>, vector<16xf32>,
          %parallel_loop3A_1076 = arith.constant 128 : i32
          %parallel_loop3A_1077 = arith.muli %parallel_loop3A_1015, %parallel_loop3A_1076 : i32
          %parallel_loop3A_1078 = arith.constant 64 : i32
          %parallel_loop3A_1079 = arith.addi %parallel_loop3A_1077, %parallel_loop3A_1078 : i32
          %parallel_loop3A_1080 = arith.index_cast %parallel_loop3A_1079 : i32 to index
          %parallel_loop3A_1081 = tpu.vector_load %arg9[%parallel_loop3A_1080] {strides = array<i32>} : memref<4096xf32, #tpu.memory_space<vmem>>, vector<16xf32>,
          tpu.vector_store %arg9[%parallel_loop3A_1080], %parallel_loop3A_1039 {strides = array<i32>} : memref<4096xf32, #tpu.memory_space<vmem>>, vector<16xf32>,
          %parallel_loop3A_1082 = arith.constant 128 : i32
          %parallel_loop3A_1083 = arith.muli %parallel_loop3A_1015, %parallel_loop3A_1082 : i32
          %parallel_loop3A_1084 = arith.constant 80 : i32
          %parallel_loop3A_1085 = arith.addi %parallel_loop3A_1083, %parallel_loop3A_1084 : i32
          %parallel_loop3A_1086 = arith.index_cast %parallel_loop3A_1085 : i32 to index
          %parallel_loop3A_1087 = tpu.vector_load %arg9[%parallel_loop3A_1086] {strides = array<i32>} : memref<4096xf32, #tpu.memory_space<vmem>>, vector<16xf32>,
          tpu.vector_store %arg9[%parallel_loop3A_1086], %parallel_loop3A_1043 {strides = array<i32>} : memref<4096xf32, #tpu.memory_space<vmem>>, vector<16xf32>,
          %parallel_loop3A_1088 = arith.constant 128 : i32
          %parallel_loop3A_1089 = arith.muli %parallel_loop3A_1015, %parallel_loop3A_1088 : i32
          %parallel_loop3A_1090 = arith.constant 96 : i32
          %parallel_loop3A_1091 = arith.addi %parallel_loop3A_1089, %parallel_loop3A_1090 : i32
          %parallel_loop3A_1092 = arith.index_cast %parallel_loop3A_1091 : i32 to index
          %parallel_loop3A_1093 = tpu.vector_load %arg9[%parallel_loop3A_1092] {strides = array<i32>} : memref<4096xf32, #tpu.memory_space<vmem>>, vector<16xf32>,
          tpu.vector_store %arg9[%parallel_loop3A_1092], %parallel_loop3A_1047 {strides = array<i32>} : memref<4096xf32, #tpu.memory_space<vmem>>, vector<16xf32>,
          %parallel_loop3A_1094 = arith.constant 128 : i32
          %parallel_loop3A_1095 = arith.muli %parallel_loop3A_1015, %parallel_loop3A_1094 : i32
          %parallel_loop3A_1096 = arith.constant 112 : i32
          %parallel_loop3A_1097 = arith.addi %parallel_loop3A_1095, %parallel_loop3A_1096 : i32
          %parallel_loop3A_1098 = arith.index_cast %parallel_loop3A_1097 : i32 to index
          %parallel_loop3A_1099 = tpu.vector_load %arg9[%parallel_loop3A_1098] {strides = array<i32>} : memref<4096xf32, #tpu.memory_space<vmem>>, vector<16xf32>,
          tpu.vector_store %arg9[%parallel_loop3A_1098], %parallel_loop3A_1051 {strides = array<i32>} : memref<4096xf32, #tpu.memory_space<vmem>>, vector<16xf32>,
        } {sc.loop_unroll_factor = 4 : i64, sc.parallel_access}
        %mul3A_235 = arith.constant 5 : i32
        %mul3A_236 = arith.muli %add3A_214, %mul3A_235 : i32
        %add3A_237 = arith.constant 0 : i32
        %add3A_238 = arith.addi %mul3A_236, %add3A_237 : i32
        %mul3A_239 = arith.constant 4 : i32
        %mul3A_240 = arith.muli %add3A_238, %mul3A_239 : i32
        %add3A_241 = arith.constant 0 : i32
        %add3A_242 = arith.addi %mul3A_240, %add3A_241 : i32
        %mul3A_243 = arith.constant 131072 : i32
        %mul3A_244 = arith.muli %add3A_242, %mul3A_243 : i32
        %mul3A_245 = arith.constant 1024 : i32
        %mul3A_246 = arith.muli %add3A_133, %mul3A_245 : i32
        %add3A_247 = arith.addi %mul3A_244, %mul3A_246 : i32
        %dma_start3A_248 = arith.constant 0 : i32
        %dma_start3A_249 = tpu.memref_slice %arg9[%dma_start3A_248] : memref<4096xf32, #tpu.memory_space<vmem>> -> memref<1024xf32, #tpu.memory_space<vmem>>
        %dma_start3A_250 = tpu.memref_slice %arg4[%add3A_247] : memref<26214400xf32, #tpu.memory_space<hbm>> -> memref<1024xf32, #tpu.memory_space<hbm>>
        %dma_start3A_251 = tpu.memref_slice %arg4[%add3A_247] : memref<26214400xf32, #tpu.memory_space<hbm>> -> memref<1024xf32, #tpu.memory_space<hbm>>
        %dma_start3A_252 = arith.constant 0 : i32
        %dma_start3A_253 = tpu.memref_slice %arg9[%dma_start3A_252] : memref<4096xf32, #tpu.memory_space<vmem>> -> memref<1024xf32, #tpu.memory_space<vmem>>
        tpu.enqueue_dma source(%dma_start3A_253 : memref<1024xf32, #tpu.memory_space<vmem>>) target(%dma_start3A_251 : memref<1024xf32, #tpu.memory_space<hbm>>) target_semaphore(%arg13 : memref<!tpu.dma_semaphore, #tpu.memory_space<semaphore_mem>>)
        %mul3A_254 = arith.constant 4 : i32
        %mul3A_255 = arith.muli %add3A_238, %mul3A_254 : i32
        %add3A_256 = arith.constant 1 : i32
        %add3A_257 = arith.addi %mul3A_255, %add3A_256 : i32
        %mul3A_258 = arith.constant 131072 : i32
        %mul3A_259 = arith.muli %add3A_257, %mul3A_258 : i32
        %mul3A_260 = arith.constant 1024 : i32
        %mul3A_261 = arith.muli %add3A_133, %mul3A_260 : i32
        %add3A_262 = arith.addi %mul3A_259, %mul3A_261 : i32
        %dma_start3A_263 = arith.constant 1024 : i32
        %dma_start3A_264 = tpu.memref_slice %arg9[%dma_start3A_263] : memref<4096xf32, #tpu.memory_space<vmem>> -> memref<1024xf32, #tpu.memory_space<vmem>>
        %dma_start3A_265 = tpu.memref_slice %arg4[%add3A_262] : memref<26214400xf32, #tpu.memory_space<hbm>> -> memref<1024xf32, #tpu.memory_space<hbm>>
        %dma_start3A_266 = tpu.memref_slice %arg4[%add3A_262] : memref<26214400xf32, #tpu.memory_space<hbm>> -> memref<1024xf32, #tpu.memory_space<hbm>>
        %dma_start3A_267 = arith.constant 1024 : i32
        %dma_start3A_268 = tpu.memref_slice %arg9[%dma_start3A_267] : memref<4096xf32, #tpu.memory_space<vmem>> -> memref<1024xf32, #tpu.memory_space<vmem>>
        tpu.enqueue_dma source(%dma_start3A_268 : memref<1024xf32, #tpu.memory_space<vmem>>) target(%dma_start3A_266 : memref<1024xf32, #tpu.memory_space<hbm>>) target_semaphore(%arg13 : memref<!tpu.dma_semaphore, #tpu.memory_space<semaphore_mem>>)
        %mul3A_269 = arith.constant 4 : i32
        %mul3A_270 = arith.muli %add3A_238, %mul3A_269 : i32
        %add3A_271 = arith.constant 2 : i32
        %add3A_272 = arith.addi %mul3A_270, %add3A_271 : i32
        %mul3A_273 = arith.constant 131072 : i32
        %mul3A_274 = arith.muli %add3A_272, %mul3A_273 : i32
        %mul3A_275 = arith.constant 1024 : i32
        %mul3A_276 = arith.muli %add3A_133, %mul3A_275 : i32
        %add3A_277 = arith.addi %mul3A_274, %mul3A_276 : i32
        %dma_start3A_278 = arith.constant 2048 : i32
        %dma_start3A_279 = tpu.memref_slice %arg9[%dma_start3A_278] : memref<4096xf32, #tpu.memory_space<vmem>> -> memref<1024xf32, #tpu.memory_space<vmem>>
        %dma_start3A_280 = tpu.memref_slice %arg4[%add3A_277] : memref<26214400xf32, #tpu.memory_space<hbm>> -> memref<1024xf32, #tpu.memory_space<hbm>>
        %dma_start3A_281 = tpu.memref_slice %arg4[%add3A_277] : memref<26214400xf32, #tpu.memory_space<hbm>> -> memref<1024xf32, #tpu.memory_space<hbm>>
        %dma_start3A_282 = arith.constant 2048 : i32
        %dma_start3A_283 = tpu.memref_slice %arg9[%dma_start3A_282] : memref<4096xf32, #tpu.memory_space<vmem>> -> memref<1024xf32, #tpu.memory_space<vmem>>
        tpu.enqueue_dma source(%dma_start3A_283 : memref<1024xf32, #tpu.memory_space<vmem>>) target(%dma_start3A_281 : memref<1024xf32, #tpu.memory_space<hbm>>) target_semaphore(%arg13 : memref<!tpu.dma_semaphore, #tpu.memory_space<semaphore_mem>>)
        %mul3A_284 = arith.constant 4 : i32
        %mul3A_285 = arith.muli %add3A_238, %mul3A_284 : i32
        %add3A_286 = arith.constant 3 : i32
        %add3A_287 = arith.addi %mul3A_285, %add3A_286 : i32
        %mul3A_288 = arith.constant 131072 : i32
        %mul3A_289 = arith.muli %add3A_287, %mul3A_288 : i32
        %mul3A_290 = arith.constant 1024 : i32
        %mul3A_291 = arith.muli %add3A_133, %mul3A_290 : i32
        %add3A_292 = arith.addi %mul3A_289, %mul3A_291 : i32
        %dma_start3A_293 = arith.constant 3072 : i32
        %dma_start3A_294 = tpu.memref_slice %arg9[%dma_start3A_293] : memref<4096xf32, #tpu.memory_space<vmem>> -> memref<1024xf32, #tpu.memory_space<vmem>>
        %dma_start3A_295 = tpu.memref_slice %arg4[%add3A_292] : memref<26214400xf32, #tpu.memory_space<hbm>> -> memref<1024xf32, #tpu.memory_space<hbm>>
        %dma_start3A_296 = tpu.memref_slice %arg4[%add3A_292] : memref<26214400xf32, #tpu.memory_space<hbm>> -> memref<1024xf32, #tpu.memory_space<hbm>>
        %dma_start3A_297 = arith.constant 3072 : i32
        %dma_start3A_298 = tpu.memref_slice %arg9[%dma_start3A_297] : memref<4096xf32, #tpu.memory_space<vmem>> -> memref<1024xf32, #tpu.memory_space<vmem>>
        tpu.enqueue_dma source(%dma_start3A_298 : memref<1024xf32, #tpu.memory_space<vmem>>) target(%dma_start3A_296 : memref<1024xf32, #tpu.memory_space<hbm>>) target_semaphore(%arg13 : memref<!tpu.dma_semaphore, #tpu.memory_space<semaphore_mem>>)
        %mul3A_299 = arith.constant 5 : i32
        %mul3A_300 = arith.muli %add3A_214, %mul3A_299 : i32
        %add3A_301 = arith.constant 0 : i32
        %add3A_302 = arith.addi %add3A_301, %mul3A_300 : i32
        %add3A_303 = arith.constant 1 : i32
        %add3A_304 = arith.addi %add3A_302, %add3A_303 : i32
        %ge3A_305 = arith.constant 2 : i32
        %ge3A_306 = arith.cmpi sge, %add3A_304, %ge3A_305 : i32
        %convert_element_type3A_307 = arith.extui %ge3A_306 : i1 to i32
        %cond3A_308 = arith.constant 0 : i32
        %cond3A_309 = arith.cmpi ne, %convert_element_type3A_307, %cond3A_308 : i32
        scf.if %cond3A_309 {
          %dma_wait3A_1015 = arith.constant 0 : i32
          %dma_wait3A_1016 = tpu.memref_slice %arg10[%dma_wait3A_1015] : memref<4096xf32, #tpu.memory_space<vmem>> -> memref<1024xf32, #tpu.memory_space<vmem>>
          %dma_wait3A_1017 = arith.constant 0 : i32
          %dma_wait3A_1018 = tpu.memref_slice %arg4[%dma_wait3A_1017] : memref<26214400xf32, #tpu.memory_space<hbm>> -> memref<1024xf32, #tpu.memory_space<hbm>>
          %dma_wait3A_1019 = arith.constant 0 : i32
          %dma_wait3A_1020 = tpu.memref_slice %arg4[%dma_wait3A_1019] : memref<26214400xf32, #tpu.memory_space<hbm>> -> memref<1024xf32, #tpu.memory_space<hbm>>
          %dma_wait3A_1021 = arith.constant 0 : i32
          %dma_wait3A_1022 = tpu.memref_slice %arg10[%dma_wait3A_1021] : memref<4096xf32, #tpu.memory_space<vmem>> -> memref<1024xf32, #tpu.memory_space<vmem>>
          tpu.wait_dma2 semaphore(%arg14 : memref<!tpu.dma_semaphore, #tpu.memory_space<semaphore_mem>>) src(%dma_wait3A_1022 : memref<1024xf32, #tpu.memory_space<vmem>>) dst(%dma_wait3A_1020 : memref<1024xf32, #tpu.memory_space<hbm>>)
          %dma_wait3A_1023 = arith.constant 0 : i32
          %dma_wait3A_1024 = tpu.memref_slice %arg10[%dma_wait3A_1023] : memref<4096xf32, #tpu.memory_space<vmem>> -> memref<1024xf32, #tpu.memory_space<vmem>>
          %dma_wait3A_1025 = arith.constant 0 : i32
          %dma_wait3A_1026 = tpu.memref_slice %arg4[%dma_wait3A_1025] : memref<26214400xf32, #tpu.memory_space<hbm>> -> memref<1024xf32, #tpu.memory_space<hbm>>
          %dma_wait3A_1027 = arith.constant 0 : i32
          %dma_wait3A_1028 = tpu.memref_slice %arg4[%dma_wait3A_1027] : memref<26214400xf32, #tpu.memory_space<hbm>> -> memref<1024xf32, #tpu.memory_space<hbm>>
          %dma_wait3A_1029 = arith.constant 0 : i32
          %dma_wait3A_1030 = tpu.memref_slice %arg10[%dma_wait3A_1029] : memref<4096xf32, #tpu.memory_space<vmem>> -> memref<1024xf32, #tpu.memory_space<vmem>>
          tpu.wait_dma2 semaphore(%arg14 : memref<!tpu.dma_semaphore, #tpu.memory_space<semaphore_mem>>) src(%dma_wait3A_1030 : memref<1024xf32, #tpu.memory_space<vmem>>) dst(%dma_wait3A_1028 : memref<1024xf32, #tpu.memory_space<hbm>>)
          %dma_wait3A_1031 = arith.constant 0 : i32
          %dma_wait3A_1032 = tpu.memref_slice %arg10[%dma_wait3A_1031] : memref<4096xf32, #tpu.memory_space<vmem>> -> memref<1024xf32, #tpu.memory_space<vmem>>
          %dma_wait3A_1033 = arith.constant 0 : i32
          %dma_wait3A_1034 = tpu.memref_slice %arg4[%dma_wait3A_1033] : memref<26214400xf32, #tpu.memory_space<hbm>> -> memref<1024xf32, #tpu.memory_space<hbm>>
          %dma_wait3A_1035 = arith.constant 0 : i32
          %dma_wait3A_1036 = tpu.memref_slice %arg4[%dma_wait3A_1035] : memref<26214400xf32, #tpu.memory_space<hbm>> -> memref<1024xf32, #tpu.memory_space<hbm>>
          %dma_wait3A_1037 = arith.constant 0 : i32
          %dma_wait3A_1038 = tpu.memref_slice %arg10[%dma_wait3A_1037] : memref<4096xf32, #tpu.memory_space<vmem>> -> memref<1024xf32, #tpu.memory_space<vmem>>
          tpu.wait_dma2 semaphore(%arg14 : memref<!tpu.dma_semaphore, #tpu.memory_space<semaphore_mem>>) src(%dma_wait3A_1038 : memref<1024xf32, #tpu.memory_space<vmem>>) dst(%dma_wait3A_1036 : memref<1024xf32, #tpu.memory_space<hbm>>)
          %dma_wait3A_1039 = arith.constant 0 : i32
          %dma_wait3A_1040 = tpu.memref_slice %arg10[%dma_wait3A_1039] : memref<4096xf32, #tpu.memory_space<vmem>> -> memref<1024xf32, #tpu.memory_space<vmem>>
          %dma_wait3A_1041 = arith.constant 0 : i32
          %dma_wait3A_1042 = tpu.memref_slice %arg4[%dma_wait3A_1041] : memref<26214400xf32, #tpu.memory_space<hbm>> -> memref<1024xf32, #tpu.memory_space<hbm>>
          %dma_wait3A_1043 = arith.constant 0 : i32
          %dma_wait3A_1044 = tpu.memref_slice %arg4[%dma_wait3A_1043] : memref<26214400xf32, #tpu.memory_space<hbm>> -> memref<1024xf32, #tpu.memory_space<hbm>>
          %dma_wait3A_1045 = arith.constant 0 : i32
          %dma_wait3A_1046 = tpu.memref_slice %arg10[%dma_wait3A_1045] : memref<4096xf32, #tpu.memory_space<vmem>> -> memref<1024xf32, #tpu.memory_space<vmem>>
          tpu.wait_dma2 semaphore(%arg14 : memref<!tpu.dma_semaphore, #tpu.memory_space<semaphore_mem>>) src(%dma_wait3A_1046 : memref<1024xf32, #tpu.memory_space<vmem>>) dst(%dma_wait3A_1044 : memref<1024xf32, #tpu.memory_space<hbm>>)
        } else {
        }
        %parallel_loop3A_310 = arith.constant 0 : i32
        %parallel_loop3A_311 = arith.constant 32 : i32
        %parallel_loop3A_312 = arith.constant 1 : i32
        scf.for %parallel_loop3A_1015 = %parallel_loop3A_310 to %parallel_loop3A_311 step %parallel_loop3A_312  : i32 {
          %parallel_loop3A_1016 = arith.constant 0 : i32
          %parallel_loop3A_1017 = vector.broadcast %parallel_loop3A_1016 : i32 to vector<16xi32>
          %parallel_loop3A_1018 = vector.broadcast %parallel_loop3A_1015 : i32 to vector<16xi32>
          %parallel_loop3A_1019 = arith.addi %parallel_loop3A_1017, %parallel_loop3A_1018 : vector<16xi32>
          %parallel_loop3A_1020 = arith.constant 128 : i32
          %parallel_loop3A_1021 = vector.broadcast %parallel_loop3A_1020 : i32 to vector<16xi32>
          %parallel_loop3A_1022 = arith.addi %add3A_103, %parallel_loop3A_1021 : vector<16xi32>
          %parallel_loop3A_1023 = tpu.vector_load_idx %arg7[%parallel_loop3A_1022, %parallel_loop3A_1019] : memref<640x32xf32, #tpu.memory_space<vmem>>[vector<16xi32>, vector<16xi32>], vector<16xf32>,
          %parallel_loop3A_1024 = arith.constant 128 : i32
          %parallel_loop3A_1025 = vector.broadcast %parallel_loop3A_1024 : i32 to vector<16xi32>
          %parallel_loop3A_1026 = arith.addi %add3A_106, %parallel_loop3A_1025 : vector<16xi32>
          %parallel_loop3A_1027 = tpu.vector_load_idx %arg7[%parallel_loop3A_1026, %parallel_loop3A_1019] : memref<640x32xf32, #tpu.memory_space<vmem>>[vector<16xi32>, vector<16xi32>], vector<16xf32>,
          %parallel_loop3A_1028 = arith.constant 128 : i32
          %parallel_loop3A_1029 = vector.broadcast %parallel_loop3A_1028 : i32 to vector<16xi32>
          %parallel_loop3A_1030 = arith.addi %add3A_109, %parallel_loop3A_1029 : vector<16xi32>
          %parallel_loop3A_1031 = tpu.vector_load_idx %arg7[%parallel_loop3A_1030, %parallel_loop3A_1019] : memref<640x32xf32, #tpu.memory_space<vmem>>[vector<16xi32>, vector<16xi32>], vector<16xf32>,
          %parallel_loop3A_1032 = arith.constant 128 : i32
          %parallel_loop3A_1033 = vector.broadcast %parallel_loop3A_1032 : i32 to vector<16xi32>
          %parallel_loop3A_1034 = arith.addi %add3A_112, %parallel_loop3A_1033 : vector<16xi32>
          %parallel_loop3A_1035 = tpu.vector_load_idx %arg7[%parallel_loop3A_1034, %parallel_loop3A_1019] : memref<640x32xf32, #tpu.memory_space<vmem>>[vector<16xi32>, vector<16xi32>], vector<16xf32>,
          %parallel_loop3A_1036 = arith.constant 128 : i32
          %parallel_loop3A_1037 = vector.broadcast %parallel_loop3A_1036 : i32 to vector<16xi32>
          %parallel_loop3A_1038 = arith.addi %add3A_115, %parallel_loop3A_1037 : vector<16xi32>
          %parallel_loop3A_1039 = tpu.vector_load_idx %arg7[%parallel_loop3A_1038, %parallel_loop3A_1019] : memref<640x32xf32, #tpu.memory_space<vmem>>[vector<16xi32>, vector<16xi32>], vector<16xf32>,
          %parallel_loop3A_1040 = arith.constant 128 : i32
          %parallel_loop3A_1041 = vector.broadcast %parallel_loop3A_1040 : i32 to vector<16xi32>
          %parallel_loop3A_1042 = arith.addi %add3A_118, %parallel_loop3A_1041 : vector<16xi32>
          %parallel_loop3A_1043 = tpu.vector_load_idx %arg7[%parallel_loop3A_1042, %parallel_loop3A_1019] : memref<640x32xf32, #tpu.memory_space<vmem>>[vector<16xi32>, vector<16xi32>], vector<16xf32>,
          %parallel_loop3A_1044 = arith.constant 128 : i32
          %parallel_loop3A_1045 = vector.broadcast %parallel_loop3A_1044 : i32 to vector<16xi32>
          %parallel_loop3A_1046 = arith.addi %add3A_121, %parallel_loop3A_1045 : vector<16xi32>
          %parallel_loop3A_1047 = tpu.vector_load_idx %arg7[%parallel_loop3A_1046, %parallel_loop3A_1019] : memref<640x32xf32, #tpu.memory_space<vmem>>[vector<16xi32>, vector<16xi32>], vector<16xf32>,
          %parallel_loop3A_1048 = arith.constant 128 : i32
          %parallel_loop3A_1049 = vector.broadcast %parallel_loop3A_1048 : i32 to vector<16xi32>
          %parallel_loop3A_1050 = arith.addi %add3A_124, %parallel_loop3A_1049 : vector<16xi32>
          %parallel_loop3A_1051 = tpu.vector_load_idx %arg7[%parallel_loop3A_1050, %parallel_loop3A_1019] : memref<640x32xf32, #tpu.memory_space<vmem>>[vector<16xi32>, vector<16xi32>], vector<16xf32>,
          %parallel_loop3A_1052 = arith.constant 128 : i32
          %parallel_loop3A_1053 = arith.muli %parallel_loop3A_1015, %parallel_loop3A_1052 : i32
          %parallel_loop3A_1054 = arith.constant 0 : i32
          %parallel_loop3A_1055 = arith.addi %parallel_loop3A_1053, %parallel_loop3A_1054 : i32
          %parallel_loop3A_1056 = arith.index_cast %parallel_loop3A_1055 : i32 to index
          %parallel_loop3A_1057 = tpu.vector_load %arg10[%parallel_loop3A_1056] {strides = array<i32>} : memref<4096xf32, #tpu.memory_space<vmem>>, vector<16xf32>,
          tpu.vector_store %arg10[%parallel_loop3A_1056], %parallel_loop3A_1023 {strides = array<i32>} : memref<4096xf32, #tpu.memory_space<vmem>>, vector<16xf32>,
          %parallel_loop3A_1058 = arith.constant 128 : i32
          %parallel_loop3A_1059 = arith.muli %parallel_loop3A_1015, %parallel_loop3A_1058 : i32
          %parallel_loop3A_1060 = arith.constant 16 : i32
          %parallel_loop3A_1061 = arith.addi %parallel_loop3A_1059, %parallel_loop3A_1060 : i32
          %parallel_loop3A_1062 = arith.index_cast %parallel_loop3A_1061 : i32 to index
          %parallel_loop3A_1063 = tpu.vector_load %arg10[%parallel_loop3A_1062] {strides = array<i32>} : memref<4096xf32, #tpu.memory_space<vmem>>, vector<16xf32>,
          tpu.vector_store %arg10[%parallel_loop3A_1062], %parallel_loop3A_1027 {strides = array<i32>} : memref<4096xf32, #tpu.memory_space<vmem>>, vector<16xf32>,
          %parallel_loop3A_1064 = arith.constant 128 : i32
          %parallel_loop3A_1065 = arith.muli %parallel_loop3A_1015, %parallel_loop3A_1064 : i32
          %parallel_loop3A_1066 = arith.constant 32 : i32
          %parallel_loop3A_1067 = arith.addi %parallel_loop3A_1065, %parallel_loop3A_1066 : i32
          %parallel_loop3A_1068 = arith.index_cast %parallel_loop3A_1067 : i32 to index
          %parallel_loop3A_1069 = tpu.vector_load %arg10[%parallel_loop3A_1068] {strides = array<i32>} : memref<4096xf32, #tpu.memory_space<vmem>>, vector<16xf32>,
          tpu.vector_store %arg10[%parallel_loop3A_1068], %parallel_loop3A_1031 {strides = array<i32>} : memref<4096xf32, #tpu.memory_space<vmem>>, vector<16xf32>,
          %parallel_loop3A_1070 = arith.constant 128 : i32
          %parallel_loop3A_1071 = arith.muli %parallel_loop3A_1015, %parallel_loop3A_1070 : i32
          %parallel_loop3A_1072 = arith.constant 48 : i32
          %parallel_loop3A_1073 = arith.addi %parallel_loop3A_1071, %parallel_loop3A_1072 : i32
          %parallel_loop3A_1074 = arith.index_cast %parallel_loop3A_1073 : i32 to index
          %parallel_loop3A_1075 = tpu.vector_load %arg10[%parallel_loop3A_1074] {strides = array<i32>} : memref<4096xf32, #tpu.memory_space<vmem>>, vector<16xf32>,
          tpu.vector_store %arg10[%parallel_loop3A_1074], %parallel_loop3A_1035 {strides = array<i32>} : memref<4096xf32, #tpu.memory_space<vmem>>, vector<16xf32>,
          %parallel_loop3A_1076 = arith.constant 128 : i32
          %parallel_loop3A_1077 = arith.muli %parallel_loop3A_1015, %parallel_loop3A_1076 : i32
          %parallel_loop3A_1078 = arith.constant 64 : i32
          %parallel_loop3A_1079 = arith.addi %parallel_loop3A_1077, %parallel_loop3A_1078 : i32
          %parallel_loop3A_1080 = arith.index_cast %parallel_loop3A_1079 : i32 to index
          %parallel_loop3A_1081 = tpu.vector_load %arg10[%parallel_loop3A_1080] {strides = array<i32>} : memref<4096xf32, #tpu.memory_space<vmem>>, vector<16xf32>,
          tpu.vector_store %arg10[%parallel_loop3A_1080], %parallel_loop3A_1039 {strides = array<i32>} : memref<4096xf32, #tpu.memory_space<vmem>>, vector<16xf32>,
          %parallel_loop3A_1082 = arith.constant 128 : i32
          %parallel_loop3A_1083 = arith.muli %parallel_loop3A_1015, %parallel_loop3A_1082 : i32
          %parallel_loop3A_1084 = arith.constant 80 : i32
          %parallel_loop3A_1085 = arith.addi %parallel_loop3A_1083, %parallel_loop3A_1084 : i32
          %parallel_loop3A_1086 = arith.index_cast %parallel_loop3A_1085 : i32 to index
          %parallel_loop3A_1087 = tpu.vector_load %arg10[%parallel_loop3A_1086] {strides = array<i32>} : memref<4096xf32, #tpu.memory_space<vmem>>, vector<16xf32>,
          tpu.vector_store %arg10[%parallel_loop3A_1086], %parallel_loop3A_1043 {strides = array<i32>} : memref<4096xf32, #tpu.memory_space<vmem>>, vector<16xf32>,
          %parallel_loop3A_1088 = arith.constant 128 : i32
          %parallel_loop3A_1089 = arith.muli %parallel_loop3A_1015, %parallel_loop3A_1088 : i32
          %parallel_loop3A_1090 = arith.constant 96 : i32
          %parallel_loop3A_1091 = arith.addi %parallel_loop3A_1089, %parallel_loop3A_1090 : i32
          %parallel_loop3A_1092 = arith.index_cast %parallel_loop3A_1091 : i32 to index
          %parallel_loop3A_1093 = tpu.vector_load %arg10[%parallel_loop3A_1092] {strides = array<i32>} : memref<4096xf32, #tpu.memory_space<vmem>>, vector<16xf32>,
          tpu.vector_store %arg10[%parallel_loop3A_1092], %parallel_loop3A_1047 {strides = array<i32>} : memref<4096xf32, #tpu.memory_space<vmem>>, vector<16xf32>,
          %parallel_loop3A_1094 = arith.constant 128 : i32
          %parallel_loop3A_1095 = arith.muli %parallel_loop3A_1015, %parallel_loop3A_1094 : i32
          %parallel_loop3A_1096 = arith.constant 112 : i32
          %parallel_loop3A_1097 = arith.addi %parallel_loop3A_1095, %parallel_loop3A_1096 : i32
          %parallel_loop3A_1098 = arith.index_cast %parallel_loop3A_1097 : i32 to index
          %parallel_loop3A_1099 = tpu.vector_load %arg10[%parallel_loop3A_1098] {strides = array<i32>} : memref<4096xf32, #tpu.memory_space<vmem>>, vector<16xf32>,
          tpu.vector_store %arg10[%parallel_loop3A_1098], %parallel_loop3A_1051 {strides = array<i32>} : memref<4096xf32, #tpu.memory_space<vmem>>, vector<16xf32>,
        } {sc.loop_unroll_factor = 4 : i64, sc.parallel_access}
        %mul3A_313 = arith.constant 5 : i32
        %mul3A_314 = arith.muli %add3A_214, %mul3A_313 : i32
        %add3A_315 = arith.constant 1 : i32
        %add3A_316 = arith.addi %mul3A_314, %add3A_315 : i32
        %mul3A_317 = arith.constant 4 : i32
        %mul3A_318 = arith.muli %add3A_316, %mul3A_317 : i32
        %add3A_319 = arith.constant 0 : i32
        %add3A_320 = arith.addi %mul3A_318, %add3A_319 : i32
        %mul3A_321 = arith.constant 131072 : i32
        %mul3A_322 = arith.muli %add3A_320, %mul3A_321 : i32
        %mul3A_323 = arith.constant 1024 : i32
        %mul3A_324 = arith.muli %add3A_133, %mul3A_323 : i32
        %add3A_325 = arith.addi %mul3A_322, %mul3A_324 : i32
        %dma_start3A_326 = arith.constant 0 : i32
        %dma_start3A_327 = tpu.memref_slice %arg10[%dma_start3A_326] : memref<4096xf32, #tpu.memory_space<vmem>> -> memref<1024xf32, #tpu.memory_space<vmem>>
        %dma_start3A_328 = tpu.memref_slice %arg4[%add3A_325] : memref<26214400xf32, #tpu.memory_space<hbm>> -> memref<1024xf32, #tpu.memory_space<hbm>>
        %dma_start3A_329 = tpu.memref_slice %arg4[%add3A_325] : memref<26214400xf32, #tpu.memory_space<hbm>> -> memref<1024xf32, #tpu.memory_space<hbm>>
        %dma_start3A_330 = arith.constant 0 : i32
        %dma_start3A_331 = tpu.memref_slice %arg10[%dma_start3A_330] : memref<4096xf32, #tpu.memory_space<vmem>> -> memref<1024xf32, #tpu.memory_space<vmem>>
        tpu.enqueue_dma source(%dma_start3A_331 : memref<1024xf32, #tpu.memory_space<vmem>>) target(%dma_start3A_329 : memref<1024xf32, #tpu.memory_space<hbm>>) target_semaphore(%arg14 : memref<!tpu.dma_semaphore, #tpu.memory_space<semaphore_mem>>)
        %mul3A_332 = arith.constant 4 : i32
        %mul3A_333 = arith.muli %add3A_316, %mul3A_332 : i32
        %add3A_334 = arith.constant 1 : i32
        %add3A_335 = arith.addi %mul3A_333, %add3A_334 : i32
        %mul3A_336 = arith.constant 131072 : i32
        %mul3A_337 = arith.muli %add3A_335, %mul3A_336 : i32
        %mul3A_338 = arith.constant 1024 : i32
        %mul3A_339 = arith.muli %add3A_133, %mul3A_338 : i32
        %add3A_340 = arith.addi %mul3A_337, %mul3A_339 : i32
        %dma_start3A_341 = arith.constant 1024 : i32
        %dma_start3A_342 = tpu.memref_slice %arg10[%dma_start3A_341] : memref<4096xf32, #tpu.memory_space<vmem>> -> memref<1024xf32, #tpu.memory_space<vmem>>
        %dma_start3A_343 = tpu.memref_slice %arg4[%add3A_340] : memref<26214400xf32, #tpu.memory_space<hbm>> -> memref<1024xf32, #tpu.memory_space<hbm>>
        %dma_start3A_344 = tpu.memref_slice %arg4[%add3A_340] : memref<26214400xf32, #tpu.memory_space<hbm>> -> memref<1024xf32, #tpu.memory_space<hbm>>
        %dma_start3A_345 = arith.constant 1024 : i32
        %dma_start3A_346 = tpu.memref_slice %arg10[%dma_start3A_345] : memref<4096xf32, #tpu.memory_space<vmem>> -> memref<1024xf32, #tpu.memory_space<vmem>>
        tpu.enqueue_dma source(%dma_start3A_346 : memref<1024xf32, #tpu.memory_space<vmem>>) target(%dma_start3A_344 : memref<1024xf32, #tpu.memory_space<hbm>>) target_semaphore(%arg14 : memref<!tpu.dma_semaphore, #tpu.memory_space<semaphore_mem>>)
        %mul3A_347 = arith.constant 4 : i32
        %mul3A_348 = arith.muli %add3A_316, %mul3A_347 : i32
        %add3A_349 = arith.constant 2 : i32
        %add3A_350 = arith.addi %mul3A_348, %add3A_349 : i32
        %mul3A_351 = arith.constant 131072 : i32
        %mul3A_352 = arith.muli %add3A_350, %mul3A_351 : i32
        %mul3A_353 = arith.constant 1024 : i32
        %mul3A_354 = arith.muli %add3A_133, %mul3A_353 : i32
        %add3A_355 = arith.addi %mul3A_352, %mul3A_354 : i32
        %dma_start3A_356 = arith.constant 2048 : i32
        %dma_start3A_357 = tpu.memref_slice %arg10[%dma_start3A_356] : memref<4096xf32, #tpu.memory_space<vmem>> -> memref<1024xf32, #tpu.memory_space<vmem>>
        %dma_start3A_358 = tpu.memref_slice %arg4[%add3A_355] : memref<26214400xf32, #tpu.memory_space<hbm>> -> memref<1024xf32, #tpu.memory_space<hbm>>
        %dma_start3A_359 = tpu.memref_slice %arg4[%add3A_355] : memref<26214400xf32, #tpu.memory_space<hbm>> -> memref<1024xf32, #tpu.memory_space<hbm>>
        %dma_start3A_360 = arith.constant 2048 : i32
        %dma_start3A_361 = tpu.memref_slice %arg10[%dma_start3A_360] : memref<4096xf32, #tpu.memory_space<vmem>> -> memref<1024xf32, #tpu.memory_space<vmem>>
        tpu.enqueue_dma source(%dma_start3A_361 : memref<1024xf32, #tpu.memory_space<vmem>>) target(%dma_start3A_359 : memref<1024xf32, #tpu.memory_space<hbm>>) target_semaphore(%arg14 : memref<!tpu.dma_semaphore, #tpu.memory_space<semaphore_mem>>)
        %mul3A_362 = arith.constant 4 : i32
        %mul3A_363 = arith.muli %add3A_316, %mul3A_362 : i32
        %add3A_364 = arith.constant 3 : i32
        %add3A_365 = arith.addi %mul3A_363, %add3A_364 : i32
        %mul3A_366 = arith.constant 131072 : i32
        %mul3A_367 = arith.muli %add3A_365, %mul3A_366 : i32
        %mul3A_368 = arith.constant 1024 : i32
        %mul3A_369 = arith.muli %add3A_133, %mul3A_368 : i32
        %add3A_370 = arith.addi %mul3A_367, %mul3A_369 : i32
        %dma_start3A_371 = arith.constant 3072 : i32
        %dma_start3A_372 = tpu.memref_slice %arg10[%dma_start3A_371] : memref<4096xf32, #tpu.memory_space<vmem>> -> memref<1024xf32, #tpu.memory_space<vmem>>
        %dma_start3A_373 = tpu.memref_slice %arg4[%add3A_370] : memref<26214400xf32, #tpu.memory_space<hbm>> -> memref<1024xf32, #tpu.memory_space<hbm>>
        %dma_start3A_374 = tpu.memref_slice %arg4[%add3A_370] : memref<26214400xf32, #tpu.memory_space<hbm>> -> memref<1024xf32, #tpu.memory_space<hbm>>
        %dma_start3A_375 = arith.constant 3072 : i32
        %dma_start3A_376 = tpu.memref_slice %arg10[%dma_start3A_375] : memref<4096xf32, #tpu.memory_space<vmem>> -> memref<1024xf32, #tpu.memory_space<vmem>>
        tpu.enqueue_dma source(%dma_start3A_376 : memref<1024xf32, #tpu.memory_space<vmem>>) target(%dma_start3A_374 : memref<1024xf32, #tpu.memory_space<hbm>>) target_semaphore(%arg14 : memref<!tpu.dma_semaphore, #tpu.memory_space<semaphore_mem>>)
        %mul3A_377 = arith.constant 5 : i32
        %mul3A_378 = arith.muli %add3A_214, %mul3A_377 : i32
        %add3A_379 = arith.constant 0 : i32
        %add3A_380 = arith.addi %add3A_379, %mul3A_378 : i32
        %add3A_381 = arith.constant 2 : i32
        %add3A_382 = arith.addi %add3A_380, %add3A_381 : i32
        %ge3A_383 = arith.constant 2 : i32
        %ge3A_384 = arith.cmpi sge, %add3A_382, %ge3A_383 : i32
        %convert_element_type3A_385 = arith.extui %ge3A_384 : i1 to i32
        %cond3A_386 = arith.constant 0 : i32
        %cond3A_387 = arith.cmpi ne, %convert_element_type3A_385, %cond3A_386 : i32
        scf.if %cond3A_387 {
          %dma_wait3A_1015 = arith.constant 0 : i32
          %dma_wait3A_1016 = tpu.memref_slice %arg9[%dma_wait3A_1015] : memref<4096xf32, #tpu.memory_space<vmem>> -> memref<1024xf32, #tpu.memory_space<vmem>>
          %dma_wait3A_1017 = arith.constant 0 : i32
          %dma_wait3A_1018 = tpu.memref_slice %arg4[%dma_wait3A_1017] : memref<26214400xf32, #tpu.memory_space<hbm>> -> memref<1024xf32, #tpu.memory_space<hbm>>
          %dma_wait3A_1019 = arith.constant 0 : i32
          %dma_wait3A_1020 = tpu.memref_slice %arg4[%dma_wait3A_1019] : memref<26214400xf32, #tpu.memory_space<hbm>> -> memref<1024xf32, #tpu.memory_space<hbm>>
          %dma_wait3A_1021 = arith.constant 0 : i32
          %dma_wait3A_1022 = tpu.memref_slice %arg9[%dma_wait3A_1021] : memref<4096xf32, #tpu.memory_space<vmem>> -> memref<1024xf32, #tpu.memory_space<vmem>>
          tpu.wait_dma2 semaphore(%arg13 : memref<!tpu.dma_semaphore, #tpu.memory_space<semaphore_mem>>) src(%dma_wait3A_1022 : memref<1024xf32, #tpu.memory_space<vmem>>) dst(%dma_wait3A_1020 : memref<1024xf32, #tpu.memory_space<hbm>>)
          %dma_wait3A_1023 = arith.constant 0 : i32
          %dma_wait3A_1024 = tpu.memref_slice %arg9[%dma_wait3A_1023] : memref<4096xf32, #tpu.memory_space<vmem>> -> memref<1024xf32, #tpu.memory_space<vmem>>
          %dma_wait3A_1025 = arith.constant 0 : i32
          %dma_wait3A_1026 = tpu.memref_slice %arg4[%dma_wait3A_1025] : memref<26214400xf32, #tpu.memory_space<hbm>> -> memref<1024xf32, #tpu.memory_space<hbm>>
          %dma_wait3A_1027 = arith.constant 0 : i32
          %dma_wait3A_1028 = tpu.memref_slice %arg4[%dma_wait3A_1027] : memref<26214400xf32, #tpu.memory_space<hbm>> -> memref<1024xf32, #tpu.memory_space<hbm>>
          %dma_wait3A_1029 = arith.constant 0 : i32
          %dma_wait3A_1030 = tpu.memref_slice %arg9[%dma_wait3A_1029] : memref<4096xf32, #tpu.memory_space<vmem>> -> memref<1024xf32, #tpu.memory_space<vmem>>
          tpu.wait_dma2 semaphore(%arg13 : memref<!tpu.dma_semaphore, #tpu.memory_space<semaphore_mem>>) src(%dma_wait3A_1030 : memref<1024xf32, #tpu.memory_space<vmem>>) dst(%dma_wait3A_1028 : memref<1024xf32, #tpu.memory_space<hbm>>)
          %dma_wait3A_1031 = arith.constant 0 : i32
          %dma_wait3A_1032 = tpu.memref_slice %arg9[%dma_wait3A_1031] : memref<4096xf32, #tpu.memory_space<vmem>> -> memref<1024xf32, #tpu.memory_space<vmem>>
          %dma_wait3A_1033 = arith.constant 0 : i32
          %dma_wait3A_1034 = tpu.memref_slice %arg4[%dma_wait3A_1033] : memref<26214400xf32, #tpu.memory_space<hbm>> -> memref<1024xf32, #tpu.memory_space<hbm>>
          %dma_wait3A_1035 = arith.constant 0 : i32
          %dma_wait3A_1036 = tpu.memref_slice %arg4[%dma_wait3A_1035] : memref<26214400xf32, #tpu.memory_space<hbm>> -> memref<1024xf32, #tpu.memory_space<hbm>>
          %dma_wait3A_1037 = arith.constant 0 : i32
          %dma_wait3A_1038 = tpu.memref_slice %arg9[%dma_wait3A_1037] : memref<4096xf32, #tpu.memory_space<vmem>> -> memref<1024xf32, #tpu.memory_space<vmem>>
          tpu.wait_dma2 semaphore(%arg13 : memref<!tpu.dma_semaphore, #tpu.memory_space<semaphore_mem>>) src(%dma_wait3A_1038 : memref<1024xf32, #tpu.memory_space<vmem>>) dst(%dma_wait3A_1036 : memref<1024xf32, #tpu.memory_space<hbm>>)
          %dma_wait3A_1039 = arith.constant 0 : i32
          %dma_wait3A_1040 = tpu.memref_slice %arg9[%dma_wait3A_1039] : memref<4096xf32, #tpu.memory_space<vmem>> -> memref<1024xf32, #tpu.memory_space<vmem>>
          %dma_wait3A_1041 = arith.constant 0 : i32
          %dma_wait3A_1042 = tpu.memref_slice %arg4[%dma_wait3A_1041] : memref<26214400xf32, #tpu.memory_space<hbm>> -> memref<1024xf32, #tpu.memory_space<hbm>>
          %dma_wait3A_1043 = arith.constant 0 : i32
          %dma_wait3A_1044 = tpu.memref_slice %arg4[%dma_wait3A_1043] : memref<26214400xf32, #tpu.memory_space<hbm>> -> memref<1024xf32, #tpu.memory_space<hbm>>
          %dma_wait3A_1045 = arith.constant 0 : i32
          %dma_wait3A_1046 = tpu.memref_slice %arg9[%dma_wait3A_1045] : memref<4096xf32, #tpu.memory_space<vmem>> -> memref<1024xf32, #tpu.memory_space<vmem>>
          tpu.wait_dma2 semaphore(%arg13 : memref<!tpu.dma_semaphore, #tpu.memory_space<semaphore_mem>>) src(%dma_wait3A_1046 : memref<1024xf32, #tpu.memory_space<vmem>>) dst(%dma_wait3A_1044 : memref<1024xf32, #tpu.memory_space<hbm>>)
        } else {
        }
        %parallel_loop3A_388 = arith.constant 0 : i32
        %parallel_loop3A_389 = arith.constant 32 : i32
        %parallel_loop3A_390 = arith.constant 1 : i32
        scf.for %parallel_loop3A_1015 = %parallel_loop3A_388 to %parallel_loop3A_389 step %parallel_loop3A_390  : i32 {
          %parallel_loop3A_1016 = arith.constant 0 : i32
          %parallel_loop3A_1017 = vector.broadcast %parallel_loop3A_1016 : i32 to vector<16xi32>
          %parallel_loop3A_1018 = vector.broadcast %parallel_loop3A_1015 : i32 to vector<16xi32>
          %parallel_loop3A_1019 = arith.addi %parallel_loop3A_1017, %parallel_loop3A_1018 : vector<16xi32>
          %parallel_loop3A_1020 = arith.constant 256 : i32
          %parallel_loop3A_1021 = vector.broadcast %parallel_loop3A_1020 : i32 to vector<16xi32>
          %parallel_loop3A_1022 = arith.addi %add3A_103, %parallel_loop3A_1021 : vector<16xi32>
          %parallel_loop3A_1023 = tpu.vector_load_idx %arg7[%parallel_loop3A_1022, %parallel_loop3A_1019] : memref<640x32xf32, #tpu.memory_space<vmem>>[vector<16xi32>, vector<16xi32>], vector<16xf32>,
          %parallel_loop3A_1024 = arith.constant 256 : i32
          %parallel_loop3A_1025 = vector.broadcast %parallel_loop3A_1024 : i32 to vector<16xi32>
          %parallel_loop3A_1026 = arith.addi %add3A_106, %parallel_loop3A_1025 : vector<16xi32>
          %parallel_loop3A_1027 = tpu.vector_load_idx %arg7[%parallel_loop3A_1026, %parallel_loop3A_1019] : memref<640x32xf32, #tpu.memory_space<vmem>>[vector<16xi32>, vector<16xi32>], vector<16xf32>,
          %parallel_loop3A_1028 = arith.constant 256 : i32
          %parallel_loop3A_1029 = vector.broadcast %parallel_loop3A_1028 : i32 to vector<16xi32>
          %parallel_loop3A_1030 = arith.addi %add3A_109, %parallel_loop3A_1029 : vector<16xi32>
          %parallel_loop3A_1031 = tpu.vector_load_idx %arg7[%parallel_loop3A_1030, %parallel_loop3A_1019] : memref<640x32xf32, #tpu.memory_space<vmem>>[vector<16xi32>, vector<16xi32>], vector<16xf32>,
          %parallel_loop3A_1032 = arith.constant 256 : i32
          %parallel_loop3A_1033 = vector.broadcast %parallel_loop3A_1032 : i32 to vector<16xi32>
          %parallel_loop3A_1034 = arith.addi %add3A_112, %parallel_loop3A_1033 : vector<16xi32>
          %parallel_loop3A_1035 = tpu.vector_load_idx %arg7[%parallel_loop3A_1034, %parallel_loop3A_1019] : memref<640x32xf32, #tpu.memory_space<vmem>>[vector<16xi32>, vector<16xi32>], vector<16xf32>,
          %parallel_loop3A_1036 = arith.constant 256 : i32
          %parallel_loop3A_1037 = vector.broadcast %parallel_loop3A_1036 : i32 to vector<16xi32>
          %parallel_loop3A_1038 = arith.addi %add3A_115, %parallel_loop3A_1037 : vector<16xi32>
          %parallel_loop3A_1039 = tpu.vector_load_idx %arg7[%parallel_loop3A_1038, %parallel_loop3A_1019] : memref<640x32xf32, #tpu.memory_space<vmem>>[vector<16xi32>, vector<16xi32>], vector<16xf32>,
          %parallel_loop3A_1040 = arith.constant 256 : i32
          %parallel_loop3A_1041 = vector.broadcast %parallel_loop3A_1040 : i32 to vector<16xi32>
          %parallel_loop3A_1042 = arith.addi %add3A_118, %parallel_loop3A_1041 : vector<16xi32>
          %parallel_loop3A_1043 = tpu.vector_load_idx %arg7[%parallel_loop3A_1042, %parallel_loop3A_1019] : memref<640x32xf32, #tpu.memory_space<vmem>>[vector<16xi32>, vector<16xi32>], vector<16xf32>,
          %parallel_loop3A_1044 = arith.constant 256 : i32
          %parallel_loop3A_1045 = vector.broadcast %parallel_loop3A_1044 : i32 to vector<16xi32>
          %parallel_loop3A_1046 = arith.addi %add3A_121, %parallel_loop3A_1045 : vector<16xi32>
          %parallel_loop3A_1047 = tpu.vector_load_idx %arg7[%parallel_loop3A_1046, %parallel_loop3A_1019] : memref<640x32xf32, #tpu.memory_space<vmem>>[vector<16xi32>, vector<16xi32>], vector<16xf32>,
          %parallel_loop3A_1048 = arith.constant 256 : i32
          %parallel_loop3A_1049 = vector.broadcast %parallel_loop3A_1048 : i32 to vector<16xi32>
          %parallel_loop3A_1050 = arith.addi %add3A_124, %parallel_loop3A_1049 : vector<16xi32>
          %parallel_loop3A_1051 = tpu.vector_load_idx %arg7[%parallel_loop3A_1050, %parallel_loop3A_1019] : memref<640x32xf32, #tpu.memory_space<vmem>>[vector<16xi32>, vector<16xi32>], vector<16xf32>,
          %parallel_loop3A_1052 = arith.constant 128 : i32
          %parallel_loop3A_1053 = arith.muli %parallel_loop3A_1015, %parallel_loop3A_1052 : i32
          %parallel_loop3A_1054 = arith.constant 0 : i32
          %parallel_loop3A_1055 = arith.addi %parallel_loop3A_1053, %parallel_loop3A_1054 : i32
          %parallel_loop3A_1056 = arith.index_cast %parallel_loop3A_1055 : i32 to index
          %parallel_loop3A_1057 = tpu.vector_load %arg9[%parallel_loop3A_1056] {strides = array<i32>} : memref<4096xf32, #tpu.memory_space<vmem>>, vector<16xf32>,
          tpu.vector_store %arg9[%parallel_loop3A_1056], %parallel_loop3A_1023 {strides = array<i32>} : memref<4096xf32, #tpu.memory_space<vmem>>, vector<16xf32>,
          %parallel_loop3A_1058 = arith.constant 128 : i32
          %parallel_loop3A_1059 = arith.muli %parallel_loop3A_1015, %parallel_loop3A_1058 : i32
          %parallel_loop3A_1060 = arith.constant 16 : i32
          %parallel_loop3A_1061 = arith.addi %parallel_loop3A_1059, %parallel_loop3A_1060 : i32
          %parallel_loop3A_1062 = arith.index_cast %parallel_loop3A_1061 : i32 to index
          %parallel_loop3A_1063 = tpu.vector_load %arg9[%parallel_loop3A_1062] {strides = array<i32>} : memref<4096xf32, #tpu.memory_space<vmem>>, vector<16xf32>,
          tpu.vector_store %arg9[%parallel_loop3A_1062], %parallel_loop3A_1027 {strides = array<i32>} : memref<4096xf32, #tpu.memory_space<vmem>>, vector<16xf32>,
          %parallel_loop3A_1064 = arith.constant 128 : i32
          %parallel_loop3A_1065 = arith.muli %parallel_loop3A_1015, %parallel_loop3A_1064 : i32
          %parallel_loop3A_1066 = arith.constant 32 : i32
          %parallel_loop3A_1067 = arith.addi %parallel_loop3A_1065, %parallel_loop3A_1066 : i32
          %parallel_loop3A_1068 = arith.index_cast %parallel_loop3A_1067 : i32 to index
          %parallel_loop3A_1069 = tpu.vector_load %arg9[%parallel_loop3A_1068] {strides = array<i32>} : memref<4096xf32, #tpu.memory_space<vmem>>, vector<16xf32>,
          tpu.vector_store %arg9[%parallel_loop3A_1068], %parallel_loop3A_1031 {strides = array<i32>} : memref<4096xf32, #tpu.memory_space<vmem>>, vector<16xf32>,
          %parallel_loop3A_1070 = arith.constant 128 : i32
          %parallel_loop3A_1071 = arith.muli %parallel_loop3A_1015, %parallel_loop3A_1070 : i32
          %parallel_loop3A_1072 = arith.constant 48 : i32
          %parallel_loop3A_1073 = arith.addi %parallel_loop3A_1071, %parallel_loop3A_1072 : i32
          %parallel_loop3A_1074 = arith.index_cast %parallel_loop3A_1073 : i32 to index
          %parallel_loop3A_1075 = tpu.vector_load %arg9[%parallel_loop3A_1074] {strides = array<i32>} : memref<4096xf32, #tpu.memory_space<vmem>>, vector<16xf32>,
          tpu.vector_store %arg9[%parallel_loop3A_1074], %parallel_loop3A_1035 {strides = array<i32>} : memref<4096xf32, #tpu.memory_space<vmem>>, vector<16xf32>,
          %parallel_loop3A_1076 = arith.constant 128 : i32
          %parallel_loop3A_1077 = arith.muli %parallel_loop3A_1015, %parallel_loop3A_1076 : i32
          %parallel_loop3A_1078 = arith.constant 64 : i32
          %parallel_loop3A_1079 = arith.addi %parallel_loop3A_1077, %parallel_loop3A_1078 : i32
          %parallel_loop3A_1080 = arith.index_cast %parallel_loop3A_1079 : i32 to index
          %parallel_loop3A_1081 = tpu.vector_load %arg9[%parallel_loop3A_1080] {strides = array<i32>} : memref<4096xf32, #tpu.memory_space<vmem>>, vector<16xf32>,
          tpu.vector_store %arg9[%parallel_loop3A_1080], %parallel_loop3A_1039 {strides = array<i32>} : memref<4096xf32, #tpu.memory_space<vmem>>, vector<16xf32>,
          %parallel_loop3A_1082 = arith.constant 128 : i32
          %parallel_loop3A_1083 = arith.muli %parallel_loop3A_1015, %parallel_loop3A_1082 : i32
          %parallel_loop3A_1084 = arith.constant 80 : i32
          %parallel_loop3A_1085 = arith.addi %parallel_loop3A_1083, %parallel_loop3A_1084 : i32
          %parallel_loop3A_1086 = arith.index_cast %parallel_loop3A_1085 : i32 to index
          %parallel_loop3A_1087 = tpu.vector_load %arg9[%parallel_loop3A_1086] {strides = array<i32>} : memref<4096xf32, #tpu.memory_space<vmem>>, vector<16xf32>,
          tpu.vector_store %arg9[%parallel_loop3A_1086], %parallel_loop3A_1043 {strides = array<i32>} : memref<4096xf32, #tpu.memory_space<vmem>>, vector<16xf32>,
          %parallel_loop3A_1088 = arith.constant 128 : i32
          %parallel_loop3A_1089 = arith.muli %parallel_loop3A_1015, %parallel_loop3A_1088 : i32
          %parallel_loop3A_1090 = arith.constant 96 : i32
          %parallel_loop3A_1091 = arith.addi %parallel_loop3A_1089, %parallel_loop3A_1090 : i32
          %parallel_loop3A_1092 = arith.index_cast %parallel_loop3A_1091 : i32 to index
          %parallel_loop3A_1093 = tpu.vector_load %arg9[%parallel_loop3A_1092] {strides = array<i32>} : memref<4096xf32, #tpu.memory_space<vmem>>, vector<16xf32>,
          tpu.vector_store %arg9[%parallel_loop3A_1092], %parallel_loop3A_1047 {strides = array<i32>} : memref<4096xf32, #tpu.memory_space<vmem>>, vector<16xf32>,
          %parallel_loop3A_1094 = arith.constant 128 : i32
          %parallel_loop3A_1095 = arith.muli %parallel_loop3A_1015, %parallel_loop3A_1094 : i32
          %parallel_loop3A_1096 = arith.constant 112 : i32
          %parallel_loop3A_1097 = arith.addi %parallel_loop3A_1095, %parallel_loop3A_1096 : i32
          %parallel_loop3A_1098 = arith.index_cast %parallel_loop3A_1097 : i32 to index
          %parallel_loop3A_1099 = tpu.vector_load %arg9[%parallel_loop3A_1098] {strides = array<i32>} : memref<4096xf32, #tpu.memory_space<vmem>>, vector<16xf32>,
          tpu.vector_store %arg9[%parallel_loop3A_1098], %parallel_loop3A_1051 {strides = array<i32>} : memref<4096xf32, #tpu.memory_space<vmem>>, vector<16xf32>,
        } {sc.loop_unroll_factor = 4 : i64, sc.parallel_access}
        %mul3A_391 = arith.constant 5 : i32
        %mul3A_392 = arith.muli %add3A_214, %mul3A_391 : i32
        %add3A_393 = arith.constant 2 : i32
        %add3A_394 = arith.addi %mul3A_392, %add3A_393 : i32
        %mul3A_395 = arith.constant 4 : i32
        %mul3A_396 = arith.muli %add3A_394, %mul3A_395 : i32
        %add3A_397 = arith.constant 0 : i32
        %add3A_398 = arith.addi %mul3A_396, %add3A_397 : i32
        %mul3A_399 = arith.constant 131072 : i32
        %mul3A_400 = arith.muli %add3A_398, %mul3A_399 : i32
        %mul3A_401 = arith.constant 1024 : i32
        %mul3A_402 = arith.muli %add3A_133, %mul3A_401 : i32
        %add3A_403 = arith.addi %mul3A_400, %mul3A_402 : i32
        %dma_start3A_404 = arith.constant 0 : i32
        %dma_start3A_405 = tpu.memref_slice %arg9[%dma_start3A_404] : memref<4096xf32, #tpu.memory_space<vmem>> -> memref<1024xf32, #tpu.memory_space<vmem>>
        %dma_start3A_406 = tpu.memref_slice %arg4[%add3A_403] : memref<26214400xf32, #tpu.memory_space<hbm>> -> memref<1024xf32, #tpu.memory_space<hbm>>
        %dma_start3A_407 = tpu.memref_slice %arg4[%add3A_403] : memref<26214400xf32, #tpu.memory_space<hbm>> -> memref<1024xf32, #tpu.memory_space<hbm>>
        %dma_start3A_408 = arith.constant 0 : i32
        %dma_start3A_409 = tpu.memref_slice %arg9[%dma_start3A_408] : memref<4096xf32, #tpu.memory_space<vmem>> -> memref<1024xf32, #tpu.memory_space<vmem>>
        tpu.enqueue_dma source(%dma_start3A_409 : memref<1024xf32, #tpu.memory_space<vmem>>) target(%dma_start3A_407 : memref<1024xf32, #tpu.memory_space<hbm>>) target_semaphore(%arg13 : memref<!tpu.dma_semaphore, #tpu.memory_space<semaphore_mem>>)
        %mul3A_410 = arith.constant 4 : i32
        %mul3A_411 = arith.muli %add3A_394, %mul3A_410 : i32
        %add3A_412 = arith.constant 1 : i32
        %add3A_413 = arith.addi %mul3A_411, %add3A_412 : i32
        %mul3A_414 = arith.constant 131072 : i32
        %mul3A_415 = arith.muli %add3A_413, %mul3A_414 : i32
        %mul3A_416 = arith.constant 1024 : i32
        %mul3A_417 = arith.muli %add3A_133, %mul3A_416 : i32
        %add3A_418 = arith.addi %mul3A_415, %mul3A_417 : i32
        %dma_start3A_419 = arith.constant 1024 : i32
        %dma_start3A_420 = tpu.memref_slice %arg9[%dma_start3A_419] : memref<4096xf32, #tpu.memory_space<vmem>> -> memref<1024xf32, #tpu.memory_space<vmem>>
        %dma_start3A_421 = tpu.memref_slice %arg4[%add3A_418] : memref<26214400xf32, #tpu.memory_space<hbm>> -> memref<1024xf32, #tpu.memory_space<hbm>>
        %dma_start3A_422 = tpu.memref_slice %arg4[%add3A_418] : memref<26214400xf32, #tpu.memory_space<hbm>> -> memref<1024xf32, #tpu.memory_space<hbm>>
        %dma_start3A_423 = arith.constant 1024 : i32
        %dma_start3A_424 = tpu.memref_slice %arg9[%dma_start3A_423] : memref<4096xf32, #tpu.memory_space<vmem>> -> memref<1024xf32, #tpu.memory_space<vmem>>
        tpu.enqueue_dma source(%dma_start3A_424 : memref<1024xf32, #tpu.memory_space<vmem>>) target(%dma_start3A_422 : memref<1024xf32, #tpu.memory_space<hbm>>) target_semaphore(%arg13 : memref<!tpu.dma_semaphore, #tpu.memory_space<semaphore_mem>>)
        %mul3A_425 = arith.constant 4 : i32
        %mul3A_426 = arith.muli %add3A_394, %mul3A_425 : i32
        %add3A_427 = arith.constant 2 : i32
        %add3A_428 = arith.addi %mul3A_426, %add3A_427 : i32
        %mul3A_429 = arith.constant 131072 : i32
        %mul3A_430 = arith.muli %add3A_428, %mul3A_429 : i32
        %mul3A_431 = arith.constant 1024 : i32
        %mul3A_432 = arith.muli %add3A_133, %mul3A_431 : i32
        %add3A_433 = arith.addi %mul3A_430, %mul3A_432 : i32
        %dma_start3A_434 = arith.constant 2048 : i32
        %dma_start3A_435 = tpu.memref_slice %arg9[%dma_start3A_434] : memref<4096xf32, #tpu.memory_space<vmem>> -> memref<1024xf32, #tpu.memory_space<vmem>>
        %dma_start3A_436 = tpu.memref_slice %arg4[%add3A_433] : memref<26214400xf32, #tpu.memory_space<hbm>> -> memref<1024xf32, #tpu.memory_space<hbm>>
        %dma_start3A_437 = tpu.memref_slice %arg4[%add3A_433] : memref<26214400xf32, #tpu.memory_space<hbm>> -> memref<1024xf32, #tpu.memory_space<hbm>>
        %dma_start3A_438 = arith.constant 2048 : i32
        %dma_start3A_439 = tpu.memref_slice %arg9[%dma_start3A_438] : memref<4096xf32, #tpu.memory_space<vmem>> -> memref<1024xf32, #tpu.memory_space<vmem>>
        tpu.enqueue_dma source(%dma_start3A_439 : memref<1024xf32, #tpu.memory_space<vmem>>) target(%dma_start3A_437 : memref<1024xf32, #tpu.memory_space<hbm>>) target_semaphore(%arg13 : memref<!tpu.dma_semaphore, #tpu.memory_space<semaphore_mem>>)
        %mul3A_440 = arith.constant 4 : i32
        %mul3A_441 = arith.muli %add3A_394, %mul3A_440 : i32
        %add3A_442 = arith.constant 3 : i32
        %add3A_443 = arith.addi %mul3A_441, %add3A_442 : i32
        %mul3A_444 = arith.constant 131072 : i32
        %mul3A_445 = arith.muli %add3A_443, %mul3A_444 : i32
        %mul3A_446 = arith.constant 1024 : i32
        %mul3A_447 = arith.muli %add3A_133, %mul3A_446 : i32
        %add3A_448 = arith.addi %mul3A_445, %mul3A_447 : i32
        %dma_start3A_449 = arith.constant 3072 : i32
        %dma_start3A_450 = tpu.memref_slice %arg9[%dma_start3A_449] : memref<4096xf32, #tpu.memory_space<vmem>> -> memref<1024xf32, #tpu.memory_space<vmem>>
        %dma_start3A_451 = tpu.memref_slice %arg4[%add3A_448] : memref<26214400xf32, #tpu.memory_space<hbm>> -> memref<1024xf32, #tpu.memory_space<hbm>>
        %dma_start3A_452 = tpu.memref_slice %arg4[%add3A_448] : memref<26214400xf32, #tpu.memory_space<hbm>> -> memref<1024xf32, #tpu.memory_space<hbm>>
        %dma_start3A_453 = arith.constant 3072 : i32
        %dma_start3A_454 = tpu.memref_slice %arg9[%dma_start3A_453] : memref<4096xf32, #tpu.memory_space<vmem>> -> memref<1024xf32, #tpu.memory_space<vmem>>
        tpu.enqueue_dma source(%dma_start3A_454 : memref<1024xf32, #tpu.memory_space<vmem>>) target(%dma_start3A_452 : memref<1024xf32, #tpu.memory_space<hbm>>) target_semaphore(%arg13 : memref<!tpu.dma_semaphore, #tpu.memory_space<semaphore_mem>>)
        %mul3A_455 = arith.constant 5 : i32
        %mul3A_456 = arith.muli %add3A_214, %mul3A_455 : i32
        %add3A_457 = arith.constant 0 : i32
        %add3A_458 = arith.addi %add3A_457, %mul3A_456 : i32
        %add3A_459 = arith.constant 3 : i32
        %add3A_460 = arith.addi %add3A_458, %add3A_459 : i32
        %ge3A_461 = arith.constant 2 : i32
        %ge3A_462 = arith.cmpi sge, %add3A_460, %ge3A_461 : i32
        %convert_element_type3A_463 = arith.extui %ge3A_462 : i1 to i32
        %cond3A_464 = arith.constant 0 : i32
        %cond3A_465 = arith.cmpi ne, %convert_element_type3A_463, %cond3A_464 : i32
        scf.if %cond3A_465 {
          %dma_wait3A_1015 = arith.constant 0 : i32
          %dma_wait3A_1016 = tpu.memref_slice %arg10[%dma_wait3A_1015] : memref<4096xf32, #tpu.memory_space<vmem>> -> memref<1024xf32, #tpu.memory_space<vmem>>
          %dma_wait3A_1017 = arith.constant 0 : i32
          %dma_wait3A_1018 = tpu.memref_slice %arg4[%dma_wait3A_1017] : memref<26214400xf32, #tpu.memory_space<hbm>> -> memref<1024xf32, #tpu.memory_space<hbm>>
          %dma_wait3A_1019 = arith.constant 0 : i32
          %dma_wait3A_1020 = tpu.memref_slice %arg4[%dma_wait3A_1019] : memref<26214400xf32, #tpu.memory_space<hbm>> -> memref<1024xf32, #tpu.memory_space<hbm>>
          %dma_wait3A_1021 = arith.constant 0 : i32
          %dma_wait3A_1022 = tpu.memref_slice %arg10[%dma_wait3A_1021] : memref<4096xf32, #tpu.memory_space<vmem>> -> memref<1024xf32, #tpu.memory_space<vmem>>
          tpu.wait_dma2 semaphore(%arg14 : memref<!tpu.dma_semaphore, #tpu.memory_space<semaphore_mem>>) src(%dma_wait3A_1022 : memref<1024xf32, #tpu.memory_space<vmem>>) dst(%dma_wait3A_1020 : memref<1024xf32, #tpu.memory_space<hbm>>)
          %dma_wait3A_1023 = arith.constant 0 : i32
          %dma_wait3A_1024 = tpu.memref_slice %arg10[%dma_wait3A_1023] : memref<4096xf32, #tpu.memory_space<vmem>> -> memref<1024xf32, #tpu.memory_space<vmem>>
          %dma_wait3A_1025 = arith.constant 0 : i32
          %dma_wait3A_1026 = tpu.memref_slice %arg4[%dma_wait3A_1025] : memref<26214400xf32, #tpu.memory_space<hbm>> -> memref<1024xf32, #tpu.memory_space<hbm>>
          %dma_wait3A_1027 = arith.constant 0 : i32
          %dma_wait3A_1028 = tpu.memref_slice %arg4[%dma_wait3A_1027] : memref<26214400xf32, #tpu.memory_space<hbm>> -> memref<1024xf32, #tpu.memory_space<hbm>>
          %dma_wait3A_1029 = arith.constant 0 : i32
          %dma_wait3A_1030 = tpu.memref_slice %arg10[%dma_wait3A_1029] : memref<4096xf32, #tpu.memory_space<vmem>> -> memref<1024xf32, #tpu.memory_space<vmem>>
          tpu.wait_dma2 semaphore(%arg14 : memref<!tpu.dma_semaphore, #tpu.memory_space<semaphore_mem>>) src(%dma_wait3A_1030 : memref<1024xf32, #tpu.memory_space<vmem>>) dst(%dma_wait3A_1028 : memref<1024xf32, #tpu.memory_space<hbm>>)
          %dma_wait3A_1031 = arith.constant 0 : i32
          %dma_wait3A_1032 = tpu.memref_slice %arg10[%dma_wait3A_1031] : memref<4096xf32, #tpu.memory_space<vmem>> -> memref<1024xf32, #tpu.memory_space<vmem>>
          %dma_wait3A_1033 = arith.constant 0 : i32
          %dma_wait3A_1034 = tpu.memref_slice %arg4[%dma_wait3A_1033] : memref<26214400xf32, #tpu.memory_space<hbm>> -> memref<1024xf32, #tpu.memory_space<hbm>>
          %dma_wait3A_1035 = arith.constant 0 : i32
          %dma_wait3A_1036 = tpu.memref_slice %arg4[%dma_wait3A_1035] : memref<26214400xf32, #tpu.memory_space<hbm>> -> memref<1024xf32, #tpu.memory_space<hbm>>
          %dma_wait3A_1037 = arith.constant 0 : i32
          %dma_wait3A_1038 = tpu.memref_slice %arg10[%dma_wait3A_1037] : memref<4096xf32, #tpu.memory_space<vmem>> -> memref<1024xf32, #tpu.memory_space<vmem>>
          tpu.wait_dma2 semaphore(%arg14 : memref<!tpu.dma_semaphore, #tpu.memory_space<semaphore_mem>>) src(%dma_wait3A_1038 : memref<1024xf32, #tpu.memory_space<vmem>>) dst(%dma_wait3A_1036 : memref<1024xf32, #tpu.memory_space<hbm>>)
          %dma_wait3A_1039 = arith.constant 0 : i32
          %dma_wait3A_1040 = tpu.memref_slice %arg10[%dma_wait3A_1039] : memref<4096xf32, #tpu.memory_space<vmem>> -> memref<1024xf32, #tpu.memory_space<vmem>>
          %dma_wait3A_1041 = arith.constant 0 : i32
          %dma_wait3A_1042 = tpu.memref_slice %arg4[%dma_wait3A_1041] : memref<26214400xf32, #tpu.memory_space<hbm>> -> memref<1024xf32, #tpu.memory_space<hbm>>
          %dma_wait3A_1043 = arith.constant 0 : i32
          %dma_wait3A_1044 = tpu.memref_slice %arg4[%dma_wait3A_1043] : memref<26214400xf32, #tpu.memory_space<hbm>> -> memref<1024xf32, #tpu.memory_space<hbm>>
          %dma_wait3A_1045 = arith.constant 0 : i32
          %dma_wait3A_1046 = tpu.memref_slice %arg10[%dma_wait3A_1045] : memref<4096xf32, #tpu.memory_space<vmem>> -> memref<1024xf32, #tpu.memory_space<vmem>>
          tpu.wait_dma2 semaphore(%arg14 : memref<!tpu.dma_semaphore, #tpu.memory_space<semaphore_mem>>) src(%dma_wait3A_1046 : memref<1024xf32, #tpu.memory_space<vmem>>) dst(%dma_wait3A_1044 : memref<1024xf32, #tpu.memory_space<hbm>>)
        } else {
        }
        %parallel_loop3A_466 = arith.constant 0 : i32
        %parallel_loop3A_467 = arith.constant 32 : i32
        %parallel_loop3A_468 = arith.constant 1 : i32
        scf.for %parallel_loop3A_1015 = %parallel_loop3A_466 to %parallel_loop3A_467 step %parallel_loop3A_468  : i32 {
          %parallel_loop3A_1016 = arith.constant 0 : i32
          %parallel_loop3A_1017 = vector.broadcast %parallel_loop3A_1016 : i32 to vector<16xi32>
          %parallel_loop3A_1018 = vector.broadcast %parallel_loop3A_1015 : i32 to vector<16xi32>
          %parallel_loop3A_1019 = arith.addi %parallel_loop3A_1017, %parallel_loop3A_1018 : vector<16xi32>
          %parallel_loop3A_1020 = arith.constant 384 : i32
          %parallel_loop3A_1021 = vector.broadcast %parallel_loop3A_1020 : i32 to vector<16xi32>
          %parallel_loop3A_1022 = arith.addi %add3A_103, %parallel_loop3A_1021 : vector<16xi32>
          %parallel_loop3A_1023 = tpu.vector_load_idx %arg7[%parallel_loop3A_1022, %parallel_loop3A_1019] : memref<640x32xf32, #tpu.memory_space<vmem>>[vector<16xi32>, vector<16xi32>], vector<16xf32>,
          %parallel_loop3A_1024 = arith.constant 384 : i32
          %parallel_loop3A_1025 = vector.broadcast %parallel_loop3A_1024 : i32 to vector<16xi32>
          %parallel_loop3A_1026 = arith.addi %add3A_106, %parallel_loop3A_1025 : vector<16xi32>
          %parallel_loop3A_1027 = tpu.vector_load_idx %arg7[%parallel_loop3A_1026, %parallel_loop3A_1019] : memref<640x32xf32, #tpu.memory_space<vmem>>[vector<16xi32>, vector<16xi32>], vector<16xf32>,
          %parallel_loop3A_1028 = arith.constant 384 : i32
          %parallel_loop3A_1029 = vector.broadcast %parallel_loop3A_1028 : i32 to vector<16xi32>
          %parallel_loop3A_1030 = arith.addi %add3A_109, %parallel_loop3A_1029 : vector<16xi32>
          %parallel_loop3A_1031 = tpu.vector_load_idx %arg7[%parallel_loop3A_1030, %parallel_loop3A_1019] : memref<640x32xf32, #tpu.memory_space<vmem>>[vector<16xi32>, vector<16xi32>], vector<16xf32>,
          %parallel_loop3A_1032 = arith.constant 384 : i32
          %parallel_loop3A_1033 = vector.broadcast %parallel_loop3A_1032 : i32 to vector<16xi32>
          %parallel_loop3A_1034 = arith.addi %add3A_112, %parallel_loop3A_1033 : vector<16xi32>
          %parallel_loop3A_1035 = tpu.vector_load_idx %arg7[%parallel_loop3A_1034, %parallel_loop3A_1019] : memref<640x32xf32, #tpu.memory_space<vmem>>[vector<16xi32>, vector<16xi32>], vector<16xf32>,
          %parallel_loop3A_1036 = arith.constant 384 : i32
          %parallel_loop3A_1037 = vector.broadcast %parallel_loop3A_1036 : i32 to vector<16xi32>
          %parallel_loop3A_1038 = arith.addi %add3A_115, %parallel_loop3A_1037 : vector<16xi32>
          %parallel_loop3A_1039 = tpu.vector_load_idx %arg7[%parallel_loop3A_1038, %parallel_loop3A_1019] : memref<640x32xf32, #tpu.memory_space<vmem>>[vector<16xi32>, vector<16xi32>], vector<16xf32>,
          %parallel_loop3A_1040 = arith.constant 384 : i32
          %parallel_loop3A_1041 = vector.broadcast %parallel_loop3A_1040 : i32 to vector<16xi32>
          %parallel_loop3A_1042 = arith.addi %add3A_118, %parallel_loop3A_1041 : vector<16xi32>
          %parallel_loop3A_1043 = tpu.vector_load_idx %arg7[%parallel_loop3A_1042, %parallel_loop3A_1019] : memref<640x32xf32, #tpu.memory_space<vmem>>[vector<16xi32>, vector<16xi32>], vector<16xf32>,
          %parallel_loop3A_1044 = arith.constant 384 : i32
          %parallel_loop3A_1045 = vector.broadcast %parallel_loop3A_1044 : i32 to vector<16xi32>
          %parallel_loop3A_1046 = arith.addi %add3A_121, %parallel_loop3A_1045 : vector<16xi32>
          %parallel_loop3A_1047 = tpu.vector_load_idx %arg7[%parallel_loop3A_1046, %parallel_loop3A_1019] : memref<640x32xf32, #tpu.memory_space<vmem>>[vector<16xi32>, vector<16xi32>], vector<16xf32>,
          %parallel_loop3A_1048 = arith.constant 384 : i32
          %parallel_loop3A_1049 = vector.broadcast %parallel_loop3A_1048 : i32 to vector<16xi32>
          %parallel_loop3A_1050 = arith.addi %add3A_124, %parallel_loop3A_1049 : vector<16xi32>
          %parallel_loop3A_1051 = tpu.vector_load_idx %arg7[%parallel_loop3A_1050, %parallel_loop3A_1019] : memref<640x32xf32, #tpu.memory_space<vmem>>[vector<16xi32>, vector<16xi32>], vector<16xf32>,
          %parallel_loop3A_1052 = arith.constant 128 : i32
          %parallel_loop3A_1053 = arith.muli %parallel_loop3A_1015, %parallel_loop3A_1052 : i32
          %parallel_loop3A_1054 = arith.constant 0 : i32
          %parallel_loop3A_1055 = arith.addi %parallel_loop3A_1053, %parallel_loop3A_1054 : i32
          %parallel_loop3A_1056 = arith.index_cast %parallel_loop3A_1055 : i32 to index
          %parallel_loop3A_1057 = tpu.vector_load %arg10[%parallel_loop3A_1056] {strides = array<i32>} : memref<4096xf32, #tpu.memory_space<vmem>>, vector<16xf32>,
          tpu.vector_store %arg10[%parallel_loop3A_1056], %parallel_loop3A_1023 {strides = array<i32>} : memref<4096xf32, #tpu.memory_space<vmem>>, vector<16xf32>,
          %parallel_loop3A_1058 = arith.constant 128 : i32
          %parallel_loop3A_1059 = arith.muli %parallel_loop3A_1015, %parallel_loop3A_1058 : i32
          %parallel_loop3A_1060 = arith.constant 16 : i32
          %parallel_loop3A_1061 = arith.addi %parallel_loop3A_1059, %parallel_loop3A_1060 : i32
          %parallel_loop3A_1062 = arith.index_cast %parallel_loop3A_1061 : i32 to index
          %parallel_loop3A_1063 = tpu.vector_load %arg10[%parallel_loop3A_1062] {strides = array<i32>} : memref<4096xf32, #tpu.memory_space<vmem>>, vector<16xf32>,
          tpu.vector_store %arg10[%parallel_loop3A_1062], %parallel_loop3A_1027 {strides = array<i32>} : memref<4096xf32, #tpu.memory_space<vmem>>, vector<16xf32>,
          %parallel_loop3A_1064 = arith.constant 128 : i32
          %parallel_loop3A_1065 = arith.muli %parallel_loop3A_1015, %parallel_loop3A_1064 : i32
          %parallel_loop3A_1066 = arith.constant 32 : i32
          %parallel_loop3A_1067 = arith.addi %parallel_loop3A_1065, %parallel_loop3A_1066 : i32
          %parallel_loop3A_1068 = arith.index_cast %parallel_loop3A_1067 : i32 to index
          %parallel_loop3A_1069 = tpu.vector_load %arg10[%parallel_loop3A_1068] {strides = array<i32>} : memref<4096xf32, #tpu.memory_space<vmem>>, vector<16xf32>,
          tpu.vector_store %arg10[%parallel_loop3A_1068], %parallel_loop3A_1031 {strides = array<i32>} : memref<4096xf32, #tpu.memory_space<vmem>>, vector<16xf32>,
          %parallel_loop3A_1070 = arith.constant 128 : i32
          %parallel_loop3A_1071 = arith.muli %parallel_loop3A_1015, %parallel_loop3A_1070 : i32
          %parallel_loop3A_1072 = arith.constant 48 : i32
          %parallel_loop3A_1073 = arith.addi %parallel_loop3A_1071, %parallel_loop3A_1072 : i32
          %parallel_loop3A_1074 = arith.index_cast %parallel_loop3A_1073 : i32 to index
          %parallel_loop3A_1075 = tpu.vector_load %arg10[%parallel_loop3A_1074] {strides = array<i32>} : memref<4096xf32, #tpu.memory_space<vmem>>, vector<16xf32>,
          tpu.vector_store %arg10[%parallel_loop3A_1074], %parallel_loop3A_1035 {strides = array<i32>} : memref<4096xf32, #tpu.memory_space<vmem>>, vector<16xf32>,
          %parallel_loop3A_1076 = arith.constant 128 : i32
          %parallel_loop3A_1077 = arith.muli %parallel_loop3A_1015, %parallel_loop3A_1076 : i32
          %parallel_loop3A_1078 = arith.constant 64 : i32
          %parallel_loop3A_1079 = arith.addi %parallel_loop3A_1077, %parallel_loop3A_1078 : i32
          %parallel_loop3A_1080 = arith.index_cast %parallel_loop3A_1079 : i32 to index
          %parallel_loop3A_1081 = tpu.vector_load %arg10[%parallel_loop3A_1080] {strides = array<i32>} : memref<4096xf32, #tpu.memory_space<vmem>>, vector<16xf32>,
          tpu.vector_store %arg10[%parallel_loop3A_1080], %parallel_loop3A_1039 {strides = array<i32>} : memref<4096xf32, #tpu.memory_space<vmem>>, vector<16xf32>,
          %parallel_loop3A_1082 = arith.constant 128 : i32
          %parallel_loop3A_1083 = arith.muli %parallel_loop3A_1015, %parallel_loop3A_1082 : i32
          %parallel_loop3A_1084 = arith.constant 80 : i32
          %parallel_loop3A_1085 = arith.addi %parallel_loop3A_1083, %parallel_loop3A_1084 : i32
          %parallel_loop3A_1086 = arith.index_cast %parallel_loop3A_1085 : i32 to index
          %parallel_loop3A_1087 = tpu.vector_load %arg10[%parallel_loop3A_1086] {strides = array<i32>} : memref<4096xf32, #tpu.memory_space<vmem>>, vector<16xf32>,
          tpu.vector_store %arg10[%parallel_loop3A_1086], %parallel_loop3A_1043 {strides = array<i32>} : memref<4096xf32, #tpu.memory_space<vmem>>, vector<16xf32>,
          %parallel_loop3A_1088 = arith.constant 128 : i32
          %parallel_loop3A_1089 = arith.muli %parallel_loop3A_1015, %parallel_loop3A_1088 : i32
          %parallel_loop3A_1090 = arith.constant 96 : i32
          %parallel_loop3A_1091 = arith.addi %parallel_loop3A_1089, %parallel_loop3A_1090 : i32
          %parallel_loop3A_1092 = arith.index_cast %parallel_loop3A_1091 : i32 to index
          %parallel_loop3A_1093 = tpu.vector_load %arg10[%parallel_loop3A_1092] {strides = array<i32>} : memref<4096xf32, #tpu.memory_space<vmem>>, vector<16xf32>,
          tpu.vector_store %arg10[%parallel_loop3A_1092], %parallel_loop3A_1047 {strides = array<i32>} : memref<4096xf32, #tpu.memory_space<vmem>>, vector<16xf32>,
          %parallel_loop3A_1094 = arith.constant 128 : i32
          %parallel_loop3A_1095 = arith.muli %parallel_loop3A_1015, %parallel_loop3A_1094 : i32
          %parallel_loop3A_1096 = arith.constant 112 : i32
          %parallel_loop3A_1097 = arith.addi %parallel_loop3A_1095, %parallel_loop3A_1096 : i32
          %parallel_loop3A_1098 = arith.index_cast %parallel_loop3A_1097 : i32 to index
          %parallel_loop3A_1099 = tpu.vector_load %arg10[%parallel_loop3A_1098] {strides = array<i32>} : memref<4096xf32, #tpu.memory_space<vmem>>, vector<16xf32>,
          tpu.vector_store %arg10[%parallel_loop3A_1098], %parallel_loop3A_1051 {strides = array<i32>} : memref<4096xf32, #tpu.memory_space<vmem>>, vector<16xf32>,
        } {sc.loop_unroll_factor = 4 : i64, sc.parallel_access}
        %mul3A_469 = arith.constant 5 : i32
        %mul3A_470 = arith.muli %add3A_214, %mul3A_469 : i32
        %add3A_471 = arith.constant 3 : i32
        %add3A_472 = arith.addi %mul3A_470, %add3A_471 : i32
        %mul3A_473 = arith.constant 4 : i32
        %mul3A_474 = arith.muli %add3A_472, %mul3A_473 : i32
        %add3A_475 = arith.constant 0 : i32
        %add3A_476 = arith.addi %mul3A_474, %add3A_475 : i32
        %mul3A_477 = arith.constant 131072 : i32
        %mul3A_478 = arith.muli %add3A_476, %mul3A_477 : i32
        %mul3A_479 = arith.constant 1024 : i32
        %mul3A_480 = arith.muli %add3A_133, %mul3A_479 : i32
        %add3A_481 = arith.addi %mul3A_478, %mul3A_480 : i32
        %dma_start3A_482 = arith.constant 0 : i32
        %dma_start3A_483 = tpu.memref_slice %arg10[%dma_start3A_482] : memref<4096xf32, #tpu.memory_space<vmem>> -> memref<1024xf32, #tpu.memory_space<vmem>>
        %dma_start3A_484 = tpu.memref_slice %arg4[%add3A_481] : memref<26214400xf32, #tpu.memory_space<hbm>> -> memref<1024xf32, #tpu.memory_space<hbm>>
        %dma_start3A_485 = tpu.memref_slice %arg4[%add3A_481] : memref<26214400xf32, #tpu.memory_space<hbm>> -> memref<1024xf32, #tpu.memory_space<hbm>>
        %dma_start3A_486 = arith.constant 0 : i32
        %dma_start3A_487 = tpu.memref_slice %arg10[%dma_start3A_486] : memref<4096xf32, #tpu.memory_space<vmem>> -> memref<1024xf32, #tpu.memory_space<vmem>>
        tpu.enqueue_dma source(%dma_start3A_487 : memref<1024xf32, #tpu.memory_space<vmem>>) target(%dma_start3A_485 : memref<1024xf32, #tpu.memory_space<hbm>>) target_semaphore(%arg14 : memref<!tpu.dma_semaphore, #tpu.memory_space<semaphore_mem>>)
        %mul3A_488 = arith.constant 4 : i32
        %mul3A_489 = arith.muli %add3A_472, %mul3A_488 : i32
        %add3A_490 = arith.constant 1 : i32
        %add3A_491 = arith.addi %mul3A_489, %add3A_490 : i32
        %mul3A_492 = arith.constant 131072 : i32
        %mul3A_493 = arith.muli %add3A_491, %mul3A_492 : i32
        %mul3A_494 = arith.constant 1024 : i32
        %mul3A_495 = arith.muli %add3A_133, %mul3A_494 : i32
        %add3A_496 = arith.addi %mul3A_493, %mul3A_495 : i32
        %dma_start3A_497 = arith.constant 1024 : i32
        %dma_start3A_498 = tpu.memref_slice %arg10[%dma_start3A_497] : memref<4096xf32, #tpu.memory_space<vmem>> -> memref<1024xf32, #tpu.memory_space<vmem>>
        %dma_start3A_499 = tpu.memref_slice %arg4[%add3A_496] : memref<26214400xf32, #tpu.memory_space<hbm>> -> memref<1024xf32, #tpu.memory_space<hbm>>
        %dma_start3A_500 = tpu.memref_slice %arg4[%add3A_496] : memref<26214400xf32, #tpu.memory_space<hbm>> -> memref<1024xf32, #tpu.memory_space<hbm>>
        %dma_start3A_501 = arith.constant 1024 : i32
        %dma_start3A_502 = tpu.memref_slice %arg10[%dma_start3A_501] : memref<4096xf32, #tpu.memory_space<vmem>> -> memref<1024xf32, #tpu.memory_space<vmem>>
        tpu.enqueue_dma source(%dma_start3A_502 : memref<1024xf32, #tpu.memory_space<vmem>>) target(%dma_start3A_500 : memref<1024xf32, #tpu.memory_space<hbm>>) target_semaphore(%arg14 : memref<!tpu.dma_semaphore, #tpu.memory_space<semaphore_mem>>)
        %mul3A_503 = arith.constant 4 : i32
        %mul3A_504 = arith.muli %add3A_472, %mul3A_503 : i32
        %add3A_505 = arith.constant 2 : i32
        %add3A_506 = arith.addi %mul3A_504, %add3A_505 : i32
        %mul3A_507 = arith.constant 131072 : i32
        %mul3A_508 = arith.muli %add3A_506, %mul3A_507 : i32
        %mul3A_509 = arith.constant 1024 : i32
        %mul3A_510 = arith.muli %add3A_133, %mul3A_509 : i32
        %add3A_511 = arith.addi %mul3A_508, %mul3A_510 : i32
        %dma_start3A_512 = arith.constant 2048 : i32
        %dma_start3A_513 = tpu.memref_slice %arg10[%dma_start3A_512] : memref<4096xf32, #tpu.memory_space<vmem>> -> memref<1024xf32, #tpu.memory_space<vmem>>
        %dma_start3A_514 = tpu.memref_slice %arg4[%add3A_511] : memref<26214400xf32, #tpu.memory_space<hbm>> -> memref<1024xf32, #tpu.memory_space<hbm>>
        %dma_start3A_515 = tpu.memref_slice %arg4[%add3A_511] : memref<26214400xf32, #tpu.memory_space<hbm>> -> memref<1024xf32, #tpu.memory_space<hbm>>
        %dma_start3A_516 = arith.constant 2048 : i32
        %dma_start3A_517 = tpu.memref_slice %arg10[%dma_start3A_516] : memref<4096xf32, #tpu.memory_space<vmem>> -> memref<1024xf32, #tpu.memory_space<vmem>>
        tpu.enqueue_dma source(%dma_start3A_517 : memref<1024xf32, #tpu.memory_space<vmem>>) target(%dma_start3A_515 : memref<1024xf32, #tpu.memory_space<hbm>>) target_semaphore(%arg14 : memref<!tpu.dma_semaphore, #tpu.memory_space<semaphore_mem>>)
        %mul3A_518 = arith.constant 4 : i32
        %mul3A_519 = arith.muli %add3A_472, %mul3A_518 : i32
        %add3A_520 = arith.constant 3 : i32
        %add3A_521 = arith.addi %mul3A_519, %add3A_520 : i32
        %mul3A_522 = arith.constant 131072 : i32
        %mul3A_523 = arith.muli %add3A_521, %mul3A_522 : i32
        %mul3A_524 = arith.constant 1024 : i32
        %mul3A_525 = arith.muli %add3A_133, %mul3A_524 : i32
        %add3A_526 = arith.addi %mul3A_523, %mul3A_525 : i32
        %dma_start3A_527 = arith.constant 3072 : i32
        %dma_start3A_528 = tpu.memref_slice %arg10[%dma_start3A_527] : memref<4096xf32, #tpu.memory_space<vmem>> -> memref<1024xf32, #tpu.memory_space<vmem>>
        %dma_start3A_529 = tpu.memref_slice %arg4[%add3A_526] : memref<26214400xf32, #tpu.memory_space<hbm>> -> memref<1024xf32, #tpu.memory_space<hbm>>
        %dma_start3A_530 = tpu.memref_slice %arg4[%add3A_526] : memref<26214400xf32, #tpu.memory_space<hbm>> -> memref<1024xf32, #tpu.memory_space<hbm>>
        %dma_start3A_531 = arith.constant 3072 : i32
        %dma_start3A_532 = tpu.memref_slice %arg10[%dma_start3A_531] : memref<4096xf32, #tpu.memory_space<vmem>> -> memref<1024xf32, #tpu.memory_space<vmem>>
        tpu.enqueue_dma source(%dma_start3A_532 : memref<1024xf32, #tpu.memory_space<vmem>>) target(%dma_start3A_530 : memref<1024xf32, #tpu.memory_space<hbm>>) target_semaphore(%arg14 : memref<!tpu.dma_semaphore, #tpu.memory_space<semaphore_mem>>)
        %mul3A_533 = arith.constant 5 : i32
        %mul3A_534 = arith.muli %add3A_214, %mul3A_533 : i32
        %add3A_535 = arith.constant 0 : i32
        %add3A_536 = arith.addi %add3A_535, %mul3A_534 : i32
        %add3A_537 = arith.constant 4 : i32
        %add3A_538 = arith.addi %add3A_536, %add3A_537 : i32
        %ge3A_539 = arith.constant 2 : i32
        %ge3A_540 = arith.cmpi sge, %add3A_538, %ge3A_539 : i32
        %convert_element_type3A_541 = arith.extui %ge3A_540 : i1 to i32
        %cond3A_542 = arith.constant 0 : i32
        %cond3A_543 = arith.cmpi ne, %convert_element_type3A_541, %cond3A_542 : i32
        scf.if %cond3A_543 {
          %dma_wait3A_1015 = arith.constant 0 : i32
          %dma_wait3A_1016 = tpu.memref_slice %arg9[%dma_wait3A_1015] : memref<4096xf32, #tpu.memory_space<vmem>> -> memref<1024xf32, #tpu.memory_space<vmem>>
          %dma_wait3A_1017 = arith.constant 0 : i32
          %dma_wait3A_1018 = tpu.memref_slice %arg4[%dma_wait3A_1017] : memref<26214400xf32, #tpu.memory_space<hbm>> -> memref<1024xf32, #tpu.memory_space<hbm>>
          %dma_wait3A_1019 = arith.constant 0 : i32
          %dma_wait3A_1020 = tpu.memref_slice %arg4[%dma_wait3A_1019] : memref<26214400xf32, #tpu.memory_space<hbm>> -> memref<1024xf32, #tpu.memory_space<hbm>>
          %dma_wait3A_1021 = arith.constant 0 : i32
          %dma_wait3A_1022 = tpu.memref_slice %arg9[%dma_wait3A_1021] : memref<4096xf32, #tpu.memory_space<vmem>> -> memref<1024xf32, #tpu.memory_space<vmem>>
          tpu.wait_dma2 semaphore(%arg13 : memref<!tpu.dma_semaphore, #tpu.memory_space<semaphore_mem>>) src(%dma_wait3A_1022 : memref<1024xf32, #tpu.memory_space<vmem>>) dst(%dma_wait3A_1020 : memref<1024xf32, #tpu.memory_space<hbm>>)
          %dma_wait3A_1023 = arith.constant 0 : i32
          %dma_wait3A_1024 = tpu.memref_slice %arg9[%dma_wait3A_1023] : memref<4096xf32, #tpu.memory_space<vmem>> -> memref<1024xf32, #tpu.memory_space<vmem>>
          %dma_wait3A_1025 = arith.constant 0 : i32
          %dma_wait3A_1026 = tpu.memref_slice %arg4[%dma_wait3A_1025] : memref<26214400xf32, #tpu.memory_space<hbm>> -> memref<1024xf32, #tpu.memory_space<hbm>>
          %dma_wait3A_1027 = arith.constant 0 : i32
          %dma_wait3A_1028 = tpu.memref_slice %arg4[%dma_wait3A_1027] : memref<26214400xf32, #tpu.memory_space<hbm>> -> memref<1024xf32, #tpu.memory_space<hbm>>
          %dma_wait3A_1029 = arith.constant 0 : i32
          %dma_wait3A_1030 = tpu.memref_slice %arg9[%dma_wait3A_1029] : memref<4096xf32, #tpu.memory_space<vmem>> -> memref<1024xf32, #tpu.memory_space<vmem>>
          tpu.wait_dma2 semaphore(%arg13 : memref<!tpu.dma_semaphore, #tpu.memory_space<semaphore_mem>>) src(%dma_wait3A_1030 : memref<1024xf32, #tpu.memory_space<vmem>>) dst(%dma_wait3A_1028 : memref<1024xf32, #tpu.memory_space<hbm>>)
          %dma_wait3A_1031 = arith.constant 0 : i32
          %dma_wait3A_1032 = tpu.memref_slice %arg9[%dma_wait3A_1031] : memref<4096xf32, #tpu.memory_space<vmem>> -> memref<1024xf32, #tpu.memory_space<vmem>>
          %dma_wait3A_1033 = arith.constant 0 : i32
          %dma_wait3A_1034 = tpu.memref_slice %arg4[%dma_wait3A_1033] : memref<26214400xf32, #tpu.memory_space<hbm>> -> memref<1024xf32, #tpu.memory_space<hbm>>
          %dma_wait3A_1035 = arith.constant 0 : i32
          %dma_wait3A_1036 = tpu.memref_slice %arg4[%dma_wait3A_1035] : memref<26214400xf32, #tpu.memory_space<hbm>> -> memref<1024xf32, #tpu.memory_space<hbm>>
          %dma_wait3A_1037 = arith.constant 0 : i32
          %dma_wait3A_1038 = tpu.memref_slice %arg9[%dma_wait3A_1037] : memref<4096xf32, #tpu.memory_space<vmem>> -> memref<1024xf32, #tpu.memory_space<vmem>>
          tpu.wait_dma2 semaphore(%arg13 : memref<!tpu.dma_semaphore, #tpu.memory_space<semaphore_mem>>) src(%dma_wait3A_1038 : memref<1024xf32, #tpu.memory_space<vmem>>) dst(%dma_wait3A_1036 : memref<1024xf32, #tpu.memory_space<hbm>>)
          %dma_wait3A_1039 = arith.constant 0 : i32
          %dma_wait3A_1040 = tpu.memref_slice %arg9[%dma_wait3A_1039] : memref<4096xf32, #tpu.memory_space<vmem>> -> memref<1024xf32, #tpu.memory_space<vmem>>
          %dma_wait3A_1041 = arith.constant 0 : i32
          %dma_wait3A_1042 = tpu.memref_slice %arg4[%dma_wait3A_1041] : memref<26214400xf32, #tpu.memory_space<hbm>> -> memref<1024xf32, #tpu.memory_space<hbm>>
          %dma_wait3A_1043 = arith.constant 0 : i32
          %dma_wait3A_1044 = tpu.memref_slice %arg4[%dma_wait3A_1043] : memref<26214400xf32, #tpu.memory_space<hbm>> -> memref<1024xf32, #tpu.memory_space<hbm>>
          %dma_wait3A_1045 = arith.constant 0 : i32
          %dma_wait3A_1046 = tpu.memref_slice %arg9[%dma_wait3A_1045] : memref<4096xf32, #tpu.memory_space<vmem>> -> memref<1024xf32, #tpu.memory_space<vmem>>
          tpu.wait_dma2 semaphore(%arg13 : memref<!tpu.dma_semaphore, #tpu.memory_space<semaphore_mem>>) src(%dma_wait3A_1046 : memref<1024xf32, #tpu.memory_space<vmem>>) dst(%dma_wait3A_1044 : memref<1024xf32, #tpu.memory_space<hbm>>)
        } else {
        }
        %parallel_loop3A_544 = arith.constant 0 : i32
        %parallel_loop3A_545 = arith.constant 32 : i32
        %parallel_loop3A_546 = arith.constant 1 : i32
        scf.for %parallel_loop3A_1015 = %parallel_loop3A_544 to %parallel_loop3A_545 step %parallel_loop3A_546  : i32 {
          %parallel_loop3A_1016 = arith.constant 0 : i32
          %parallel_loop3A_1017 = vector.broadcast %parallel_loop3A_1016 : i32 to vector<16xi32>
          %parallel_loop3A_1018 = vector.broadcast %parallel_loop3A_1015 : i32 to vector<16xi32>
          %parallel_loop3A_1019 = arith.addi %parallel_loop3A_1017, %parallel_loop3A_1018 : vector<16xi32>
          %parallel_loop3A_1020 = arith.constant 512 : i32
          %parallel_loop3A_1021 = vector.broadcast %parallel_loop3A_1020 : i32 to vector<16xi32>
          %parallel_loop3A_1022 = arith.addi %add3A_103, %parallel_loop3A_1021 : vector<16xi32>
          %parallel_loop3A_1023 = tpu.vector_load_idx %arg7[%parallel_loop3A_1022, %parallel_loop3A_1019] : memref<640x32xf32, #tpu.memory_space<vmem>>[vector<16xi32>, vector<16xi32>], vector<16xf32>,
          %parallel_loop3A_1024 = arith.constant 512 : i32
          %parallel_loop3A_1025 = vector.broadcast %parallel_loop3A_1024 : i32 to vector<16xi32>
          %parallel_loop3A_1026 = arith.addi %add3A_106, %parallel_loop3A_1025 : vector<16xi32>
          %parallel_loop3A_1027 = tpu.vector_load_idx %arg7[%parallel_loop3A_1026, %parallel_loop3A_1019] : memref<640x32xf32, #tpu.memory_space<vmem>>[vector<16xi32>, vector<16xi32>], vector<16xf32>,
          %parallel_loop3A_1028 = arith.constant 512 : i32
          %parallel_loop3A_1029 = vector.broadcast %parallel_loop3A_1028 : i32 to vector<16xi32>
          %parallel_loop3A_1030 = arith.addi %add3A_109, %parallel_loop3A_1029 : vector<16xi32>
          %parallel_loop3A_1031 = tpu.vector_load_idx %arg7[%parallel_loop3A_1030, %parallel_loop3A_1019] : memref<640x32xf32, #tpu.memory_space<vmem>>[vector<16xi32>, vector<16xi32>], vector<16xf32>,
          %parallel_loop3A_1032 = arith.constant 512 : i32
          %parallel_loop3A_1033 = vector.broadcast %parallel_loop3A_1032 : i32 to vector<16xi32>
          %parallel_loop3A_1034 = arith.addi %add3A_112, %parallel_loop3A_1033 : vector<16xi32>
          %parallel_loop3A_1035 = tpu.vector_load_idx %arg7[%parallel_loop3A_1034, %parallel_loop3A_1019] : memref<640x32xf32, #tpu.memory_space<vmem>>[vector<16xi32>, vector<16xi32>], vector<16xf32>,
          %parallel_loop3A_1036 = arith.constant 512 : i32
          %parallel_loop3A_1037 = vector.broadcast %parallel_loop3A_1036 : i32 to vector<16xi32>
          %parallel_loop3A_1038 = arith.addi %add3A_115, %parallel_loop3A_1037 : vector<16xi32>
          %parallel_loop3A_1039 = tpu.vector_load_idx %arg7[%parallel_loop3A_1038, %parallel_loop3A_1019] : memref<640x32xf32, #tpu.memory_space<vmem>>[vector<16xi32>, vector<16xi32>], vector<16xf32>,
          %parallel_loop3A_1040 = arith.constant 512 : i32
          %parallel_loop3A_1041 = vector.broadcast %parallel_loop3A_1040 : i32 to vector<16xi32>
          %parallel_loop3A_1042 = arith.addi %add3A_118, %parallel_loop3A_1041 : vector<16xi32>
          %parallel_loop3A_1043 = tpu.vector_load_idx %arg7[%parallel_loop3A_1042, %parallel_loop3A_1019] : memref<640x32xf32, #tpu.memory_space<vmem>>[vector<16xi32>, vector<16xi32>], vector<16xf32>,
          %parallel_loop3A_1044 = arith.constant 512 : i32
          %parallel_loop3A_1045 = vector.broadcast %parallel_loop3A_1044 : i32 to vector<16xi32>
          %parallel_loop3A_1046 = arith.addi %add3A_121, %parallel_loop3A_1045 : vector<16xi32>
          %parallel_loop3A_1047 = tpu.vector_load_idx %arg7[%parallel_loop3A_1046, %parallel_loop3A_1019] : memref<640x32xf32, #tpu.memory_space<vmem>>[vector<16xi32>, vector<16xi32>], vector<16xf32>,
          %parallel_loop3A_1048 = arith.constant 512 : i32
          %parallel_loop3A_1049 = vector.broadcast %parallel_loop3A_1048 : i32 to vector<16xi32>
          %parallel_loop3A_1050 = arith.addi %add3A_124, %parallel_loop3A_1049 : vector<16xi32>
          %parallel_loop3A_1051 = tpu.vector_load_idx %arg7[%parallel_loop3A_1050, %parallel_loop3A_1019] : memref<640x32xf32, #tpu.memory_space<vmem>>[vector<16xi32>, vector<16xi32>], vector<16xf32>,
          %parallel_loop3A_1052 = arith.constant 128 : i32
          %parallel_loop3A_1053 = arith.muli %parallel_loop3A_1015, %parallel_loop3A_1052 : i32
          %parallel_loop3A_1054 = arith.constant 0 : i32
          %parallel_loop3A_1055 = arith.addi %parallel_loop3A_1053, %parallel_loop3A_1054 : i32
          %parallel_loop3A_1056 = arith.index_cast %parallel_loop3A_1055 : i32 to index
          %parallel_loop3A_1057 = tpu.vector_load %arg9[%parallel_loop3A_1056] {strides = array<i32>} : memref<4096xf32, #tpu.memory_space<vmem>>, vector<16xf32>,
          tpu.vector_store %arg9[%parallel_loop3A_1056], %parallel_loop3A_1023 {strides = array<i32>} : memref<4096xf32, #tpu.memory_space<vmem>>, vector<16xf32>,
          %parallel_loop3A_1058 = arith.constant 128 : i32
          %parallel_loop3A_1059 = arith.muli %parallel_loop3A_1015, %parallel_loop3A_1058 : i32
          %parallel_loop3A_1060 = arith.constant 16 : i32
          %parallel_loop3A_1061 = arith.addi %parallel_loop3A_1059, %parallel_loop3A_1060 : i32
          %parallel_loop3A_1062 = arith.index_cast %parallel_loop3A_1061 : i32 to index
          %parallel_loop3A_1063 = tpu.vector_load %arg9[%parallel_loop3A_1062] {strides = array<i32>} : memref<4096xf32, #tpu.memory_space<vmem>>, vector<16xf32>,
          tpu.vector_store %arg9[%parallel_loop3A_1062], %parallel_loop3A_1027 {strides = array<i32>} : memref<4096xf32, #tpu.memory_space<vmem>>, vector<16xf32>,
          %parallel_loop3A_1064 = arith.constant 128 : i32
          %parallel_loop3A_1065 = arith.muli %parallel_loop3A_1015, %parallel_loop3A_1064 : i32
          %parallel_loop3A_1066 = arith.constant 32 : i32
          %parallel_loop3A_1067 = arith.addi %parallel_loop3A_1065, %parallel_loop3A_1066 : i32
          %parallel_loop3A_1068 = arith.index_cast %parallel_loop3A_1067 : i32 to index
          %parallel_loop3A_1069 = tpu.vector_load %arg9[%parallel_loop3A_1068] {strides = array<i32>} : memref<4096xf32, #tpu.memory_space<vmem>>, vector<16xf32>,
          tpu.vector_store %arg9[%parallel_loop3A_1068], %parallel_loop3A_1031 {strides = array<i32>} : memref<4096xf32, #tpu.memory_space<vmem>>, vector<16xf32>,
          %parallel_loop3A_1070 = arith.constant 128 : i32
          %parallel_loop3A_1071 = arith.muli %parallel_loop3A_1015, %parallel_loop3A_1070 : i32
          %parallel_loop3A_1072 = arith.constant 48 : i32
          %parallel_loop3A_1073 = arith.addi %parallel_loop3A_1071, %parallel_loop3A_1072 : i32
          %parallel_loop3A_1074 = arith.index_cast %parallel_loop3A_1073 : i32 to index
          %parallel_loop3A_1075 = tpu.vector_load %arg9[%parallel_loop3A_1074] {strides = array<i32>} : memref<4096xf32, #tpu.memory_space<vmem>>, vector<16xf32>,
          tpu.vector_store %arg9[%parallel_loop3A_1074], %parallel_loop3A_1035 {strides = array<i32>} : memref<4096xf32, #tpu.memory_space<vmem>>, vector<16xf32>,
          %parallel_loop3A_1076 = arith.constant 128 : i32
          %parallel_loop3A_1077 = arith.muli %parallel_loop3A_1015, %parallel_loop3A_1076 : i32
          %parallel_loop3A_1078 = arith.constant 64 : i32
          %parallel_loop3A_1079 = arith.addi %parallel_loop3A_1077, %parallel_loop3A_1078 : i32
          %parallel_loop3A_1080 = arith.index_cast %parallel_loop3A_1079 : i32 to index
          %parallel_loop3A_1081 = tpu.vector_load %arg9[%parallel_loop3A_1080] {strides = array<i32>} : memref<4096xf32, #tpu.memory_space<vmem>>, vector<16xf32>,
          tpu.vector_store %arg9[%parallel_loop3A_1080], %parallel_loop3A_1039 {strides = array<i32>} : memref<4096xf32, #tpu.memory_space<vmem>>, vector<16xf32>,
          %parallel_loop3A_1082 = arith.constant 128 : i32
          %parallel_loop3A_1083 = arith.muli %parallel_loop3A_1015, %parallel_loop3A_1082 : i32
          %parallel_loop3A_1084 = arith.constant 80 : i32
          %parallel_loop3A_1085 = arith.addi %parallel_loop3A_1083, %parallel_loop3A_1084 : i32
          %parallel_loop3A_1086 = arith.index_cast %parallel_loop3A_1085 : i32 to index
          %parallel_loop3A_1087 = tpu.vector_load %arg9[%parallel_loop3A_1086] {strides = array<i32>} : memref<4096xf32, #tpu.memory_space<vmem>>, vector<16xf32>,
          tpu.vector_store %arg9[%parallel_loop3A_1086], %parallel_loop3A_1043 {strides = array<i32>} : memref<4096xf32, #tpu.memory_space<vmem>>, vector<16xf32>,
          %parallel_loop3A_1088 = arith.constant 128 : i32
          %parallel_loop3A_1089 = arith.muli %parallel_loop3A_1015, %parallel_loop3A_1088 : i32
          %parallel_loop3A_1090 = arith.constant 96 : i32
          %parallel_loop3A_1091 = arith.addi %parallel_loop3A_1089, %parallel_loop3A_1090 : i32
          %parallel_loop3A_1092 = arith.index_cast %parallel_loop3A_1091 : i32 to index
          %parallel_loop3A_1093 = tpu.vector_load %arg9[%parallel_loop3A_1092] {strides = array<i32>} : memref<4096xf32, #tpu.memory_space<vmem>>, vector<16xf32>,
          tpu.vector_store %arg9[%parallel_loop3A_1092], %parallel_loop3A_1047 {strides = array<i32>} : memref<4096xf32, #tpu.memory_space<vmem>>, vector<16xf32>,
          %parallel_loop3A_1094 = arith.constant 128 : i32
          %parallel_loop3A_1095 = arith.muli %parallel_loop3A_1015, %parallel_loop3A_1094 : i32
          %parallel_loop3A_1096 = arith.constant 112 : i32
          %parallel_loop3A_1097 = arith.addi %parallel_loop3A_1095, %parallel_loop3A_1096 : i32
          %parallel_loop3A_1098 = arith.index_cast %parallel_loop3A_1097 : i32 to index
          %parallel_loop3A_1099 = tpu.vector_load %arg9[%parallel_loop3A_1098] {strides = array<i32>} : memref<4096xf32, #tpu.memory_space<vmem>>, vector<16xf32>,
          tpu.vector_store %arg9[%parallel_loop3A_1098], %parallel_loop3A_1051 {strides = array<i32>} : memref<4096xf32, #tpu.memory_space<vmem>>, vector<16xf32>,
        } {sc.loop_unroll_factor = 4 : i64, sc.parallel_access}
        %mul3A_547 = arith.constant 5 : i32
        %mul3A_548 = arith.muli %add3A_214, %mul3A_547 : i32
        %add3A_549 = arith.constant 4 : i32
        %add3A_550 = arith.addi %mul3A_548, %add3A_549 : i32
        %mul3A_551 = arith.constant 4 : i32
        %mul3A_552 = arith.muli %add3A_550, %mul3A_551 : i32
        %add3A_553 = arith.constant 0 : i32
        %add3A_554 = arith.addi %mul3A_552, %add3A_553 : i32
        %mul3A_555 = arith.constant 131072 : i32
        %mul3A_556 = arith.muli %add3A_554, %mul3A_555 : i32
        %mul3A_557 = arith.constant 1024 : i32
        %mul3A_558 = arith.muli %add3A_133, %mul3A_557 : i32
        %add3A_559 = arith.addi %mul3A_556, %mul3A_558 : i32
        %dma_start3A_560 = arith.constant 0 : i32
        %dma_start3A_561 = tpu.memref_slice %arg9[%dma_start3A_560] : memref<4096xf32, #tpu.memory_space<vmem>> -> memref<1024xf32, #tpu.memory_space<vmem>>
        %dma_start3A_562 = tpu.memref_slice %arg4[%add3A_559] : memref<26214400xf32, #tpu.memory_space<hbm>> -> memref<1024xf32, #tpu.memory_space<hbm>>
        %dma_start3A_563 = tpu.memref_slice %arg4[%add3A_559] : memref<26214400xf32, #tpu.memory_space<hbm>> -> memref<1024xf32, #tpu.memory_space<hbm>>
        %dma_start3A_564 = arith.constant 0 : i32
        %dma_start3A_565 = tpu.memref_slice %arg9[%dma_start3A_564] : memref<4096xf32, #tpu.memory_space<vmem>> -> memref<1024xf32, #tpu.memory_space<vmem>>
        tpu.enqueue_dma source(%dma_start3A_565 : memref<1024xf32, #tpu.memory_space<vmem>>) target(%dma_start3A_563 : memref<1024xf32, #tpu.memory_space<hbm>>) target_semaphore(%arg13 : memref<!tpu.dma_semaphore, #tpu.memory_space<semaphore_mem>>)
        %mul3A_566 = arith.constant 4 : i32
        %mul3A_567 = arith.muli %add3A_550, %mul3A_566 : i32
        %add3A_568 = arith.constant 1 : i32
        %add3A_569 = arith.addi %mul3A_567, %add3A_568 : i32
        %mul3A_570 = arith.constant 131072 : i32
        %mul3A_571 = arith.muli %add3A_569, %mul3A_570 : i32
        %mul3A_572 = arith.constant 1024 : i32
        %mul3A_573 = arith.muli %add3A_133, %mul3A_572 : i32
        %add3A_574 = arith.addi %mul3A_571, %mul3A_573 : i32
        %dma_start3A_575 = arith.constant 1024 : i32
        %dma_start3A_576 = tpu.memref_slice %arg9[%dma_start3A_575] : memref<4096xf32, #tpu.memory_space<vmem>> -> memref<1024xf32, #tpu.memory_space<vmem>>
        %dma_start3A_577 = tpu.memref_slice %arg4[%add3A_574] : memref<26214400xf32, #tpu.memory_space<hbm>> -> memref<1024xf32, #tpu.memory_space<hbm>>
        %dma_start3A_578 = tpu.memref_slice %arg4[%add3A_574] : memref<26214400xf32, #tpu.memory_space<hbm>> -> memref<1024xf32, #tpu.memory_space<hbm>>
        %dma_start3A_579 = arith.constant 1024 : i32
        %dma_start3A_580 = tpu.memref_slice %arg9[%dma_start3A_579] : memref<4096xf32, #tpu.memory_space<vmem>> -> memref<1024xf32, #tpu.memory_space<vmem>>
        tpu.enqueue_dma source(%dma_start3A_580 : memref<1024xf32, #tpu.memory_space<vmem>>) target(%dma_start3A_578 : memref<1024xf32, #tpu.memory_space<hbm>>) target_semaphore(%arg13 : memref<!tpu.dma_semaphore, #tpu.memory_space<semaphore_mem>>)
        %mul3A_581 = arith.constant 4 : i32
        %mul3A_582 = arith.muli %add3A_550, %mul3A_581 : i32
        %add3A_583 = arith.constant 2 : i32
        %add3A_584 = arith.addi %mul3A_582, %add3A_583 : i32
        %mul3A_585 = arith.constant 131072 : i32
        %mul3A_586 = arith.muli %add3A_584, %mul3A_585 : i32
        %mul3A_587 = arith.constant 1024 : i32
        %mul3A_588 = arith.muli %add3A_133, %mul3A_587 : i32
        %add3A_589 = arith.addi %mul3A_586, %mul3A_588 : i32
        %dma_start3A_590 = arith.constant 2048 : i32
        %dma_start3A_591 = tpu.memref_slice %arg9[%dma_start3A_590] : memref<4096xf32, #tpu.memory_space<vmem>> -> memref<1024xf32, #tpu.memory_space<vmem>>
        %dma_start3A_592 = tpu.memref_slice %arg4[%add3A_589] : memref<26214400xf32, #tpu.memory_space<hbm>> -> memref<1024xf32, #tpu.memory_space<hbm>>
        %dma_start3A_593 = tpu.memref_slice %arg4[%add3A_589] : memref<26214400xf32, #tpu.memory_space<hbm>> -> memref<1024xf32, #tpu.memory_space<hbm>>
        %dma_start3A_594 = arith.constant 2048 : i32
        %dma_start3A_595 = tpu.memref_slice %arg9[%dma_start3A_594] : memref<4096xf32, #tpu.memory_space<vmem>> -> memref<1024xf32, #tpu.memory_space<vmem>>
        tpu.enqueue_dma source(%dma_start3A_595 : memref<1024xf32, #tpu.memory_space<vmem>>) target(%dma_start3A_593 : memref<1024xf32, #tpu.memory_space<hbm>>) target_semaphore(%arg13 : memref<!tpu.dma_semaphore, #tpu.memory_space<semaphore_mem>>)
        %mul3A_596 = arith.constant 4 : i32
        %mul3A_597 = arith.muli %add3A_550, %mul3A_596 : i32
        %add3A_598 = arith.constant 3 : i32
        %add3A_599 = arith.addi %mul3A_597, %add3A_598 : i32
        %mul3A_600 = arith.constant 131072 : i32
        %mul3A_601 = arith.muli %add3A_599, %mul3A_600 : i32
        %mul3A_602 = arith.constant 1024 : i32
        %mul3A_603 = arith.muli %add3A_133, %mul3A_602 : i32
        %add3A_604 = arith.addi %mul3A_601, %mul3A_603 : i32
        %dma_start3A_605 = arith.constant 3072 : i32
        %dma_start3A_606 = tpu.memref_slice %arg9[%dma_start3A_605] : memref<4096xf32, #tpu.memory_space<vmem>> -> memref<1024xf32, #tpu.memory_space<vmem>>
        %dma_start3A_607 = tpu.memref_slice %arg4[%add3A_604] : memref<26214400xf32, #tpu.memory_space<hbm>> -> memref<1024xf32, #tpu.memory_space<hbm>>
        %dma_start3A_608 = tpu.memref_slice %arg4[%add3A_604] : memref<26214400xf32, #tpu.memory_space<hbm>> -> memref<1024xf32, #tpu.memory_space<hbm>>
        %dma_start3A_609 = arith.constant 3072 : i32
        %dma_start3A_610 = tpu.memref_slice %arg9[%dma_start3A_609] : memref<4096xf32, #tpu.memory_space<vmem>> -> memref<1024xf32, #tpu.memory_space<vmem>>
        tpu.enqueue_dma source(%dma_start3A_610 : memref<1024xf32, #tpu.memory_space<vmem>>) target(%dma_start3A_608 : memref<1024xf32, #tpu.memory_space<hbm>>) target_semaphore(%arg13 : memref<!tpu.dma_semaphore, #tpu.memory_space<semaphore_mem>>)
        %mul3A_611 = arith.constant 2 : i32
        %mul3A_612 = arith.muli %mul3A_611, %scan3A_210 : i32
        %add3A_613 = arith.constant 1 : i32
        %add3A_614 = arith.addi %mul3A_612, %add3A_613 : i32
        %le3A_615 = arith.constant 8 : i32
        %le3A_616 = arith.cmpi sle, %add3A_614, %le3A_615 : i32
        %convert_element_type3A_617 = arith.extui %le3A_616 : i1 to i32
        %cond3A_618 = arith.constant 0 : i32
        %cond3A_619 = arith.cmpi ne, %convert_element_type3A_617, %cond3A_618 : i32
        scf.if %cond3A_619 {
          %add3A_1015 = arith.constant 1 : i32
          %add3A_1016 = arith.addi %add3A_614, %add3A_1015 : i32
          %mul3A_1017 = arith.constant 5 : i32
          %mul3A_1018 = arith.muli %add3A_1016, %mul3A_1017 : i32
          %add3A_1019 = arith.addi %mul3A_135, %mul3A_1018 : i32
          %mul3A_1020 = arith.constant 128 : i32
          %mul3A_1021 = arith.muli %add3A_1019, %mul3A_1020 : i32
          %dma_start3A_1022 = tpu.memref_slice %arg6[%mul3A_1021] : memref<25600xi32, #tpu.memory_space<vmem>> -> memref<640xi32, #tpu.memory_space<vmem>>
          %dma_start3A_1023 = arith.constant 0 : i32
          %dma_start3A_1024 = arith.constant 0 : i32
          %dma_start3A_1025 = tpu.memref_slice %arg3[%dma_start3A_1023, %dma_start3A_1024] : memref<1000000x32xf32, #tpu.memory_space<hbm>> -> memref<1000000x32xf32, #tpu.memory_space<hbm>>
          tpu.enqueue_indirect_dma source(%dma_start3A_1025 : memref<1000000x32xf32, #tpu.memory_space<hbm>>) target(%arg7 : memref<640x32xf32, #tpu.memory_space<vmem>>) offsets(%dma_start3A_1022 : memref<640xi32, #tpu.memory_space<vmem>>) semaphore(%arg11 : memref<!tpu.dma_semaphore, #tpu.memory_space<semaphore_mem>>)
        } else {
        }
        %dma_wait3A_620 = arith.constant 0 : i32
        %dma_wait3A_621 = tpu.memref_slice %arg6[%dma_wait3A_620] : memref<25600xi32, #tpu.memory_space<vmem>> -> memref<640xi32, #tpu.memory_space<vmem>>
        %dma_wait3A_622 = arith.constant 0 : i32
        %dma_wait3A_623 = arith.constant 0 : i32
        %dma_wait3A_624 = tpu.memref_slice %arg3[%dma_wait3A_622, %dma_wait3A_623] : memref<1000000x32xf32, #tpu.memory_space<hbm>> -> memref<1000000x32xf32, #tpu.memory_space<hbm>>
        tpu.wait_indirect_dma semaphore(%arg12 : memref<!tpu.dma_semaphore, #tpu.memory_space<semaphore_mem>>) src(%dma_wait3A_624 : memref<1000000x32xf32, #tpu.memory_space<hbm>>) dst(%arg8 : memref<640x32xf32, #tpu.memory_space<vmem>>)
        %mul3A_625 = arith.constant 5 : i32
        %mul3A_626 = arith.muli %add3A_614, %mul3A_625 : i32
        %add3A_627 = arith.constant 0 : i32
        %add3A_628 = arith.addi %add3A_627, %mul3A_626 : i32
        %add3A_629 = arith.constant 0 : i32
        %add3A_630 = arith.addi %add3A_628, %add3A_629 : i32
        %ge3A_631 = arith.constant 2 : i32
        %ge3A_632 = arith.cmpi sge, %add3A_630, %ge3A_631 : i32
        %convert_element_type3A_633 = arith.extui %ge3A_632 : i1 to i32
        %cond3A_634 = arith.constant 0 : i32
        %cond3A_635 = arith.cmpi ne, %convert_element_type3A_633, %cond3A_634 : i32
        scf.if %cond3A_635 {
          %dma_wait3A_1015 = arith.constant 0 : i32
          %dma_wait3A_1016 = tpu.memref_slice %arg10[%dma_wait3A_1015] : memref<4096xf32, #tpu.memory_space<vmem>> -> memref<1024xf32, #tpu.memory_space<vmem>>
          %dma_wait3A_1017 = arith.constant 0 : i32
          %dma_wait3A_1018 = tpu.memref_slice %arg4[%dma_wait3A_1017] : memref<26214400xf32, #tpu.memory_space<hbm>> -> memref<1024xf32, #tpu.memory_space<hbm>>
          %dma_wait3A_1019 = arith.constant 0 : i32
          %dma_wait3A_1020 = tpu.memref_slice %arg4[%dma_wait3A_1019] : memref<26214400xf32, #tpu.memory_space<hbm>> -> memref<1024xf32, #tpu.memory_space<hbm>>
          %dma_wait3A_1021 = arith.constant 0 : i32
          %dma_wait3A_1022 = tpu.memref_slice %arg10[%dma_wait3A_1021] : memref<4096xf32, #tpu.memory_space<vmem>> -> memref<1024xf32, #tpu.memory_space<vmem>>
          tpu.wait_dma2 semaphore(%arg14 : memref<!tpu.dma_semaphore, #tpu.memory_space<semaphore_mem>>) src(%dma_wait3A_1022 : memref<1024xf32, #tpu.memory_space<vmem>>) dst(%dma_wait3A_1020 : memref<1024xf32, #tpu.memory_space<hbm>>)
          %dma_wait3A_1023 = arith.constant 0 : i32
          %dma_wait3A_1024 = tpu.memref_slice %arg10[%dma_wait3A_1023] : memref<4096xf32, #tpu.memory_space<vmem>> -> memref<1024xf32, #tpu.memory_space<vmem>>
          %dma_wait3A_1025 = arith.constant 0 : i32
          %dma_wait3A_1026 = tpu.memref_slice %arg4[%dma_wait3A_1025] : memref<26214400xf32, #tpu.memory_space<hbm>> -> memref<1024xf32, #tpu.memory_space<hbm>>
          %dma_wait3A_1027 = arith.constant 0 : i32
          %dma_wait3A_1028 = tpu.memref_slice %arg4[%dma_wait3A_1027] : memref<26214400xf32, #tpu.memory_space<hbm>> -> memref<1024xf32, #tpu.memory_space<hbm>>
          %dma_wait3A_1029 = arith.constant 0 : i32
          %dma_wait3A_1030 = tpu.memref_slice %arg10[%dma_wait3A_1029] : memref<4096xf32, #tpu.memory_space<vmem>> -> memref<1024xf32, #tpu.memory_space<vmem>>
          tpu.wait_dma2 semaphore(%arg14 : memref<!tpu.dma_semaphore, #tpu.memory_space<semaphore_mem>>) src(%dma_wait3A_1030 : memref<1024xf32, #tpu.memory_space<vmem>>) dst(%dma_wait3A_1028 : memref<1024xf32, #tpu.memory_space<hbm>>)
          %dma_wait3A_1031 = arith.constant 0 : i32
          %dma_wait3A_1032 = tpu.memref_slice %arg10[%dma_wait3A_1031] : memref<4096xf32, #tpu.memory_space<vmem>> -> memref<1024xf32, #tpu.memory_space<vmem>>
          %dma_wait3A_1033 = arith.constant 0 : i32
          %dma_wait3A_1034 = tpu.memref_slice %arg4[%dma_wait3A_1033] : memref<26214400xf32, #tpu.memory_space<hbm>> -> memref<1024xf32, #tpu.memory_space<hbm>>
          %dma_wait3A_1035 = arith.constant 0 : i32
          %dma_wait3A_1036 = tpu.memref_slice %arg4[%dma_wait3A_1035] : memref<26214400xf32, #tpu.memory_space<hbm>> -> memref<1024xf32, #tpu.memory_space<hbm>>
          %dma_wait3A_1037 = arith.constant 0 : i32
          %dma_wait3A_1038 = tpu.memref_slice %arg10[%dma_wait3A_1037] : memref<4096xf32, #tpu.memory_space<vmem>> -> memref<1024xf32, #tpu.memory_space<vmem>>
          tpu.wait_dma2 semaphore(%arg14 : memref<!tpu.dma_semaphore, #tpu.memory_space<semaphore_mem>>) src(%dma_wait3A_1038 : memref<1024xf32, #tpu.memory_space<vmem>>) dst(%dma_wait3A_1036 : memref<1024xf32, #tpu.memory_space<hbm>>)
          %dma_wait3A_1039 = arith.constant 0 : i32
          %dma_wait3A_1040 = tpu.memref_slice %arg10[%dma_wait3A_1039] : memref<4096xf32, #tpu.memory_space<vmem>> -> memref<1024xf32, #tpu.memory_space<vmem>>
          %dma_wait3A_1041 = arith.constant 0 : i32
          %dma_wait3A_1042 = tpu.memref_slice %arg4[%dma_wait3A_1041] : memref<26214400xf32, #tpu.memory_space<hbm>> -> memref<1024xf32, #tpu.memory_space<hbm>>
          %dma_wait3A_1043 = arith.constant 0 : i32
          %dma_wait3A_1044 = tpu.memref_slice %arg4[%dma_wait3A_1043] : memref<26214400xf32, #tpu.memory_space<hbm>> -> memref<1024xf32, #tpu.memory_space<hbm>>
          %dma_wait3A_1045 = arith.constant 0 : i32
          %dma_wait3A_1046 = tpu.memref_slice %arg10[%dma_wait3A_1045] : memref<4096xf32, #tpu.memory_space<vmem>> -> memref<1024xf32, #tpu.memory_space<vmem>>
          tpu.wait_dma2 semaphore(%arg14 : memref<!tpu.dma_semaphore, #tpu.memory_space<semaphore_mem>>) src(%dma_wait3A_1046 : memref<1024xf32, #tpu.memory_space<vmem>>) dst(%dma_wait3A_1044 : memref<1024xf32, #tpu.memory_space<hbm>>)
        } else {
        }
        %parallel_loop3A_636 = arith.constant 0 : i32
        %parallel_loop3A_637 = arith.constant 32 : i32
        %parallel_loop3A_638 = arith.constant 1 : i32
        scf.for %parallel_loop3A_1015 = %parallel_loop3A_636 to %parallel_loop3A_637 step %parallel_loop3A_638  : i32 {
          %parallel_loop3A_1016 = arith.constant 0 : i32
          %parallel_loop3A_1017 = vector.broadcast %parallel_loop3A_1016 : i32 to vector<16xi32>
          %parallel_loop3A_1018 = vector.broadcast %parallel_loop3A_1015 : i32 to vector<16xi32>
          %parallel_loop3A_1019 = arith.addi %parallel_loop3A_1017, %parallel_loop3A_1018 : vector<16xi32>
          %parallel_loop3A_1020 = arith.constant 0 : i32
          %parallel_loop3A_1021 = vector.broadcast %parallel_loop3A_1020 : i32 to vector<16xi32>
          %parallel_loop3A_1022 = arith.addi %add3A_103, %parallel_loop3A_1021 : vector<16xi32>
          %parallel_loop3A_1023 = tpu.vector_load_idx %arg8[%parallel_loop3A_1022, %parallel_loop3A_1019] : memref<640x32xf32, #tpu.memory_space<vmem>>[vector<16xi32>, vector<16xi32>], vector<16xf32>,
          %parallel_loop3A_1024 = arith.constant 0 : i32
          %parallel_loop3A_1025 = vector.broadcast %parallel_loop3A_1024 : i32 to vector<16xi32>
          %parallel_loop3A_1026 = arith.addi %add3A_106, %parallel_loop3A_1025 : vector<16xi32>
          %parallel_loop3A_1027 = tpu.vector_load_idx %arg8[%parallel_loop3A_1026, %parallel_loop3A_1019] : memref<640x32xf32, #tpu.memory_space<vmem>>[vector<16xi32>, vector<16xi32>], vector<16xf32>,
          %parallel_loop3A_1028 = arith.constant 0 : i32
          %parallel_loop3A_1029 = vector.broadcast %parallel_loop3A_1028 : i32 to vector<16xi32>
          %parallel_loop3A_1030 = arith.addi %add3A_109, %parallel_loop3A_1029 : vector<16xi32>
          %parallel_loop3A_1031 = tpu.vector_load_idx %arg8[%parallel_loop3A_1030, %parallel_loop3A_1019] : memref<640x32xf32, #tpu.memory_space<vmem>>[vector<16xi32>, vector<16xi32>], vector<16xf32>,
          %parallel_loop3A_1032 = arith.constant 0 : i32
          %parallel_loop3A_1033 = vector.broadcast %parallel_loop3A_1032 : i32 to vector<16xi32>
          %parallel_loop3A_1034 = arith.addi %add3A_112, %parallel_loop3A_1033 : vector<16xi32>
          %parallel_loop3A_1035 = tpu.vector_load_idx %arg8[%parallel_loop3A_1034, %parallel_loop3A_1019] : memref<640x32xf32, #tpu.memory_space<vmem>>[vector<16xi32>, vector<16xi32>], vector<16xf32>,
          %parallel_loop3A_1036 = arith.constant 0 : i32
          %parallel_loop3A_1037 = vector.broadcast %parallel_loop3A_1036 : i32 to vector<16xi32>
          %parallel_loop3A_1038 = arith.addi %add3A_115, %parallel_loop3A_1037 : vector<16xi32>
          %parallel_loop3A_1039 = tpu.vector_load_idx %arg8[%parallel_loop3A_1038, %parallel_loop3A_1019] : memref<640x32xf32, #tpu.memory_space<vmem>>[vector<16xi32>, vector<16xi32>], vector<16xf32>,
          %parallel_loop3A_1040 = arith.constant 0 : i32
          %parallel_loop3A_1041 = vector.broadcast %parallel_loop3A_1040 : i32 to vector<16xi32>
          %parallel_loop3A_1042 = arith.addi %add3A_118, %parallel_loop3A_1041 : vector<16xi32>
          %parallel_loop3A_1043 = tpu.vector_load_idx %arg8[%parallel_loop3A_1042, %parallel_loop3A_1019] : memref<640x32xf32, #tpu.memory_space<vmem>>[vector<16xi32>, vector<16xi32>], vector<16xf32>,
          %parallel_loop3A_1044 = arith.constant 0 : i32
          %parallel_loop3A_1045 = vector.broadcast %parallel_loop3A_1044 : i32 to vector<16xi32>
          %parallel_loop3A_1046 = arith.addi %add3A_121, %parallel_loop3A_1045 : vector<16xi32>
          %parallel_loop3A_1047 = tpu.vector_load_idx %arg8[%parallel_loop3A_1046, %parallel_loop3A_1019] : memref<640x32xf32, #tpu.memory_space<vmem>>[vector<16xi32>, vector<16xi32>], vector<16xf32>,
          %parallel_loop3A_1048 = arith.constant 0 : i32
          %parallel_loop3A_1049 = vector.broadcast %parallel_loop3A_1048 : i32 to vector<16xi32>
          %parallel_loop3A_1050 = arith.addi %add3A_124, %parallel_loop3A_1049 : vector<16xi32>
          %parallel_loop3A_1051 = tpu.vector_load_idx %arg8[%parallel_loop3A_1050, %parallel_loop3A_1019] : memref<640x32xf32, #tpu.memory_space<vmem>>[vector<16xi32>, vector<16xi32>], vector<16xf32>,
          %parallel_loop3A_1052 = arith.constant 128 : i32
          %parallel_loop3A_1053 = arith.muli %parallel_loop3A_1015, %parallel_loop3A_1052 : i32
          %parallel_loop3A_1054 = arith.constant 0 : i32
          %parallel_loop3A_1055 = arith.addi %parallel_loop3A_1053, %parallel_loop3A_1054 : i32
          %parallel_loop3A_1056 = arith.index_cast %parallel_loop3A_1055 : i32 to index
          %parallel_loop3A_1057 = tpu.vector_load %arg10[%parallel_loop3A_1056] {strides = array<i32>} : memref<4096xf32, #tpu.memory_space<vmem>>, vector<16xf32>,
          tpu.vector_store %arg10[%parallel_loop3A_1056], %parallel_loop3A_1023 {strides = array<i32>} : memref<4096xf32, #tpu.memory_space<vmem>>, vector<16xf32>,
          %parallel_loop3A_1058 = arith.constant 128 : i32
          %parallel_loop3A_1059 = arith.muli %parallel_loop3A_1015, %parallel_loop3A_1058 : i32
          %parallel_loop3A_1060 = arith.constant 16 : i32
          %parallel_loop3A_1061 = arith.addi %parallel_loop3A_1059, %parallel_loop3A_1060 : i32
          %parallel_loop3A_1062 = arith.index_cast %parallel_loop3A_1061 : i32 to index
          %parallel_loop3A_1063 = tpu.vector_load %arg10[%parallel_loop3A_1062] {strides = array<i32>} : memref<4096xf32, #tpu.memory_space<vmem>>, vector<16xf32>,
          tpu.vector_store %arg10[%parallel_loop3A_1062], %parallel_loop3A_1027 {strides = array<i32>} : memref<4096xf32, #tpu.memory_space<vmem>>, vector<16xf32>,
          %parallel_loop3A_1064 = arith.constant 128 : i32
          %parallel_loop3A_1065 = arith.muli %parallel_loop3A_1015, %parallel_loop3A_1064 : i32
          %parallel_loop3A_1066 = arith.constant 32 : i32
          %parallel_loop3A_1067 = arith.addi %parallel_loop3A_1065, %parallel_loop3A_1066 : i32
          %parallel_loop3A_1068 = arith.index_cast %parallel_loop3A_1067 : i32 to index
          %parallel_loop3A_1069 = tpu.vector_load %arg10[%parallel_loop3A_1068] {strides = array<i32>} : memref<4096xf32, #tpu.memory_space<vmem>>, vector<16xf32>,
          tpu.vector_store %arg10[%parallel_loop3A_1068], %parallel_loop3A_1031 {strides = array<i32>} : memref<4096xf32, #tpu.memory_space<vmem>>, vector<16xf32>,
          %parallel_loop3A_1070 = arith.constant 128 : i32
          %parallel_loop3A_1071 = arith.muli %parallel_loop3A_1015, %parallel_loop3A_1070 : i32
          %parallel_loop3A_1072 = arith.constant 48 : i32
          %parallel_loop3A_1073 = arith.addi %parallel_loop3A_1071, %parallel_loop3A_1072 : i32
          %parallel_loop3A_1074 = arith.index_cast %parallel_loop3A_1073 : i32 to index
          %parallel_loop3A_1075 = tpu.vector_load %arg10[%parallel_loop3A_1074] {strides = array<i32>} : memref<4096xf32, #tpu.memory_space<vmem>>, vector<16xf32>,
          tpu.vector_store %arg10[%parallel_loop3A_1074], %parallel_loop3A_1035 {strides = array<i32>} : memref<4096xf32, #tpu.memory_space<vmem>>, vector<16xf32>,
          %parallel_loop3A_1076 = arith.constant 128 : i32
          %parallel_loop3A_1077 = arith.muli %parallel_loop3A_1015, %parallel_loop3A_1076 : i32
          %parallel_loop3A_1078 = arith.constant 64 : i32
          %parallel_loop3A_1079 = arith.addi %parallel_loop3A_1077, %parallel_loop3A_1078 : i32
          %parallel_loop3A_1080 = arith.index_cast %parallel_loop3A_1079 : i32 to index
          %parallel_loop3A_1081 = tpu.vector_load %arg10[%parallel_loop3A_1080] {strides = array<i32>} : memref<4096xf32, #tpu.memory_space<vmem>>, vector<16xf32>,
          tpu.vector_store %arg10[%parallel_loop3A_1080], %parallel_loop3A_1039 {strides = array<i32>} : memref<4096xf32, #tpu.memory_space<vmem>>, vector<16xf32>,
          %parallel_loop3A_1082 = arith.constant 128 : i32
          %parallel_loop3A_1083 = arith.muli %parallel_loop3A_1015, %parallel_loop3A_1082 : i32
          %parallel_loop3A_1084 = arith.constant 80 : i32
          %parallel_loop3A_1085 = arith.addi %parallel_loop3A_1083, %parallel_loop3A_1084 : i32
          %parallel_loop3A_1086 = arith.index_cast %parallel_loop3A_1085 : i32 to index
          %parallel_loop3A_1087 = tpu.vector_load %arg10[%parallel_loop3A_1086] {strides = array<i32>} : memref<4096xf32, #tpu.memory_space<vmem>>, vector<16xf32>,
          tpu.vector_store %arg10[%parallel_loop3A_1086], %parallel_loop3A_1043 {strides = array<i32>} : memref<4096xf32, #tpu.memory_space<vmem>>, vector<16xf32>,
          %parallel_loop3A_1088 = arith.constant 128 : i32
          %parallel_loop3A_1089 = arith.muli %parallel_loop3A_1015, %parallel_loop3A_1088 : i32
          %parallel_loop3A_1090 = arith.constant 96 : i32
          %parallel_loop3A_1091 = arith.addi %parallel_loop3A_1089, %parallel_loop3A_1090 : i32
          %parallel_loop3A_1092 = arith.index_cast %parallel_loop3A_1091 : i32 to index
          %parallel_loop3A_1093 = tpu.vector_load %arg10[%parallel_loop3A_1092] {strides = array<i32>} : memref<4096xf32, #tpu.memory_space<vmem>>, vector<16xf32>,
          tpu.vector_store %arg10[%parallel_loop3A_1092], %parallel_loop3A_1047 {strides = array<i32>} : memref<4096xf32, #tpu.memory_space<vmem>>, vector<16xf32>,
          %parallel_loop3A_1094 = arith.constant 128 : i32
          %parallel_loop3A_1095 = arith.muli %parallel_loop3A_1015, %parallel_loop3A_1094 : i32
          %parallel_loop3A_1096 = arith.constant 112 : i32
          %parallel_loop3A_1097 = arith.addi %parallel_loop3A_1095, %parallel_loop3A_1096 : i32
          %parallel_loop3A_1098 = arith.index_cast %parallel_loop3A_1097 : i32 to index
          %parallel_loop3A_1099 = tpu.vector_load %arg10[%parallel_loop3A_1098] {strides = array<i32>} : memref<4096xf32, #tpu.memory_space<vmem>>, vector<16xf32>,
          tpu.vector_store %arg10[%parallel_loop3A_1098], %parallel_loop3A_1051 {strides = array<i32>} : memref<4096xf32, #tpu.memory_space<vmem>>, vector<16xf32>,
        } {sc.loop_unroll_factor = 4 : i64, sc.parallel_access}
        %mul3A_639 = arith.constant 5 : i32
        %mul3A_640 = arith.muli %add3A_614, %mul3A_639 : i32
        %add3A_641 = arith.constant 0 : i32
        %add3A_642 = arith.addi %mul3A_640, %add3A_641 : i32
        %mul3A_643 = arith.constant 4 : i32
        %mul3A_644 = arith.muli %add3A_642, %mul3A_643 : i32
        %add3A_645 = arith.constant 0 : i32
        %add3A_646 = arith.addi %mul3A_644, %add3A_645 : i32
        %mul3A_647 = arith.constant 131072 : i32
        %mul3A_648 = arith.muli %add3A_646, %mul3A_647 : i32
        %mul3A_649 = arith.constant 1024 : i32
        %mul3A_650 = arith.muli %add3A_133, %mul3A_649 : i32
        %add3A_651 = arith.addi %mul3A_648, %mul3A_650 : i32
        %dma_start3A_652 = arith.constant 0 : i32
        %dma_start3A_653 = tpu.memref_slice %arg10[%dma_start3A_652] : memref<4096xf32, #tpu.memory_space<vmem>> -> memref<1024xf32, #tpu.memory_space<vmem>>
        %dma_start3A_654 = tpu.memref_slice %arg4[%add3A_651] : memref<26214400xf32, #tpu.memory_space<hbm>> -> memref<1024xf32, #tpu.memory_space<hbm>>
        %dma_start3A_655 = tpu.memref_slice %arg4[%add3A_651] : memref<26214400xf32, #tpu.memory_space<hbm>> -> memref<1024xf32, #tpu.memory_space<hbm>>
        %dma_start3A_656 = arith.constant 0 : i32
        %dma_start3A_657 = tpu.memref_slice %arg10[%dma_start3A_656] : memref<4096xf32, #tpu.memory_space<vmem>> -> memref<1024xf32, #tpu.memory_space<vmem>>
        tpu.enqueue_dma source(%dma_start3A_657 : memref<1024xf32, #tpu.memory_space<vmem>>) target(%dma_start3A_655 : memref<1024xf32, #tpu.memory_space<hbm>>) target_semaphore(%arg14 : memref<!tpu.dma_semaphore, #tpu.memory_space<semaphore_mem>>)
        %mul3A_658 = arith.constant 4 : i32
        %mul3A_659 = arith.muli %add3A_642, %mul3A_658 : i32
        %add3A_660 = arith.constant 1 : i32
        %add3A_661 = arith.addi %mul3A_659, %add3A_660 : i32
        %mul3A_662 = arith.constant 131072 : i32
        %mul3A_663 = arith.muli %add3A_661, %mul3A_662 : i32
        %mul3A_664 = arith.constant 1024 : i32
        %mul3A_665 = arith.muli %add3A_133, %mul3A_664 : i32
        %add3A_666 = arith.addi %mul3A_663, %mul3A_665 : i32
        %dma_start3A_667 = arith.constant 1024 : i32
        %dma_start3A_668 = tpu.memref_slice %arg10[%dma_start3A_667] : memref<4096xf32, #tpu.memory_space<vmem>> -> memref<1024xf32, #tpu.memory_space<vmem>>
        %dma_start3A_669 = tpu.memref_slice %arg4[%add3A_666] : memref<26214400xf32, #tpu.memory_space<hbm>> -> memref<1024xf32, #tpu.memory_space<hbm>>
        %dma_start3A_670 = tpu.memref_slice %arg4[%add3A_666] : memref<26214400xf32, #tpu.memory_space<hbm>> -> memref<1024xf32, #tpu.memory_space<hbm>>
        %dma_start3A_671 = arith.constant 1024 : i32
        %dma_start3A_672 = tpu.memref_slice %arg10[%dma_start3A_671] : memref<4096xf32, #tpu.memory_space<vmem>> -> memref<1024xf32, #tpu.memory_space<vmem>>
        tpu.enqueue_dma source(%dma_start3A_672 : memref<1024xf32, #tpu.memory_space<vmem>>) target(%dma_start3A_670 : memref<1024xf32, #tpu.memory_space<hbm>>) target_semaphore(%arg14 : memref<!tpu.dma_semaphore, #tpu.memory_space<semaphore_mem>>)
        %mul3A_673 = arith.constant 4 : i32
        %mul3A_674 = arith.muli %add3A_642, %mul3A_673 : i32
        %add3A_675 = arith.constant 2 : i32
        %add3A_676 = arith.addi %mul3A_674, %add3A_675 : i32
        %mul3A_677 = arith.constant 131072 : i32
        %mul3A_678 = arith.muli %add3A_676, %mul3A_677 : i32
        %mul3A_679 = arith.constant 1024 : i32
        %mul3A_680 = arith.muli %add3A_133, %mul3A_679 : i32
        %add3A_681 = arith.addi %mul3A_678, %mul3A_680 : i32
        %dma_start3A_682 = arith.constant 2048 : i32
        %dma_start3A_683 = tpu.memref_slice %arg10[%dma_start3A_682] : memref<4096xf32, #tpu.memory_space<vmem>> -> memref<1024xf32, #tpu.memory_space<vmem>>
        %dma_start3A_684 = tpu.memref_slice %arg4[%add3A_681] : memref<26214400xf32, #tpu.memory_space<hbm>> -> memref<1024xf32, #tpu.memory_space<hbm>>
        %dma_start3A_685 = tpu.memref_slice %arg4[%add3A_681] : memref<26214400xf32, #tpu.memory_space<hbm>> -> memref<1024xf32, #tpu.memory_space<hbm>>
        %dma_start3A_686 = arith.constant 2048 : i32
        %dma_start3A_687 = tpu.memref_slice %arg10[%dma_start3A_686] : memref<4096xf32, #tpu.memory_space<vmem>> -> memref<1024xf32, #tpu.memory_space<vmem>>
        tpu.enqueue_dma source(%dma_start3A_687 : memref<1024xf32, #tpu.memory_space<vmem>>) target(%dma_start3A_685 : memref<1024xf32, #tpu.memory_space<hbm>>) target_semaphore(%arg14 : memref<!tpu.dma_semaphore, #tpu.memory_space<semaphore_mem>>)
        %mul3A_688 = arith.constant 4 : i32
        %mul3A_689 = arith.muli %add3A_642, %mul3A_688 : i32
        %add3A_690 = arith.constant 3 : i32
        %add3A_691 = arith.addi %mul3A_689, %add3A_690 : i32
        %mul3A_692 = arith.constant 131072 : i32
        %mul3A_693 = arith.muli %add3A_691, %mul3A_692 : i32
        %mul3A_694 = arith.constant 1024 : i32
        %mul3A_695 = arith.muli %add3A_133, %mul3A_694 : i32
        %add3A_696 = arith.addi %mul3A_693, %mul3A_695 : i32
        %dma_start3A_697 = arith.constant 3072 : i32
        %dma_start3A_698 = tpu.memref_slice %arg10[%dma_start3A_697] : memref<4096xf32, #tpu.memory_space<vmem>> -> memref<1024xf32, #tpu.memory_space<vmem>>
        %dma_start3A_699 = tpu.memref_slice %arg4[%add3A_696] : memref<26214400xf32, #tpu.memory_space<hbm>> -> memref<1024xf32, #tpu.memory_space<hbm>>
        %dma_start3A_700 = tpu.memref_slice %arg4[%add3A_696] : memref<26214400xf32, #tpu.memory_space<hbm>> -> memref<1024xf32, #tpu.memory_space<hbm>>
        %dma_start3A_701 = arith.constant 3072 : i32
        %dma_start3A_702 = tpu.memref_slice %arg10[%dma_start3A_701] : memref<4096xf32, #tpu.memory_space<vmem>> -> memref<1024xf32, #tpu.memory_space<vmem>>
        tpu.enqueue_dma source(%dma_start3A_702 : memref<1024xf32, #tpu.memory_space<vmem>>) target(%dma_start3A_700 : memref<1024xf32, #tpu.memory_space<hbm>>) target_semaphore(%arg14 : memref<!tpu.dma_semaphore, #tpu.memory_space<semaphore_mem>>)
        %mul3A_703 = arith.constant 5 : i32
        %mul3A_704 = arith.muli %add3A_614, %mul3A_703 : i32
        %add3A_705 = arith.constant 0 : i32
        %add3A_706 = arith.addi %add3A_705, %mul3A_704 : i32
        %add3A_707 = arith.constant 1 : i32
        %add3A_708 = arith.addi %add3A_706, %add3A_707 : i32
        %ge3A_709 = arith.constant 2 : i32
        %ge3A_710 = arith.cmpi sge, %add3A_708, %ge3A_709 : i32
        %convert_element_type3A_711 = arith.extui %ge3A_710 : i1 to i32
        %cond3A_712 = arith.constant 0 : i32
        %cond3A_713 = arith.cmpi ne, %convert_element_type3A_711, %cond3A_712 : i32
        scf.if %cond3A_713 {
          %dma_wait3A_1015 = arith.constant 0 : i32
          %dma_wait3A_1016 = tpu.memref_slice %arg9[%dma_wait3A_1015] : memref<4096xf32, #tpu.memory_space<vmem>> -> memref<1024xf32, #tpu.memory_space<vmem>>
          %dma_wait3A_1017 = arith.constant 0 : i32
          %dma_wait3A_1018 = tpu.memref_slice %arg4[%dma_wait3A_1017] : memref<26214400xf32, #tpu.memory_space<hbm>> -> memref<1024xf32, #tpu.memory_space<hbm>>
          %dma_wait3A_1019 = arith.constant 0 : i32
          %dma_wait3A_1020 = tpu.memref_slice %arg4[%dma_wait3A_1019] : memref<26214400xf32, #tpu.memory_space<hbm>> -> memref<1024xf32, #tpu.memory_space<hbm>>
          %dma_wait3A_1021 = arith.constant 0 : i32
          %dma_wait3A_1022 = tpu.memref_slice %arg9[%dma_wait3A_1021] : memref<4096xf32, #tpu.memory_space<vmem>> -> memref<1024xf32, #tpu.memory_space<vmem>>
          tpu.wait_dma2 semaphore(%arg13 : memref<!tpu.dma_semaphore, #tpu.memory_space<semaphore_mem>>) src(%dma_wait3A_1022 : memref<1024xf32, #tpu.memory_space<vmem>>) dst(%dma_wait3A_1020 : memref<1024xf32, #tpu.memory_space<hbm>>)
          %dma_wait3A_1023 = arith.constant 0 : i32
          %dma_wait3A_1024 = tpu.memref_slice %arg9[%dma_wait3A_1023] : memref<4096xf32, #tpu.memory_space<vmem>> -> memref<1024xf32, #tpu.memory_space<vmem>>
          %dma_wait3A_1025 = arith.constant 0 : i32
          %dma_wait3A_1026 = tpu.memref_slice %arg4[%dma_wait3A_1025] : memref<26214400xf32, #tpu.memory_space<hbm>> -> memref<1024xf32, #tpu.memory_space<hbm>>
          %dma_wait3A_1027 = arith.constant 0 : i32
          %dma_wait3A_1028 = tpu.memref_slice %arg4[%dma_wait3A_1027] : memref<26214400xf32, #tpu.memory_space<hbm>> -> memref<1024xf32, #tpu.memory_space<hbm>>
          %dma_wait3A_1029 = arith.constant 0 : i32
          %dma_wait3A_1030 = tpu.memref_slice %arg9[%dma_wait3A_1029] : memref<4096xf32, #tpu.memory_space<vmem>> -> memref<1024xf32, #tpu.memory_space<vmem>>
          tpu.wait_dma2 semaphore(%arg13 : memref<!tpu.dma_semaphore, #tpu.memory_space<semaphore_mem>>) src(%dma_wait3A_1030 : memref<1024xf32, #tpu.memory_space<vmem>>) dst(%dma_wait3A_1028 : memref<1024xf32, #tpu.memory_space<hbm>>)
          %dma_wait3A_1031 = arith.constant 0 : i32
          %dma_wait3A_1032 = tpu.memref_slice %arg9[%dma_wait3A_1031] : memref<4096xf32, #tpu.memory_space<vmem>> -> memref<1024xf32, #tpu.memory_space<vmem>>
          %dma_wait3A_1033 = arith.constant 0 : i32
          %dma_wait3A_1034 = tpu.memref_slice %arg4[%dma_wait3A_1033] : memref<26214400xf32, #tpu.memory_space<hbm>> -> memref<1024xf32, #tpu.memory_space<hbm>>
          %dma_wait3A_1035 = arith.constant 0 : i32
          %dma_wait3A_1036 = tpu.memref_slice %arg4[%dma_wait3A_1035] : memref<26214400xf32, #tpu.memory_space<hbm>> -> memref<1024xf32, #tpu.memory_space<hbm>>
          %dma_wait3A_1037 = arith.constant 0 : i32
          %dma_wait3A_1038 = tpu.memref_slice %arg9[%dma_wait3A_1037] : memref<4096xf32, #tpu.memory_space<vmem>> -> memref<1024xf32, #tpu.memory_space<vmem>>
          tpu.wait_dma2 semaphore(%arg13 : memref<!tpu.dma_semaphore, #tpu.memory_space<semaphore_mem>>) src(%dma_wait3A_1038 : memref<1024xf32, #tpu.memory_space<vmem>>) dst(%dma_wait3A_1036 : memref<1024xf32, #tpu.memory_space<hbm>>)
          %dma_wait3A_1039 = arith.constant 0 : i32
          %dma_wait3A_1040 = tpu.memref_slice %arg9[%dma_wait3A_1039] : memref<4096xf32, #tpu.memory_space<vmem>> -> memref<1024xf32, #tpu.memory_space<vmem>>
          %dma_wait3A_1041 = arith.constant 0 : i32
          %dma_wait3A_1042 = tpu.memref_slice %arg4[%dma_wait3A_1041] : memref<26214400xf32, #tpu.memory_space<hbm>> -> memref<1024xf32, #tpu.memory_space<hbm>>
          %dma_wait3A_1043 = arith.constant 0 : i32
          %dma_wait3A_1044 = tpu.memref_slice %arg4[%dma_wait3A_1043] : memref<26214400xf32, #tpu.memory_space<hbm>> -> memref<1024xf32, #tpu.memory_space<hbm>>
          %dma_wait3A_1045 = arith.constant 0 : i32
          %dma_wait3A_1046 = tpu.memref_slice %arg9[%dma_wait3A_1045] : memref<4096xf32, #tpu.memory_space<vmem>> -> memref<1024xf32, #tpu.memory_space<vmem>>
          tpu.wait_dma2 semaphore(%arg13 : memref<!tpu.dma_semaphore, #tpu.memory_space<semaphore_mem>>) src(%dma_wait3A_1046 : memref<1024xf32, #tpu.memory_space<vmem>>) dst(%dma_wait3A_1044 : memref<1024xf32, #tpu.memory_space<hbm>>)
        } else {
        }
        %parallel_loop3A_714 = arith.constant 0 : i32
        %parallel_loop3A_715 = arith.constant 32 : i32
        %parallel_loop3A_716 = arith.constant 1 : i32
        scf.for %parallel_loop3A_1015 = %parallel_loop3A_714 to %parallel_loop3A_715 step %parallel_loop3A_716  : i32 {
          %parallel_loop3A_1016 = arith.constant 0 : i32
          %parallel_loop3A_1017 = vector.broadcast %parallel_loop3A_1016 : i32 to vector<16xi32>
          %parallel_loop3A_1018 = vector.broadcast %parallel_loop3A_1015 : i32 to vector<16xi32>
          %parallel_loop3A_1019 = arith.addi %parallel_loop3A_1017, %parallel_loop3A_1018 : vector<16xi32>
          %parallel_loop3A_1020 = arith.constant 128 : i32
          %parallel_loop3A_1021 = vector.broadcast %parallel_loop3A_1020 : i32 to vector<16xi32>
          %parallel_loop3A_1022 = arith.addi %add3A_103, %parallel_loop3A_1021 : vector<16xi32>
          %parallel_loop3A_1023 = tpu.vector_load_idx %arg8[%parallel_loop3A_1022, %parallel_loop3A_1019] : memref<640x32xf32, #tpu.memory_space<vmem>>[vector<16xi32>, vector<16xi32>], vector<16xf32>,
          %parallel_loop3A_1024 = arith.constant 128 : i32
          %parallel_loop3A_1025 = vector.broadcast %parallel_loop3A_1024 : i32 to vector<16xi32>
          %parallel_loop3A_1026 = arith.addi %add3A_106, %parallel_loop3A_1025 : vector<16xi32>
          %parallel_loop3A_1027 = tpu.vector_load_idx %arg8[%parallel_loop3A_1026, %parallel_loop3A_1019] : memref<640x32xf32, #tpu.memory_space<vmem>>[vector<16xi32>, vector<16xi32>], vector<16xf32>,
          %parallel_loop3A_1028 = arith.constant 128 : i32
          %parallel_loop3A_1029 = vector.broadcast %parallel_loop3A_1028 : i32 to vector<16xi32>
          %parallel_loop3A_1030 = arith.addi %add3A_109, %parallel_loop3A_1029 : vector<16xi32>
          %parallel_loop3A_1031 = tpu.vector_load_idx %arg8[%parallel_loop3A_1030, %parallel_loop3A_1019] : memref<640x32xf32, #tpu.memory_space<vmem>>[vector<16xi32>, vector<16xi32>], vector<16xf32>,
          %parallel_loop3A_1032 = arith.constant 128 : i32
          %parallel_loop3A_1033 = vector.broadcast %parallel_loop3A_1032 : i32 to vector<16xi32>
          %parallel_loop3A_1034 = arith.addi %add3A_112, %parallel_loop3A_1033 : vector<16xi32>
          %parallel_loop3A_1035 = tpu.vector_load_idx %arg8[%parallel_loop3A_1034, %parallel_loop3A_1019] : memref<640x32xf32, #tpu.memory_space<vmem>>[vector<16xi32>, vector<16xi32>], vector<16xf32>,
          %parallel_loop3A_1036 = arith.constant 128 : i32
          %parallel_loop3A_1037 = vector.broadcast %parallel_loop3A_1036 : i32 to vector<16xi32>
          %parallel_loop3A_1038 = arith.addi %add3A_115, %parallel_loop3A_1037 : vector<16xi32>
          %parallel_loop3A_1039 = tpu.vector_load_idx %arg8[%parallel_loop3A_1038, %parallel_loop3A_1019] : memref<640x32xf32, #tpu.memory_space<vmem>>[vector<16xi32>, vector<16xi32>], vector<16xf32>,
          %parallel_loop3A_1040 = arith.constant 128 : i32
          %parallel_loop3A_1041 = vector.broadcast %parallel_loop3A_1040 : i32 to vector<16xi32>
          %parallel_loop3A_1042 = arith.addi %add3A_118, %parallel_loop3A_1041 : vector<16xi32>
          %parallel_loop3A_1043 = tpu.vector_load_idx %arg8[%parallel_loop3A_1042, %parallel_loop3A_1019] : memref<640x32xf32, #tpu.memory_space<vmem>>[vector<16xi32>, vector<16xi32>], vector<16xf32>,
          %parallel_loop3A_1044 = arith.constant 128 : i32
          %parallel_loop3A_1045 = vector.broadcast %parallel_loop3A_1044 : i32 to vector<16xi32>
          %parallel_loop3A_1046 = arith.addi %add3A_121, %parallel_loop3A_1045 : vector<16xi32>
          %parallel_loop3A_1047 = tpu.vector_load_idx %arg8[%parallel_loop3A_1046, %parallel_loop3A_1019] : memref<640x32xf32, #tpu.memory_space<vmem>>[vector<16xi32>, vector<16xi32>], vector<16xf32>,
          %parallel_loop3A_1048 = arith.constant 128 : i32
          %parallel_loop3A_1049 = vector.broadcast %parallel_loop3A_1048 : i32 to vector<16xi32>
          %parallel_loop3A_1050 = arith.addi %add3A_124, %parallel_loop3A_1049 : vector<16xi32>
          %parallel_loop3A_1051 = tpu.vector_load_idx %arg8[%parallel_loop3A_1050, %parallel_loop3A_1019] : memref<640x32xf32, #tpu.memory_space<vmem>>[vector<16xi32>, vector<16xi32>], vector<16xf32>,
          %parallel_loop3A_1052 = arith.constant 128 : i32
          %parallel_loop3A_1053 = arith.muli %parallel_loop3A_1015, %parallel_loop3A_1052 : i32
          %parallel_loop3A_1054 = arith.constant 0 : i32
          %parallel_loop3A_1055 = arith.addi %parallel_loop3A_1053, %parallel_loop3A_1054 : i32
          %parallel_loop3A_1056 = arith.index_cast %parallel_loop3A_1055 : i32 to index
          %parallel_loop3A_1057 = tpu.vector_load %arg9[%parallel_loop3A_1056] {strides = array<i32>} : memref<4096xf32, #tpu.memory_space<vmem>>, vector<16xf32>,
          tpu.vector_store %arg9[%parallel_loop3A_1056], %parallel_loop3A_1023 {strides = array<i32>} : memref<4096xf32, #tpu.memory_space<vmem>>, vector<16xf32>,
          %parallel_loop3A_1058 = arith.constant 128 : i32
          %parallel_loop3A_1059 = arith.muli %parallel_loop3A_1015, %parallel_loop3A_1058 : i32
          %parallel_loop3A_1060 = arith.constant 16 : i32
          %parallel_loop3A_1061 = arith.addi %parallel_loop3A_1059, %parallel_loop3A_1060 : i32
          %parallel_loop3A_1062 = arith.index_cast %parallel_loop3A_1061 : i32 to index
          %parallel_loop3A_1063 = tpu.vector_load %arg9[%parallel_loop3A_1062] {strides = array<i32>} : memref<4096xf32, #tpu.memory_space<vmem>>, vector<16xf32>,
          tpu.vector_store %arg9[%parallel_loop3A_1062], %parallel_loop3A_1027 {strides = array<i32>} : memref<4096xf32, #tpu.memory_space<vmem>>, vector<16xf32>,
          %parallel_loop3A_1064 = arith.constant 128 : i32
          %parallel_loop3A_1065 = arith.muli %parallel_loop3A_1015, %parallel_loop3A_1064 : i32
          %parallel_loop3A_1066 = arith.constant 32 : i32
          %parallel_loop3A_1067 = arith.addi %parallel_loop3A_1065, %parallel_loop3A_1066 : i32
          %parallel_loop3A_1068 = arith.index_cast %parallel_loop3A_1067 : i32 to index
          %parallel_loop3A_1069 = tpu.vector_load %arg9[%parallel_loop3A_1068] {strides = array<i32>} : memref<4096xf32, #tpu.memory_space<vmem>>, vector<16xf32>,
          tpu.vector_store %arg9[%parallel_loop3A_1068], %parallel_loop3A_1031 {strides = array<i32>} : memref<4096xf32, #tpu.memory_space<vmem>>, vector<16xf32>,
          %parallel_loop3A_1070 = arith.constant 128 : i32
          %parallel_loop3A_1071 = arith.muli %parallel_loop3A_1015, %parallel_loop3A_1070 : i32
          %parallel_loop3A_1072 = arith.constant 48 : i32
          %parallel_loop3A_1073 = arith.addi %parallel_loop3A_1071, %parallel_loop3A_1072 : i32
          %parallel_loop3A_1074 = arith.index_cast %parallel_loop3A_1073 : i32 to index
          %parallel_loop3A_1075 = tpu.vector_load %arg9[%parallel_loop3A_1074] {strides = array<i32>} : memref<4096xf32, #tpu.memory_space<vmem>>, vector<16xf32>,
          tpu.vector_store %arg9[%parallel_loop3A_1074], %parallel_loop3A_1035 {strides = array<i32>} : memref<4096xf32, #tpu.memory_space<vmem>>, vector<16xf32>,
          %parallel_loop3A_1076 = arith.constant 128 : i32
          %parallel_loop3A_1077 = arith.muli %parallel_loop3A_1015, %parallel_loop3A_1076 : i32
          %parallel_loop3A_1078 = arith.constant 64 : i32
          %parallel_loop3A_1079 = arith.addi %parallel_loop3A_1077, %parallel_loop3A_1078 : i32
          %parallel_loop3A_1080 = arith.index_cast %parallel_loop3A_1079 : i32 to index
          %parallel_loop3A_1081 = tpu.vector_load %arg9[%parallel_loop3A_1080] {strides = array<i32>} : memref<4096xf32, #tpu.memory_space<vmem>>, vector<16xf32>,
          tpu.vector_store %arg9[%parallel_loop3A_1080], %parallel_loop3A_1039 {strides = array<i32>} : memref<4096xf32, #tpu.memory_space<vmem>>, vector<16xf32>,
          %parallel_loop3A_1082 = arith.constant 128 : i32
          %parallel_loop3A_1083 = arith.muli %parallel_loop3A_1015, %parallel_loop3A_1082 : i32
          %parallel_loop3A_1084 = arith.constant 80 : i32
          %parallel_loop3A_1085 = arith.addi %parallel_loop3A_1083, %parallel_loop3A_1084 : i32
          %parallel_loop3A_1086 = arith.index_cast %parallel_loop3A_1085 : i32 to index
          %parallel_loop3A_1087 = tpu.vector_load %arg9[%parallel_loop3A_1086] {strides = array<i32>} : memref<4096xf32, #tpu.memory_space<vmem>>, vector<16xf32>,
          tpu.vector_store %arg9[%parallel_loop3A_1086], %parallel_loop3A_1043 {strides = array<i32>} : memref<4096xf32, #tpu.memory_space<vmem>>, vector<16xf32>,
          %parallel_loop3A_1088 = arith.constant 128 : i32
          %parallel_loop3A_1089 = arith.muli %parallel_loop3A_1015, %parallel_loop3A_1088 : i32
          %parallel_loop3A_1090 = arith.constant 96 : i32
          %parallel_loop3A_1091 = arith.addi %parallel_loop3A_1089, %parallel_loop3A_1090 : i32
          %parallel_loop3A_1092 = arith.index_cast %parallel_loop3A_1091 : i32 to index
          %parallel_loop3A_1093 = tpu.vector_load %arg9[%parallel_loop3A_1092] {strides = array<i32>} : memref<4096xf32, #tpu.memory_space<vmem>>, vector<16xf32>,
          tpu.vector_store %arg9[%parallel_loop3A_1092], %parallel_loop3A_1047 {strides = array<i32>} : memref<4096xf32, #tpu.memory_space<vmem>>, vector<16xf32>,
          %parallel_loop3A_1094 = arith.constant 128 : i32
          %parallel_loop3A_1095 = arith.muli %parallel_loop3A_1015, %parallel_loop3A_1094 : i32
          %parallel_loop3A_1096 = arith.constant 112 : i32
          %parallel_loop3A_1097 = arith.addi %parallel_loop3A_1095, %parallel_loop3A_1096 : i32
          %parallel_loop3A_1098 = arith.index_cast %parallel_loop3A_1097 : i32 to index
          %parallel_loop3A_1099 = tpu.vector_load %arg9[%parallel_loop3A_1098] {strides = array<i32>} : memref<4096xf32, #tpu.memory_space<vmem>>, vector<16xf32>,
          tpu.vector_store %arg9[%parallel_loop3A_1098], %parallel_loop3A_1051 {strides = array<i32>} : memref<4096xf32, #tpu.memory_space<vmem>>, vector<16xf32>,
        } {sc.loop_unroll_factor = 4 : i64, sc.parallel_access}
        %mul3A_717 = arith.constant 5 : i32
        %mul3A_718 = arith.muli %add3A_614, %mul3A_717 : i32
        %add3A_719 = arith.constant 1 : i32
        %add3A_720 = arith.addi %mul3A_718, %add3A_719 : i32
        %mul3A_721 = arith.constant 4 : i32
        %mul3A_722 = arith.muli %add3A_720, %mul3A_721 : i32
        %add3A_723 = arith.constant 0 : i32
        %add3A_724 = arith.addi %mul3A_722, %add3A_723 : i32
        %mul3A_725 = arith.constant 131072 : i32
        %mul3A_726 = arith.muli %add3A_724, %mul3A_725 : i32
        %mul3A_727 = arith.constant 1024 : i32
        %mul3A_728 = arith.muli %add3A_133, %mul3A_727 : i32
        %add3A_729 = arith.addi %mul3A_726, %mul3A_728 : i32
        %dma_start3A_730 = arith.constant 0 : i32
        %dma_start3A_731 = tpu.memref_slice %arg9[%dma_start3A_730] : memref<4096xf32, #tpu.memory_space<vmem>> -> memref<1024xf32, #tpu.memory_space<vmem>>
        %dma_start3A_732 = tpu.memref_slice %arg4[%add3A_729] : memref<26214400xf32, #tpu.memory_space<hbm>> -> memref<1024xf32, #tpu.memory_space<hbm>>
        %dma_start3A_733 = tpu.memref_slice %arg4[%add3A_729] : memref<26214400xf32, #tpu.memory_space<hbm>> -> memref<1024xf32, #tpu.memory_space<hbm>>
        %dma_start3A_734 = arith.constant 0 : i32
        %dma_start3A_735 = tpu.memref_slice %arg9[%dma_start3A_734] : memref<4096xf32, #tpu.memory_space<vmem>> -> memref<1024xf32, #tpu.memory_space<vmem>>
        tpu.enqueue_dma source(%dma_start3A_735 : memref<1024xf32, #tpu.memory_space<vmem>>) target(%dma_start3A_733 : memref<1024xf32, #tpu.memory_space<hbm>>) target_semaphore(%arg13 : memref<!tpu.dma_semaphore, #tpu.memory_space<semaphore_mem>>)
        %mul3A_736 = arith.constant 4 : i32
        %mul3A_737 = arith.muli %add3A_720, %mul3A_736 : i32
        %add3A_738 = arith.constant 1 : i32
        %add3A_739 = arith.addi %mul3A_737, %add3A_738 : i32
        %mul3A_740 = arith.constant 131072 : i32
        %mul3A_741 = arith.muli %add3A_739, %mul3A_740 : i32
        %mul3A_742 = arith.constant 1024 : i32
        %mul3A_743 = arith.muli %add3A_133, %mul3A_742 : i32
        %add3A_744 = arith.addi %mul3A_741, %mul3A_743 : i32
        %dma_start3A_745 = arith.constant 1024 : i32
        %dma_start3A_746 = tpu.memref_slice %arg9[%dma_start3A_745] : memref<4096xf32, #tpu.memory_space<vmem>> -> memref<1024xf32, #tpu.memory_space<vmem>>
        %dma_start3A_747 = tpu.memref_slice %arg4[%add3A_744] : memref<26214400xf32, #tpu.memory_space<hbm>> -> memref<1024xf32, #tpu.memory_space<hbm>>
        %dma_start3A_748 = tpu.memref_slice %arg4[%add3A_744] : memref<26214400xf32, #tpu.memory_space<hbm>> -> memref<1024xf32, #tpu.memory_space<hbm>>
        %dma_start3A_749 = arith.constant 1024 : i32
        %dma_start3A_750 = tpu.memref_slice %arg9[%dma_start3A_749] : memref<4096xf32, #tpu.memory_space<vmem>> -> memref<1024xf32, #tpu.memory_space<vmem>>
        tpu.enqueue_dma source(%dma_start3A_750 : memref<1024xf32, #tpu.memory_space<vmem>>) target(%dma_start3A_748 : memref<1024xf32, #tpu.memory_space<hbm>>) target_semaphore(%arg13 : memref<!tpu.dma_semaphore, #tpu.memory_space<semaphore_mem>>)
        %mul3A_751 = arith.constant 4 : i32
        %mul3A_752 = arith.muli %add3A_720, %mul3A_751 : i32
        %add3A_753 = arith.constant 2 : i32
        %add3A_754 = arith.addi %mul3A_752, %add3A_753 : i32
        %mul3A_755 = arith.constant 131072 : i32
        %mul3A_756 = arith.muli %add3A_754, %mul3A_755 : i32
        %mul3A_757 = arith.constant 1024 : i32
        %mul3A_758 = arith.muli %add3A_133, %mul3A_757 : i32
        %add3A_759 = arith.addi %mul3A_756, %mul3A_758 : i32
        %dma_start3A_760 = arith.constant 2048 : i32
        %dma_start3A_761 = tpu.memref_slice %arg9[%dma_start3A_760] : memref<4096xf32, #tpu.memory_space<vmem>> -> memref<1024xf32, #tpu.memory_space<vmem>>
        %dma_start3A_762 = tpu.memref_slice %arg4[%add3A_759] : memref<26214400xf32, #tpu.memory_space<hbm>> -> memref<1024xf32, #tpu.memory_space<hbm>>
        %dma_start3A_763 = tpu.memref_slice %arg4[%add3A_759] : memref<26214400xf32, #tpu.memory_space<hbm>> -> memref<1024xf32, #tpu.memory_space<hbm>>
        %dma_start3A_764 = arith.constant 2048 : i32
        %dma_start3A_765 = tpu.memref_slice %arg9[%dma_start3A_764] : memref<4096xf32, #tpu.memory_space<vmem>> -> memref<1024xf32, #tpu.memory_space<vmem>>
        tpu.enqueue_dma source(%dma_start3A_765 : memref<1024xf32, #tpu.memory_space<vmem>>) target(%dma_start3A_763 : memref<1024xf32, #tpu.memory_space<hbm>>) target_semaphore(%arg13 : memref<!tpu.dma_semaphore, #tpu.memory_space<semaphore_mem>>)
        %mul3A_766 = arith.constant 4 : i32
        %mul3A_767 = arith.muli %add3A_720, %mul3A_766 : i32
        %add3A_768 = arith.constant 3 : i32
        %add3A_769 = arith.addi %mul3A_767, %add3A_768 : i32
        %mul3A_770 = arith.constant 131072 : i32
        %mul3A_771 = arith.muli %add3A_769, %mul3A_770 : i32
        %mul3A_772 = arith.constant 1024 : i32
        %mul3A_773 = arith.muli %add3A_133, %mul3A_772 : i32
        %add3A_774 = arith.addi %mul3A_771, %mul3A_773 : i32
        %dma_start3A_775 = arith.constant 3072 : i32
        %dma_start3A_776 = tpu.memref_slice %arg9[%dma_start3A_775] : memref<4096xf32, #tpu.memory_space<vmem>> -> memref<1024xf32, #tpu.memory_space<vmem>>
        %dma_start3A_777 = tpu.memref_slice %arg4[%add3A_774] : memref<26214400xf32, #tpu.memory_space<hbm>> -> memref<1024xf32, #tpu.memory_space<hbm>>
        %dma_start3A_778 = tpu.memref_slice %arg4[%add3A_774] : memref<26214400xf32, #tpu.memory_space<hbm>> -> memref<1024xf32, #tpu.memory_space<hbm>>
        %dma_start3A_779 = arith.constant 3072 : i32
        %dma_start3A_780 = tpu.memref_slice %arg9[%dma_start3A_779] : memref<4096xf32, #tpu.memory_space<vmem>> -> memref<1024xf32, #tpu.memory_space<vmem>>
        tpu.enqueue_dma source(%dma_start3A_780 : memref<1024xf32, #tpu.memory_space<vmem>>) target(%dma_start3A_778 : memref<1024xf32, #tpu.memory_space<hbm>>) target_semaphore(%arg13 : memref<!tpu.dma_semaphore, #tpu.memory_space<semaphore_mem>>)
        %mul3A_781 = arith.constant 5 : i32
        %mul3A_782 = arith.muli %add3A_614, %mul3A_781 : i32
        %add3A_783 = arith.constant 0 : i32
        %add3A_784 = arith.addi %add3A_783, %mul3A_782 : i32
        %add3A_785 = arith.constant 2 : i32
        %add3A_786 = arith.addi %add3A_784, %add3A_785 : i32
        %ge3A_787 = arith.constant 2 : i32
        %ge3A_788 = arith.cmpi sge, %add3A_786, %ge3A_787 : i32
        %convert_element_type3A_789 = arith.extui %ge3A_788 : i1 to i32
        %cond3A_790 = arith.constant 0 : i32
        %cond3A_791 = arith.cmpi ne, %convert_element_type3A_789, %cond3A_790 : i32
        scf.if %cond3A_791 {
          %dma_wait3A_1015 = arith.constant 0 : i32
          %dma_wait3A_1016 = tpu.memref_slice %arg10[%dma_wait3A_1015] : memref<4096xf32, #tpu.memory_space<vmem>> -> memref<1024xf32, #tpu.memory_space<vmem>>
          %dma_wait3A_1017 = arith.constant 0 : i32
          %dma_wait3A_1018 = tpu.memref_slice %arg4[%dma_wait3A_1017] : memref<26214400xf32, #tpu.memory_space<hbm>> -> memref<1024xf32, #tpu.memory_space<hbm>>
          %dma_wait3A_1019 = arith.constant 0 : i32
          %dma_wait3A_1020 = tpu.memref_slice %arg4[%dma_wait3A_1019] : memref<26214400xf32, #tpu.memory_space<hbm>> -> memref<1024xf32, #tpu.memory_space<hbm>>
          %dma_wait3A_1021 = arith.constant 0 : i32
          %dma_wait3A_1022 = tpu.memref_slice %arg10[%dma_wait3A_1021] : memref<4096xf32, #tpu.memory_space<vmem>> -> memref<1024xf32, #tpu.memory_space<vmem>>
          tpu.wait_dma2 semaphore(%arg14 : memref<!tpu.dma_semaphore, #tpu.memory_space<semaphore_mem>>) src(%dma_wait3A_1022 : memref<1024xf32, #tpu.memory_space<vmem>>) dst(%dma_wait3A_1020 : memref<1024xf32, #tpu.memory_space<hbm>>)
          %dma_wait3A_1023 = arith.constant 0 : i32
          %dma_wait3A_1024 = tpu.memref_slice %arg10[%dma_wait3A_1023] : memref<4096xf32, #tpu.memory_space<vmem>> -> memref<1024xf32, #tpu.memory_space<vmem>>
          %dma_wait3A_1025 = arith.constant 0 : i32
          %dma_wait3A_1026 = tpu.memref_slice %arg4[%dma_wait3A_1025] : memref<26214400xf32, #tpu.memory_space<hbm>> -> memref<1024xf32, #tpu.memory_space<hbm>>
          %dma_wait3A_1027 = arith.constant 0 : i32
          %dma_wait3A_1028 = tpu.memref_slice %arg4[%dma_wait3A_1027] : memref<26214400xf32, #tpu.memory_space<hbm>> -> memref<1024xf32, #tpu.memory_space<hbm>>
          %dma_wait3A_1029 = arith.constant 0 : i32
          %dma_wait3A_1030 = tpu.memref_slice %arg10[%dma_wait3A_1029] : memref<4096xf32, #tpu.memory_space<vmem>> -> memref<1024xf32, #tpu.memory_space<vmem>>
          tpu.wait_dma2 semaphore(%arg14 : memref<!tpu.dma_semaphore, #tpu.memory_space<semaphore_mem>>) src(%dma_wait3A_1030 : memref<1024xf32, #tpu.memory_space<vmem>>) dst(%dma_wait3A_1028 : memref<1024xf32, #tpu.memory_space<hbm>>)
          %dma_wait3A_1031 = arith.constant 0 : i32
          %dma_wait3A_1032 = tpu.memref_slice %arg10[%dma_wait3A_1031] : memref<4096xf32, #tpu.memory_space<vmem>> -> memref<1024xf32, #tpu.memory_space<vmem>>
          %dma_wait3A_1033 = arith.constant 0 : i32
          %dma_wait3A_1034 = tpu.memref_slice %arg4[%dma_wait3A_1033] : memref<26214400xf32, #tpu.memory_space<hbm>> -> memref<1024xf32, #tpu.memory_space<hbm>>
          %dma_wait3A_1035 = arith.constant 0 : i32
          %dma_wait3A_1036 = tpu.memref_slice %arg4[%dma_wait3A_1035] : memref<26214400xf32, #tpu.memory_space<hbm>> -> memref<1024xf32, #tpu.memory_space<hbm>>
          %dma_wait3A_1037 = arith.constant 0 : i32
          %dma_wait3A_1038 = tpu.memref_slice %arg10[%dma_wait3A_1037] : memref<4096xf32, #tpu.memory_space<vmem>> -> memref<1024xf32, #tpu.memory_space<vmem>>
          tpu.wait_dma2 semaphore(%arg14 : memref<!tpu.dma_semaphore, #tpu.memory_space<semaphore_mem>>) src(%dma_wait3A_1038 : memref<1024xf32, #tpu.memory_space<vmem>>) dst(%dma_wait3A_1036 : memref<1024xf32, #tpu.memory_space<hbm>>)
          %dma_wait3A_1039 = arith.constant 0 : i32
          %dma_wait3A_1040 = tpu.memref_slice %arg10[%dma_wait3A_1039] : memref<4096xf32, #tpu.memory_space<vmem>> -> memref<1024xf32, #tpu.memory_space<vmem>>
          %dma_wait3A_1041 = arith.constant 0 : i32
          %dma_wait3A_1042 = tpu.memref_slice %arg4[%dma_wait3A_1041] : memref<26214400xf32, #tpu.memory_space<hbm>> -> memref<1024xf32, #tpu.memory_space<hbm>>
          %dma_wait3A_1043 = arith.constant 0 : i32
          %dma_wait3A_1044 = tpu.memref_slice %arg4[%dma_wait3A_1043] : memref<26214400xf32, #tpu.memory_space<hbm>> -> memref<1024xf32, #tpu.memory_space<hbm>>
          %dma_wait3A_1045 = arith.constant 0 : i32
          %dma_wait3A_1046 = tpu.memref_slice %arg10[%dma_wait3A_1045] : memref<4096xf32, #tpu.memory_space<vmem>> -> memref<1024xf32, #tpu.memory_space<vmem>>
          tpu.wait_dma2 semaphore(%arg14 : memref<!tpu.dma_semaphore, #tpu.memory_space<semaphore_mem>>) src(%dma_wait3A_1046 : memref<1024xf32, #tpu.memory_space<vmem>>) dst(%dma_wait3A_1044 : memref<1024xf32, #tpu.memory_space<hbm>>)
        } else {
        }
        %parallel_loop3A_792 = arith.constant 0 : i32
        %parallel_loop3A_793 = arith.constant 32 : i32
        %parallel_loop3A_794 = arith.constant 1 : i32
        scf.for %parallel_loop3A_1015 = %parallel_loop3A_792 to %parallel_loop3A_793 step %parallel_loop3A_794  : i32 {
          %parallel_loop3A_1016 = arith.constant 0 : i32
          %parallel_loop3A_1017 = vector.broadcast %parallel_loop3A_1016 : i32 to vector<16xi32>
          %parallel_loop3A_1018 = vector.broadcast %parallel_loop3A_1015 : i32 to vector<16xi32>
          %parallel_loop3A_1019 = arith.addi %parallel_loop3A_1017, %parallel_loop3A_1018 : vector<16xi32>
          %parallel_loop3A_1020 = arith.constant 256 : i32
          %parallel_loop3A_1021 = vector.broadcast %parallel_loop3A_1020 : i32 to vector<16xi32>
          %parallel_loop3A_1022 = arith.addi %add3A_103, %parallel_loop3A_1021 : vector<16xi32>
          %parallel_loop3A_1023 = tpu.vector_load_idx %arg8[%parallel_loop3A_1022, %parallel_loop3A_1019] : memref<640x32xf32, #tpu.memory_space<vmem>>[vector<16xi32>, vector<16xi32>], vector<16xf32>,
          %parallel_loop3A_1024 = arith.constant 256 : i32
          %parallel_loop3A_1025 = vector.broadcast %parallel_loop3A_1024 : i32 to vector<16xi32>
          %parallel_loop3A_1026 = arith.addi %add3A_106, %parallel_loop3A_1025 : vector<16xi32>
          %parallel_loop3A_1027 = tpu.vector_load_idx %arg8[%parallel_loop3A_1026, %parallel_loop3A_1019] : memref<640x32xf32, #tpu.memory_space<vmem>>[vector<16xi32>, vector<16xi32>], vector<16xf32>,
          %parallel_loop3A_1028 = arith.constant 256 : i32
          %parallel_loop3A_1029 = vector.broadcast %parallel_loop3A_1028 : i32 to vector<16xi32>
          %parallel_loop3A_1030 = arith.addi %add3A_109, %parallel_loop3A_1029 : vector<16xi32>
          %parallel_loop3A_1031 = tpu.vector_load_idx %arg8[%parallel_loop3A_1030, %parallel_loop3A_1019] : memref<640x32xf32, #tpu.memory_space<vmem>>[vector<16xi32>, vector<16xi32>], vector<16xf32>,
          %parallel_loop3A_1032 = arith.constant 256 : i32
          %parallel_loop3A_1033 = vector.broadcast %parallel_loop3A_1032 : i32 to vector<16xi32>
          %parallel_loop3A_1034 = arith.addi %add3A_112, %parallel_loop3A_1033 : vector<16xi32>
          %parallel_loop3A_1035 = tpu.vector_load_idx %arg8[%parallel_loop3A_1034, %parallel_loop3A_1019] : memref<640x32xf32, #tpu.memory_space<vmem>>[vector<16xi32>, vector<16xi32>], vector<16xf32>,
          %parallel_loop3A_1036 = arith.constant 256 : i32
          %parallel_loop3A_1037 = vector.broadcast %parallel_loop3A_1036 : i32 to vector<16xi32>
          %parallel_loop3A_1038 = arith.addi %add3A_115, %parallel_loop3A_1037 : vector<16xi32>
          %parallel_loop3A_1039 = tpu.vector_load_idx %arg8[%parallel_loop3A_1038, %parallel_loop3A_1019] : memref<640x32xf32, #tpu.memory_space<vmem>>[vector<16xi32>, vector<16xi32>], vector<16xf32>,
          %parallel_loop3A_1040 = arith.constant 256 : i32
          %parallel_loop3A_1041 = vector.broadcast %parallel_loop3A_1040 : i32 to vector<16xi32>
          %parallel_loop3A_1042 = arith.addi %add3A_118, %parallel_loop3A_1041 : vector<16xi32>
          %parallel_loop3A_1043 = tpu.vector_load_idx %arg8[%parallel_loop3A_1042, %parallel_loop3A_1019] : memref<640x32xf32, #tpu.memory_space<vmem>>[vector<16xi32>, vector<16xi32>], vector<16xf32>,
          %parallel_loop3A_1044 = arith.constant 256 : i32
          %parallel_loop3A_1045 = vector.broadcast %parallel_loop3A_1044 : i32 to vector<16xi32>
          %parallel_loop3A_1046 = arith.addi %add3A_121, %parallel_loop3A_1045 : vector<16xi32>
          %parallel_loop3A_1047 = tpu.vector_load_idx %arg8[%parallel_loop3A_1046, %parallel_loop3A_1019] : memref<640x32xf32, #tpu.memory_space<vmem>>[vector<16xi32>, vector<16xi32>], vector<16xf32>,
          %parallel_loop3A_1048 = arith.constant 256 : i32
          %parallel_loop3A_1049 = vector.broadcast %parallel_loop3A_1048 : i32 to vector<16xi32>
          %parallel_loop3A_1050 = arith.addi %add3A_124, %parallel_loop3A_1049 : vector<16xi32>
          %parallel_loop3A_1051 = tpu.vector_load_idx %arg8[%parallel_loop3A_1050, %parallel_loop3A_1019] : memref<640x32xf32, #tpu.memory_space<vmem>>[vector<16xi32>, vector<16xi32>], vector<16xf32>,
          %parallel_loop3A_1052 = arith.constant 128 : i32
          %parallel_loop3A_1053 = arith.muli %parallel_loop3A_1015, %parallel_loop3A_1052 : i32
          %parallel_loop3A_1054 = arith.constant 0 : i32
          %parallel_loop3A_1055 = arith.addi %parallel_loop3A_1053, %parallel_loop3A_1054 : i32
          %parallel_loop3A_1056 = arith.index_cast %parallel_loop3A_1055 : i32 to index
          %parallel_loop3A_1057 = tpu.vector_load %arg10[%parallel_loop3A_1056] {strides = array<i32>} : memref<4096xf32, #tpu.memory_space<vmem>>, vector<16xf32>,
          tpu.vector_store %arg10[%parallel_loop3A_1056], %parallel_loop3A_1023 {strides = array<i32>} : memref<4096xf32, #tpu.memory_space<vmem>>, vector<16xf32>,
          %parallel_loop3A_1058 = arith.constant 128 : i32
          %parallel_loop3A_1059 = arith.muli %parallel_loop3A_1015, %parallel_loop3A_1058 : i32
          %parallel_loop3A_1060 = arith.constant 16 : i32
          %parallel_loop3A_1061 = arith.addi %parallel_loop3A_1059, %parallel_loop3A_1060 : i32
          %parallel_loop3A_1062 = arith.index_cast %parallel_loop3A_1061 : i32 to index
          %parallel_loop3A_1063 = tpu.vector_load %arg10[%parallel_loop3A_1062] {strides = array<i32>} : memref<4096xf32, #tpu.memory_space<vmem>>, vector<16xf32>,
          tpu.vector_store %arg10[%parallel_loop3A_1062], %parallel_loop3A_1027 {strides = array<i32>} : memref<4096xf32, #tpu.memory_space<vmem>>, vector<16xf32>,
          %parallel_loop3A_1064 = arith.constant 128 : i32
          %parallel_loop3A_1065 = arith.muli %parallel_loop3A_1015, %parallel_loop3A_1064 : i32
          %parallel_loop3A_1066 = arith.constant 32 : i32
          %parallel_loop3A_1067 = arith.addi %parallel_loop3A_1065, %parallel_loop3A_1066 : i32
          %parallel_loop3A_1068 = arith.index_cast %parallel_loop3A_1067 : i32 to index
          %parallel_loop3A_1069 = tpu.vector_load %arg10[%parallel_loop3A_1068] {strides = array<i32>} : memref<4096xf32, #tpu.memory_space<vmem>>, vector<16xf32>,
          tpu.vector_store %arg10[%parallel_loop3A_1068], %parallel_loop3A_1031 {strides = array<i32>} : memref<4096xf32, #tpu.memory_space<vmem>>, vector<16xf32>,
          %parallel_loop3A_1070 = arith.constant 128 : i32
          %parallel_loop3A_1071 = arith.muli %parallel_loop3A_1015, %parallel_loop3A_1070 : i32
          %parallel_loop3A_1072 = arith.constant 48 : i32
          %parallel_loop3A_1073 = arith.addi %parallel_loop3A_1071, %parallel_loop3A_1072 : i32
          %parallel_loop3A_1074 = arith.index_cast %parallel_loop3A_1073 : i32 to index
          %parallel_loop3A_1075 = tpu.vector_load %arg10[%parallel_loop3A_1074] {strides = array<i32>} : memref<4096xf32, #tpu.memory_space<vmem>>, vector<16xf32>,
          tpu.vector_store %arg10[%parallel_loop3A_1074], %parallel_loop3A_1035 {strides = array<i32>} : memref<4096xf32, #tpu.memory_space<vmem>>, vector<16xf32>,
          %parallel_loop3A_1076 = arith.constant 128 : i32
          %parallel_loop3A_1077 = arith.muli %parallel_loop3A_1015, %parallel_loop3A_1076 : i32
          %parallel_loop3A_1078 = arith.constant 64 : i32
          %parallel_loop3A_1079 = arith.addi %parallel_loop3A_1077, %parallel_loop3A_1078 : i32
          %parallel_loop3A_1080 = arith.index_cast %parallel_loop3A_1079 : i32 to index
          %parallel_loop3A_1081 = tpu.vector_load %arg10[%parallel_loop3A_1080] {strides = array<i32>} : memref<4096xf32, #tpu.memory_space<vmem>>, vector<16xf32>,
          tpu.vector_store %arg10[%parallel_loop3A_1080], %parallel_loop3A_1039 {strides = array<i32>} : memref<4096xf32, #tpu.memory_space<vmem>>, vector<16xf32>,
          %parallel_loop3A_1082 = arith.constant 128 : i32
          %parallel_loop3A_1083 = arith.muli %parallel_loop3A_1015, %parallel_loop3A_1082 : i32
          %parallel_loop3A_1084 = arith.constant 80 : i32
          %parallel_loop3A_1085 = arith.addi %parallel_loop3A_1083, %parallel_loop3A_1084 : i32
          %parallel_loop3A_1086 = arith.index_cast %parallel_loop3A_1085 : i32 to index
          %parallel_loop3A_1087 = tpu.vector_load %arg10[%parallel_loop3A_1086] {strides = array<i32>} : memref<4096xf32, #tpu.memory_space<vmem>>, vector<16xf32>,
          tpu.vector_store %arg10[%parallel_loop3A_1086], %parallel_loop3A_1043 {strides = array<i32>} : memref<4096xf32, #tpu.memory_space<vmem>>, vector<16xf32>,
          %parallel_loop3A_1088 = arith.constant 128 : i32
          %parallel_loop3A_1089 = arith.muli %parallel_loop3A_1015, %parallel_loop3A_1088 : i32
          %parallel_loop3A_1090 = arith.constant 96 : i32
          %parallel_loop3A_1091 = arith.addi %parallel_loop3A_1089, %parallel_loop3A_1090 : i32
          %parallel_loop3A_1092 = arith.index_cast %parallel_loop3A_1091 : i32 to index
          %parallel_loop3A_1093 = tpu.vector_load %arg10[%parallel_loop3A_1092] {strides = array<i32>} : memref<4096xf32, #tpu.memory_space<vmem>>, vector<16xf32>,
          tpu.vector_store %arg10[%parallel_loop3A_1092], %parallel_loop3A_1047 {strides = array<i32>} : memref<4096xf32, #tpu.memory_space<vmem>>, vector<16xf32>,
          %parallel_loop3A_1094 = arith.constant 128 : i32
          %parallel_loop3A_1095 = arith.muli %parallel_loop3A_1015, %parallel_loop3A_1094 : i32
          %parallel_loop3A_1096 = arith.constant 112 : i32
          %parallel_loop3A_1097 = arith.addi %parallel_loop3A_1095, %parallel_loop3A_1096 : i32
          %parallel_loop3A_1098 = arith.index_cast %parallel_loop3A_1097 : i32 to index
          %parallel_loop3A_1099 = tpu.vector_load %arg10[%parallel_loop3A_1098] {strides = array<i32>} : memref<4096xf32, #tpu.memory_space<vmem>>, vector<16xf32>,
          tpu.vector_store %arg10[%parallel_loop3A_1098], %parallel_loop3A_1051 {strides = array<i32>} : memref<4096xf32, #tpu.memory_space<vmem>>, vector<16xf32>,
        } {sc.loop_unroll_factor = 4 : i64, sc.parallel_access}
        %mul3A_795 = arith.constant 5 : i32
        %mul3A_796 = arith.muli %add3A_614, %mul3A_795 : i32
        %add3A_797 = arith.constant 2 : i32
        %add3A_798 = arith.addi %mul3A_796, %add3A_797 : i32
        %mul3A_799 = arith.constant 4 : i32
        %mul3A_800 = arith.muli %add3A_798, %mul3A_799 : i32
        %add3A_801 = arith.constant 0 : i32
        %add3A_802 = arith.addi %mul3A_800, %add3A_801 : i32
        %mul3A_803 = arith.constant 131072 : i32
        %mul3A_804 = arith.muli %add3A_802, %mul3A_803 : i32
        %mul3A_805 = arith.constant 1024 : i32
        %mul3A_806 = arith.muli %add3A_133, %mul3A_805 : i32
        %add3A_807 = arith.addi %mul3A_804, %mul3A_806 : i32
        %dma_start3A_808 = arith.constant 0 : i32
        %dma_start3A_809 = tpu.memref_slice %arg10[%dma_start3A_808] : memref<4096xf32, #tpu.memory_space<vmem>> -> memref<1024xf32, #tpu.memory_space<vmem>>
        %dma_start3A_810 = tpu.memref_slice %arg4[%add3A_807] : memref<26214400xf32, #tpu.memory_space<hbm>> -> memref<1024xf32, #tpu.memory_space<hbm>>
        %dma_start3A_811 = tpu.memref_slice %arg4[%add3A_807] : memref<26214400xf32, #tpu.memory_space<hbm>> -> memref<1024xf32, #tpu.memory_space<hbm>>
        %dma_start3A_812 = arith.constant 0 : i32
        %dma_start3A_813 = tpu.memref_slice %arg10[%dma_start3A_812] : memref<4096xf32, #tpu.memory_space<vmem>> -> memref<1024xf32, #tpu.memory_space<vmem>>
        tpu.enqueue_dma source(%dma_start3A_813 : memref<1024xf32, #tpu.memory_space<vmem>>) target(%dma_start3A_811 : memref<1024xf32, #tpu.memory_space<hbm>>) target_semaphore(%arg14 : memref<!tpu.dma_semaphore, #tpu.memory_space<semaphore_mem>>)
        %mul3A_814 = arith.constant 4 : i32
        %mul3A_815 = arith.muli %add3A_798, %mul3A_814 : i32
        %add3A_816 = arith.constant 1 : i32
        %add3A_817 = arith.addi %mul3A_815, %add3A_816 : i32
        %mul3A_818 = arith.constant 131072 : i32
        %mul3A_819 = arith.muli %add3A_817, %mul3A_818 : i32
        %mul3A_820 = arith.constant 1024 : i32
        %mul3A_821 = arith.muli %add3A_133, %mul3A_820 : i32
        %add3A_822 = arith.addi %mul3A_819, %mul3A_821 : i32
        %dma_start3A_823 = arith.constant 1024 : i32
        %dma_start3A_824 = tpu.memref_slice %arg10[%dma_start3A_823] : memref<4096xf32, #tpu.memory_space<vmem>> -> memref<1024xf32, #tpu.memory_space<vmem>>
        %dma_start3A_825 = tpu.memref_slice %arg4[%add3A_822] : memref<26214400xf32, #tpu.memory_space<hbm>> -> memref<1024xf32, #tpu.memory_space<hbm>>
        %dma_start3A_826 = tpu.memref_slice %arg4[%add3A_822] : memref<26214400xf32, #tpu.memory_space<hbm>> -> memref<1024xf32, #tpu.memory_space<hbm>>
        %dma_start3A_827 = arith.constant 1024 : i32
        %dma_start3A_828 = tpu.memref_slice %arg10[%dma_start3A_827] : memref<4096xf32, #tpu.memory_space<vmem>> -> memref<1024xf32, #tpu.memory_space<vmem>>
        tpu.enqueue_dma source(%dma_start3A_828 : memref<1024xf32, #tpu.memory_space<vmem>>) target(%dma_start3A_826 : memref<1024xf32, #tpu.memory_space<hbm>>) target_semaphore(%arg14 : memref<!tpu.dma_semaphore, #tpu.memory_space<semaphore_mem>>)
        %mul3A_829 = arith.constant 4 : i32
        %mul3A_830 = arith.muli %add3A_798, %mul3A_829 : i32
        %add3A_831 = arith.constant 2 : i32
        %add3A_832 = arith.addi %mul3A_830, %add3A_831 : i32
        %mul3A_833 = arith.constant 131072 : i32
        %mul3A_834 = arith.muli %add3A_832, %mul3A_833 : i32
        %mul3A_835 = arith.constant 1024 : i32
        %mul3A_836 = arith.muli %add3A_133, %mul3A_835 : i32
        %add3A_837 = arith.addi %mul3A_834, %mul3A_836 : i32
        %dma_start3A_838 = arith.constant 2048 : i32
        %dma_start3A_839 = tpu.memref_slice %arg10[%dma_start3A_838] : memref<4096xf32, #tpu.memory_space<vmem>> -> memref<1024xf32, #tpu.memory_space<vmem>>
        %dma_start3A_840 = tpu.memref_slice %arg4[%add3A_837] : memref<26214400xf32, #tpu.memory_space<hbm>> -> memref<1024xf32, #tpu.memory_space<hbm>>
        %dma_start3A_841 = tpu.memref_slice %arg4[%add3A_837] : memref<26214400xf32, #tpu.memory_space<hbm>> -> memref<1024xf32, #tpu.memory_space<hbm>>
        %dma_start3A_842 = arith.constant 2048 : i32
        %dma_start3A_843 = tpu.memref_slice %arg10[%dma_start3A_842] : memref<4096xf32, #tpu.memory_space<vmem>> -> memref<1024xf32, #tpu.memory_space<vmem>>
        tpu.enqueue_dma source(%dma_start3A_843 : memref<1024xf32, #tpu.memory_space<vmem>>) target(%dma_start3A_841 : memref<1024xf32, #tpu.memory_space<hbm>>) target_semaphore(%arg14 : memref<!tpu.dma_semaphore, #tpu.memory_space<semaphore_mem>>)
        %mul3A_844 = arith.constant 4 : i32
        %mul3A_845 = arith.muli %add3A_798, %mul3A_844 : i32
        %add3A_846 = arith.constant 3 : i32
        %add3A_847 = arith.addi %mul3A_845, %add3A_846 : i32
        %mul3A_848 = arith.constant 131072 : i32
        %mul3A_849 = arith.muli %add3A_847, %mul3A_848 : i32
        %mul3A_850 = arith.constant 1024 : i32
        %mul3A_851 = arith.muli %add3A_133, %mul3A_850 : i32
        %add3A_852 = arith.addi %mul3A_849, %mul3A_851 : i32
        %dma_start3A_853 = arith.constant 3072 : i32
        %dma_start3A_854 = tpu.memref_slice %arg10[%dma_start3A_853] : memref<4096xf32, #tpu.memory_space<vmem>> -> memref<1024xf32, #tpu.memory_space<vmem>>
        %dma_start3A_855 = tpu.memref_slice %arg4[%add3A_852] : memref<26214400xf32, #tpu.memory_space<hbm>> -> memref<1024xf32, #tpu.memory_space<hbm>>
        %dma_start3A_856 = tpu.memref_slice %arg4[%add3A_852] : memref<26214400xf32, #tpu.memory_space<hbm>> -> memref<1024xf32, #tpu.memory_space<hbm>>
        %dma_start3A_857 = arith.constant 3072 : i32
        %dma_start3A_858 = tpu.memref_slice %arg10[%dma_start3A_857] : memref<4096xf32, #tpu.memory_space<vmem>> -> memref<1024xf32, #tpu.memory_space<vmem>>
        tpu.enqueue_dma source(%dma_start3A_858 : memref<1024xf32, #tpu.memory_space<vmem>>) target(%dma_start3A_856 : memref<1024xf32, #tpu.memory_space<hbm>>) target_semaphore(%arg14 : memref<!tpu.dma_semaphore, #tpu.memory_space<semaphore_mem>>)
        %mul3A_859 = arith.constant 5 : i32
        %mul3A_860 = arith.muli %add3A_614, %mul3A_859 : i32
        %add3A_861 = arith.constant 0 : i32
        %add3A_862 = arith.addi %add3A_861, %mul3A_860 : i32
        %add3A_863 = arith.constant 3 : i32
        %add3A_864 = arith.addi %add3A_862, %add3A_863 : i32
        %ge3A_865 = arith.constant 2 : i32
        %ge3A_866 = arith.cmpi sge, %add3A_864, %ge3A_865 : i32
        %convert_element_type3A_867 = arith.extui %ge3A_866 : i1 to i32
        %cond3A_868 = arith.constant 0 : i32
        %cond3A_869 = arith.cmpi ne, %convert_element_type3A_867, %cond3A_868 : i32
        scf.if %cond3A_869 {
          %dma_wait3A_1015 = arith.constant 0 : i32
          %dma_wait3A_1016 = tpu.memref_slice %arg9[%dma_wait3A_1015] : memref<4096xf32, #tpu.memory_space<vmem>> -> memref<1024xf32, #tpu.memory_space<vmem>>
          %dma_wait3A_1017 = arith.constant 0 : i32
          %dma_wait3A_1018 = tpu.memref_slice %arg4[%dma_wait3A_1017] : memref<26214400xf32, #tpu.memory_space<hbm>> -> memref<1024xf32, #tpu.memory_space<hbm>>
          %dma_wait3A_1019 = arith.constant 0 : i32
          %dma_wait3A_1020 = tpu.memref_slice %arg4[%dma_wait3A_1019] : memref<26214400xf32, #tpu.memory_space<hbm>> -> memref<1024xf32, #tpu.memory_space<hbm>>
          %dma_wait3A_1021 = arith.constant 0 : i32
          %dma_wait3A_1022 = tpu.memref_slice %arg9[%dma_wait3A_1021] : memref<4096xf32, #tpu.memory_space<vmem>> -> memref<1024xf32, #tpu.memory_space<vmem>>
          tpu.wait_dma2 semaphore(%arg13 : memref<!tpu.dma_semaphore, #tpu.memory_space<semaphore_mem>>) src(%dma_wait3A_1022 : memref<1024xf32, #tpu.memory_space<vmem>>) dst(%dma_wait3A_1020 : memref<1024xf32, #tpu.memory_space<hbm>>)
          %dma_wait3A_1023 = arith.constant 0 : i32
          %dma_wait3A_1024 = tpu.memref_slice %arg9[%dma_wait3A_1023] : memref<4096xf32, #tpu.memory_space<vmem>> -> memref<1024xf32, #tpu.memory_space<vmem>>
          %dma_wait3A_1025 = arith.constant 0 : i32
          %dma_wait3A_1026 = tpu.memref_slice %arg4[%dma_wait3A_1025] : memref<26214400xf32, #tpu.memory_space<hbm>> -> memref<1024xf32, #tpu.memory_space<hbm>>
          %dma_wait3A_1027 = arith.constant 0 : i32
          %dma_wait3A_1028 = tpu.memref_slice %arg4[%dma_wait3A_1027] : memref<26214400xf32, #tpu.memory_space<hbm>> -> memref<1024xf32, #tpu.memory_space<hbm>>
          %dma_wait3A_1029 = arith.constant 0 : i32
          %dma_wait3A_1030 = tpu.memref_slice %arg9[%dma_wait3A_1029] : memref<4096xf32, #tpu.memory_space<vmem>> -> memref<1024xf32, #tpu.memory_space<vmem>>
          tpu.wait_dma2 semaphore(%arg13 : memref<!tpu.dma_semaphore, #tpu.memory_space<semaphore_mem>>) src(%dma_wait3A_1030 : memref<1024xf32, #tpu.memory_space<vmem>>) dst(%dma_wait3A_1028 : memref<1024xf32, #tpu.memory_space<hbm>>)
          %dma_wait3A_1031 = arith.constant 0 : i32
          %dma_wait3A_1032 = tpu.memref_slice %arg9[%dma_wait3A_1031] : memref<4096xf32, #tpu.memory_space<vmem>> -> memref<1024xf32, #tpu.memory_space<vmem>>
          %dma_wait3A_1033 = arith.constant 0 : i32
          %dma_wait3A_1034 = tpu.memref_slice %arg4[%dma_wait3A_1033] : memref<26214400xf32, #tpu.memory_space<hbm>> -> memref<1024xf32, #tpu.memory_space<hbm>>
          %dma_wait3A_1035 = arith.constant 0 : i32
          %dma_wait3A_1036 = tpu.memref_slice %arg4[%dma_wait3A_1035] : memref<26214400xf32, #tpu.memory_space<hbm>> -> memref<1024xf32, #tpu.memory_space<hbm>>
          %dma_wait3A_1037 = arith.constant 0 : i32
          %dma_wait3A_1038 = tpu.memref_slice %arg9[%dma_wait3A_1037] : memref<4096xf32, #tpu.memory_space<vmem>> -> memref<1024xf32, #tpu.memory_space<vmem>>
          tpu.wait_dma2 semaphore(%arg13 : memref<!tpu.dma_semaphore, #tpu.memory_space<semaphore_mem>>) src(%dma_wait3A_1038 : memref<1024xf32, #tpu.memory_space<vmem>>) dst(%dma_wait3A_1036 : memref<1024xf32, #tpu.memory_space<hbm>>)
          %dma_wait3A_1039 = arith.constant 0 : i32
          %dma_wait3A_1040 = tpu.memref_slice %arg9[%dma_wait3A_1039] : memref<4096xf32, #tpu.memory_space<vmem>> -> memref<1024xf32, #tpu.memory_space<vmem>>
          %dma_wait3A_1041 = arith.constant 0 : i32
          %dma_wait3A_1042 = tpu.memref_slice %arg4[%dma_wait3A_1041] : memref<26214400xf32, #tpu.memory_space<hbm>> -> memref<1024xf32, #tpu.memory_space<hbm>>
          %dma_wait3A_1043 = arith.constant 0 : i32
          %dma_wait3A_1044 = tpu.memref_slice %arg4[%dma_wait3A_1043] : memref<26214400xf32, #tpu.memory_space<hbm>> -> memref<1024xf32, #tpu.memory_space<hbm>>
          %dma_wait3A_1045 = arith.constant 0 : i32
          %dma_wait3A_1046 = tpu.memref_slice %arg9[%dma_wait3A_1045] : memref<4096xf32, #tpu.memory_space<vmem>> -> memref<1024xf32, #tpu.memory_space<vmem>>
          tpu.wait_dma2 semaphore(%arg13 : memref<!tpu.dma_semaphore, #tpu.memory_space<semaphore_mem>>) src(%dma_wait3A_1046 : memref<1024xf32, #tpu.memory_space<vmem>>) dst(%dma_wait3A_1044 : memref<1024xf32, #tpu.memory_space<hbm>>)
        } else {
        }
        %parallel_loop3A_870 = arith.constant 0 : i32
        %parallel_loop3A_871 = arith.constant 32 : i32
        %parallel_loop3A_872 = arith.constant 1 : i32
        scf.for %parallel_loop3A_1015 = %parallel_loop3A_870 to %parallel_loop3A_871 step %parallel_loop3A_872  : i32 {
          %parallel_loop3A_1016 = arith.constant 0 : i32
          %parallel_loop3A_1017 = vector.broadcast %parallel_loop3A_1016 : i32 to vector<16xi32>
          %parallel_loop3A_1018 = vector.broadcast %parallel_loop3A_1015 : i32 to vector<16xi32>
          %parallel_loop3A_1019 = arith.addi %parallel_loop3A_1017, %parallel_loop3A_1018 : vector<16xi32>
          %parallel_loop3A_1020 = arith.constant 384 : i32
          %parallel_loop3A_1021 = vector.broadcast %parallel_loop3A_1020 : i32 to vector<16xi32>
          %parallel_loop3A_1022 = arith.addi %add3A_103, %parallel_loop3A_1021 : vector<16xi32>
          %parallel_loop3A_1023 = tpu.vector_load_idx %arg8[%parallel_loop3A_1022, %parallel_loop3A_1019] : memref<640x32xf32, #tpu.memory_space<vmem>>[vector<16xi32>, vector<16xi32>], vector<16xf32>,
          %parallel_loop3A_1024 = arith.constant 384 : i32
          %parallel_loop3A_1025 = vector.broadcast %parallel_loop3A_1024 : i32 to vector<16xi32>
          %parallel_loop3A_1026 = arith.addi %add3A_106, %parallel_loop3A_1025 : vector<16xi32>
          %parallel_loop3A_1027 = tpu.vector_load_idx %arg8[%parallel_loop3A_1026, %parallel_loop3A_1019] : memref<640x32xf32, #tpu.memory_space<vmem>>[vector<16xi32>, vector<16xi32>], vector<16xf32>,
          %parallel_loop3A_1028 = arith.constant 384 : i32
          %parallel_loop3A_1029 = vector.broadcast %parallel_loop3A_1028 : i32 to vector<16xi32>
          %parallel_loop3A_1030 = arith.addi %add3A_109, %parallel_loop3A_1029 : vector<16xi32>
          %parallel_loop3A_1031 = tpu.vector_load_idx %arg8[%parallel_loop3A_1030, %parallel_loop3A_1019] : memref<640x32xf32, #tpu.memory_space<vmem>>[vector<16xi32>, vector<16xi32>], vector<16xf32>,
          %parallel_loop3A_1032 = arith.constant 384 : i32
          %parallel_loop3A_1033 = vector.broadcast %parallel_loop3A_1032 : i32 to vector<16xi32>
          %parallel_loop3A_1034 = arith.addi %add3A_112, %parallel_loop3A_1033 : vector<16xi32>
          %parallel_loop3A_1035 = tpu.vector_load_idx %arg8[%parallel_loop3A_1034, %parallel_loop3A_1019] : memref<640x32xf32, #tpu.memory_space<vmem>>[vector<16xi32>, vector<16xi32>], vector<16xf32>,
          %parallel_loop3A_1036 = arith.constant 384 : i32
          %parallel_loop3A_1037 = vector.broadcast %parallel_loop3A_1036 : i32 to vector<16xi32>
          %parallel_loop3A_1038 = arith.addi %add3A_115, %parallel_loop3A_1037 : vector<16xi32>
          %parallel_loop3A_1039 = tpu.vector_load_idx %arg8[%parallel_loop3A_1038, %parallel_loop3A_1019] : memref<640x32xf32, #tpu.memory_space<vmem>>[vector<16xi32>, vector<16xi32>], vector<16xf32>,
          %parallel_loop3A_1040 = arith.constant 384 : i32
          %parallel_loop3A_1041 = vector.broadcast %parallel_loop3A_1040 : i32 to vector<16xi32>
          %parallel_loop3A_1042 = arith.addi %add3A_118, %parallel_loop3A_1041 : vector<16xi32>
          %parallel_loop3A_1043 = tpu.vector_load_idx %arg8[%parallel_loop3A_1042, %parallel_loop3A_1019] : memref<640x32xf32, #tpu.memory_space<vmem>>[vector<16xi32>, vector<16xi32>], vector<16xf32>,
          %parallel_loop3A_1044 = arith.constant 384 : i32
          %parallel_loop3A_1045 = vector.broadcast %parallel_loop3A_1044 : i32 to vector<16xi32>
          %parallel_loop3A_1046 = arith.addi %add3A_121, %parallel_loop3A_1045 : vector<16xi32>
          %parallel_loop3A_1047 = tpu.vector_load_idx %arg8[%parallel_loop3A_1046, %parallel_loop3A_1019] : memref<640x32xf32, #tpu.memory_space<vmem>>[vector<16xi32>, vector<16xi32>], vector<16xf32>,
          %parallel_loop3A_1048 = arith.constant 384 : i32
          %parallel_loop3A_1049 = vector.broadcast %parallel_loop3A_1048 : i32 to vector<16xi32>
          %parallel_loop3A_1050 = arith.addi %add3A_124, %parallel_loop3A_1049 : vector<16xi32>
          %parallel_loop3A_1051 = tpu.vector_load_idx %arg8[%parallel_loop3A_1050, %parallel_loop3A_1019] : memref<640x32xf32, #tpu.memory_space<vmem>>[vector<16xi32>, vector<16xi32>], vector<16xf32>,
          %parallel_loop3A_1052 = arith.constant 128 : i32
          %parallel_loop3A_1053 = arith.muli %parallel_loop3A_1015, %parallel_loop3A_1052 : i32
          %parallel_loop3A_1054 = arith.constant 0 : i32
          %parallel_loop3A_1055 = arith.addi %parallel_loop3A_1053, %parallel_loop3A_1054 : i32
          %parallel_loop3A_1056 = arith.index_cast %parallel_loop3A_1055 : i32 to index
          %parallel_loop3A_1057 = tpu.vector_load %arg9[%parallel_loop3A_1056] {strides = array<i32>} : memref<4096xf32, #tpu.memory_space<vmem>>, vector<16xf32>,
          tpu.vector_store %arg9[%parallel_loop3A_1056], %parallel_loop3A_1023 {strides = array<i32>} : memref<4096xf32, #tpu.memory_space<vmem>>, vector<16xf32>,
          %parallel_loop3A_1058 = arith.constant 128 : i32
          %parallel_loop3A_1059 = arith.muli %parallel_loop3A_1015, %parallel_loop3A_1058 : i32
          %parallel_loop3A_1060 = arith.constant 16 : i32
          %parallel_loop3A_1061 = arith.addi %parallel_loop3A_1059, %parallel_loop3A_1060 : i32
          %parallel_loop3A_1062 = arith.index_cast %parallel_loop3A_1061 : i32 to index
          %parallel_loop3A_1063 = tpu.vector_load %arg9[%parallel_loop3A_1062] {strides = array<i32>} : memref<4096xf32, #tpu.memory_space<vmem>>, vector<16xf32>,
          tpu.vector_store %arg9[%parallel_loop3A_1062], %parallel_loop3A_1027 {strides = array<i32>} : memref<4096xf32, #tpu.memory_space<vmem>>, vector<16xf32>,
          %parallel_loop3A_1064 = arith.constant 128 : i32
          %parallel_loop3A_1065 = arith.muli %parallel_loop3A_1015, %parallel_loop3A_1064 : i32
          %parallel_loop3A_1066 = arith.constant 32 : i32
          %parallel_loop3A_1067 = arith.addi %parallel_loop3A_1065, %parallel_loop3A_1066 : i32
          %parallel_loop3A_1068 = arith.index_cast %parallel_loop3A_1067 : i32 to index
          %parallel_loop3A_1069 = tpu.vector_load %arg9[%parallel_loop3A_1068] {strides = array<i32>} : memref<4096xf32, #tpu.memory_space<vmem>>, vector<16xf32>,
          tpu.vector_store %arg9[%parallel_loop3A_1068], %parallel_loop3A_1031 {strides = array<i32>} : memref<4096xf32, #tpu.memory_space<vmem>>, vector<16xf32>,
          %parallel_loop3A_1070 = arith.constant 128 : i32
          %parallel_loop3A_1071 = arith.muli %parallel_loop3A_1015, %parallel_loop3A_1070 : i32
          %parallel_loop3A_1072 = arith.constant 48 : i32
          %parallel_loop3A_1073 = arith.addi %parallel_loop3A_1071, %parallel_loop3A_1072 : i32
          %parallel_loop3A_1074 = arith.index_cast %parallel_loop3A_1073 : i32 to index
          %parallel_loop3A_1075 = tpu.vector_load %arg9[%parallel_loop3A_1074] {strides = array<i32>} : memref<4096xf32, #tpu.memory_space<vmem>>, vector<16xf32>,
          tpu.vector_store %arg9[%parallel_loop3A_1074], %parallel_loop3A_1035 {strides = array<i32>} : memref<4096xf32, #tpu.memory_space<vmem>>, vector<16xf32>,
          %parallel_loop3A_1076 = arith.constant 128 : i32
          %parallel_loop3A_1077 = arith.muli %parallel_loop3A_1015, %parallel_loop3A_1076 : i32
          %parallel_loop3A_1078 = arith.constant 64 : i32
          %parallel_loop3A_1079 = arith.addi %parallel_loop3A_1077, %parallel_loop3A_1078 : i32
          %parallel_loop3A_1080 = arith.index_cast %parallel_loop3A_1079 : i32 to index
          %parallel_loop3A_1081 = tpu.vector_load %arg9[%parallel_loop3A_1080] {strides = array<i32>} : memref<4096xf32, #tpu.memory_space<vmem>>, vector<16xf32>,
          tpu.vector_store %arg9[%parallel_loop3A_1080], %parallel_loop3A_1039 {strides = array<i32>} : memref<4096xf32, #tpu.memory_space<vmem>>, vector<16xf32>,
          %parallel_loop3A_1082 = arith.constant 128 : i32
          %parallel_loop3A_1083 = arith.muli %parallel_loop3A_1015, %parallel_loop3A_1082 : i32
          %parallel_loop3A_1084 = arith.constant 80 : i32
          %parallel_loop3A_1085 = arith.addi %parallel_loop3A_1083, %parallel_loop3A_1084 : i32
          %parallel_loop3A_1086 = arith.index_cast %parallel_loop3A_1085 : i32 to index
          %parallel_loop3A_1087 = tpu.vector_load %arg9[%parallel_loop3A_1086] {strides = array<i32>} : memref<4096xf32, #tpu.memory_space<vmem>>, vector<16xf32>,
          tpu.vector_store %arg9[%parallel_loop3A_1086], %parallel_loop3A_1043 {strides = array<i32>} : memref<4096xf32, #tpu.memory_space<vmem>>, vector<16xf32>,
          %parallel_loop3A_1088 = arith.constant 128 : i32
          %parallel_loop3A_1089 = arith.muli %parallel_loop3A_1015, %parallel_loop3A_1088 : i32
          %parallel_loop3A_1090 = arith.constant 96 : i32
          %parallel_loop3A_1091 = arith.addi %parallel_loop3A_1089, %parallel_loop3A_1090 : i32
          %parallel_loop3A_1092 = arith.index_cast %parallel_loop3A_1091 : i32 to index
          %parallel_loop3A_1093 = tpu.vector_load %arg9[%parallel_loop3A_1092] {strides = array<i32>} : memref<4096xf32, #tpu.memory_space<vmem>>, vector<16xf32>,
          tpu.vector_store %arg9[%parallel_loop3A_1092], %parallel_loop3A_1047 {strides = array<i32>} : memref<4096xf32, #tpu.memory_space<vmem>>, vector<16xf32>,
          %parallel_loop3A_1094 = arith.constant 128 : i32
          %parallel_loop3A_1095 = arith.muli %parallel_loop3A_1015, %parallel_loop3A_1094 : i32
          %parallel_loop3A_1096 = arith.constant 112 : i32
          %parallel_loop3A_1097 = arith.addi %parallel_loop3A_1095, %parallel_loop3A_1096 : i32
          %parallel_loop3A_1098 = arith.index_cast %parallel_loop3A_1097 : i32 to index
          %parallel_loop3A_1099 = tpu.vector_load %arg9[%parallel_loop3A_1098] {strides = array<i32>} : memref<4096xf32, #tpu.memory_space<vmem>>, vector<16xf32>,
          tpu.vector_store %arg9[%parallel_loop3A_1098], %parallel_loop3A_1051 {strides = array<i32>} : memref<4096xf32, #tpu.memory_space<vmem>>, vector<16xf32>,
        } {sc.loop_unroll_factor = 4 : i64, sc.parallel_access}
        %mul3A_873 = arith.constant 5 : i32
        %mul3A_874 = arith.muli %add3A_614, %mul3A_873 : i32
        %add3A_875 = arith.constant 3 : i32
        %add3A_876 = arith.addi %mul3A_874, %add3A_875 : i32
        %mul3A_877 = arith.constant 4 : i32
        %mul3A_878 = arith.muli %add3A_876, %mul3A_877 : i32
        %add3A_879 = arith.constant 0 : i32
        %add3A_880 = arith.addi %mul3A_878, %add3A_879 : i32
        %mul3A_881 = arith.constant 131072 : i32
        %mul3A_882 = arith.muli %add3A_880, %mul3A_881 : i32
        %mul3A_883 = arith.constant 1024 : i32
        %mul3A_884 = arith.muli %add3A_133, %mul3A_883 : i32
        %add3A_885 = arith.addi %mul3A_882, %mul3A_884 : i32
        %dma_start3A_886 = arith.constant 0 : i32
        %dma_start3A_887 = tpu.memref_slice %arg9[%dma_start3A_886] : memref<4096xf32, #tpu.memory_space<vmem>> -> memref<1024xf32, #tpu.memory_space<vmem>>
        %dma_start3A_888 = tpu.memref_slice %arg4[%add3A_885] : memref<26214400xf32, #tpu.memory_space<hbm>> -> memref<1024xf32, #tpu.memory_space<hbm>>
        %dma_start3A_889 = tpu.memref_slice %arg4[%add3A_885] : memref<26214400xf32, #tpu.memory_space<hbm>> -> memref<1024xf32, #tpu.memory_space<hbm>>
        %dma_start3A_890 = arith.constant 0 : i32
        %dma_start3A_891 = tpu.memref_slice %arg9[%dma_start3A_890] : memref<4096xf32, #tpu.memory_space<vmem>> -> memref<1024xf32, #tpu.memory_space<vmem>>
        tpu.enqueue_dma source(%dma_start3A_891 : memref<1024xf32, #tpu.memory_space<vmem>>) target(%dma_start3A_889 : memref<1024xf32, #tpu.memory_space<hbm>>) target_semaphore(%arg13 : memref<!tpu.dma_semaphore, #tpu.memory_space<semaphore_mem>>)
        %mul3A_892 = arith.constant 4 : i32
        %mul3A_893 = arith.muli %add3A_876, %mul3A_892 : i32
        %add3A_894 = arith.constant 1 : i32
        %add3A_895 = arith.addi %mul3A_893, %add3A_894 : i32
        %mul3A_896 = arith.constant 131072 : i32
        %mul3A_897 = arith.muli %add3A_895, %mul3A_896 : i32
        %mul3A_898 = arith.constant 1024 : i32
        %mul3A_899 = arith.muli %add3A_133, %mul3A_898 : i32
        %add3A_900 = arith.addi %mul3A_897, %mul3A_899 : i32
        %dma_start3A_901 = arith.constant 1024 : i32
        %dma_start3A_902 = tpu.memref_slice %arg9[%dma_start3A_901] : memref<4096xf32, #tpu.memory_space<vmem>> -> memref<1024xf32, #tpu.memory_space<vmem>>
        %dma_start3A_903 = tpu.memref_slice %arg4[%add3A_900] : memref<26214400xf32, #tpu.memory_space<hbm>> -> memref<1024xf32, #tpu.memory_space<hbm>>
        %dma_start3A_904 = tpu.memref_slice %arg4[%add3A_900] : memref<26214400xf32, #tpu.memory_space<hbm>> -> memref<1024xf32, #tpu.memory_space<hbm>>
        %dma_start3A_905 = arith.constant 1024 : i32
        %dma_start3A_906 = tpu.memref_slice %arg9[%dma_start3A_905] : memref<4096xf32, #tpu.memory_space<vmem>> -> memref<1024xf32, #tpu.memory_space<vmem>>
        tpu.enqueue_dma source(%dma_start3A_906 : memref<1024xf32, #tpu.memory_space<vmem>>) target(%dma_start3A_904 : memref<1024xf32, #tpu.memory_space<hbm>>) target_semaphore(%arg13 : memref<!tpu.dma_semaphore, #tpu.memory_space<semaphore_mem>>)
        %mul3A_907 = arith.constant 4 : i32
        %mul3A_908 = arith.muli %add3A_876, %mul3A_907 : i32
        %add3A_909 = arith.constant 2 : i32
        %add3A_910 = arith.addi %mul3A_908, %add3A_909 : i32
        %mul3A_911 = arith.constant 131072 : i32
        %mul3A_912 = arith.muli %add3A_910, %mul3A_911 : i32
        %mul3A_913 = arith.constant 1024 : i32
        %mul3A_914 = arith.muli %add3A_133, %mul3A_913 : i32
        %add3A_915 = arith.addi %mul3A_912, %mul3A_914 : i32
        %dma_start3A_916 = arith.constant 2048 : i32
        %dma_start3A_917 = tpu.memref_slice %arg9[%dma_start3A_916] : memref<4096xf32, #tpu.memory_space<vmem>> -> memref<1024xf32, #tpu.memory_space<vmem>>
        %dma_start3A_918 = tpu.memref_slice %arg4[%add3A_915] : memref<26214400xf32, #tpu.memory_space<hbm>> -> memref<1024xf32, #tpu.memory_space<hbm>>
        %dma_start3A_919 = tpu.memref_slice %arg4[%add3A_915] : memref<26214400xf32, #tpu.memory_space<hbm>> -> memref<1024xf32, #tpu.memory_space<hbm>>
        %dma_start3A_920 = arith.constant 2048 : i32
        %dma_start3A_921 = tpu.memref_slice %arg9[%dma_start3A_920] : memref<4096xf32, #tpu.memory_space<vmem>> -> memref<1024xf32, #tpu.memory_space<vmem>>
        tpu.enqueue_dma source(%dma_start3A_921 : memref<1024xf32, #tpu.memory_space<vmem>>) target(%dma_start3A_919 : memref<1024xf32, #tpu.memory_space<hbm>>) target_semaphore(%arg13 : memref<!tpu.dma_semaphore, #tpu.memory_space<semaphore_mem>>)
        %mul3A_922 = arith.constant 4 : i32
        %mul3A_923 = arith.muli %add3A_876, %mul3A_922 : i32
        %add3A_924 = arith.constant 3 : i32
        %add3A_925 = arith.addi %mul3A_923, %add3A_924 : i32
        %mul3A_926 = arith.constant 131072 : i32
        %mul3A_927 = arith.muli %add3A_925, %mul3A_926 : i32
        %mul3A_928 = arith.constant 1024 : i32
        %mul3A_929 = arith.muli %add3A_133, %mul3A_928 : i32
        %add3A_930 = arith.addi %mul3A_927, %mul3A_929 : i32
        %dma_start3A_931 = arith.constant 3072 : i32
        %dma_start3A_932 = tpu.memref_slice %arg9[%dma_start3A_931] : memref<4096xf32, #tpu.memory_space<vmem>> -> memref<1024xf32, #tpu.memory_space<vmem>>
        %dma_start3A_933 = tpu.memref_slice %arg4[%add3A_930] : memref<26214400xf32, #tpu.memory_space<hbm>> -> memref<1024xf32, #tpu.memory_space<hbm>>
        %dma_start3A_934 = tpu.memref_slice %arg4[%add3A_930] : memref<26214400xf32, #tpu.memory_space<hbm>> -> memref<1024xf32, #tpu.memory_space<hbm>>
        %dma_start3A_935 = arith.constant 3072 : i32
        %dma_start3A_936 = tpu.memref_slice %arg9[%dma_start3A_935] : memref<4096xf32, #tpu.memory_space<vmem>> -> memref<1024xf32, #tpu.memory_space<vmem>>
        tpu.enqueue_dma source(%dma_start3A_936 : memref<1024xf32, #tpu.memory_space<vmem>>) target(%dma_start3A_934 : memref<1024xf32, #tpu.memory_space<hbm>>) target_semaphore(%arg13 : memref<!tpu.dma_semaphore, #tpu.memory_space<semaphore_mem>>)
        %mul3A_937 = arith.constant 5 : i32
        %mul3A_938 = arith.muli %add3A_614, %mul3A_937 : i32
        %add3A_939 = arith.constant 0 : i32
        %add3A_940 = arith.addi %add3A_939, %mul3A_938 : i32
        %add3A_941 = arith.constant 4 : i32
        %add3A_942 = arith.addi %add3A_940, %add3A_941 : i32
        %ge3A_943 = arith.constant 2 : i32
        %ge3A_944 = arith.cmpi sge, %add3A_942, %ge3A_943 : i32
        %convert_element_type3A_945 = arith.extui %ge3A_944 : i1 to i32
        %cond3A_946 = arith.constant 0 : i32
        %cond3A_947 = arith.cmpi ne, %convert_element_type3A_945, %cond3A_946 : i32
        scf.if %cond3A_947 {
          %dma_wait3A_1015 = arith.constant 0 : i32
          %dma_wait3A_1016 = tpu.memref_slice %arg10[%dma_wait3A_1015] : memref<4096xf32, #tpu.memory_space<vmem>> -> memref<1024xf32, #tpu.memory_space<vmem>>
          %dma_wait3A_1017 = arith.constant 0 : i32
          %dma_wait3A_1018 = tpu.memref_slice %arg4[%dma_wait3A_1017] : memref<26214400xf32, #tpu.memory_space<hbm>> -> memref<1024xf32, #tpu.memory_space<hbm>>
          %dma_wait3A_1019 = arith.constant 0 : i32
          %dma_wait3A_1020 = tpu.memref_slice %arg4[%dma_wait3A_1019] : memref<26214400xf32, #tpu.memory_space<hbm>> -> memref<1024xf32, #tpu.memory_space<hbm>>
          %dma_wait3A_1021 = arith.constant 0 : i32
          %dma_wait3A_1022 = tpu.memref_slice %arg10[%dma_wait3A_1021] : memref<4096xf32, #tpu.memory_space<vmem>> -> memref<1024xf32, #tpu.memory_space<vmem>>
          tpu.wait_dma2 semaphore(%arg14 : memref<!tpu.dma_semaphore, #tpu.memory_space<semaphore_mem>>) src(%dma_wait3A_1022 : memref<1024xf32, #tpu.memory_space<vmem>>) dst(%dma_wait3A_1020 : memref<1024xf32, #tpu.memory_space<hbm>>)
          %dma_wait3A_1023 = arith.constant 0 : i32
          %dma_wait3A_1024 = tpu.memref_slice %arg10[%dma_wait3A_1023] : memref<4096xf32, #tpu.memory_space<vmem>> -> memref<1024xf32, #tpu.memory_space<vmem>>
          %dma_wait3A_1025 = arith.constant 0 : i32
          %dma_wait3A_1026 = tpu.memref_slice %arg4[%dma_wait3A_1025] : memref<26214400xf32, #tpu.memory_space<hbm>> -> memref<1024xf32, #tpu.memory_space<hbm>>
          %dma_wait3A_1027 = arith.constant 0 : i32
          %dma_wait3A_1028 = tpu.memref_slice %arg4[%dma_wait3A_1027] : memref<26214400xf32, #tpu.memory_space<hbm>> -> memref<1024xf32, #tpu.memory_space<hbm>>
          %dma_wait3A_1029 = arith.constant 0 : i32
          %dma_wait3A_1030 = tpu.memref_slice %arg10[%dma_wait3A_1029] : memref<4096xf32, #tpu.memory_space<vmem>> -> memref<1024xf32, #tpu.memory_space<vmem>>
          tpu.wait_dma2 semaphore(%arg14 : memref<!tpu.dma_semaphore, #tpu.memory_space<semaphore_mem>>) src(%dma_wait3A_1030 : memref<1024xf32, #tpu.memory_space<vmem>>) dst(%dma_wait3A_1028 : memref<1024xf32, #tpu.memory_space<hbm>>)
          %dma_wait3A_1031 = arith.constant 0 : i32
          %dma_wait3A_1032 = tpu.memref_slice %arg10[%dma_wait3A_1031] : memref<4096xf32, #tpu.memory_space<vmem>> -> memref<1024xf32, #tpu.memory_space<vmem>>
          %dma_wait3A_1033 = arith.constant 0 : i32
          %dma_wait3A_1034 = tpu.memref_slice %arg4[%dma_wait3A_1033] : memref<26214400xf32, #tpu.memory_space<hbm>> -> memref<1024xf32, #tpu.memory_space<hbm>>
          %dma_wait3A_1035 = arith.constant 0 : i32
          %dma_wait3A_1036 = tpu.memref_slice %arg4[%dma_wait3A_1035] : memref<26214400xf32, #tpu.memory_space<hbm>> -> memref<1024xf32, #tpu.memory_space<hbm>>
          %dma_wait3A_1037 = arith.constant 0 : i32
          %dma_wait3A_1038 = tpu.memref_slice %arg10[%dma_wait3A_1037] : memref<4096xf32, #tpu.memory_space<vmem>> -> memref<1024xf32, #tpu.memory_space<vmem>>
          tpu.wait_dma2 semaphore(%arg14 : memref<!tpu.dma_semaphore, #tpu.memory_space<semaphore_mem>>) src(%dma_wait3A_1038 : memref<1024xf32, #tpu.memory_space<vmem>>) dst(%dma_wait3A_1036 : memref<1024xf32, #tpu.memory_space<hbm>>)
          %dma_wait3A_1039 = arith.constant 0 : i32
          %dma_wait3A_1040 = tpu.memref_slice %arg10[%dma_wait3A_1039] : memref<4096xf32, #tpu.memory_space<vmem>> -> memref<1024xf32, #tpu.memory_space<vmem>>
          %dma_wait3A_1041 = arith.constant 0 : i32
          %dma_wait3A_1042 = tpu.memref_slice %arg4[%dma_wait3A_1041] : memref<26214400xf32, #tpu.memory_space<hbm>> -> memref<1024xf32, #tpu.memory_space<hbm>>
          %dma_wait3A_1043 = arith.constant 0 : i32
          %dma_wait3A_1044 = tpu.memref_slice %arg4[%dma_wait3A_1043] : memref<26214400xf32, #tpu.memory_space<hbm>> -> memref<1024xf32, #tpu.memory_space<hbm>>
          %dma_wait3A_1045 = arith.constant 0 : i32
          %dma_wait3A_1046 = tpu.memref_slice %arg10[%dma_wait3A_1045] : memref<4096xf32, #tpu.memory_space<vmem>> -> memref<1024xf32, #tpu.memory_space<vmem>>
          tpu.wait_dma2 semaphore(%arg14 : memref<!tpu.dma_semaphore, #tpu.memory_space<semaphore_mem>>) src(%dma_wait3A_1046 : memref<1024xf32, #tpu.memory_space<vmem>>) dst(%dma_wait3A_1044 : memref<1024xf32, #tpu.memory_space<hbm>>)
        } else {
        }
        %parallel_loop3A_948 = arith.constant 0 : i32
        %parallel_loop3A_949 = arith.constant 32 : i32
        %parallel_loop3A_950 = arith.constant 1 : i32
        scf.for %parallel_loop3A_1015 = %parallel_loop3A_948 to %parallel_loop3A_949 step %parallel_loop3A_950  : i32 {
          %parallel_loop3A_1016 = arith.constant 0 : i32
          %parallel_loop3A_1017 = vector.broadcast %parallel_loop3A_1016 : i32 to vector<16xi32>
          %parallel_loop3A_1018 = vector.broadcast %parallel_loop3A_1015 : i32 to vector<16xi32>
          %parallel_loop3A_1019 = arith.addi %parallel_loop3A_1017, %parallel_loop3A_1018 : vector<16xi32>
          %parallel_loop3A_1020 = arith.constant 512 : i32
          %parallel_loop3A_1021 = vector.broadcast %parallel_loop3A_1020 : i32 to vector<16xi32>
          %parallel_loop3A_1022 = arith.addi %add3A_103, %parallel_loop3A_1021 : vector<16xi32>
          %parallel_loop3A_1023 = tpu.vector_load_idx %arg8[%parallel_loop3A_1022, %parallel_loop3A_1019] : memref<640x32xf32, #tpu.memory_space<vmem>>[vector<16xi32>, vector<16xi32>], vector<16xf32>,
          %parallel_loop3A_1024 = arith.constant 512 : i32
          %parallel_loop3A_1025 = vector.broadcast %parallel_loop3A_1024 : i32 to vector<16xi32>
          %parallel_loop3A_1026 = arith.addi %add3A_106, %parallel_loop3A_1025 : vector<16xi32>
          %parallel_loop3A_1027 = tpu.vector_load_idx %arg8[%parallel_loop3A_1026, %parallel_loop3A_1019] : memref<640x32xf32, #tpu.memory_space<vmem>>[vector<16xi32>, vector<16xi32>], vector<16xf32>,
          %parallel_loop3A_1028 = arith.constant 512 : i32
          %parallel_loop3A_1029 = vector.broadcast %parallel_loop3A_1028 : i32 to vector<16xi32>
          %parallel_loop3A_1030 = arith.addi %add3A_109, %parallel_loop3A_1029 : vector<16xi32>
          %parallel_loop3A_1031 = tpu.vector_load_idx %arg8[%parallel_loop3A_1030, %parallel_loop3A_1019] : memref<640x32xf32, #tpu.memory_space<vmem>>[vector<16xi32>, vector<16xi32>], vector<16xf32>,
          %parallel_loop3A_1032 = arith.constant 512 : i32
          %parallel_loop3A_1033 = vector.broadcast %parallel_loop3A_1032 : i32 to vector<16xi32>
          %parallel_loop3A_1034 = arith.addi %add3A_112, %parallel_loop3A_1033 : vector<16xi32>
          %parallel_loop3A_1035 = tpu.vector_load_idx %arg8[%parallel_loop3A_1034, %parallel_loop3A_1019] : memref<640x32xf32, #tpu.memory_space<vmem>>[vector<16xi32>, vector<16xi32>], vector<16xf32>,
          %parallel_loop3A_1036 = arith.constant 512 : i32
          %parallel_loop3A_1037 = vector.broadcast %parallel_loop3A_1036 : i32 to vector<16xi32>
          %parallel_loop3A_1038 = arith.addi %add3A_115, %parallel_loop3A_1037 : vector<16xi32>
          %parallel_loop3A_1039 = tpu.vector_load_idx %arg8[%parallel_loop3A_1038, %parallel_loop3A_1019] : memref<640x32xf32, #tpu.memory_space<vmem>>[vector<16xi32>, vector<16xi32>], vector<16xf32>,
          %parallel_loop3A_1040 = arith.constant 512 : i32
          %parallel_loop3A_1041 = vector.broadcast %parallel_loop3A_1040 : i32 to vector<16xi32>
          %parallel_loop3A_1042 = arith.addi %add3A_118, %parallel_loop3A_1041 : vector<16xi32>
          %parallel_loop3A_1043 = tpu.vector_load_idx %arg8[%parallel_loop3A_1042, %parallel_loop3A_1019] : memref<640x32xf32, #tpu.memory_space<vmem>>[vector<16xi32>, vector<16xi32>], vector<16xf32>,
          %parallel_loop3A_1044 = arith.constant 512 : i32
          %parallel_loop3A_1045 = vector.broadcast %parallel_loop3A_1044 : i32 to vector<16xi32>
          %parallel_loop3A_1046 = arith.addi %add3A_121, %parallel_loop3A_1045 : vector<16xi32>
          %parallel_loop3A_1047 = tpu.vector_load_idx %arg8[%parallel_loop3A_1046, %parallel_loop3A_1019] : memref<640x32xf32, #tpu.memory_space<vmem>>[vector<16xi32>, vector<16xi32>], vector<16xf32>,
          %parallel_loop3A_1048 = arith.constant 512 : i32
          %parallel_loop3A_1049 = vector.broadcast %parallel_loop3A_1048 : i32 to vector<16xi32>
          %parallel_loop3A_1050 = arith.addi %add3A_124, %parallel_loop3A_1049 : vector<16xi32>
          %parallel_loop3A_1051 = tpu.vector_load_idx %arg8[%parallel_loop3A_1050, %parallel_loop3A_1019] : memref<640x32xf32, #tpu.memory_space<vmem>>[vector<16xi32>, vector<16xi32>], vector<16xf32>,
          %parallel_loop3A_1052 = arith.constant 128 : i32
          %parallel_loop3A_1053 = arith.muli %parallel_loop3A_1015, %parallel_loop3A_1052 : i32
          %parallel_loop3A_1054 = arith.constant 0 : i32
          %parallel_loop3A_1055 = arith.addi %parallel_loop3A_1053, %parallel_loop3A_1054 : i32
          %parallel_loop3A_1056 = arith.index_cast %parallel_loop3A_1055 : i32 to index
          %parallel_loop3A_1057 = tpu.vector_load %arg10[%parallel_loop3A_1056] {strides = array<i32>} : memref<4096xf32, #tpu.memory_space<vmem>>, vector<16xf32>,
          tpu.vector_store %arg10[%parallel_loop3A_1056], %parallel_loop3A_1023 {strides = array<i32>} : memref<4096xf32, #tpu.memory_space<vmem>>, vector<16xf32>,
          %parallel_loop3A_1058 = arith.constant 128 : i32
          %parallel_loop3A_1059 = arith.muli %parallel_loop3A_1015, %parallel_loop3A_1058 : i32
          %parallel_loop3A_1060 = arith.constant 16 : i32
          %parallel_loop3A_1061 = arith.addi %parallel_loop3A_1059, %parallel_loop3A_1060 : i32
          %parallel_loop3A_1062 = arith.index_cast %parallel_loop3A_1061 : i32 to index
          %parallel_loop3A_1063 = tpu.vector_load %arg10[%parallel_loop3A_1062] {strides = array<i32>} : memref<4096xf32, #tpu.memory_space<vmem>>, vector<16xf32>,
          tpu.vector_store %arg10[%parallel_loop3A_1062], %parallel_loop3A_1027 {strides = array<i32>} : memref<4096xf32, #tpu.memory_space<vmem>>, vector<16xf32>,
          %parallel_loop3A_1064 = arith.constant 128 : i32
          %parallel_loop3A_1065 = arith.muli %parallel_loop3A_1015, %parallel_loop3A_1064 : i32
          %parallel_loop3A_1066 = arith.constant 32 : i32
          %parallel_loop3A_1067 = arith.addi %parallel_loop3A_1065, %parallel_loop3A_1066 : i32
          %parallel_loop3A_1068 = arith.index_cast %parallel_loop3A_1067 : i32 to index
          %parallel_loop3A_1069 = tpu.vector_load %arg10[%parallel_loop3A_1068] {strides = array<i32>} : memref<4096xf32, #tpu.memory_space<vmem>>, vector<16xf32>,
          tpu.vector_store %arg10[%parallel_loop3A_1068], %parallel_loop3A_1031 {strides = array<i32>} : memref<4096xf32, #tpu.memory_space<vmem>>, vector<16xf32>,
          %parallel_loop3A_1070 = arith.constant 128 : i32
          %parallel_loop3A_1071 = arith.muli %parallel_loop3A_1015, %parallel_loop3A_1070 : i32
          %parallel_loop3A_1072 = arith.constant 48 : i32
          %parallel_loop3A_1073 = arith.addi %parallel_loop3A_1071, %parallel_loop3A_1072 : i32
          %parallel_loop3A_1074 = arith.index_cast %parallel_loop3A_1073 : i32 to index
          %parallel_loop3A_1075 = tpu.vector_load %arg10[%parallel_loop3A_1074] {strides = array<i32>} : memref<4096xf32, #tpu.memory_space<vmem>>, vector<16xf32>,
          tpu.vector_store %arg10[%parallel_loop3A_1074], %parallel_loop3A_1035 {strides = array<i32>} : memref<4096xf32, #tpu.memory_space<vmem>>, vector<16xf32>,
          %parallel_loop3A_1076 = arith.constant 128 : i32
          %parallel_loop3A_1077 = arith.muli %parallel_loop3A_1015, %parallel_loop3A_1076 : i32
          %parallel_loop3A_1078 = arith.constant 64 : i32
          %parallel_loop3A_1079 = arith.addi %parallel_loop3A_1077, %parallel_loop3A_1078 : i32
          %parallel_loop3A_1080 = arith.index_cast %parallel_loop3A_1079 : i32 to index
          %parallel_loop3A_1081 = tpu.vector_load %arg10[%parallel_loop3A_1080] {strides = array<i32>} : memref<4096xf32, #tpu.memory_space<vmem>>, vector<16xf32>,
          tpu.vector_store %arg10[%parallel_loop3A_1080], %parallel_loop3A_1039 {strides = array<i32>} : memref<4096xf32, #tpu.memory_space<vmem>>, vector<16xf32>,
          %parallel_loop3A_1082 = arith.constant 128 : i32
          %parallel_loop3A_1083 = arith.muli %parallel_loop3A_1015, %parallel_loop3A_1082 : i32
          %parallel_loop3A_1084 = arith.constant 80 : i32
          %parallel_loop3A_1085 = arith.addi %parallel_loop3A_1083, %parallel_loop3A_1084 : i32
          %parallel_loop3A_1086 = arith.index_cast %parallel_loop3A_1085 : i32 to index
          %parallel_loop3A_1087 = tpu.vector_load %arg10[%parallel_loop3A_1086] {strides = array<i32>} : memref<4096xf32, #tpu.memory_space<vmem>>, vector<16xf32>,
          tpu.vector_store %arg10[%parallel_loop3A_1086], %parallel_loop3A_1043 {strides = array<i32>} : memref<4096xf32, #tpu.memory_space<vmem>>, vector<16xf32>,
          %parallel_loop3A_1088 = arith.constant 128 : i32
          %parallel_loop3A_1089 = arith.muli %parallel_loop3A_1015, %parallel_loop3A_1088 : i32
          %parallel_loop3A_1090 = arith.constant 96 : i32
          %parallel_loop3A_1091 = arith.addi %parallel_loop3A_1089, %parallel_loop3A_1090 : i32
          %parallel_loop3A_1092 = arith.index_cast %parallel_loop3A_1091 : i32 to index
          %parallel_loop3A_1093 = tpu.vector_load %arg10[%parallel_loop3A_1092] {strides = array<i32>} : memref<4096xf32, #tpu.memory_space<vmem>>, vector<16xf32>,
          tpu.vector_store %arg10[%parallel_loop3A_1092], %parallel_loop3A_1047 {strides = array<i32>} : memref<4096xf32, #tpu.memory_space<vmem>>, vector<16xf32>,
          %parallel_loop3A_1094 = arith.constant 128 : i32
          %parallel_loop3A_1095 = arith.muli %parallel_loop3A_1015, %parallel_loop3A_1094 : i32
          %parallel_loop3A_1096 = arith.constant 112 : i32
          %parallel_loop3A_1097 = arith.addi %parallel_loop3A_1095, %parallel_loop3A_1096 : i32
          %parallel_loop3A_1098 = arith.index_cast %parallel_loop3A_1097 : i32 to index
          %parallel_loop3A_1099 = tpu.vector_load %arg10[%parallel_loop3A_1098] {strides = array<i32>} : memref<4096xf32, #tpu.memory_space<vmem>>, vector<16xf32>,
          tpu.vector_store %arg10[%parallel_loop3A_1098], %parallel_loop3A_1051 {strides = array<i32>} : memref<4096xf32, #tpu.memory_space<vmem>>, vector<16xf32>,
        } {sc.loop_unroll_factor = 4 : i64, sc.parallel_access}
        %mul3A_951 = arith.constant 5 : i32
        %mul3A_952 = arith.muli %add3A_614, %mul3A_951 : i32
        %add3A_953 = arith.constant 4 : i32
        %add3A_954 = arith.addi %mul3A_952, %add3A_953 : i32
        %mul3A_955 = arith.constant 4 : i32
        %mul3A_956 = arith.muli %add3A_954, %mul3A_955 : i32
        %add3A_957 = arith.constant 0 : i32
        %add3A_958 = arith.addi %mul3A_956, %add3A_957 : i32
        %mul3A_959 = arith.constant 131072 : i32
        %mul3A_960 = arith.muli %add3A_958, %mul3A_959 : i32
        %mul3A_961 = arith.constant 1024 : i32
        %mul3A_962 = arith.muli %add3A_133, %mul3A_961 : i32
        %add3A_963 = arith.addi %mul3A_960, %mul3A_962 : i32
        %dma_start3A_964 = arith.constant 0 : i32
        %dma_start3A_965 = tpu.memref_slice %arg10[%dma_start3A_964] : memref<4096xf32, #tpu.memory_space<vmem>> -> memref<1024xf32, #tpu.memory_space<vmem>>
        %dma_start3A_966 = tpu.memref_slice %arg4[%add3A_963] : memref<26214400xf32, #tpu.memory_space<hbm>> -> memref<1024xf32, #tpu.memory_space<hbm>>
        %dma_start3A_967 = tpu.memref_slice %arg4[%add3A_963] : memref<26214400xf32, #tpu.memory_space<hbm>> -> memref<1024xf32, #tpu.memory_space<hbm>>
        %dma_start3A_968 = arith.constant 0 : i32
        %dma_start3A_969 = tpu.memref_slice %arg10[%dma_start3A_968] : memref<4096xf32, #tpu.memory_space<vmem>> -> memref<1024xf32, #tpu.memory_space<vmem>>
        tpu.enqueue_dma source(%dma_start3A_969 : memref<1024xf32, #tpu.memory_space<vmem>>) target(%dma_start3A_967 : memref<1024xf32, #tpu.memory_space<hbm>>) target_semaphore(%arg14 : memref<!tpu.dma_semaphore, #tpu.memory_space<semaphore_mem>>)
        %mul3A_970 = arith.constant 4 : i32
        %mul3A_971 = arith.muli %add3A_954, %mul3A_970 : i32
        %add3A_972 = arith.constant 1 : i32
        %add3A_973 = arith.addi %mul3A_971, %add3A_972 : i32
        %mul3A_974 = arith.constant 131072 : i32
        %mul3A_975 = arith.muli %add3A_973, %mul3A_974 : i32
        %mul3A_976 = arith.constant 1024 : i32
        %mul3A_977 = arith.muli %add3A_133, %mul3A_976 : i32
        %add3A_978 = arith.addi %mul3A_975, %mul3A_977 : i32
        %dma_start3A_979 = arith.constant 1024 : i32
        %dma_start3A_980 = tpu.memref_slice %arg10[%dma_start3A_979] : memref<4096xf32, #tpu.memory_space<vmem>> -> memref<1024xf32, #tpu.memory_space<vmem>>
        %dma_start3A_981 = tpu.memref_slice %arg4[%add3A_978] : memref<26214400xf32, #tpu.memory_space<hbm>> -> memref<1024xf32, #tpu.memory_space<hbm>>
        %dma_start3A_982 = tpu.memref_slice %arg4[%add3A_978] : memref<26214400xf32, #tpu.memory_space<hbm>> -> memref<1024xf32, #tpu.memory_space<hbm>>
        %dma_start3A_983 = arith.constant 1024 : i32
        %dma_start3A_984 = tpu.memref_slice %arg10[%dma_start3A_983] : memref<4096xf32, #tpu.memory_space<vmem>> -> memref<1024xf32, #tpu.memory_space<vmem>>
        tpu.enqueue_dma source(%dma_start3A_984 : memref<1024xf32, #tpu.memory_space<vmem>>) target(%dma_start3A_982 : memref<1024xf32, #tpu.memory_space<hbm>>) target_semaphore(%arg14 : memref<!tpu.dma_semaphore, #tpu.memory_space<semaphore_mem>>)
        %mul3A_985 = arith.constant 4 : i32
        %mul3A_986 = arith.muli %add3A_954, %mul3A_985 : i32
        %add3A_987 = arith.constant 2 : i32
        %add3A_988 = arith.addi %mul3A_986, %add3A_987 : i32
        %mul3A_989 = arith.constant 131072 : i32
        %mul3A_990 = arith.muli %add3A_988, %mul3A_989 : i32
        %mul3A_991 = arith.constant 1024 : i32
        %mul3A_992 = arith.muli %add3A_133, %mul3A_991 : i32
        %add3A_993 = arith.addi %mul3A_990, %mul3A_992 : i32
        %dma_start3A_994 = arith.constant 2048 : i32
        %dma_start3A_995 = tpu.memref_slice %arg10[%dma_start3A_994] : memref<4096xf32, #tpu.memory_space<vmem>> -> memref<1024xf32, #tpu.memory_space<vmem>>
        %dma_start3A_996 = tpu.memref_slice %arg4[%add3A_993] : memref<26214400xf32, #tpu.memory_space<hbm>> -> memref<1024xf32, #tpu.memory_space<hbm>>
        %dma_start3A_997 = tpu.memref_slice %arg4[%add3A_993] : memref<26214400xf32, #tpu.memory_space<hbm>> -> memref<1024xf32, #tpu.memory_space<hbm>>
        %dma_start3A_998 = arith.constant 2048 : i32
        %dma_start3A_999 = tpu.memref_slice %arg10[%dma_start3A_998] : memref<4096xf32, #tpu.memory_space<vmem>> -> memref<1024xf32, #tpu.memory_space<vmem>>
        tpu.enqueue_dma source(%dma_start3A_999 : memref<1024xf32, #tpu.memory_space<vmem>>) target(%dma_start3A_997 : memref<1024xf32, #tpu.memory_space<hbm>>) target_semaphore(%arg14 : memref<!tpu.dma_semaphore, #tpu.memory_space<semaphore_mem>>)
        %mul3A_1000 = arith.constant 4 : i32
        %mul3A_1001 = arith.muli %add3A_954, %mul3A_1000 : i32
        %add3A_1002 = arith.constant 3 : i32
        %add3A_1003 = arith.addi %mul3A_1001, %add3A_1002 : i32
        %mul3A_1004 = arith.constant 131072 : i32
        %mul3A_1005 = arith.muli %add3A_1003, %mul3A_1004 : i32
        %mul3A_1006 = arith.constant 1024 : i32
        %mul3A_1007 = arith.muli %add3A_133, %mul3A_1006 : i32
        %add3A_1008 = arith.addi %mul3A_1005, %mul3A_1007 : i32
        %dma_start3A_1009 = arith.constant 3072 : i32
        %dma_start3A_1010 = tpu.memref_slice %arg10[%dma_start3A_1009] : memref<4096xf32, #tpu.memory_space<vmem>> -> memref<1024xf32, #tpu.memory_space<vmem>>
        %dma_start3A_1011 = tpu.memref_slice %arg4[%add3A_1008] : memref<26214400xf32, #tpu.memory_space<hbm>> -> memref<1024xf32, #tpu.memory_space<hbm>>
        %dma_start3A_1012 = tpu.memref_slice %arg4[%add3A_1008] : memref<26214400xf32, #tpu.memory_space<hbm>> -> memref<1024xf32, #tpu.memory_space<hbm>>
        %dma_start3A_1013 = arith.constant 3072 : i32
        %dma_start3A_1014 = tpu.memref_slice %arg10[%dma_start3A_1013] : memref<4096xf32, #tpu.memory_space<vmem>> -> memref<1024xf32, #tpu.memory_space<vmem>>
        tpu.enqueue_dma source(%dma_start3A_1014 : memref<1024xf32, #tpu.memory_space<vmem>>) target(%dma_start3A_1012 : memref<1024xf32, #tpu.memory_space<hbm>>) target_semaphore(%arg14 : memref<!tpu.dma_semaphore, #tpu.memory_space<semaphore_mem>>)
      }
      %scan3A_146 = arith.constant 5 : i32
      %dma_wait3A = arith.constant 0 : i32
      %dma_wait3A_147 = tpu.memref_slice %arg9[%dma_wait3A] : memref<4096xf32, #tpu.memory_space<vmem>> -> memref<1024xf32, #tpu.memory_space<vmem>>
      %dma_wait3A_148 = arith.constant 0 : i32
      %dma_wait3A_149 = tpu.memref_slice %arg4[%dma_wait3A_148] : memref<26214400xf32, #tpu.memory_space<hbm>> -> memref<1024xf32, #tpu.memory_space<hbm>>
      %dma_wait3A_150 = arith.constant 0 : i32
      %dma_wait3A_151 = tpu.memref_slice %arg4[%dma_wait3A_150] : memref<26214400xf32, #tpu.memory_space<hbm>> -> memref<1024xf32, #tpu.memory_space<hbm>>
      %dma_wait3A_152 = arith.constant 0 : i32
      %dma_wait3A_153 = tpu.memref_slice %arg9[%dma_wait3A_152] : memref<4096xf32, #tpu.memory_space<vmem>> -> memref<1024xf32, #tpu.memory_space<vmem>>
      tpu.wait_dma2 semaphore(%arg13 : memref<!tpu.dma_semaphore, #tpu.memory_space<semaphore_mem>>) src(%dma_wait3A_153 : memref<1024xf32, #tpu.memory_space<vmem>>) dst(%dma_wait3A_151 : memref<1024xf32, #tpu.memory_space<hbm>>)
      %dma_wait3A_154 = arith.constant 0 : i32
      %dma_wait3A_155 = tpu.memref_slice %arg9[%dma_wait3A_154] : memref<4096xf32, #tpu.memory_space<vmem>> -> memref<1024xf32, #tpu.memory_space<vmem>>
      %dma_wait3A_156 = arith.constant 0 : i32
      %dma_wait3A_157 = tpu.memref_slice %arg4[%dma_wait3A_156] : memref<26214400xf32, #tpu.memory_space<hbm>> -> memref<1024xf32, #tpu.memory_space<hbm>>
      %dma_wait3A_158 = arith.constant 0 : i32
      %dma_wait3A_159 = tpu.memref_slice %arg4[%dma_wait3A_158] : memref<26214400xf32, #tpu.memory_space<hbm>> -> memref<1024xf32, #tpu.memory_space<hbm>>
      %dma_wait3A_160 = arith.constant 0 : i32
      %dma_wait3A_161 = tpu.memref_slice %arg9[%dma_wait3A_160] : memref<4096xf32, #tpu.memory_space<vmem>> -> memref<1024xf32, #tpu.memory_space<vmem>>
      tpu.wait_dma2 semaphore(%arg13 : memref<!tpu.dma_semaphore, #tpu.memory_space<semaphore_mem>>) src(%dma_wait3A_161 : memref<1024xf32, #tpu.memory_space<vmem>>) dst(%dma_wait3A_159 : memref<1024xf32, #tpu.memory_space<hbm>>)
      %dma_wait3A_162 = arith.constant 0 : i32
      %dma_wait3A_163 = tpu.memref_slice %arg9[%dma_wait3A_162] : memref<4096xf32, #tpu.memory_space<vmem>> -> memref<1024xf32, #tpu.memory_space<vmem>>
      %dma_wait3A_164 = arith.constant 0 : i32
      %dma_wait3A_165 = tpu.memref_slice %arg4[%dma_wait3A_164] : memref<26214400xf32, #tpu.memory_space<hbm>> -> memref<1024xf32, #tpu.memory_space<hbm>>
      %dma_wait3A_166 = arith.constant 0 : i32
      %dma_wait3A_167 = tpu.memref_slice %arg4[%dma_wait3A_166] : memref<26214400xf32, #tpu.memory_space<hbm>> -> memref<1024xf32, #tpu.memory_space<hbm>>
      %dma_wait3A_168 = arith.constant 0 : i32
      %dma_wait3A_169 = tpu.memref_slice %arg9[%dma_wait3A_168] : memref<4096xf32, #tpu.memory_space<vmem>> -> memref<1024xf32, #tpu.memory_space<vmem>>
      tpu.wait_dma2 semaphore(%arg13 : memref<!tpu.dma_semaphore, #tpu.memory_space<semaphore_mem>>) src(%dma_wait3A_169 : memref<1024xf32, #tpu.memory_space<vmem>>) dst(%dma_wait3A_167 : memref<1024xf32, #tpu.memory_space<hbm>>)
      %dma_wait3A_170 = arith.constant 0 : i32
      %dma_wait3A_171 = tpu.memref_slice %arg9[%dma_wait3A_170] : memref<4096xf32, #tpu.memory_space<vmem>> -> memref<1024xf32, #tpu.memory_space<vmem>>
      %dma_wait3A_172 = arith.constant 0 : i32
      %dma_wait3A_173 = tpu.memref_slice %arg4[%dma_wait3A_172] : memref<26214400xf32, #tpu.memory_space<hbm>> -> memref<1024xf32, #tpu.memory_space<hbm>>
      %dma_wait3A_174 = arith.constant 0 : i32
      %dma_wait3A_175 = tpu.memref_slice %arg4[%dma_wait3A_174] : memref<26214400xf32, #tpu.memory_space<hbm>> -> memref<1024xf32, #tpu.memory_space<hbm>>
      %dma_wait3A_176 = arith.constant 0 : i32
      %dma_wait3A_177 = tpu.memref_slice %arg9[%dma_wait3A_176] : memref<4096xf32, #tpu.memory_space<vmem>> -> memref<1024xf32, #tpu.memory_space<vmem>>
      tpu.wait_dma2 semaphore(%arg13 : memref<!tpu.dma_semaphore, #tpu.memory_space<semaphore_mem>>) src(%dma_wait3A_177 : memref<1024xf32, #tpu.memory_space<vmem>>) dst(%dma_wait3A_175 : memref<1024xf32, #tpu.memory_space<hbm>>)
      %dma_wait3A_178 = arith.constant 0 : i32
      %dma_wait3A_179 = tpu.memref_slice %arg10[%dma_wait3A_178] : memref<4096xf32, #tpu.memory_space<vmem>> -> memref<1024xf32, #tpu.memory_space<vmem>>
      %dma_wait3A_180 = arith.constant 0 : i32
      %dma_wait3A_181 = tpu.memref_slice %arg4[%dma_wait3A_180] : memref<26214400xf32, #tpu.memory_space<hbm>> -> memref<1024xf32, #tpu.memory_space<hbm>>
      %dma_wait3A_182 = arith.constant 0 : i32
      %dma_wait3A_183 = tpu.memref_slice %arg4[%dma_wait3A_182] : memref<26214400xf32, #tpu.memory_space<hbm>> -> memref<1024xf32, #tpu.memory_space<hbm>>
      %dma_wait3A_184 = arith.constant 0 : i32
      %dma_wait3A_185 = tpu.memref_slice %arg10[%dma_wait3A_184] : memref<4096xf32, #tpu.memory_space<vmem>> -> memref<1024xf32, #tpu.memory_space<vmem>>
      tpu.wait_dma2 semaphore(%arg14 : memref<!tpu.dma_semaphore, #tpu.memory_space<semaphore_mem>>) src(%dma_wait3A_185 : memref<1024xf32, #tpu.memory_space<vmem>>) dst(%dma_wait3A_183 : memref<1024xf32, #tpu.memory_space<hbm>>)
      %dma_wait3A_186 = arith.constant 0 : i32
      %dma_wait3A_187 = tpu.memref_slice %arg10[%dma_wait3A_186] : memref<4096xf32, #tpu.memory_space<vmem>> -> memref<1024xf32, #tpu.memory_space<vmem>>
      %dma_wait3A_188 = arith.constant 0 : i32
      %dma_wait3A_189 = tpu.memref_slice %arg4[%dma_wait3A_188] : memref<26214400xf32, #tpu.memory_space<hbm>> -> memref<1024xf32, #tpu.memory_space<hbm>>
      %dma_wait3A_190 = arith.constant 0 : i32
      %dma_wait3A_191 = tpu.memref_slice %arg4[%dma_wait3A_190] : memref<26214400xf32, #tpu.memory_space<hbm>> -> memref<1024xf32, #tpu.memory_space<hbm>>
      %dma_wait3A_192 = arith.constant 0 : i32
      %dma_wait3A_193 = tpu.memref_slice %arg10[%dma_wait3A_192] : memref<4096xf32, #tpu.memory_space<vmem>> -> memref<1024xf32, #tpu.memory_space<vmem>>
      tpu.wait_dma2 semaphore(%arg14 : memref<!tpu.dma_semaphore, #tpu.memory_space<semaphore_mem>>) src(%dma_wait3A_193 : memref<1024xf32, #tpu.memory_space<vmem>>) dst(%dma_wait3A_191 : memref<1024xf32, #tpu.memory_space<hbm>>)
      %dma_wait3A_194 = arith.constant 0 : i32
      %dma_wait3A_195 = tpu.memref_slice %arg10[%dma_wait3A_194] : memref<4096xf32, #tpu.memory_space<vmem>> -> memref<1024xf32, #tpu.memory_space<vmem>>
      %dma_wait3A_196 = arith.constant 0 : i32
      %dma_wait3A_197 = tpu.memref_slice %arg4[%dma_wait3A_196] : memref<26214400xf32, #tpu.memory_space<hbm>> -> memref<1024xf32, #tpu.memory_space<hbm>>
      %dma_wait3A_198 = arith.constant 0 : i32
      %dma_wait3A_199 = tpu.memref_slice %arg4[%dma_wait3A_198] : memref<26214400xf32, #tpu.memory_space<hbm>> -> memref<1024xf32, #tpu.memory_space<hbm>>
      %dma_wait3A_200 = arith.constant 0 : i32
      %dma_wait3A_201 = tpu.memref_slice %arg10[%dma_wait3A_200] : memref<4096xf32, #tpu.memory_space<vmem>> -> memref<1024xf32, #tpu.memory_space<vmem>>
      tpu.wait_dma2 semaphore(%arg14 : memref<!tpu.dma_semaphore, #tpu.memory_space<semaphore_mem>>) src(%dma_wait3A_201 : memref<1024xf32, #tpu.memory_space<vmem>>) dst(%dma_wait3A_199 : memref<1024xf32, #tpu.memory_space<hbm>>)
      %dma_wait3A_202 = arith.constant 0 : i32
      %dma_wait3A_203 = tpu.memref_slice %arg10[%dma_wait3A_202] : memref<4096xf32, #tpu.memory_space<vmem>> -> memref<1024xf32, #tpu.memory_space<vmem>>
      %dma_wait3A_204 = arith.constant 0 : i32
      %dma_wait3A_205 = tpu.memref_slice %arg4[%dma_wait3A_204] : memref<26214400xf32, #tpu.memory_space<hbm>> -> memref<1024xf32, #tpu.memory_space<hbm>>
      %dma_wait3A_206 = arith.constant 0 : i32
      %dma_wait3A_207 = tpu.memref_slice %arg4[%dma_wait3A_206] : memref<26214400xf32, #tpu.memory_space<hbm>> -> memref<1024xf32, #tpu.memory_space<hbm>>
      %dma_wait3A_208 = arith.constant 0 : i32
      %dma_wait3A_209 = tpu.memref_slice %arg10[%dma_wait3A_208] : memref<4096xf32, #tpu.memory_space<vmem>> -> memref<1024xf32, #tpu.memory_space<vmem>>
      tpu.wait_dma2 semaphore(%arg14 : memref<!tpu.dma_semaphore, #tpu.memory_space<semaphore_mem>>) src(%dma_wait3A_209 : memref<1024xf32, #tpu.memory_space<vmem>>) dst(%dma_wait3A_207 : memref<1024xf32, #tpu.memory_space<hbm>>)
    }
    %scan3A_129 = arith.constant 4 : i32
    return
  }
}

</mosaic_0001>

<sc_bundles>
// kernel: kernel.3.cloned.1.call-start
scs
__scs_entry_jumppad:
0x0: {  	(pc) =	sbr.rel $0x88, $3  }
0x1: {  	(tag) =	ssettag $0x0;
	lr =	simm.s32 $0x1  }
0x2: {  	[smem:$0x3F9F] =	sst lr;
	_ =	strace $0xD0000000  }
0x3: {  	_ = 	snop  }
0x4: {  	_ = 	snop  }
0x5: {  	_ = 	snop  }
0x6: {  	_ = 	snop  }
0x7: {  	_ = 	snop  }
__scs_overlays_trampoline_lowered:
0x8: {  	[smem:$0x3FAE] =	sst s0  }
0x9: {  	[smem:$0x3FAF] =	sst s1  }
0xa: {  	[smem:$0x3FB0] =	sst s2  }
0xb: {  	[smem:$0x3FB1] =	sst s3  }
0xc: {  	[smem:$0x3FB2] =	sst s4  }
0xd: {  	[smem:$0x3FB3] =	sst s5  }
0xe: {  	[smem:$0x3FB4] =	sst s6  }
0xf: {  	[smem:$0x3FB5] =	sst s7  }
0x10: {  	[smem:$0x3FB6] =	sst s8  }
0x11: {  	[smem:$0x3FB7] =	sst s9;
	s0 =	simm.s32 @!p0 $0x0  }
0x12: {  	s1 =	sld [smem:$0x3F9D];
	s0 =	simm.s32 @p0 $0x1  }
0x13: {  	[smem:$0x3FB8] =	sst s0;
	s0 =	simm.s32 @!p1 $0x0  }
0x14: {  	s2 =	sld [smem:$0x3F9C];
	s0 =	simm.s32 @p1 $0x1  }
0x15: {  	[smem:$0x3FB9] =	sst s0;
	s0 =	simm.s32 @!p2 $0x0  }
0x16: {  	s3 =	sld [smem:$0x3FDB];
	s0 =	simm.s32 @p2 $0x1  }
0x17: {  	s4 =	simm.s32 $0x1BF5;
	[smem:$0x3FBB] =	sst s0  }
0x18: {  	s0 =	sld [smem:$0x3F9E];
	_ =	swait.ge [sflag:s4], $0x0  }
0x19: {  	s7 =	sld [smem:$0x3F9F]  }
0x1a: {  	s8 =	sadd.s32 $0xFFFFE003, lr  }
0x1b: {  	s9 =	sadd.s32 $0xFFFFFEF7, lr;
	s5 =	simm.s32 $0xFFFFFFFF;
	p2 =	slt.u32 s8, $0xFFFFF086  }
0x1c: {  	p1 =	slt.u32 s9, $0xF7A;
	s5 =	simm.s32 @!p2 $0x0  }
0x1d: {  	s5 =	simm.s32 @p1 $0x1;
	p0 =	seq.s32 s7, s2  }
0x1e: {  	s7 =	smul.u32 @!p0 $0xF7A, s2;
	p2 =	seq.s32 @!p0 s5, $0x0  }
0x1f: {  	s9 =	smul.u32 $0xF7A, s1;
	s8 =	simm.s32 @!p0 $0x1BF5;
	p2 =	por !p2, p0  }
0x20: {  	[sflag:s8] =	ssyncset.s32 @!p0 $0xFFFFF086;
	s6 =	sadd.s32 @!p0 s3, s7;
	s7 =	simm.s32 @!p0 $0x108  }
0x21: {  	s3 =	sadd.s32 s3, s9;
	s6 =	sadd.s32 @!p0 $0x88, s6;
	s7 =	simm.s32 @p2 $0x1082  }
0x22: {  	[simem:s7], [sflag:s8] =	dma.local @!p0 [hbm:s6], $0xF7A  }
0x23: {  	s9 =	sor.u32 $0xD0000000, s2;
	s6 =	simm.s32 $0x108;
	_ =	swait.ge @!p0 [sflag:s8], $0x0  }
0x24: {  	s3 =	sadd.s32 $0x88, s3;
	s6 =	simm.s32 @!p1 $0x1082;
	[sflag:s4] =	ssyncset.s32 $0xFFFFF086  }
0x25: {  	[simem:s6], [sflag:s4] =	dma.local [hbm:s3], $0xF7A  }
0x26: {  	[smem:$0x3F9F] =	sst s1;
	(tag) =	ssettag s2;
	_ =	strace s9  }
0x27: {  	s1 =	sld [smem:$0x3FAF]  }
0x28: {  	s2 =	sld [smem:$0x3FB0]  }
0x29: {  	s4 =	sld [smem:$0x3FB2]  }
0x2a: {  	p0 =	seq.s32 s5, $0x0;
	s5 =	sld [smem:$0x3FB3]  }
0x2b: {  	s6 =	sld [smem:$0x3FB4]  }
0x2c: {  	s7 =	sld [smem:$0x3FB5]  }
0x2d: {  	s3 =	simm.s32 $0x108;
	s8 =	sld [smem:$0x3FB6]  }
0x2e: {  	s3 =	simm.s32 @!p0 $0x1082;
	s9 =	sld [smem:$0x3FB7]  }
0x2f: {  	lr =	sadd.s32 s0, s3;
	s0 =	sld [smem:$0x3FAE]  }
0x30: {  	s3 =	sld [smem:$0x3FB1]  }
0x31: {  	[smem:$0x3FBA] =	sst s10  }
0x32: {  	s10 =	sld [smem:$0x3FB8];
	_ =	sdelay $0x3  }
0x33: {  	p0 =	seq.s32 s10, $0x1;
	s10 =	sld [smem:$0x3FBA];
	_ =	sdelay $0x3  }
0x34: {  	[smem:$0x3FBA] =	sst s10  }
0x35: {  	s10 =	sld [smem:$0x3FB9];
	_ =	sdelay $0x3  }
0x36: {  	p1 =	seq.s32 s10, $0x1;
	s10 =	sld [smem:$0x3FBA];
	_ =	sdelay $0x3  }
0x37: {  	[smem:$0x3FBA] =	sst s10  }
0x38: {  	s10 =	sld [smem:$0x3FBB]  }
0x39: {  	_ = 	snop;
	(pc) =	sbr.ind lr, $3  }
0x3a: {  	_ = 	snop  }
0x3b: {  	_ = 	snop  }
0x3c: {  	p2 =	seq.s32 s10, $0x1;
	s10 =	sld [smem:$0x3FBA]  }
0x3d: {  	_ =	shalt  }
0x3e: {  	_ =	shalt  }
0x3f: {  	_ =	shalt  }
0x40: {  	_ =	shalt  }
0x41: {  	_ =	shalt  }
0x42: {  	_ =	shalt  }
0x43: {  	_ =	shalt  }
0x44: {  	_ =	shalt  }
0x45: {  	_ =	shalt  }
0x46: {  	_ =	shalt  }
0x47: {  	_ =	shalt  }
0x48: {  	_ =	shalt  }
0x49: {  	_ =	shalt  }
0x4a: {  	_ =	shalt  }
0x4b: {  	_ =	shalt  }
0x4c: {  	_ =	shalt  }
0x4d: {  	_ =	shalt  }
0x4e: {  	_ =	shalt  }
0x4f: {  	_ =	shalt  }
0x50: {  	_ =	shalt  }
0x51: {  	_ =	shalt  }
0x52: {  	_ =	shalt  }
0x53: {  	_ =	shalt  }
0x54: {  	_ =	shalt  }
0x55: {  	_ =	shalt  }
0x56: {  	_ =	shalt  }
0x57: {  	_ =	shalt  }
0x58: {  	_ =	shalt  }
0x59: {  	_ =	shalt  }
0x5a: {  	_ =	shalt  }
0x5b: {  	_ =	shalt  }
0x5c: {  	_ =	shalt  }
0x5d: {  	_ =	shalt  }
0x5e: {  	_ =	shalt  }
0x5f: {  	_ =	shalt  }
0x60: {  	_ =	shalt  }
0x61: {  	_ =	shalt  }
0x62: {  	_ =	shalt  }
0x63: {  	_ =	shalt  }
0x64: {  	_ =	shalt  }
0x65: {  	_ =	shalt  }
0x66: {  	_ =	shalt  }
0x67: {  	_ =	shalt  }
0x68: {  	_ =	shalt  }
0x69: {  	_ =	shalt  }
0x6a: {  	_ =	shalt  }
0x6b: {  	_ =	shalt  }
0x6c: {  	_ =	shalt  }
0x6d: {  	_ =	shalt  }
0x6e: {  	_ =	shalt  }
0x6f: {  	_ =	shalt  }
0x70: {  	_ =	shalt  }
0x71: {  	_ =	shalt  }
0x72: {  	_ =	shalt  }
0x73: {  	_ =	shalt  }
0x74: {  	_ =	shalt  }
0x75: {  	_ =	shalt  }
0x76: {  	_ =	shalt  }
0x77: {  	_ =	shalt  }
0x78: {  	_ =	shalt  }
0x79: {  	_ =	shalt  }
0x7a: {  	_ =	shalt  }
0x7b: {  	_ =	shalt  }
0x7c: {  	_ =	shalt  }
0x7d: {  	_ =	shalt  }
0x7e: {  	_ =	shalt  }
0x7f: {  	_ =	shalt  }
0x80: {  	_ =	shalt  }
0x81: {  	_ =	shalt  }
0x82: {  	_ =	shalt  }
0x83: {  	_ =	shalt  }
0x84: {  	_ =	shalt  }
0x85: {  	_ =	shalt  }
0x86: {  	_ =	shalt  }
0x87: {  	_ =	shalt  }
.Lfunc_end0:
.L_simem_size_0:
called_computation_lowered:
.L_overlay_start_0:
0x88: {  	s2 =	sld [smem:$0x3FD9]  }
0x89: {  	s3 =	sld [smem:$0x3FFE];
	_ =	sdelay $0x1  }
0x8a: {  	s1 =	srdreg.scid  }
0x8b: {  	s0 =	sand.u32 $0x1, s1  }
0x8c: {  	s17 =	sshll.u32 s0, $0xA;
	s2 =	sadd.s32 s3, s2  }
0x8d: {  	s2 =	sadd.s32 s2, s17  }
0x8e: {  	[smem:$0x3FC6] =	sst s2  }
0x8f: {  	_ = 	snop  }
0x90: {  	s2 =	sld [smem:$0x3FD0];
	(tm) =	ssettm $0x1  }
0x91: {  	s18 =	sld [smem:$0x3FFB];
	_ =	sdelay $0x3  }
0x92: {  	_ =	strace s18  }
0x93: {  	s3 =	sld [smem:$0x3FFC];
	_ =	sdelay $0x3  }
0x94: {  	_ =	strace s3  }
0x95: {  	s3 =	sld [smem:$0x3FFD];
	_ =	sdelay $0x3  }
0x96: {  	_ =	strace s3  }
0x97: {  	_ =	strace $0x8FFFFFFF  }
0x98: {  	s19 =	sld [smem:$0x3FDB];
	_ =	sdelay $0x1  }
0x99: {  	s4 =	simm.s32 $_scs_section_size  }
0x9a: {  	s5 =	simm.s32 $_size__tile_overlayer_lowered;
	s6 =	simm.s32 $_tile_overlayer_lowered  }
0x9b: {  	s22 =	simm.s32 $0x1BFF;
	s21 =	sshll.u32 s6, $0x1;
	s3 =	sadd.s32 s4, s19  }
0x9c: {  	s7 =	simm.s32 $0x0;
	s20 =	sshll.u32 s5, $0x1;
	s5 =	sadd.s32 s21, s3  }
0x9d: {  	[timem:s7], [sflag:s22] =	dma.local [hbm:s5], s20  }
0x9e: {  	_ =	swait.ge [sflag:s22], s20  }
0x9f: {  	s4 =	ssub.s32 $0x0, s20;
	[sflag:s22] =	ssyncset.done $0x0  }
0xa0: {  	[sflag:s22] =	ssyncadd.s32 s4;
	_ =	sdelay $0x1  }
0xa1: {  	s23 =	simm.s32 $0x1B8B  }
0xa2: {  	_ =	swait.ge [sflag:s23], $0x1  }
0xa3: {  	[sflag:s23] =	ssyncset.done $0x0  }
0xa4: {  	s25 =	simm.s32 $0x1B8E;
	s24 =	sld [smem:$0x3FFE];
	[sflag:s23] =	ssyncadd.s32 $0xFFFFFFFF  }
0xa5: {  	s26 =	simm.s32 $execute0_lowered;
	[smem:$0x3FD2] =	sst s25  }
0xa6: {  	s5 =	sshll.u32 s26, $0x1;
	_ =	strace $0x80000046;
	[dreg:$0x1] =	wrdreg $0xFFFFFFFF  }
0xa7: {  	s28 =	simm.s32 $_size_execute0_lowered;
	s3 =	sadd.s32 s3, s5;
	[dreg:$0x0] =	wrdreg $0x0  }
0xa8: {  	s5 =	sshll.u32 s28, $0x1;
	[dreg:$0x2] =	wrdreg s3  }
0xa9: {  	[dreg:$0x3] =	wrdreg s5  }
0xaa: {  	[dreg:$0x4] =	wrdreg $0xC0  }
0xab: {  	_ =	task [dreg:s7], $0x5FFFF  }
0xac: {  	[dreg:$0x1] =	wrdreg $0xFFFFFFFF  }
0xad: {  	[dreg:$0x0] =	wrdreg $0x60  }
0xae: {  	[dreg:$0x2] =	wrdreg s24  }
0xaf: {  	[dreg:$0x3] =	wrdreg s2  }
0xb0: {  	[dreg:$0x4] =	wrdreg $0x9  }
0xb1: {  	_ =	task.clear_ibuf [dreg:s7], $0x5FFFF;
	_ =	strace $0x90000046  }
0xb2: {  	s29 =	simm.s32 $0x9;
	_ =	strace $0x80000048  }
0xb3: {  	_ =	swait.ge [sflag:s29], $0x1  }
0xb4: {  	[sflag:s29] =	ssyncadd.s32 $0xFFFFFFFF  }
0xb5: {  	_ =	strace $0x90000048  }
0xb6: {  	_ =	sfence  }
0xb7: {  	s30 =	sld [smem:$0x0];
	_ =	sdelay $0x2  }
0xb8: {  	s31 =	sshll.u32 s1, $0xD;
	s1 =	sshrl.u32 s1, $0x2  }
0xb9: {  	s3 =	sand.u32 $0x4000, s31;
	s1 =	sadd.s32 s1, s30  }
0xba: {  	s0 =	sor.u32 s3, s0;
	s1 =	sshll.u32 s1, $0x11  }
0xbb: {  	s0 =	sor.u32 s1, s0  }
0xbc: {  	s0 =	sadd.s32 $0x8F2B, s0  }
0xbd: {  	[sflag:s0] =	ssyncadd.remote.s32 $0x1  }
0xbe: {  	_ =	sfence.sel $0xFFFF  }
0xbf: {  	[dreg:$0x0] =	wrdreg $0xFFFFFFFF;
	(pc) =	sbr.abs _section_cstart, $3  }
0xc0: {  	[dreg:$0x1] =	wrdreg $0xFFFFFFFF  }
0xc1: {  	_ =	task.clear_ibuf [dreg:s7], $0x2FFFF;
	_ =	strace $0x9FFFFFFF  }
0xc2: {  	(tm) =	ssettm $0x7FFFFFFF  }
0xc3: {  	_ =	shalt  }
tec
execute0_lowered:
.L_overlay_start_1:
0x0: {  	(tag) =	ssettag $0x1  }
0x1: {  	v0 =	vlaneseq.u32  }
0x2: {  	v2 =	vmul.u32 $0x32, v0;
	_ =	sdelay $0x1  }
0x3: {  	v1 =	vadd.s32 $0x320, v2;
	[tilespmem:$0x1FEF0] =	vst v2  }
0x4: {  	v56 =	vadd.s32 $0x640, v2;
	[tilespmem:$0x1FEB0] =	vst v1  }
0x5: {  	v13 =	vmul.u32 $0x20, v0;
	v57 =	vadd.s32 $0x960, v2;
	[tilespmem:$0x1FEC0] =	vst v56  }
0x6: {  	v58 =	vadd.s32 $0xFA0, v2;
	[tilespmem:$0x1FED0] =	vst v57  }
0x7: {  	v59 =	vor.u32 $0x400, v13;
	[tilespmem:$0x1FEE0] =	vst v58  }
0x8: {  	v60 =	vor.u32 $0x1200, v13;
	[tilespmem:$0x1FF00] =	vst v59  }
0x9: {  	v61 =	vor.u32 $0x1400, v13;
	[tilespmem:$0x1FF10] =	vst v60  }
0xa: {  	s3 =	stileid.u32;
	v62 =	vor.u32 $0x1600, v13;
	[tilespmem:$0x1FF20] =	vst v61  }
0xb: {  	s0 =	rddreg [dreg:$0x0];
	s4 =	sshll.u32 s3, $0x1;
	s3 =	simm.s32 $0x0;
	v4 =	vadd.s32 $0xC80, v2;
	v63 =	vor.u32 $0x1800, v13;
	[tilespmem:$0x1FF30] =	vst v62  }
0xc: {  	s10 =	simm.s32 $0xC800;
	[smem:$0x7FF] =	sst s3;
	v12 =	vadd.s32 $0x12C0, v2;
	v8 =	vadd.s32 $0x15E0, v2;
	v14 =	vor.u32 $0x200, v13;
	[tilespmem:$0x1FF40] =	vst v63  }
0xd: {  	s2 =	rddreg [dreg:$0x1];
	v15 =	vor.u32 $0x600, v13;
	v16 =	vor.u32 $0x800, v13;
	v17 =	vor.u32 $0xA00, v13;
	_ =	strace $0x80000047;
	[tilespmem:$0x1FF50] =	vst v4  }
0xe: {  	s11 =	simm.s32 $0x11800;
	s13 =	simm.s32 $0x16800;
	v18 =	vor.u32 $0xC00, v13;
	v19 =	vor.u32 $0xE00, v13;
	v20 =	vor.u32 $0x1000, v13;
	[tilespmem:$0x1FF60] =	vst v13  }
0xf: {  	s1 =	srdreg.scid;
	s14 =	simm.s32 $0x16C00;
	s15 =	simm.s32 $0x17000;
	v21 =	vor.u32 $0x1A00, v13;
	v22 =	vor.u32 $0x1C00, v13;
	v23 =	vor.u32 $0x1E00, v13;
	[tilespmem:$0x1FF70] =	vst v12  }
0x10: {  	s16 =	simm.s32 $0x17400;
	s17 =	simm.s32 $0x17800;
	s1 =	sand.u32 $0x1, s1;
	v24 =	vor.u32 $0x2000, v13;
	v25 =	vor.u32 $0x2200, v13;
	v26 =	vor.u32 $0x2400, v13;
	[tilespmem:$0x1FF80] =	vst v8  }
0x11: {  	s18 =	simm.s32 $0x17C00;
	s19 =	simm.s32 $0x18000;
	s5 =	sor.u32 s1, s4;
	v27 =	vor.u32 $0x2600, v13;
	v28 =	vor.u32 $0x2800, v13;
	v29 =	vor.u32 $0x2A00, v13;
	[tilespmem:$0x1FF90] =	vst v14  }
0x12: {  	s12 =	simm.s32 $0x1;
	s20 =	simm.s32 $0x18400;
	s4 =	smul.u32 $0xC80, s5;
	v30 =	vor.u32 $0x2C00, v13;
	v31 =	vor.u32 $0x2E00, v13;
	v32 =	vor.u32 $0x3000, v13;
	[tilespmem:$0x1FFA0] =	vst v15  }
0x13: {  	s21 =	simm.s32 $0x3;
	s1 =	ssub.s32 $0x2, s1;
	s31 =	sshll.u32 s5, $0xC;
	v33 =	vor.u32 $0x3200, v13;
	v34 =	vor.u32 $0x3400, v13;
	v35 =	vor.u32 $0x3600, v13;
	[tilespmem:$0x1FFB0] =	vst v16  }
0x14: {  	s29 =	sshrl.u32 s1, $0x1;
	v36 =	vor.u32 $0x3800, v13;
	v37 =	vor.u32 $0x3A00, v13;
	v38 =	vor.u32 $0x3C00, v13;
	s6 =	sadd.s32 s4, s0;
	s4 =	sadd.s32 $0xF42A00, s0;
	[tilespmem:$0x1FFC0] =	vst v17  }
0x15: {  	v39 =	vor.u32 $0x3E00, v13;
	v40 =	vor.u32 $0x4000, v13;
	v41 =	vor.u32 $0x4200, v13;
	s0 =	ssub.s32 s1, s29;
	[dreg:$0x4] =	wrdreg s31;
	[tilespmem:$0x1FFD0] =	vst v18;
	s30 =	sadd.s32 $0x600, s6  }
0x16: {  	s22 =	simm.s32 $0x4;
	v42 =	vor.u32 $0x4400, v13;
	v43 =	vor.u32 $0x4600, v13;
	v44 =	vor.u32 $0x4800, v13;
	[tilespmem:$0x1FFE0] =	vst v19;
	s0 =	smax.u32 s0, $0x1;
	[dreg:$0x3] =	wrdreg s30  }
0x17: {  	s23 =	simm.s32 $0x2;
	v45 =	vor.u32 $0x4A00, v13;
	v46 =	vor.u32 $0x4C00, v13;
	v47 =	vor.u32 $0x4E00, v13;
	s1 =	simm.s32 $0x0;
	[tilespmem:$0x1FFF0] =	vst v20;
	[dreg:$0x5] =	wrdreg s0  }
.LBB2_1:
0x18: {  	[dreg:$0x6] =	wrdreg s1  }
0x19: {  	s26 =	rddreg [dreg:$0x3];
	s30 =	simm.s32 $0x5  }
0x1a: {  	v5 =	vld [tilespmem:$0x1FEF0];
	[tilespmem:s3], [sflag:$0x5] =	stream.linear.gather [hbm4b:s26+s3], $0x6400, $0x38  }
0x1b: {  	s0 =	simm.s32 $0x1;
	v9 =	vld [tilespmem:$0x1FEB0];
	_ =	swait.ge [sflag:s30], $0x6400  }
0x1c: {  	v14 =	vmov v4;
	v4 =	vadd.s32 s0, v4;
	v10 =	vld [tilespmem:$0x1FEC0]  }
0x1d: {  	v7 =	vadd.s32 s0, v12;
	v11 =	vld [tilespmem:$0x1FED0]  }
0x1e: {  	v48 =	vadd.s32 s0, v8;
	v13 =	vld [tilespmem:$0x1FEE0]  }
0x1f: {  	[sflag:s30] =	ssyncset.done $0x0;
	v0 =	vadd.s32 s0, v5  }
0x20: {  	[sflag:s30] =	ssyncadd.s32 $0xFFFF9C00;
	v1 =	vadd.s32 s0, v9  }
0x21: {  	v4 =	vld.idx.msk [tilespmem:v4+s3+$0x0], $0xffff;
	v2 =	vadd.s32 s0, v10  }
0x22: {  	v7 =	vld.idx.msk [tilespmem:v7+s3+$0x0], $0xffff;
	v3 =	vadd.s32 s0, v11  }
0x23: {  	v48 =	vld.idx.msk [tilespmem:v48+s3+$0x0], $0xffff;
	v6 =	vadd.s32 s0, v13  }
0x24: {  	v0 =	vld.idx.msk [tilespmem:v0+s3+$0x0], $0xffff  }
0x25: {  	v1 =	vld.idx.msk [tilespmem:v1+s3+$0x0], $0xffff  }
0x26: {  	v2 =	vld.idx.msk [tilespmem:v2+s3+$0x0], $0xffff  }
0x27: {  	s1 =	simm.s32 $0x6400;
	v3 =	vld.idx.msk [tilespmem:v3+s3+$0x0], $0xffff  }
0x28: {  	v6 =	vld.idx.msk [tilespmem:v6+s3+$0x0], $0xffff;
	[tilespmem:s1+$0xC0] =	vst v4  }
0x29: {  	[tilespmem:s1+$0xE0] =	vst v7  }
0x2a: {  	s31 =	simm.s32 $0x1901;
	[tilespmem:s1+$0xF0] =	vst v48  }
0x2b: {  	v4 =	vadd.s32 s31, v14;
	[tilespmem:s1+$0x80] =	vst v0  }
0x2c: {  	v7 =	vadd.s32 s31, v12;
	[tilespmem:s1+$0x90] =	vst v1  }
0x2d: {  	v58 =	vadd.s32 s31, v8;
	[tilespmem:s1+$0xA0] =	vst v2  }
0x2e: {  	v0 =	vadd.s32 s31, v5;
	[tilespmem:s1+$0xB0] =	vst v3  }
0x2f: {  	v1 =	vadd.s32 s31, v9;
	[tilespmem:s1+$0xD0] =	vst v6  }
0x30: {  	v2 =	vadd.s32 s31, v10;
	v4 =	vld.idx.msk [tilespmem:v4+s3+$0x0], $0xffff  }
0x31: {  	v3 =	vadd.s32 s31, v11;
	v7 =	vld.idx.msk [tilespmem:v7+s3+$0x0], $0xffff  }
0x32: {  	v6 =	vadd.s32 s31, v13;
	v48 =	vld.idx.msk [tilespmem:v58+s3+$0x0], $0xffff  }
0x33: {  	v0 =	vld.idx.msk [tilespmem:v0+s3+$0x0], $0xffff  }
0x34: {  	v1 =	vld.idx.msk [tilespmem:v1+s3+$0x0], $0xffff  }
0x35: {  	v2 =	vld.idx.msk [tilespmem:v2+s3+$0x0], $0xffff  }
0x36: {  	v3 =	vld.idx.msk [tilespmem:v3+s3+$0x0], $0xffff  }
0x37: {  	v6 =	vld.idx.msk [tilespmem:v6+s3+$0x0], $0xffff;
	[tilespmem:s1+$0x19C0] =	vst v4  }
0x38: {  	[tilespmem:s1+$0x19E0] =	vst v7  }
0x39: {  	s5 =	simm.s32 $0x3201;
	v49 =	vadd.s32 s3, v5;
	[tilespmem:s1+$0x19F0] =	vst v48  }
0x3a: {  	v4 =	vadd.s32 s5, v14;
	[tilespmem:s1+$0x1980] =	vst v0  }
0x3b: {  	v7 =	vadd.s32 s5, v12;
	[tilespmem:s1+$0x1990] =	vst v1  }
0x3c: {  	v59 =	vadd.s32 s5, v8;
	[tilespmem:s1+$0x19A0] =	vst v2  }
0x3d: {  	v0 =	vadd.s32 s5, v5;
	[tilespmem:s1+$0x19B0] =	vst v3  }
0x3e: {  	v49 =	vld.idx.msk [tilespmem:v49+s3+$0x0], $0xffff;
	v1 =	vadd.s32 s5, v9;
	[tilespmem:s1+$0x19D0] =	vst v6  }
0x3f: {  	v2 =	vadd.s32 s5, v10;
	v4 =	vld.idx.msk [tilespmem:v4+s3+$0x0], $0xffff  }
0x40: {  	v3 =	vadd.s32 s5, v11;
	v7 =	vld.idx.msk [tilespmem:v7+s3+$0x0], $0xffff  }
0x41: {  	v6 =	vadd.s32 s5, v13;
	v48 =	vld.idx.msk [tilespmem:v59+s3+$0x0], $0xffff  }
0x42: {  	v50 =	vadd.s32 s3, v9;
	v0 =	vld.idx.msk [tilespmem:v0+s3+$0x0], $0xffff  }
0x43: {  	v51 =	vadd.s32 s3, v10;
	v1 =	vld.idx.msk [tilespmem:v1+s3+$0x0], $0xffff  }
0x44: {  	v60 =	vadd.s32 s3, v12;
	v2 =	vld.idx.msk [tilespmem:v2+s3+$0x0], $0xffff  }
0x45: {  	v61 =	vadd.s32 s3, v8;
	v3 =	vld.idx.msk [tilespmem:v3+s3+$0x0], $0xffff  }
0x46: {  	v52 =	vadd.s32 s3, v11;
	v6 =	vld.idx.msk [tilespmem:v6+s3+$0x0], $0xffff;
	[tilespmem:s1+$0x32C0] =	vst v4  }
0x47: {  	v53 =	vadd.s32 s3, v14;
	[tilespmem:s1+$0x3280] =	vst v0;
	v0 =	vld.idx.msk [tilespmem:v50+s3+$0x0], $0xffff  }
0x48: {  	s7 =	simm.s32 $0x3;
	v54 =	vadd.s32 s3, v13;
	[tilespmem:s1+$0x3290] =	vst v1;
	v1 =	vld.idx.msk [tilespmem:v51+s3+$0x0], $0xffff  }
0x49: {  	s6 =	simm.s32 $0x4B01;
	v57 =	vadd.s32 s7, v5;
	[tilespmem:s1+$0x32E0] =	vst v7;
	v50 =	vld.idx.msk [tilespmem:v60+s3+$0x0], $0xffff  }
0x4a: {  	v4 =	vadd.s32 s6, v8;
	[tilespmem:s1+$0x32F0] =	vst v48;
	v51 =	vld.idx.msk [tilespmem:v61+s3+$0x0], $0xffff  }
0x4b: {  	v7 =	vadd.s32 s6, v10;
	[tilespmem:s1+$0x32A0] =	vst v2;
	v2 =	vld.idx.msk [tilespmem:v52+s3+$0x0], $0xffff  }
0x4c: {  	v62 =	vadd.s32 s6, v11;
	[tilespmem:s1+$0x32B0] =	vst v3;
	v52 =	vld.idx.msk [tilespmem:v53+s3+$0x0], $0xffff  }
0x4d: {  	v63 =	vadd.s32 s6, v14;
	v53 =	vld.idx.msk [tilespmem:v54+s3+$0x0], $0xffff;
	[tilespmem:s1+$0x32D0] =	vst v6  }
0x4e: {  	v55 =	vadd.s32 s6, v13;
	[tilespmem:s1+$0x0] =	vst v49;
	v49 =	vld.idx.msk [tilespmem:v57+s3+$0x0], $0xffff  }
0x4f: {  	v56 =	vadd.s32 s6, v12;
	v4 =	vld.idx.msk [tilespmem:v4+s3+$0x0], $0xffff  }
0x50: {  	v59 =	vadd.s32 s7, v9;
	v7 =	vld.idx.msk [tilespmem:v7+s3+$0x0], $0xffff  }
0x51: {  	v60 =	vadd.s32 s7, v10;
	v58 =	vld.idx.msk [tilespmem:v62+s3+$0x0], $0xffff  }
0x52: {  	v61 =	vadd.s32 s7, v11;
	v54 =	vld.idx.msk [tilespmem:v63+s3+$0x0], $0xffff;
	[tilespmem:s1+$0x10] =	vst v0  }
0x53: {  	v3 =	vadd.s32 s6, v5;
	v55 =	vld.idx.msk [tilespmem:v55+s3+$0x0], $0xffff;
	[tilespmem:s1+$0x20] =	vst v1  }
0x54: {  	v6 =	vadd.s32 s6, v9;
	v48 =	vld.idx.msk [tilespmem:v56+s3+$0x0], $0xffff;
	[tilespmem:s1+$0x60] =	vst v50  }
0x55: {  	v57 =	vadd.s32 s7, v13;
	v0 =	vld.idx.msk [tilespmem:v59+s3+$0x0], $0xffff;
	[tilespmem:s1+$0x70] =	vst v51  }
0x56: {  	v56 =	vadd.s32 s7, v14;
	v1 =	vld.idx.msk [tilespmem:v60+s3+$0x0], $0xffff;
	[tilespmem:s1+$0x30] =	vst v2  }
0x57: {  	v59 =	vadd.s32 s7, v12;
	v61 =	vld.idx.msk [tilespmem:v61+s3+$0x0], $0xffff;
	[tilespmem:s1+$0x40] =	vst v52  }
0x58: {  	s5 =	simm.s32 $0x1900;
	v60 =	vadd.s32 s7, v8;
	v3 =	vld.idx.msk [tilespmem:v3+s3+$0x0], $0xffff;
	[tilespmem:s1+$0x50] =	vst v53  }
0x59: {  	v50 =	vadd.s32 s5, v11;
	v6 =	vld.idx.msk [tilespmem:v6+s3+$0x0], $0xffff;
	[tilespmem:s1+$0x4BF0] =	vst v4  }
0x5a: {  	v51 =	vadd.s32 s5, v14;
	v57 =	vld.idx.msk [tilespmem:v57+s3+$0x0], $0xffff;
	[tilespmem:s1+$0x4BA0] =	vst v7  }
0x5b: {  	v2 =	vadd.s32 s5, v5;
	v56 =	vld.idx.msk [tilespmem:v56+s3+$0x0], $0xffff;
	[tilespmem:s1+$0x4BB0] =	vst v58  }
0x5c: {  	s0 =	simm.s32 $0x6500;
	v52 =	vadd.s32 s5, v9;
	[tilespmem:s1+$0x4BC0] =	vst v54;
	v59 =	vld.idx.msk [tilespmem:v59+s3+$0x0], $0xffff  }
0x5d: {  	v53 =	vadd.s32 s5, v10;
	v60 =	vld.idx.msk [tilespmem:v60+s3+$0x0], $0xffff;
	[tilespmem:s0+$0x80] =	vst v49  }
0x5e: {  	s6 =	simm.s32 $0x2;
	v62 =	vadd.s32 s5, v13;
	[tilespmem:s0+$0xA0] =	vst v1;
	v1 =	vld.idx.msk [tilespmem:v50+s3+$0x0], $0xffff  }
0x5f: {  	s8 =	simm.s32 $0x1903;
	v7 =	vadd.s32 s6, v9;
	[tilespmem:s0+$0x90] =	vst v0;
	v51 =	vld.idx.msk [tilespmem:v51+s3+$0x0], $0xffff  }
0x60: {  	[tilespmem:s0+$0xB0] =	vst v61;
	v50 =	vadd.s32 s8, v5;
	v2 =	vld.idx.msk [tilespmem:v2+s3+$0x0], $0xffff  }
0x61: {  	v49 =	vld.idx.msk [tilespmem:v52+s3+$0x0], $0xffff;
	v52 =	vadd.s32 s5, v12;
	[tilespmem:s0+$0xD0] =	vst v57  }
0x62: {  	v0 =	vld.idx.msk [tilespmem:v53+s3+$0x0], $0xffff;
	v53 =	vadd.s32 s5, v8;
	[tilespmem:s0+$0xC0] =	vst v56  }
0x63: {  	v61 =	vld.idx.msk [tilespmem:v62+s3+$0x0], $0xffff;
	v62 =	vadd.s32 s8, v13;
	[tilespmem:s0+$0xE0] =	vst v59  }
0x64: {  	v57 =	vadd.s32 s8, v10;
	v7 =	vld.idx.msk [tilespmem:v7+s3+$0x0], $0xffff;
	[tilespmem:s0+$0xF0] =	vst v60  }
0x65: {  	[tilespmem:s1+$0x4B80] =	vst v3;
	v56 =	vadd.s32 s8, v9;
	v50 =	vld.idx.msk [tilespmem:v50+s3+$0x0], $0xffff  }
0x66: {  	[tilespmem:s1+$0x4B90] =	vst v6;
	v6 =	vadd.s32 s6, v5;
	v52 =	vld.idx.msk [tilespmem:v52+s3+$0x0], $0xffff  }
0x67: {  	v59 =	vadd.s32 s8, v11;
	v53 =	vld.idx.msk [tilespmem:v53+s3+$0x0], $0xffff;
	[tilespmem:s1+$0x1900] =	vst v2  }
0x68: {  	v60 =	vadd.s32 s8, v14;
	v62 =	vld.idx.msk [tilespmem:v62+s3+$0x0], $0xffff;
	[tilespmem:s1+$0x1910] =	vst v49  }
0x69: {  	v3 =	vld.idx.msk [tilespmem:v57+s3+$0x0], $0xffff;
	v57 =	vadd.s32 s8, v8;
	[tilespmem:s1+$0x1920] =	vst v0  }
0x6a: {  	[tilespmem:s1+$0x1930] =	vst v1;
	v4 =	vld.idx.msk [tilespmem:v56+s3+$0x0], $0xffff;
	v56 =	vadd.s32 s8, v12  }
0x6b: {  	v2 =	vadd.s32 s6, v14;
	v6 =	vld.idx.msk [tilespmem:v6+s3+$0x0], $0xffff;
	[tilespmem:s1+$0x1940] =	vst v51  }
0x6c: {  	v58 =	vadd.s32 s6, v10;
	[tilespmem:s1+$0x1950] =	vst v61;
	v59 =	vld.idx.msk [tilespmem:v59+s3+$0x0], $0xffff  }
0x6d: {  	s24 =	simm.s32 $0x3200;
	v54 =	vadd.s32 s6, v11;
	v60 =	vld.idx.msk [tilespmem:v60+s3+$0x0], $0xffff;
	[tilespmem:s1+$0x1960] =	vst v52  }
0x6e: {  	v51 =	vadd.s32 s24, v5;
	v57 =	vld.idx.msk [tilespmem:v57+s3+$0x0], $0xffff;
	[tilespmem:s1+$0x1970] =	vst v53  }
0x6f: {  	v63 =	vadd.s32 s6, v13;
	v56 =	vld.idx.msk [tilespmem:v56+s3+$0x0], $0xffff;
	[tilespmem:s0+$0x1980] =	vst v50  }
0x70: {  	v2 =	vld.idx.msk [tilespmem:v2+s3+$0x0], $0xffff;
	v50 =	vadd.s32 s6, v12;
	[tilespmem:s0+$0x1990] =	vst v4  }
0x71: {  	s9 =	simm.s32 $0x3203;
	v4 =	vld.idx.msk [tilespmem:v58+s3+$0x0], $0xffff;
	v58 =	vadd.s32 s6, v8;
	[tilespmem:s0+$0x19A0] =	vst v3  }
0x72: {  	v3 =	vld.idx.msk [tilespmem:v54+s3+$0x0], $0xffff;
	v54 =	vadd.s32 s9, v5;
	[tilespmem:s0+$0x19D0] =	vst v62  }
0x73: {  	v51 =	vld.idx.msk [tilespmem:v51+s3+$0x0], $0xffff;
	[tilespmem:s0+$0x19B0] =	vst v59;
	v59 =	vadd.s32 s9, v9  }
0x74: {  	v62 =	vadd.s32 s9, v10;
	[tilespmem:s0+$0x19C0] =	vst v60;
	v60 =	vld.idx.msk [tilespmem:v63+s3+$0x0], $0xffff  }
0x75: {  	[tilespmem:s0+$0x19F0] =	vst v57;
	v57 =	vadd.s32 s9, v14;
	v50 =	vld.idx.msk [tilespmem:v50+s3+$0x0], $0xffff  }
0x76: {  	[tilespmem:s0+$0x19E0] =	vst v56;
	v56 =	vadd.s32 s9, v11;
	v58 =	vld.idx.msk [tilespmem:v58+s3+$0x0], $0xffff  }
0x77: {  	v49 =	vld.idx.msk [tilespmem:v54+s3+$0x0], $0xffff;
	v54 =	vadd.s32 s9, v13  }
0x78: {  	v0 =	vld.idx.msk [tilespmem:v59+s3+$0x0], $0xffff;
	v59 =	vadd.s32 s9, v12  }
0x79: {  	v1 =	vld.idx.msk [tilespmem:v62+s3+$0x0], $0xffff;
	v62 =	vadd.s32 s9, v8  }
0x7a: {  	v61 =	vadd.s32 s24, v9;
	v57 =	vld.idx.msk [tilespmem:v57+s3+$0x0], $0xffff  }
0x7b: {  	v52 =	vadd.s32 s24, v10;
	v56 =	vld.idx.msk [tilespmem:v56+s3+$0x0], $0xffff  }
0x7c: {  	[tilespmem:s1+$0x4BD0] =	vst v55;
	v53 =	vadd.s32 s24, v11;
	v54 =	vld.idx.msk [tilespmem:v54+s3+$0x0], $0xffff  }
0x7d: {  	v55 =	vadd.s32 s24, v14;
	[tilespmem:s0+$0x10] =	vst v7;
	v59 =	vld.idx.msk [tilespmem:v59+s3+$0x0], $0xffff  }
0x7e: {  	v63 =	vadd.s32 s24, v13;
	v62 =	vld.idx.msk [tilespmem:v62+s3+$0x0], $0xffff;
	[tilespmem:s0+$0x3280] =	vst v49  }
0x7f: {  	v49 =	vld.idx.msk [tilespmem:v61+s3+$0x0], $0xffff;
	v61 =	vadd.s32 s24, v12;
	[tilespmem:s0+$0x3290] =	vst v0  }
0x80: {  	s25 =	simm.s32 $0x4B03;
	v0 =	vld.idx.msk [tilespmem:v52+s3+$0x0], $0xffff;
	v52 =	vadd.s32 s24, v8;
	[tilespmem:s0+$0x32A0] =	vst v1  }
0x81: {  	v1 =	vld.idx.msk [tilespmem:v53+s3+$0x0], $0xffff;
	v53 =	vadd.s32 s25, v5;
	[tilespmem:s0+$0x32C0] =	vst v57  }
0x82: {  	v55 =	vld.idx.msk [tilespmem:v55+s3+$0x0], $0xffff;
	v7 =	vadd.s32 s25, v13;
	[tilespmem:s0+$0x32B0] =	vst v56  }
0x83: {  	v57 =	vld.idx.msk [tilespmem:v63+s3+$0x0], $0xffff;
	v56 =	vadd.s32 s25, v8;
	[tilespmem:s0+$0x32D0] =	vst v54  }
0x84: {  	v54 =	vadd.s32 s25, v9;
	v61 =	vld.idx.msk [tilespmem:v61+s3+$0x0], $0xffff;
	[tilespmem:s0+$0x32E0] =	vst v59  }
0x85: {  	v59 =	vadd.s32 s25, v10;
	v52 =	vld.idx.msk [tilespmem:v52+s3+$0x0], $0xffff;
	[tilespmem:s0+$0x32F0] =	vst v62  }
0x86: {  	[tilespmem:s0+$0x0] =	vst v6;
	v62 =	vadd.s32 s25, v11;
	v6 =	vld.idx.msk [tilespmem:v53+s3+$0x0], $0xffff  }
0x87: {  	[tilespmem:s0+$0x20] =	vst v4;
	v53 =	vadd.s32 s25, v14;
	v7 =	vld.idx.msk [tilespmem:v7+s3+$0x0], $0xffff  }
0x88: {  	[tilespmem:s0+$0x30] =	vst v3;
	v56 =	vld.idx.msk [tilespmem:v56+s3+$0x0], $0xffff  }
0x89: {  	[tilespmem:s0+$0x40] =	vst v2;
	v4 =	vld.idx.msk [tilespmem:v54+s3+$0x0], $0xffff  }
0x8a: {  	s26 =	simm.s32 $0x1902;
	[tilespmem:s0+$0x50] =	vst v60;
	v59 =	vld.idx.msk [tilespmem:v59+s3+$0x0], $0xffff  }
0x8b: {  	v2 =	vadd.s32 s26, v9;
	[tilespmem:s0+$0x60] =	vst v50;
	v62 =	vld.idx.msk [tilespmem:v62+s3+$0x0], $0xffff  }
0x8c: {  	v60 =	vadd.s32 s26, v10;
	v53 =	vld.idx.msk [tilespmem:v53+s3+$0x0], $0xffff;
	[tilespmem:$0x1FE40] =	vst v7  }
0x8d: {  	[tilespmem:s0+$0x70] =	vst v58;
	v58 =	vadd.s32 s26, v14  }
0x8e: {  	v54 =	vadd.s32 s25, v12  }
0x8f: {  	s30 =	simm.s32 $0x5;
	v50 =	vadd.s32 s26, v11;
	[tilespmem:s1+$0x3210] =	vst v49  }
0x90: {  	[tilespmem:s1+$0x3240] =	vst v55;
	v55 =	vadd.s32 s30, v11;
	v7 =	vld.idx.msk [tilespmem:v2+s3+$0x0], $0xffff  }
0x91: {  	[tilespmem:s1+$0x3250] =	vst v57;
	v57 =	vadd.s32 s30, v14;
	v49 =	vld.idx.msk [tilespmem:v60+s3+$0x0], $0xffff  }
0x92: {  	[tilespmem:s1+$0x3230] =	vst v1;
	v1 =	vld.idx.msk [tilespmem:v58+s3+$0x0], $0xffff;
	v58 =	vadd.s32 s30, v10  }
0x93: {  	v63 =	vld.idx.msk [tilespmem:v54+s3+$0x0], $0xffff;
	v54 =	vadd.s32 s30, v5  }
0x94: {  	[tilespmem:s1+$0x4BE0] =	vst v48;
	v2 =	vld.idx.msk [tilespmem:v50+s3+$0x0], $0xffff;
	v60 =	vadd.s32 s30, v9  }
0x95: {  	v50 =	vadd.s32 s30, v12;
	[tilespmem:s0+$0x4B80] =	vst v6;
	v6 =	vld.idx.msk [tilespmem:v55+s3+$0x0], $0xffff  }
0x96: {  	[tilespmem:s0+$0x4BF0] =	vst v56;
	v56 =	vadd.s32 s30, v13;
	v55 =	vld.idx.msk [tilespmem:v57+s3+$0x0], $0xffff  }
0x97: {  	s31 =	simm.s32 $0x4B00;
	[tilespmem:s1+$0x3270] =	vst v52;
	v52 =	vld.idx.msk [tilespmem:v58+s3+$0x0], $0xffff;
	v58 =	vadd.s32 s30, v8  }
0x98: {  	[tilespmem:s0+$0x4B90] =	vst v4;
	v4 =	vadd.s32 s31, v5;
	v54 =	vld.idx.msk [tilespmem:v54+s3+$0x0], $0xffff  }
0x99: {  	[tilespmem:s1+$0x3200] =	vst v51;
	v57 =	vadd.s32 s31, v9;
	v60 =	vld.idx.msk [tilespmem:v60+s3+$0x0], $0xffff  }
0x9a: {  	[tilespmem:s0+$0x4BB0] =	vst v62;
	v62 =	vld.idx.msk [tilespmem:v50+s3+$0x0], $0xffff  }
0x9b: {  	v3 =	vadd.s32 s26, v5;
	[tilespmem:s1+$0x3220] =	vst v0;
	v56 =	vld.idx.msk [tilespmem:v56+s3+$0x0], $0xffff  }
0x9c: {  	s5 =	simm.s32 $0x6600;
	v48 =	vadd.s32 s26, v13;
	[tilespmem:s1+$0x3260] =	vst v61;
	v58 =	vld.idx.msk [tilespmem:v58+s3+$0x0], $0xffff  }
0x9d: {  	v51 =	vadd.s32 s26, v12;
	[tilespmem:s5+$0x80] =	vst v54;
	v54 =	vld.idx.msk [tilespmem:v4+s3+$0x0], $0xffff  }
0x9e: {  	v61 =	vadd.s32 s26, v8;
	v4 =	vld.idx.msk [tilespmem:v57+s3+$0x0], $0xffff  }
0x9f: {  	[tilespmem:s0+$0x4BA0] =	vst v59;
	v59 =	vadd.s32 s31, v10  }
0xa0: {  	v3 =	vld.idx.msk [tilespmem:v3+s3+$0x0], $0xffff  }
0xa1: {  	[tilespmem:s0+$0x4BC0] =	vst v53;
	v48 =	vld.idx.msk [tilespmem:v48+s3+$0x0], $0xffff  }
0xa2: {  	v51 =	vld.idx.msk [tilespmem:v51+s3+$0x0], $0xffff;
	[tilespmem:s5+$0x90] =	vst v60  }
0xa3: {  	v61 =	vld.idx.msk [tilespmem:v61+s3+$0x0], $0xffff;
	[tilespmem:$0x1FE80] =	vst v4  }
0xa4: {  	v4 =	vld.idx.msk [tilespmem:v59+s3+$0x0], $0xffff;
	_ =	sdelay $0x1  }
0xa5: {  	s7 =	simm.s32 $0x4  }
0xa6: {  	v53 =	vadd.s32 s7, v5  }
0xa7: {  	v50 =	vadd.s32 s7, v9;
	[tilespmem:s5+$0xA0] =	vst v52  }
0xa8: {  	v0 =	vadd.s32 s7, v10;
	[tilespmem:$0x1FE90] =	vst v4  }
0xa9: {  	s8 =	simm.s32 $0x1905;
	v57 =	vadd.s32 s7, v11;
	[tilespmem:s5+$0xB0] =	vst v6  }
0xaa: {  	v60 =	vadd.s32 s8, v10;
	[tilespmem:s5+$0xC0] =	vst v55  }
0xab: {  	v6 =	vadd.s32 s8, v5;
	v52 =	vld.idx.msk [tilespmem:v53+s3+$0x0], $0xffff;
	[tilespmem:s5+$0xD0] =	vst v56  }
0xac: {  	v53 =	vadd.s32 s8, v9;
	v50 =	vld.idx.msk [tilespmem:v50+s3+$0x0], $0xffff;
	[tilespmem:s5+$0xE0] =	vst v62  }
0xad: {  	v0 =	vld.idx.msk [tilespmem:v0+s3+$0x0], $0xffff;
	v56 =	vadd.s32 s8, v11;
	[tilespmem:s5+$0xF0] =	vst v58  }
0xae: {  	v57 =	vld.idx.msk [tilespmem:v57+s3+$0x0], $0xffff;
	v58 =	vadd.s32 s8, v14;
	[tilespmem:s0+$0x1900] =	vst v3  }
0xaf: {  	v62 =	vadd.s32 s8, v12;
	[tilespmem:s0+$0x1920] =	vst v49;
	v49 =	vld.idx.msk [tilespmem:v60+s3+$0x0], $0xffff  }
0xb0: {  	[tilespmem:s0+$0x1910] =	vst v7;
	v60 =	vadd.s32 s8, v8;
	v3 =	vld.idx.msk [tilespmem:v6+s3+$0x0], $0xffff  }
0xb1: {  	[tilespmem:s0+$0x1930] =	vst v2;
	v6 =	vadd.s32 s8, v13;
	v7 =	vld.idx.msk [tilespmem:v53+s3+$0x0], $0xffff  }
0xb2: {  	v2 =	vadd.s32 s7, v14;
	[tilespmem:s0+$0x1940] =	vst v1;
	v56 =	vld.idx.msk [tilespmem:v56+s3+$0x0], $0xffff  }
0xb3: {  	v1 =	vadd.s32 s7, v13;
	[tilespmem:s0+$0x1950] =	vst v48;
	v58 =	vld.idx.msk [tilespmem:v58+s3+$0x0], $0xffff  }
0xb4: {  	v48 =	vadd.s32 s7, v12;
	[tilespmem:s0+$0x1960] =	vst v51;
	v53 =	vld.idx.msk [tilespmem:v62+s3+$0x0], $0xffff  }
0xb5: {  	s24 =	simm.s32 $0x3202;
	v51 =	vadd.s32 s7, v8;
	[tilespmem:s0+$0x1970] =	vst v61;
	v55 =	vld.idx.msk [tilespmem:v60+s3+$0x0], $0xffff  }
0xb6: {  	v59 =	vadd.s32 s24, v5;
	v6 =	vld.idx.msk [tilespmem:v6+s3+$0x0], $0xffff;
	[tilespmem:s5+$0x1980] =	vst v3  }
0xb7: {  	v61 =	vadd.s32 s24, v11;
	v2 =	vld.idx.msk [tilespmem:v2+s3+$0x0], $0xffff;
	[tilespmem:s5+$0x1990] =	vst v7  }
0xb8: {  	v1 =	vld.idx.msk [tilespmem:v1+s3+$0x0], $0xffff;
	v60 =	vadd.s32 s24, v9;
	[tilespmem:s5+$0x19A0] =	vst v49  }
0xb9: {  	s9 =	simm.s32 $0x3205;
	v7 =	vld.idx.msk [tilespmem:v48+s3+$0x0], $0xffff;
	[tilespmem:s5+$0x19B0] =	vst v56  }
0xba: {  	v62 =	vadd.s32 s9, v5;
	v49 =	vld.idx.msk [tilespmem:v51+s3+$0x0], $0xffff;
	[tilespmem:s5+$0x19C0] =	vst v58  }
0xbb: {  	v56 =	vld.idx.msk [tilespmem:v59+s3+$0x0], $0xffff;
	v58 =	vadd.s32 s9, v9;
	[tilespmem:s5+$0x19E0] =	vst v53  }
0xbc: {  	v53 =	vadd.s32 s9, v11;
	v48 =	vld.idx.msk [tilespmem:v61+s3+$0x0], $0xffff;
	[tilespmem:s5+$0x19F0] =	vst v55  }
0xbd: {  	v59 =	vld.idx.msk [tilespmem:v60+s3+$0x0], $0xffff;
	v55 =	vadd.s32 s9, v14;
	[tilespmem:s5+$0x19D0] =	vst v6  }
0xbe: {  	v60 =	vadd.s32 s9, v13;
	v4 =	vld [tilespmem:$0x1FE40]  }
0xbf: {  	v61 =	vadd.s32 s9, v12;
	v51 =	vld.idx.msk [tilespmem:v62+s3+$0x0], $0xffff  }
0xc0: {  	v6 =	vadd.s32 s9, v10;
	v58 =	vld.idx.msk [tilespmem:v58+s3+$0x0], $0xffff;
	[tilespmem:s5+$0x0] =	vst v52  }
0xc1: {  	v52 =	vadd.s32 s9, v8;
	[tilespmem:s5+$0x10] =	vst v50;
	v50 =	vld.idx.msk [tilespmem:v53+s3+$0x0], $0xffff  }
0xc2: {  	[tilespmem:s5+$0x20] =	vst v0;
	v0 =	vld.idx.msk [tilespmem:v55+s3+$0x0], $0xffff  }
0xc3: {  	[tilespmem:s5+$0x30] =	vst v57;
	v57 =	vld.idx.msk [tilespmem:v60+s3+$0x0], $0xffff  }
0xc4: {  	v3 =	vadd.s32 s24, v10;
	v60 =	vld.idx.msk [tilespmem:v61+s3+$0x0], $0xffff  }
0xc5: {  	v62 =	vadd.s32 s24, v14;
	v6 =	vld.idx.msk [tilespmem:v6+s3+$0x0], $0xffff  }
0xc6: {  	v52 =	vld.idx.msk [tilespmem:v52+s3+$0x0], $0xffff;
	[tilespmem:s5+$0x3280] =	vst v51;
	v51 =	vadd.s32 s31, v13  }
0xc7: {  	[tilespmem:s0+$0x4BE0] =	vst v63;
	v53 =	vadd.s32 s24, v13  }
0xc8: {  	v55 =	vadd.s32 s24, v12;
	[tilespmem:s5+$0x40] =	vst v2  }
0xc9: {  	v3 =	vld.idx.msk [tilespmem:v3+s3+$0x0], $0xffff;
	v2 =	vadd.s32 s24, v8;
	[tilespmem:s5+$0x50] =	vst v1  }
0xca: {  	v1 =	vadd.s32 s31, v11;
	[tilespmem:s0+$0x4BD0] =	vst v4;
	v61 =	vld.idx.msk [tilespmem:v62+s3+$0x0], $0xffff  }
0xcb: {  	v62 =	vadd.s32 s31, v14;
	[tilespmem:s5+$0x32D0] =	vst v57;
	v57 =	vld.idx.msk [tilespmem:v51+s3+$0x0], $0xffff  }
0xcc: {  	v63 =	vld.idx.msk [tilespmem:v53+s3+$0x0], $0xffff;
	[tilespmem:s5+$0x3290] =	vst v58  }
0xcd: {  	s25 =	simm.s32 $0x4B05;
	v55 =	vld.idx.msk [tilespmem:v55+s3+$0x0], $0xffff;
	v58 =	vadd.s32 s31, v12;
	[tilespmem:s5+$0x32B0] =	vst v50  }
0xce: {  	v2 =	vld.idx.msk [tilespmem:v2+s3+$0x0], $0xffff;
	[tilespmem:s5+$0x32A0] =	vst v6;
	v6 =	vadd.s32 s25, v5  }
0xcf: {  	v4 =	vld.idx.msk [tilespmem:v1+s3+$0x0], $0xffff;
	[tilespmem:s5+$0x32C0] =	vst v0;
	v0 =	vadd.s32 s25, v8  }
0xd0: {  	v1 =	vadd.s32 s25, v9;
	v53 =	vld.idx.msk [tilespmem:v62+s3+$0x0], $0xffff;
	[tilespmem:$0x1FEA0] =	vst v57  }
0xd1: {  	v50 =	vadd.s32 s25, v10;
	[tilespmem:s5+$0x32E0] =	vst v60  }
0xd2: {  	v62 =	vadd.s32 s25, v11;
	v51 =	vld.idx.msk [tilespmem:v58+s3+$0x0], $0xffff;
	[tilespmem:s5+$0x32F0] =	vst v52  }
0xd3: {  	[tilespmem:s5+$0x60] =	vst v7;
	v7 =	vadd.s32 s25, v14;
	v6 =	vld.idx.msk [tilespmem:v6+s3+$0x0], $0xffff  }
0xd4: {  	[tilespmem:s5+$0x70] =	vst v49;
	v49 =	vadd.s32 s25, v13;
	v0 =	vld.idx.msk [tilespmem:v0+s3+$0x0], $0xffff  }
0xd5: {  	s26 =	simm.s32 $0x1904;
	[tilespmem:s0+$0x3200] =	vst v56;
	v56 =	vadd.s32 s25, v12;
	v1 =	vld.idx.msk [tilespmem:v1+s3+$0x0], $0xffff  }
0xd6: {  	[tilespmem:s0+$0x3220] =	vst v3;
	v3 =	vadd.s32 s26, v9;
	v50 =	vld.idx.msk [tilespmem:v50+s3+$0x0], $0xffff  }
0xd7: {  	[tilespmem:s0+$0x3260] =	vst v55;
	v55 =	vadd.s32 s26, v12;
	v52 =	vld.idx.msk [tilespmem:v62+s3+$0x0], $0xffff  }
0xd8: {  	[tilespmem:s0+$0x3210] =	vst v59;
	v60 =	vadd.s32 s26, v5;
	v7 =	vld.idx.msk [tilespmem:v7+s3+$0x0], $0xffff  }
0xd9: {  	[tilespmem:s0+$0x3230] =	vst v48;
	v62 =	vadd.s32 s26, v10;
	v59 =	vld.idx.msk [tilespmem:v49+s3+$0x0], $0xffff  }
0xda: {  	s28 =	simm.s32 $0x4B02;
	[tilespmem:s0+$0x3240] =	vst v61;
	v58 =	vadd.s32 s26, v11;
	v56 =	vld.idx.msk [tilespmem:v56+s3+$0x0], $0xffff  }
0xdb: {  	v3 =	vld.idx.msk [tilespmem:v3+s3+$0x0], $0xffff;
	[tilespmem:s5+$0x4B90] =	vst v1;
	v1 =	vadd.s32 s28, v5  }
0xdc: {  	[tilespmem:s0+$0x3250] =	vst v63;
	v49 =	vadd.s32 s26, v14;
	v55 =	vld.idx.msk [tilespmem:v55+s3+$0x0], $0xffff  }
0xdd: {  	v48 =	vadd.s32 s26, v8;
	[tilespmem:s5+$0x4BF0] =	vst v0;
	v0 =	vld.idx.msk [tilespmem:v60+s3+$0x0], $0xffff  }
0xde: {  	v57 =	vadd.s32 s26, v13;
	[tilespmem:s0+$0x3270] =	vst v2;
	v2 =	vld.idx.msk [tilespmem:v62+s3+$0x0], $0xffff  }
0xdf: {  	[tilespmem:s5+$0x4B80] =	vst v6;
	v6 =	vld.idx.msk [tilespmem:v58+s3+$0x0], $0xffff  }
0xe0: {  	v60 =	vadd.s32 s31, v8;
	[tilespmem:s5+$0x4BA0] =	vst v50;
	v1 =	vld.idx.msk [tilespmem:v1+s3+$0x0], $0xffff  }
0xe1: {  	[tilespmem:s5+$0x4BB0] =	vst v52;
	v58 =	vld.idx.msk [tilespmem:v49+s3+$0x0], $0xffff;
	v49 =	vadd.s32 s28, v9  }
0xe2: {  	v61 =	vld.idx.msk [tilespmem:v48+s3+$0x0], $0xffff;
	[tilespmem:s5+$0x4BC0] =	vst v7  }
0xe3: {  	v50 =	vld.idx.msk [tilespmem:v57+s3+$0x0], $0xffff;
	[tilespmem:s5+$0x1910] =	vst v3  }
0xe4: {  	[tilespmem:s5+$0x1900] =	vst v0  }
0xe5: {  	v52 =	vld.idx.msk [tilespmem:v60+s3+$0x0], $0xffff;
	[tilespmem:$0x1FE50] =	vst v1  }
0xe6: {  	s30 =	simm.s32 $0x7;
	[tilespmem:s5+$0x1920] =	vst v2;
	v2 =	vld.idx.msk [tilespmem:v49+s3+$0x0], $0xffff  }
0xe7: {  	v57 =	vadd.s32 s30, v5  }
0xe8: {  	v7 =	vadd.s32 s30, v9  }
0xe9: {  	v0 =	vadd.s32 s30, v10  }
0xea: {  	v49 =	vadd.s32 s28, v10  }
0xeb: {  	v1 =	vadd.s32 s30, v11;
	[tilespmem:$0x1FE60] =	vst v2  }
0xec: {  	v2 =	vadd.s32 s30, v14;
	[tilespmem:s5+$0x1930] =	vst v6;
	v3 =	vld.idx.msk [tilespmem:v57+s3+$0x0], $0xffff  }
0xed: {  	v6 =	vadd.s32 s30, v13;
	[tilespmem:s5+$0x1940] =	vst v58;
	v7 =	vld.idx.msk [tilespmem:v7+s3+$0x0], $0xffff  }
0xee: {  	v57 =	vadd.s32 s30, v12;
	[tilespmem:s5+$0x1950] =	vst v50;
	v0 =	vld.idx.msk [tilespmem:v0+s3+$0x0], $0xffff  }
0xef: {  	v50 =	vadd.s32 s30, v8;
	[tilespmem:s5+$0x1960] =	vst v55;
	v63 =	vld.idx.msk [tilespmem:v49+s3+$0x0], $0xffff  }
0xf0: {  	v1 =	vld.idx.msk [tilespmem:v1+s3+$0x0], $0xffff;
	[tilespmem:s5+$0x1970] =	vst v61  }
0xf1: {  	[tilespmem:s5+$0x4BD0] =	vst v59;
	v2 =	vld.idx.msk [tilespmem:v2+s3+$0x0], $0xffff  }
0xf2: {  	[tilespmem:s5+$0x4BE0] =	vst v56;
	v6 =	vld.idx.msk [tilespmem:v6+s3+$0x0], $0xffff  }
0xf3: {  	[tilespmem:s1+$0x4B00] =	vst v54;
	v56 =	vld.idx.msk [tilespmem:v57+s3+$0x0], $0xffff  }
0xf4: {  	s8 =	simm.s32 $0x6700;
	v54 =	vld.idx.msk [tilespmem:v50+s3+$0x0], $0xffff;
	[tilespmem:$0x1FE70] =	vst v63  }
0xf5: {  	[tilespmem:s8+$0x80] =	vst v3  }
0xf6: {  	[tilespmem:s8+$0x90] =	vst v7  }
0xf7: {  	s31 =	simm.s32 $0x1907;
	[tilespmem:s8+$0xA0] =	vst v0  }
0xf8: {  	[tilespmem:s8+$0xB0] =	vst v1;
	v0 =	vadd.s32 s31, v5  }
0xf9: {  	[tilespmem:s8+$0xC0] =	vst v2  }
0xfa: {  	[tilespmem:s8+$0xD0] =	vst v6  }
0xfb: {  	[tilespmem:s8+$0xE0] =	vst v56  }
0xfc: {  	[tilespmem:s8+$0xF0] =	vst v54  }
0xfd: {  	v63 =	vld.idx.msk [tilespmem:v0+s3+$0x0], $0xffff  }
0xfe: {  	v1 =	vadd.s32 s31, v9;
	v0 =	vld [tilespmem:$0x1FE80]  }
0xff: {  	s24 =	simm.s32 $0x6  }
0x100: {  	v55 =	vadd.s32 s24, v5  }
0x101: {  	v60 =	vadd.s32 s24, v9  }
0x102: {  	v59 =	vadd.s32 s24, v10  }
0x103: {  	v3 =	vadd.s32 s24, v13;
	[tilespmem:s1+$0x4B10] =	vst v0;
	v0 =	vld.idx.msk [tilespmem:v1+s3+$0x0], $0xffff  }
0x104: {  	v61 =	vadd.s32 s24, v11;
	v1 =	vld [tilespmem:$0x1FE90]  }
0x105: {  	v57 =	vld.idx.msk [tilespmem:v55+s3+$0x0], $0xffff  }
0x106: {  	v49 =	vadd.s32 s24, v14;
	v58 =	vld.idx.msk [tilespmem:v60+s3+$0x0], $0xffff  }
0x107: {  	v7 =	vadd.s32 s24, v12;
	v59 =	vld.idx.msk [tilespmem:v59+s3+$0x0], $0xffff;
	[tilespmem:s1+$0x4B30] =	vst v4  }
0x108: {  	v62 =	vld.idx.msk [tilespmem:v3+s3+$0x0], $0xffff;
	v3 =	vadd.s32 s31, v11;
	[tilespmem:s1+$0x4B40] =	vst v53  }
0x109: {  	s9 =	simm.s32 $0x3204;
	v60 =	vld.idx.msk [tilespmem:v61+s3+$0x0], $0xffff;
	v2 =	vadd.s32 s31, v10;
	[tilespmem:s1+$0x4B20] =	vst v1  }
0x10a: {  	v50 =	vadd.s32 s31, v14;
	v54 =	vadd.s32 s9, v5;
	v5 =	vld [tilespmem:$0x1FEA0]  }
0x10b: {  	v61 =	vld.idx.msk [tilespmem:v49+s3+$0x0], $0xffff  }
0x10c: {  	v55 =	vld.idx.msk [tilespmem:v7+s3+$0x0], $0xffff  }
0x10d: {  	v56 =	vld.idx.msk [tilespmem:v3+s3+$0x0], $0xffff  }
0x10e: {  	s29 =	simm.s32 $0x0;
	v6 =	vadd.s32 s31, v13;
	v1 =	vld.idx.msk [tilespmem:v2+s3+$0x0], $0xffff  }
0x10f: {  	s6 =	simm.s32 $0x8;
	s25 =	simm.s32 $0x0;
	s26 =	simm.s32 $0x0;
	v7 =	vadd.s32 s31, v12;
	v3 =	vadd.s32 s24, v8;
	v4 =	vadd.s32 s31, v8;
	v2 =	vld.idx.msk [tilespmem:v50+s3+$0x0], $0xffff;
	[tilespmem:s1+$0x4B50] =	vst v5  }
.LBB2_2:
0x110: {  	_ =	sdelay $0x3  }
0x111: {  	v6 =	vld.idx.msk [tilespmem:v6+s25+$0x0], $0xffff  }
0x112: {  	v12 =	vld [tilespmem:$0x1FEB0]  }
0x113: {  	v7 =	vld.idx.msk [tilespmem:v7+s25+$0x0], $0xffff  }
0x114: {  	v9 =	vld [tilespmem:$0x1FEC0]  }
0x115: {  	v4 =	vld.idx.msk [tilespmem:v4+s25+$0x0], $0xffff  }
0x116: {  	v10 =	vld [tilespmem:$0x1FED0]  }
0x117: {  	v11 =	vld [tilespmem:$0x1FF50]  }
0x118: {  	v14 =	vld [tilespmem:$0x1FEE0]  }
0x119: {  	[tilespmem:s1+$0x4B60] =	vst v51;
	v50 =	vld [tilespmem:$0x1FEF0];
	v53 =	vadd.s32 s9, v12  }
0x11a: {  	[tilespmem:s1+$0x4B70] =	vst v52;
	v13 =	vld [tilespmem:$0x1FF70];
	v51 =	vadd.s32 s9, v9  }
0x11b: {  	[tilespmem:s8+$0x1980] =	vst v63;
	v5 =	vld [tilespmem:$0x1FF80];
	v52 =	vadd.s32 s9, v10  }
0x11c: {  	[tilespmem:s8+$0x1990] =	vst v0;
	v3 =	vld.idx.msk [tilespmem:v3+s25+$0x0], $0xffff;
	v0 =	vadd.s32 s9, v11  }
0x11d: {  	s30 =	sadd.s32 $0x3201, s24;
	[tilespmem:s8+$0x19A0] =	vst v1;
	v1 =	vld.idx.msk [tilespmem:v54+s26+$0x0], $0xffff;
	v54 =	vadd.s32 s9, v14  }
0x11e: {  	[tilespmem:s8+$0x19B0] =	vst v56;
	v56 =	vadd.s32 s30, v50;
	v63 =	vld.idx.msk [tilespmem:v53+s26+$0x0], $0xffff  }
0x11f: {  	[tilespmem:s8+$0x19C0] =	vst v2;
	v2 =	vadd.s32 s30, v12;
	v8 =	vld.idx.msk [tilespmem:v51+s26+$0x0], $0xffff  }
0x120: {  	[tilespmem:s8+$0x19D0] =	vst v6;
	v6 =	vadd.s32 s30, v9;
	v48 =	vld.idx.msk [tilespmem:v52+s26+$0x0], $0xffff  }
0x121: {  	[tilespmem:s8+$0x19E0] =	vst v7;
	v7 =	vadd.s32 s30, v10;
	v0 =	vld.idx.msk [tilespmem:v0+s26+$0x0], $0xffff  }
0x122: {  	[tilespmem:s8+$0x19F0] =	vst v4;
	v4 =	vadd.s32 s30, v11;
	v49 =	vld.idx.msk [tilespmem:v54+s26+$0x0], $0xffff  }
0x123: {  	[tilespmem:s8+$0x0] =	vst v57;
	v51 =	vld.idx.msk [tilespmem:v56+s25+$0x0], $0xffff;
	v52 =	vadd.s32 s30, v14  }
0x124: {  	[tilespmem:s8+$0x10] =	vst v58;
	v2 =	vld.idx.msk [tilespmem:v2+s25+$0x0], $0xffff;
	v53 =	vadd.s32 s30, v13  }
0x125: {  	[tilespmem:s8+$0x20] =	vst v59;
	v6 =	vld.idx.msk [tilespmem:v6+s25+$0x0], $0xffff;
	v54 =	vadd.s32 s30, v5  }
0x126: {  	[tilespmem:s8+$0x30] =	vst v60;
	v7 =	vld.idx.msk [tilespmem:v7+s25+$0x0], $0xffff  }
0x127: {  	v60 =	vadd.s32 s9, v13;
	[tilespmem:s8+$0x40] =	vst v61;
	v4 =	vld.idx.msk [tilespmem:v4+s25+$0x0], $0xffff  }
0x128: {  	v57 =	vadd.s32 s9, v5;
	[tilespmem:s8+$0x50] =	vst v62;
	v52 =	vld.idx.msk [tilespmem:v52+s25+$0x0], $0xffff  }
0x129: {  	v58 =	vadd.s32 s28, v10;
	[tilespmem:s8+$0x60] =	vst v55;
	v55 =	vld.idx.msk [tilespmem:v53+s25+$0x0], $0xffff  }
0x12a: {  	v53 =	vadd.s32 s28, v11;
	v59 =	vld.idx.msk [tilespmem:v54+s25+$0x0], $0xffff;
	[tilespmem:s8+$0x3280] =	vst v51  }
0x12b: {  	v51 =	vadd.s32 s28, v14;
	[tilespmem:s8+$0x3290] =	vst v2  }
0x12c: {  	v2 =	vld.idx.msk [tilespmem:v60+s26+$0x0], $0xffff;
	v60 =	vadd.s32 s28, v13;
	[tilespmem:s8+$0x32A0] =	vst v6  }
0x12d: {  	s30 =	sadd.s32 $0x4B01, s24;
	v61 =	vadd.s32 s28, v5;
	v6 =	vld.idx.msk [tilespmem:v57+s26+$0x0], $0xffff;
	[tilespmem:s8+$0x32B0] =	vst v7  }
0x12e: {  	v7 =	vadd.s32 s30, v50;
	v56 =	vld.idx.msk [tilespmem:v58+s29+$0x0], $0xffff;
	[tilespmem:s8+$0x32C0] =	vst v4  }
0x12f: {  	v4 =	vadd.s32 s30, v5;
	v54 =	vld.idx.msk [tilespmem:v53+s29+$0x0], $0xffff;
	[tilespmem:s8+$0x32D0] =	vst v52  }
0x130: {  	v62 =	vadd.s32 s30, v12;
	v51 =	vld.idx.msk [tilespmem:v51+s29+$0x0], $0xffff;
	[tilespmem:s8+$0x32E0] =	vst v55  }
0x131: {  	s1 =	smov.u32 s0;
	v57 =	vadd.s32 s30, v14;
	v53 =	vld.idx.msk [tilespmem:v60+s29+$0x0], $0xffff;
	[tilespmem:s8+$0x32F0] =	vst v59  }
0x132: {  	s0 =	smov.u32 s5;
	v58 =	vadd.s32 s30, v13;
	v52 =	vld.idx.msk [tilespmem:v61+s29+$0x0], $0xffff;
	s29 =	smov.u32 s26;
	s26 =	smov.u32 s25;
	[tilespmem:s8+$0x70] =	vst v3  }
0x133: {  	v55 =	vadd.s32 s30, v9;
	[tilespmem:s0+$0x3200] =	vst v1;
	v3 =	vld.idx.msk [tilespmem:v7+s26+$0x0], $0xffff  }
0x134: {  	v59 =	vadd.s32 s30, v10;
	[tilespmem:s0+$0x3210] =	vst v63;
	v4 =	vld.idx.msk [tilespmem:v4+s26+$0x0], $0xffff  }
0x135: {  	s31 =	sadd.s32 $0x1900, s24;
	[tilespmem:s0+$0x3220] =	vst v8;
	v7 =	vadd.s32 s30, v11;
	v1 =	vld.idx.msk [tilespmem:v62+s26+$0x0], $0xffff  }
0x136: {  	v60 =	vadd.s32 s31, v50;
	[tilespmem:s0+$0x3230] =	vst v48;
	v57 =	vld.idx.msk [tilespmem:v57+s26+$0x0], $0xffff  }
0x137: {  	v8 =	vadd.s32 s31, v12;
	[tilespmem:s0+$0x3240] =	vst v0;
	v58 =	vld.idx.msk [tilespmem:v58+s26+$0x0], $0xffff  }
0x138: {  	v48 =	vadd.s32 s31, v9;
	[tilespmem:s0+$0x3250] =	vst v49;
	v55 =	vld.idx.msk [tilespmem:v55+s26+$0x0], $0xffff  }
0x139: {  	v0 =	vadd.s32 s31, v10;
	[tilespmem:$0x1FE30] =	vst v51;
	v59 =	vld.idx.msk [tilespmem:v59+s26+$0x0], $0xffff  }
0x13a: {  	v49 =	vadd.s32 s31, v11;
	v7 =	vld.idx.msk [tilespmem:v7+s26+$0x0], $0xffff;
	[tilespmem:s8+$0x4BF0] =	vst v4  }
0x13b: {  	v4 =	vld.idx.msk [tilespmem:v60+s26+$0x0], $0xffff;
	v60 =	vadd.s32 s31, v14;
	[tilespmem:s0+$0x3260] =	vst v2  }
0x13c: {  	v2 =	vld.idx.msk [tilespmem:v8+s26+$0x0], $0xffff;
	v8 =	vadd.s32 s31, v13;
	[tilespmem:s0+$0x3270] =	vst v6  }
0x13d: {  	[tilespmem:s8+$0x4B80] =	vst v3;
	v6 =	vld.idx.msk [tilespmem:v48+s26+$0x0], $0xffff;
	v48 =	vadd.s32 s31, v5  }
0x13e: {  	s28 =	sadd.s32 $0x4B00, s7;
	[tilespmem:s8+$0x4B90] =	vst v1;
	v0 =	vld.idx.msk [tilespmem:v0+s26+$0x0], $0xffff  }
0x13f: {  	v1 =	vadd.s32 s28, v50;
	v3 =	vld.idx.msk [tilespmem:v49+s26+$0x0], $0xffff;
	[tilespmem:s8+$0x4BA0] =	vst v55  }
0x140: {  	v49 =	vadd.s32 s28, v12;
	[tilespmem:s8+$0x4BB0] =	vst v59;
	v55 =	vld.idx.msk [tilespmem:v60+s26+$0x0], $0xffff  }
0x141: {  	s30 =	sadd.s32 $0x1, s6;
	v59 =	vadd.s32 s28, v9;
	[tilespmem:s8+$0x4BC0] =	vst v7;
	v8 =	vld.idx.msk [tilespmem:v8+s26+$0x0], $0xffff  }
0x142: {  	v60 =	vadd.s32 s30, v50;
	v48 =	vld.idx.msk [tilespmem:v48+s26+$0x0], $0xffff;
	[tilespmem:s8+$0x1900] =	vst v4  }
0x143: {  	v63 =	vld [tilespmem:$0x1FE50];
	v7 =	vadd.s32 s30, v12;
	[tilespmem:s8+$0x1910] =	vst v2  }
0x144: {  	v4 =	vadd.s32 s30, v9;
	v1 =	vld.idx.msk [tilespmem:v1+s29+$0x0], $0xffff;
	[tilespmem:s8+$0x1920] =	vst v6  }
0x145: {  	v2 =	vadd.s32 s30, v10;
	v49 =	vld.idx.msk [tilespmem:v49+s29+$0x0], $0xffff;
	[tilespmem:s8+$0x1930] =	vst v0  }
0x146: {  	s25 =	simm.s32 $0x0;
	v6 =	vadd.s32 s30, v11;
	v51 =	vld.idx.msk [tilespmem:v59+s29+$0x0], $0xffff;
	[tilespmem:s8+$0x1940] =	vst v3  }
0x147: {  	v0 =	vld.idx.msk [tilespmem:v60+s25+$0x0], $0xffff;
	v59 =	vadd.s32 s30, v14;
	[tilespmem:s8+$0x1950] =	vst v55  }
0x148: {  	v3 =	vld.idx.msk [tilespmem:v7+s25+$0x0], $0xffff;
	v7 =	vadd.s32 s30, v13;
	[tilespmem:s1+$0x4B00] =	vst v63  }
0x149: {  	v55 =	vadd.s32 s30, v5;
	[tilespmem:s8+$0x1960] =	vst v8;
	v4 =	vld.idx.msk [tilespmem:v4+s25+$0x0], $0xffff  }
0x14a: {  	v2 =	vld.idx.msk [tilespmem:v2+s25+$0x0], $0xffff;
	[tilespmem:s8+$0x1970] =	vst v48  }
0x14b: {  	v60 =	vadd.s32 s6, v9;
	v6 =	vld.idx.msk [tilespmem:v6+s25+$0x0], $0xffff;
	[tilespmem:s8+$0x4BD0] =	vst v57  }
0x14c: {  	v61 =	vadd.s32 s6, v10;
	v63 =	vmov v1;
	v62 =	vld.idx.msk [tilespmem:v59+s25+$0x0], $0xffff;
	[tilespmem:s8+$0x4BE0] =	vst v58  }
0x14d: {  	s5 =	smov.u32 s8;
	v8 =	vadd.s32 s6, v50;
	[tilespmem:$0x1FE50] =	vst v63;
	s8 =	sadd.s32 $0x100, s8;
	v7 =	vld.idx.msk [tilespmem:v7+s25+$0x0], $0xffff  }
0x14e: {  	v63 =	vld.idx.msk [tilespmem:v55+s25+$0x0], $0xffff;
	[tilespmem:s8+$0x80] =	vst v0;
	v0 =	vadd.s32 s6, v14;
	_ =	sdelay $0x1  }
0x14f: {  	v48 =	vadd.s32 s6, v12;
	v59 =	vld.idx.msk [tilespmem:v60+s25+$0x0], $0xffff  }
0x150: {  	v1 =	vadd.s32 s6, v11;
	v60 =	vld.idx.msk [tilespmem:v61+s25+$0x0], $0xffff;
	[tilespmem:s8+$0x90] =	vst v3  }
0x151: {  	s31 =	sadd.s32 $0x1901, s6;
	v57 =	vld.idx.msk [tilespmem:v8+s25+$0x0], $0xffff;
	v3 =	vadd.s32 s6, v13;
	[tilespmem:s8+$0xB0] =	vst v2  }
0x152: {  	v2 =	vadd.s32 s31, v50;
	[tilespmem:s8+$0xD0] =	vst v62;
	v62 =	vld.idx.msk [tilespmem:v0+s25+$0x0], $0xffff  }
0x153: {  	[tilespmem:s8+$0xA0] =	vst v4;
	v0 =	vld [tilespmem:$0x1FE60]  }
0x154: {  	v58 =	vld.idx.msk [tilespmem:v48+s25+$0x0], $0xffff;
	v4 =	vadd.s32 s31, v12;
	[tilespmem:s8+$0xC0] =	vst v6  }
0x155: {  	v61 =	vld.idx.msk [tilespmem:v1+s25+$0x0], $0xffff;
	[tilespmem:s8+$0xE0] =	vst v7  }
0x156: {  	v55 =	vld.idx.msk [tilespmem:v3+s25+$0x0], $0xffff;
	[tilespmem:s8+$0xF0] =	vst v63  }
0x157: {  	v63 =	vld.idx.msk [tilespmem:v2+s25+$0x0], $0xffff  }
0x158: {  	v8 =	vadd.s32 s31, v10;
	v2 =	vld [tilespmem:$0x1FE70];
	[tilespmem:s1+$0x4B10] =	vst v0;
	v0 =	vmov v49  }
0x159: {  	v1 =	vadd.s32 s31, v9;
	[tilespmem:$0x1FE60] =	vst v0;
	v0 =	vld.idx.msk [tilespmem:v4+s25+$0x0], $0xffff  }
0x15a: {  	p0 =	slt.u32 s6, $0x30;
	v11 =	vadd.s32 s31, v11;
	v3 =	vadd.s32 s6, v5;
	v4 =	vadd.s32 s31, v5;
	v5 =	vld [tilespmem:$0x1FE30]  }
.Ltmp0:
0x15b: {  	[tilespmem:s1+$0x4B30] =	vst v56;
	(pc) =	sbr.rel @p0 .LBB2_2-.Ltmp0, $4  }
0x15c: {  	[tilespmem:s1+$0x4B40] =	vst v54  }
0x15d: {  	s7 =	smov.u32 s24;
	v56 =	vld.idx.msk [tilespmem:v8+s25+$0x0], $0xffff;
	[tilespmem:s1+$0x4B20] =	vst v2;
	v2 =	vmov v51  }
0x15e: {  	s9 =	sadd.s32 $0x3200, s7;
	v1 =	vld.idx.msk [tilespmem:v1+s25+$0x0], $0xffff;
	[tilespmem:$0x1FE70] =	vst v2  }
0x15f: {  	s24 =	smov.u32 s6;
	v6 =	vadd.s32 s31, v14;
	v7 =	vadd.s32 s31, v13;
	s6 =	sadd.s32 $0x2, s6;
	v54 =	vadd.s32 s9, v50;
	v51 =	vmovc v53;
	v2 =	vld.idx.msk [tilespmem:v11+s25+$0x0], $0xffff;
	[tilespmem:s1+$0x4B50] =	vst v5  }
0x160: {  	_ =	sdelay $0x3  }
0x161: {  	v6 =	vld.idx.msk [tilespmem:v6+s25+$0x0], $0xffff  }
0x162: {  	v7 =	vld.idx.msk [tilespmem:v7+s25+$0x0], $0xffff  }
0x163: {  	v4 =	vld.idx.msk [tilespmem:v4+s25+$0x0], $0xffff;
	[tilespmem:s8+$0x1980] =	vst v63  }
0x164: {  	[tilespmem:s8+$0x1990] =	vst v0  }
0x165: {  	[tilespmem:s8+$0x19B0] =	vst v56  }
0x166: {  	[tilespmem:s8+$0x19A0] =	vst v1  }
0x167: {  	v12 =	vld [tilespmem:$0x1FEF0];
	[tilespmem:s8+$0x19C0] =	vst v2  }
0x168: {  	v5 =	vld [tilespmem:$0x1FEB0];
	[tilespmem:s8+$0x19D0] =	vst v6  }
0x169: {  	v9 =	vld [tilespmem:$0x1FEC0];
	_ =	sdelay $0x3  }
0x16a: {  	s6 =	sadd.s32 $0x3201, s24  }
0x16b: {  	v3 =	vld.idx.msk [tilespmem:v3+s25+$0x0], $0xffff;
	[tilespmem:s8+$0x19E0] =	vst v7;
	v56 =	vadd.s32 s6, v9  }
0x16c: {  	v10 =	vld [tilespmem:$0x1FED0];
	[tilespmem:s8+$0x19F0] =	vst v4  }
0x16d: {  	v11 =	vld [tilespmem:$0x1FF50];
	[tilespmem:s1+$0x4B60] =	vst v51  }
0x16e: {  	v14 =	vld [tilespmem:$0x1FEE0];
	[tilespmem:s1+$0x4B70] =	vst v52  }
0x16f: {  	v49 =	vadd.s32 s6, v12;
	v13 =	vld [tilespmem:$0x1FF70]  }
0x170: {  	v50 =	vadd.s32 s6, v5;
	[tilespmem:s8+$0x0] =	vst v57;
	v2 =	vld.idx.msk [tilespmem:v56+s25+$0x0], $0xffff  }
0x171: {  	v6 =	vadd.s32 s6, v10;
	v56 =	vld [tilespmem:$0x1FF80]  }
0x172: {  	v63 =	vadd.s32 s6, v11  }
0x173: {  	v53 =	vadd.s32 s6, v14  }
0x174: {  	v0 =	vld.idx.msk [tilespmem:v49+s25+$0x0], $0xffff;
	[tilespmem:s8+$0x10] =	vst v58  }
0x175: {  	v1 =	vld.idx.msk [tilespmem:v50+s25+$0x0], $0xffff;
	v8 =	vadd.s32 s6, v13;
	[tilespmem:s8+$0x20] =	vst v59  }
0x176: {  	[tilespmem:s8+$0x30] =	vst v60;
	v6 =	vld.idx.msk [tilespmem:v6+s25+$0x0], $0xffff;
	v48 =	vadd.s32 s6, v56  }
0x177: {  	[tilespmem:s8+$0x40] =	vst v61;
	v61 =	vadd.s32 s9, v11;
	v4 =	vld.idx.msk [tilespmem:v63+s25+$0x0], $0xffff  }
0x178: {  	[tilespmem:s8+$0x50] =	vst v62;
	v63 =	vadd.s32 s9, v14;
	v7 =	vld.idx.msk [tilespmem:v53+s25+$0x0], $0xffff  }
0x179: {  	v49 =	vadd.s32 s9, v5;
	[tilespmem:s8+$0x60] =	vst v55;
	v53 =	vld.idx.msk [tilespmem:v54+s26+$0x0], $0xffff  }
0x17a: {  	v50 =	vadd.s32 s9, v9;
	[tilespmem:s8+$0x70] =	vst v3;
	v8 =	vld.idx.msk [tilespmem:v8+s25+$0x0], $0xffff  }
0x17b: {  	v60 =	vadd.s32 s9, v10;
	v48 =	vld.idx.msk [tilespmem:v48+s25+$0x0], $0xffff;
	[tilespmem:s8+$0x3280] =	vst v0  }
0x17c: {  	v57 =	vadd.s32 s9, v13;
	v51 =	vld.idx.msk [tilespmem:v61+s26+$0x0], $0xffff;
	[tilespmem:s8+$0x3290] =	vst v1  }
0x17d: {  	v58 =	vadd.s32 s9, v56;
	v52 =	vld.idx.msk [tilespmem:v63+s26+$0x0], $0xffff;
	[tilespmem:s8+$0x32A0] =	vst v2  }
0x17e: {  	s6 =	sadd.s32 $0x4B01, s24;
	v0 =	vld.idx.msk [tilespmem:v49+s26+$0x0], $0xffff;
	[tilespmem:s8+$0x32B0] =	vst v6  }
0x17f: {  	v59 =	vadd.s32 s6, v12;
	v1 =	vld.idx.msk [tilespmem:v50+s26+$0x0], $0xffff;
	[tilespmem:s8+$0x32C0] =	vst v4  }
0x180: {  	v2 =	vld.idx.msk [tilespmem:v60+s26+$0x0], $0xffff;
	v60 =	vadd.s32 s6, v56;
	[tilespmem:s8+$0x32D0] =	vst v7  }
0x181: {  	v61 =	vadd.s32 s6, v5;
	v49 =	vld.idx.msk [tilespmem:v57+s26+$0x0], $0xffff;
	[tilespmem:s8+$0x32E0] =	vst v8  }
0x182: {  	v8 =	vadd.s32 s6, v9;
	v50 =	vld.idx.msk [tilespmem:v58+s26+$0x0], $0xffff;
	[tilespmem:s5+$0x3200] =	vst v53  }
0x183: {  	v62 =	vadd.s32 s6, v10;
	[tilespmem:s8+$0x32F0] =	vst v48  }
0x184: {  	v63 =	vadd.s32 s6, v11;
	[tilespmem:s5+$0x3240] =	vst v51;
	v6 =	vld.idx.msk [tilespmem:v59+s25+$0x0], $0xffff  }
0x185: {  	v57 =	vadd.s32 s6, v14;
	[tilespmem:s5+$0x3250] =	vst v52;
	v4 =	vld.idx.msk [tilespmem:v60+s25+$0x0], $0xffff  }
0x186: {  	s9 =	sadd.s32 $0x1900, s24;
	v58 =	vadd.s32 s6, v13;
	[tilespmem:s5+$0x3210] =	vst v0;
	v7 =	vld.idx.msk [tilespmem:v61+s25+$0x0], $0xffff  }
0x187: {  	[tilespmem:s5+$0x3220] =	vst v1;
	v59 =	vadd.s32 s9, v12;
	v8 =	vld.idx.msk [tilespmem:v8+s25+$0x0], $0xffff  }
0x188: {  	[tilespmem:s5+$0x3230] =	vst v2;
	v60 =	vadd.s32 s9, v5;
	v48 =	vld.idx.msk [tilespmem:v62+s25+$0x0], $0xffff  }
0x189: {  	[tilespmem:s5+$0x3260] =	vst v49;
	v61 =	vadd.s32 s9, v9;
	v54 =	vld.idx.msk [tilespmem:v63+s25+$0x0], $0xffff  }
0x18a: {  	[tilespmem:s5+$0x3270] =	vst v50;
	v62 =	vadd.s32 s9, v10;
	v3 =	vld.idx.msk [tilespmem:v57+s25+$0x0], $0xffff  }
0x18b: {  	v63 =	vadd.s32 s9, v11;
	v53 =	vld.idx.msk [tilespmem:v58+s25+$0x0], $0xffff;
	[tilespmem:s8+$0x4BF0] =	vst v4  }
0x18c: {  	v57 =	vadd.s32 s9, v14;
	v0 =	vld.idx.msk [tilespmem:v59+s25+$0x0], $0xffff;
	[tilespmem:s8+$0x4B80] =	vst v6  }
0x18d: {  	v58 =	vadd.s32 s9, v13;
	v1 =	vld.idx.msk [tilespmem:v60+s25+$0x0], $0xffff;
	[tilespmem:s8+$0x4B90] =	vst v7  }
0x18e: {  	v2 =	vld.idx.msk [tilespmem:v61+s25+$0x0], $0xffff;
	v59 =	vadd.s32 s9, v56;
	[tilespmem:s8+$0x4BA0] =	vst v8  }
0x18f: {  	v60 =	vld.idx.msk [tilespmem:v62+s25+$0x0], $0xffff;
	[tilespmem:s8+$0x4BB0] =	vst v48  }
0x190: {  	v61 =	vld.idx.msk [tilespmem:v63+s25+$0x0], $0xffff;
	[tilespmem:s8+$0x4BC0] =	vst v54  }
0x191: {  	v4 =	vld.idx.msk [tilespmem:v57+s25+$0x0], $0xffff;
	[tilespmem:s8+$0x4BD0] =	vst v3  }
0x192: {  	v8 =	vld.idx.msk [tilespmem:v58+s25+$0x0], $0xffff;
	[tilespmem:s8+$0x4BE0] =	vst v53  }
0x193: {  	v62 =	vld.idx.msk [tilespmem:v59+s25+$0x0], $0xffff;
	[tilespmem:s8+$0x1900] =	vst v0  }
0x194: {  	[tilespmem:s8+$0x1910] =	vst v1  }
0x195: {  	[tilespmem:s8+$0x1920] =	vst v2  }
0x196: {  	[tilespmem:s8+$0x1930] =	vst v60  }
0x197: {  	v63 =	vadd.s32 s28, v10;
	[tilespmem:s8+$0x1940] =	vst v61  }
0x198: {  	v52 =	vadd.s32 s28, v11;
	[tilespmem:s8+$0x1950] =	vst v4  }
0x199: {  	v54 =	vadd.s32 s28, v14;
	[tilespmem:s8+$0x1960] =	vst v8  }
0x19a: {  	v55 =	vadd.s32 s28, v13;
	[tilespmem:s8+$0x1970] =	vst v62  }
0x19b: {  	v57 =	vadd.s32 s28, v56;
	v61 =	vld [tilespmem:$0x1FE50]  }
0x19c: {  	v7 =	vld.idx.msk [tilespmem:v63+s29+$0x0], $0xffff  }
0x19d: {  	v0 =	vld.idx.msk [tilespmem:v52+s29+$0x0], $0xffff  }
0x19e: {  	s28 =	sadd.s32 $0x3200, s24;
	v1 =	vld.idx.msk [tilespmem:v54+s29+$0x0], $0xffff  }
0x19f: {  	v58 =	vadd.s32 s28, v12;
	v2 =	vld.idx.msk [tilespmem:v55+s29+$0x0], $0xffff  }
0x1a0: {  	v8 =	vadd.s32 s28, v5;
	v6 =	vld.idx.msk [tilespmem:v57+s29+$0x0], $0xffff;
	[tilespmem:s0+$0x4B00] =	vst v61  }
0x1a1: {  	v59 =	vadd.s32 s28, v9;
	v62 =	vld [tilespmem:$0x1FE60];
	_ =	sdelay $0x1  }
0x1a2: {  	v60 =	vadd.s32 s28, v10  }
0x1a3: {  	v4 =	vld.idx.msk [tilespmem:v58+s25+$0x0], $0xffff;
	v58 =	vadd.s32 s28, v56  }
0x1a4: {  	v49 =	vadd.s32 s28, v11;
	v8 =	vld.idx.msk [tilespmem:v8+s25+$0x0], $0xffff  }
0x1a5: {  	v50 =	vadd.s32 s28, v14;
	v48 =	vld.idx.msk [tilespmem:v59+s25+$0x0], $0xffff;
	[tilespmem:s0+$0x4B10] =	vst v62  }
0x1a6: {  	s30 =	sadd.s32 $0x4B00, s7;
	v63 =	vadd.s32 s28, v13;
	v57 =	vld [tilespmem:$0x1FE70];
	[tilespmem:s0+$0x4B30] =	vst v7  }
0x1a7: {  	v59 =	vadd.s32 s30, v12;
	v3 =	vld.idx.msk [tilespmem:v60+s25+$0x0], $0xffff;
	[tilespmem:s0+$0x4B40] =	vst v0  }
0x1a8: {  	v51 =	vld.idx.msk [tilespmem:v58+s25+$0x0], $0xffff;
	[tilespmem:s0+$0x4B50] =	vst v1  }
0x1a9: {  	v60 =	vadd.s32 s30, v5;
	v0 =	vld.idx.msk [tilespmem:v49+s25+$0x0], $0xffff;
	[tilespmem:s0+$0x4B60] =	vst v2  }
0x1aa: {  	v61 =	vadd.s32 s30, v9;
	v1 =	vld.idx.msk [tilespmem:v50+s25+$0x0], $0xffff;
	[tilespmem:s0+$0x4B70] =	vst v6  }
0x1ab: {  	v58 =	vadd.s32 s30, v13;
	v50 =	vld.idx.msk [tilespmem:v63+s25+$0x0], $0xffff;
	[tilespmem:s8+$0x3200] =	vst v4  }
0x1ac: {  	v52 =	vld.idx.msk [tilespmem:v59+s26+$0x0], $0xffff;
	v59 =	vadd.s32 s30, v56;
	[tilespmem:s8+$0x3210] =	vst v8  }
0x1ad: {  	v62 =	vadd.s32 s30, v10;
	[tilespmem:s8+$0x3220] =	vst v48  }
0x1ae: {  	v63 =	vadd.s32 s30, v11;
	v4 =	vld.idx.msk [tilespmem:v60+s26+$0x0], $0xffff;
	[tilespmem:s8+$0x3230] =	vst v3  }
0x1af: {  	s31 =	sadd.s32 $0x4B00, s24;
	v8 =	vld.idx.msk [tilespmem:v61+s26+$0x0], $0xffff;
	[tilespmem:s0+$0x4B20] =	vst v57;
	v57 =	vadd.s32 s30, v14  }
0x1b0: {  	v60 =	vadd.s32 s31, v12;
	v7 =	vld.idx.msk [tilespmem:v58+s26+$0x0], $0xffff;
	[tilespmem:s8+$0x3270] =	vst v51  }
0x1b1: {  	v61 =	vadd.s32 s31, v5;
	v49 =	vld.idx.msk [tilespmem:v59+s26+$0x0], $0xffff;
	[tilespmem:s8+$0x3240] =	vst v0  }
0x1b2: {  	v2 =	vld.idx.msk [tilespmem:v62+s26+$0x0], $0xffff;
	v62 =	vadd.s32 s31, v9;
	[tilespmem:s8+$0x3250] =	vst v1  }
0x1b3: {  	v58 =	vadd.s32 s31, v14;
	v6 =	vld.idx.msk [tilespmem:v63+s26+$0x0], $0xffff;
	[tilespmem:s8+$0x3260] =	vst v50  }
0x1b4: {  	v63 =	vadd.s32 s31, v10;
	v48 =	vld.idx.msk [tilespmem:v57+s26+$0x0], $0xffff;
	[tilespmem:s5+$0x4B00] =	vst v52  }
0x1b5: {  	v59 =	vadd.s32 s31, v13;
	v3 =	vld.idx.msk [tilespmem:v60+s25+$0x0], $0xffff;
	[tilespmem:s5+$0x4B10] =	vst v4  }
0x1b6: {  	v0 =	vld.idx.msk [tilespmem:v61+s25+$0x0], $0xffff;
	v57 =	vadd.s32 s31, v11;
	[tilespmem:s5+$0x4B20] =	vst v8  }
0x1b7: {  	v1 =	vld.idx.msk [tilespmem:v62+s25+$0x0], $0xffff;
	v8 =	vadd.s32 s31, v56;
	[tilespmem:s5+$0x4B30] =	vst v2  }
0x1b8: {  	v62 =	vld.idx.msk [tilespmem:v58+s25+$0x0], $0xffff;
	[tilespmem:s5+$0x4B40] =	vst v6  }
0x1b9: {  	v60 =	vld.idx.msk [tilespmem:v63+s25+$0x0], $0xffff;
	[tilespmem:s5+$0x4B60] =	vst v7  }
0x1ba: {  	v4 =	vld.idx.msk [tilespmem:v59+s25+$0x0], $0xffff;
	[tilespmem:s5+$0x4B70] =	vst v49  }
0x1bb: {  	v61 =	vld.idx.msk [tilespmem:v57+s25+$0x0], $0xffff;
	[tilespmem:s5+$0x4B50] =	vst v48  }
0x1bc: {  	v63 =	vld.idx.msk [tilespmem:v8+s25+$0x0], $0xffff;
	[tilespmem:s8+$0x4B00] =	vst v3  }
0x1bd: {  	[tilespmem:s8+$0x4B10] =	vst v0  }
0x1be: {  	[tilespmem:s8+$0x4B20] =	vst v1  }
0x1bf: {  	[tilespmem:s8+$0x4B30] =	vst v60  }
0x1c0: {  	[tilespmem:s8+$0x4B50] =	vst v62  }
0x1c1: {  	[tilespmem:s8+$0x4B60] =	vst v4  }
0x1c2: {  	[tilespmem:s8+$0x4B40] =	vst v61  }
0x1c3: {  	[tilespmem:s8+$0x4B70] =	vst v63  }
0x1c4: {  	v13 =	vld [tilespmem:$0x1FF60]  }
0x1c5: {  	v14 =	vld [tilespmem:$0x1FF90]  }
0x1c6: {  	v9 =	vld [tilespmem:$0x1FF00]  }
.LBB2_4:
0x1c7: {  	s0 =	smul.u32 $0x6400, s25  }
0x1c8: {  	s1 =	smul.u32 $0x32, s25;
	s7 =	sshll.u32 s25, $0xA;
	s9 =	rddreg [dreg:$0x4]  }
0x1c9: {  	s5 =	simm.s32 $0x280;
	s28 =	sadd.s32 s9, s7  }
0x1ca: {  	s0 =	sshra.s32 s0, $0x2;
	s8 =	sadd.s32 $0x5, s1;
	s29 =	sadd.s32 $0x100000, s28  }
0x1cb: {  	s30 =	sadd.s32 $0x180000, s28;
	s24 =	sadd.s32 $0xA, s1;
	[dreg:$0x7] =	wrdreg s8  }
0x1cc: {  	s26 =	sadd.s32 $0x80000, s28;
	s0 =	sadd.s32 $0x6400, s0;
	[dreg:$0x8] =	wrdreg s24  }
0x1cd: {  	[tilespmem:s10], [sflag:$0x1] =	stream.indirect.gather [hbm4b:s4+s5], $0x20, s0, s5, $0xb8;
	[tilespmem:$0x18800] =	vst v63  }
0x1ce: {  	s31 =	sadd.s32 $0x200000, s28;
	[dreg:$0x9] =	wrdreg s26;
	s5 =	simm.s32 $0x0  }
.LBB2_5:
0x1cf: {  	s7 =	smul.u32 $0xA, s5  }
0x1d0: {  	s0 =	rddreg [dreg:$0x7]  }
0x1d1: {  	s1 =	sadd.s32 s7, s0  }
0x1d2: {  	s1 =	sshll.u32 s1, $0x7  }
0x1d3: {  	s1 =	sand.u32 $0x3FFFFF80, s1  }
0x1d4: {  	s26 =	simm.s32 $0x280;
	s1 =	sadd.s32 $0x6400, s1  }
0x1d5: {  	[tilespmem:s11], [sflag:$0x2] =	stream.indirect.gather [hbm4b:s4+s26], $0x20, s1, s26, $0xb8;
	[tilespmem:$0x18800] =	vst v63  }
0x1d6: {  	_ =	swait.ge [sflag:s12], $0x5000  }
0x1d7: {  	p0 =	seq.s32 s5, $0x0;
	[sflag:s12] =	ssyncset.done $0x0  }
0x1d8: {  	s1 =	simm.s32 @!p0 $0x3;
	[sflag:s12] =	ssyncadd.s32 $0xFFFFB000  }
0x1d9: {  	_ =	swait.ge @!p0 [sflag:s1], $0x400  }
0x1da: {  	[sflag:s1] =	ssyncset.done @!p0 $0x0  }
0x1db: {  	s6 =	simm.s32 $0x1;
	[sflag:s1] =	ssyncadd.s32 @!p0 $0xFFFFFC00  }
0x1dc: {  	v0 =	vmov s6;
	_ =	swait.ge @!p0 [sflag:s1], $0x400  }
0x1dd: {  	v0 =	vand.u32 $0x1D, v0;
	[sflag:s1] =	ssyncset.done @!p0 $0x0  }
0x1de: {  	v0 =	vbroadcast v0, $0x0;
	[sflag:s1] =	ssyncadd.s32 @!p0 $0xFFFFFC00  }
0x1df: {  	_ =	swait.ge @!p0 [sflag:s1], $0x400  }
0x1e0: {  	v1 =	vor.u32 v13, v0;
	[sflag:s1] =	ssyncset.done @!p0 $0x0  }
0x1e1: {  	v2 =	vor.u32 v14, v0;
	[sflag:s1] =	ssyncadd.s32 @!p0 $0xFFFFFC00  }
0x1e2: {  	s0 =	simm.s32 $0x3;
	v3 =	vor.u32 v9, v0;
	_ =	swait.ge @!p0 [sflag:s1], $0x400  }
0x1e3: {  	v6 =	vmov s0;
	v4 =	vor.u32 v15, v0;
	[sflag:s1] =	ssyncset.done @!p0 $0x0  }
0x1e4: {  	v6 =	vand.u32 $0x1F, v6;
	v7 =	vor.u32 v16, v0;
	[sflag:s1] =	ssyncadd.s32 @!p0 $0xFFFFFC00  }
0x1e5: {  	v8 =	vor.u32 v17, v0;
	v6 =	vbroadcast v6, $0x0;
	v1 =	vld.idx.msk [tilespmem:v1+s10+$0x0], $0xffff  }
0x1e6: {  	v48 =	vor.u32 v18, v0;
	v2 =	vld.idx.msk [tilespmem:v2+s10+$0x0], $0xffff  }
0x1e7: {  	v49 =	vor.u32 v13, v6;
	v3 =	vld.idx.msk [tilespmem:v3+s10+$0x0], $0xffff  }
0x1e8: {  	v50 =	vor.u32 v19, v6;
	v4 =	vld.idx.msk [tilespmem:v4+s10+$0x0], $0xffff  }
0x1e9: {  	v51 =	vor.u32 v14, v6;
	v7 =	vld.idx.msk [tilespmem:v7+s10+$0x0], $0xffff  }
0x1ea: {  	v53 =	vor.u32 v9, v6;
	v8 =	vld.idx.msk [tilespmem:v8+s10+$0x0], $0xffff  }
0x1eb: {  	s8 =	simm.s32 $0x2;
	v56 =	vor.u32 v15, v6;
	v55 =	vld.idx.msk [tilespmem:v48+s10+$0x0], $0xffff  }
0x1ec: {  	v52 =	vmov s8;
	v48 =	vld.idx.msk [tilespmem:v49+s10+$0x0], $0xffff;
	v49 =	vor.u32 v16, v6  }
0x1ed: {  	v52 =	vand.u32 $0x1E, v52;
	v57 =	vor.u32 v17, v6;
	v58 =	vld.idx.msk [tilespmem:v50+s10+$0x0], $0xffff  }
0x1ee: {  	v59 =	vbroadcast v52, $0x0;
	v52 =	vld.idx.msk [tilespmem:v51+s10+$0x0], $0xffff;
	v6 =	vor.u32 v18, v6  }
0x1ef: {  	v0 =	vor.u32 v19, v0;
	v54 =	vld.idx.msk [tilespmem:v53+s10+$0x0], $0xffff  }
0x1f0: {  	v60 =	vor.u32 v13, v59;
	v53 =	vld.idx.msk [tilespmem:v56+s10+$0x0], $0xffff  }
0x1f1: {  	v56 =	vor.u32 v14, v59;
	v50 =	vld.idx.msk [tilespmem:v49+s10+$0x0], $0xffff  }
0x1f2: {  	s6 =	simm.s32 $0x16900;
	v61 =	vor.u32 v9, v59;
	v49 =	vld.idx.msk [tilespmem:v57+s10+$0x0], $0xffff  }
0x1f3: {  	s9 =	simm.s32 $0x0;
	v57 =	vor.u32 v15, v59;
	v51 =	vld.idx.msk [tilespmem:v6+s10+$0x0], $0xffff;
	[tilespmem:s6+$0xF0] =	vst v58  }
0x1f4: {  	v0 =	vld.idx.msk [tilespmem:v0+s10+$0x0], $0xffff;
	v6 =	vor.u32 v16, v59;
	v58 =	vmov s9;
	[tilespmem:s6+$0xFFFFFF80] =	vst v1  }
0x1f5: {  	v1 =	vld.idx.msk [tilespmem:v60+s10+$0x0], $0xffff;
	v60 =	vor.u32 v17, v59;
	[tilespmem:s6+$0xFFFFFF90] =	vst v2;
	v58 =	vand.u32 $0x1C, v58  }
0x1f6: {  	v2 =	vld.idx.msk [tilespmem:v56+s10+$0x0], $0xffff;
	v56 =	vor.u32 v18, v59;
	[tilespmem:s6+$0xFFFFFFA0] =	vst v3;
	v62 =	vbroadcast v58, $0x0  }
0x1f7: {  	v3 =	vld.idx.msk [tilespmem:v61+s10+$0x0], $0xffff;
	[tilespmem:s6+$0xFFFFFFB0] =	vst v4;
	v58 =	vor.u32 v19, v59  }
0x1f8: {  	[tilespmem:s6+$0xFFFFFFC0] =	vst v7;
	v7 =	vor.u32 v14, v62;
	v4 =	vld.idx.msk [tilespmem:v57+s10+$0x0], $0xffff  }
0x1f9: {  	[tilespmem:s6+$0xFFFFFFD0] =	vst v8;
	v61 =	vor.u32 v9, v62;
	v6 =	vld.idx.msk [tilespmem:v6+s10+$0x0], $0xffff  }
0x1fa: {  	[tilespmem:s6+$0xFFFFFFE0] =	vst v55;
	v57 =	vor.u32 v13, v62;
	v8 =	vld.idx.msk [tilespmem:v60+s10+$0x0], $0xffff  }
0x1fb: {  	[tilespmem:s6+$0xFFFFFFF0] =	vst v0;
	v10 =	vld.idx.msk [tilespmem:v56+s10+$0x0], $0xffff;
	v56 =	vor.u32 v15, v62  }
0x1fc: {  	v0 =	vor.u32 v16, v62;
	v5 =	vld.idx.msk [tilespmem:v58+s10+$0x0], $0xffff;
	[tilespmem:s6+$0x0] =	vst v1  }
0x1fd: {  	s24 =	simm.s32 $0x5;
	v1 =	vor.u32 v17, v62;
	[tilespmem:s6+$0x10] =	vst v2;
	v60 =	vld.idx.msk [tilespmem:v7+s10+$0x0], $0xffff  }
0x1fe: {  	v2 =	vmov s24;
	[tilespmem:s6+$0x20] =	vst v3;
	v7 =	vor.u32 v18, v62;
	v58 =	vld.idx.msk [tilespmem:v61+s10+$0x0], $0xffff  }
0x1ff: {  	v2 =	vand.u32 $0x1D, v2;
	v59 =	vld.idx.msk [tilespmem:v57+s10+$0x0], $0xffff;
	[tilespmem:s6+$0x30] =	vst v4  }
0x200: {  	v55 =	vbroadcast v2, $0x0;
	v56 =	vld.idx.msk [tilespmem:v56+s10+$0x0], $0xffff;
	[tilespmem:s6+$0x40] =	vst v6  }
0x201: {  	v2 =	vor.u32 v19, v62;
	v57 =	vld.idx.msk [tilespmem:v0+s10+$0x0], $0xffff;
	[tilespmem:s6+$0x50] =	vst v8  }
0x202: {  	s26 =	simm.s32 $0x7;
	[tilespmem:s6+$0x60] =	vst v10;
	v63 =	vor.u32 v13, v55;
	v0 =	vor.u32 v14, v55;
	v61 =	vld.idx.msk [tilespmem:v1+s10+$0x0], $0xffff  }
0x203: {  	s8 =	sshll.u32 s5, $0x1;
	s9 =	simm.s32 $0x4;
	s24 =	simm.s32 $0x8;
	v4 =	vmov s26;
	v3 =	vor.u32 v9, v55;
	v1 =	vor.u32 v15, v55;
	[tilespmem:s6+$0x70] =	vst v5;
	v62 =	vld.idx.msk [tilespmem:v7+s10+$0x0], $0xffff  }
.LBB2_6:
0x204: {  	_ =	sdelay $0x2  }
0x205: {  	v6 =	vor.u32 v16, v55;
	v4 =	vand.u32 $0x1F, v4;
	v2 =	vld.idx.msk [tilespmem:v2+s10+$0x0], $0xffff;
	[tilespmem:s6+$0x80] =	vst v48  }
0x206: {  	v7 =	vld.idx.msk [tilespmem:v63+s10+$0x0], $0xffff;
	v8 =	vor.u32 v17, v55;
	[tilespmem:s6+$0x90] =	vst v52;
	v4 =	vbroadcast v4, $0x0  }
0x207: {  	v0 =	vld.idx.msk [tilespmem:v0+s10+$0x0], $0xffff;
	v63 =	vor.u32 v18, v55;
	[tilespmem:s6+$0xA0] =	vst v54  }
0x208: {  	v3 =	vld.idx.msk [tilespmem:v3+s10+$0x0], $0xffff;
	[tilespmem:s6+$0xB0] =	vst v53;
	v52 =	vor.u32 v13, v4  }
0x209: {  	v1 =	vld.idx.msk [tilespmem:v1+s10+$0x0], $0xffff;
	[tilespmem:s6+$0xC0] =	vst v50;
	v53 =	vor.u32 v19, v4  }
0x20a: {  	[tilespmem:s6+$0xD0] =	vst v49;
	v49 =	vor.u32 v9, v4;
	v6 =	vld.idx.msk [tilespmem:v6+s10+$0x0], $0xffff  }
0x20b: {  	[tilespmem:s6+$0xE0] =	vst v51;
	v51 =	vor.u32 v15, v4;
	v8 =	vld.idx.msk [tilespmem:v8+s10+$0x0], $0xffff  }
0x20c: {  	s1 =	sadd.s32 $0x2, s9;
	[tilespmem:s6+$0xFFFFFF40] =	vst v57;
	v50 =	vor.u32 v14, v4;
	v63 =	vld.idx.msk [tilespmem:v63+s10+$0x0], $0xffff  }
0x20d: {  	v54 =	vmov s1;
	[tilespmem:s6+$0xFFFFFF00] =	vst v59;
	v59 =	vor.u32 v16, v4;
	v48 =	vld.idx.msk [tilespmem:v52+s10+$0x0], $0xffff  }
0x20e: {  	[tilespmem:s6+$0xFFFFFF10] =	vst v60;
	v60 =	vor.u32 v17, v4;
	v52 =	vand.u32 $0x1E, v54;
	v5 =	vld.idx.msk [tilespmem:v53+s10+$0x0], $0xffff  }
0x20f: {  	[tilespmem:s6+$0xFFFFFF20] =	vst v58;
	v4 =	vor.u32 v18, v4;
	v54 =	vld.idx.msk [tilespmem:v49+s10+$0x0], $0xffff;
	v58 =	vbroadcast v52, $0x0  }
0x210: {  	v55 =	vor.u32 v19, v55;
	[tilespmem:s6+$0xFFFFFF30] =	vst v56;
	v53 =	vld.idx.msk [tilespmem:v51+s10+$0x0], $0xffff  }
0x211: {  	[tilespmem:s6+$0xFFFFFF50] =	vst v61;
	v52 =	vld.idx.msk [tilespmem:v50+s10+$0x0], $0xffff;
	v56 =	vor.u32 v13, v58  }
0x212: {  	[tilespmem:s6+$0xFFFFFF60] =	vst v62;
	v50 =	vld.idx.msk [tilespmem:v59+s10+$0x0], $0xffff;
	v57 =	vor.u32 v14, v58  }
0x213: {  	[tilespmem:s6+$0xFFFFFF70] =	vst v2;
	s6 =	sadd.s32 $0x200, s6;
	v49 =	vld.idx.msk [tilespmem:v60+s10+$0x0], $0xffff;
	v61 =	vor.u32 v9, v58  }
0x214: {  	v51 =	vld.idx.msk [tilespmem:v4+s10+$0x0], $0xffff;
	v2 =	vor.u32 v15, v58;
	[tilespmem:s6+$0xF0] =	vst v5  }
0x215: {  	v4 =	vmov s9;
	v62 =	vor.u32 v17, v58;
	v5 =	vld.idx.msk [tilespmem:v55+s10+$0x0], $0xffff;
	[tilespmem:s6+$0xFFFFFF80] =	vst v7  }
0x216: {  	v4 =	vand.u32 $0x1C, v4;
	v7 =	vor.u32 v16, v58;
	[tilespmem:s6+$0xFFFFFF90] =	vst v0;
	v0 =	vld.idx.msk [tilespmem:v56+s10+$0x0], $0xffff  }
0x217: {  	v4 =	vbroadcast v4, $0x0;
	[tilespmem:s6+$0xFFFFFFA0] =	vst v3;
	v3 =	vld.idx.msk [tilespmem:v57+s10+$0x0], $0xffff;
	v56 =	vor.u32 v18, v58  }
0x218: {  	[tilespmem:s6+$0xFFFFFFB0] =	vst v1;
	v1 =	vld.idx.msk [tilespmem:v61+s10+$0x0], $0xffff;
	v57 =	vor.u32 v19, v58  }
0x219: {  	[tilespmem:s6+$0xFFFFFFC0] =	vst v6;
	v58 =	vor.u32 v13, v4;
	v6 =	vld.idx.msk [tilespmem:v2+s10+$0x0], $0xffff  }
0x21a: {  	v2 =	vor.u32 v14, v4;
	v61 =	vld.idx.msk [tilespmem:v62+s10+$0x0], $0xffff  }
0x21b: {  	[tilespmem:s6+$0xFFFFFFD0] =	vst v8;
	v8 =	vor.u32 v9, v4;
	v9 =	vor.u32 v16, v4;
	v7 =	vld.idx.msk [tilespmem:v7+s10+$0x0], $0xffff  }
0x21c: {  	[tilespmem:s6+$0xFFFFFFF0] =	vst v5;
	v5 =	vld.idx.msk [tilespmem:v56+s10+$0x0], $0xffff  }
0x21d: {  	v10 =	vld.idx.msk [tilespmem:v57+s10+$0x0], $0xffff  }
0x21e: {  	[tilespmem:s6+$0xFFFFFFE0] =	vst v63;
	v62 =	vor.u32 v15, v4;
	v59 =	vld.idx.msk [tilespmem:v58+s10+$0x0], $0xffff  }
0x21f: {  	v11 =	vor.u32 v17, v4;
	[tilespmem:s6+$0x0] =	vst v0;
	v60 =	vld.idx.msk [tilespmem:v2+s10+$0x0], $0xffff  }
0x220: {  	s0 =	sadd.s32 $0x1, s24;
	v12 =	vor.u32 v18, v4;
	[tilespmem:s6+$0x10] =	vst v3;
	v57 =	vld.idx.msk [tilespmem:v9+s10+$0x0], $0xffff  }
0x221: {  	p1 =	slt.u32 s24, $0x1C;
	v63 =	vmov s0;
	[tilespmem:s6+$0x20] =	vst v1;
	v9 =	vld [tilespmem:$0x1FF00]  }
.Ltmp1:
0x222: {  	v0 =	vand.u32 $0x1D, v63;
	v58 =	vld.idx.msk [tilespmem:v8+s10+$0x0], $0xffff;
	[tilespmem:s6+$0x30] =	vst v6;
	(pc) =	sbr.rel @p1 .LBB2_6-.Ltmp1, $4  }
0x223: {  	v56 =	vld.idx.msk [tilespmem:v62+s10+$0x0], $0xffff;
	[tilespmem:s6+$0x50] =	vst v61;
	v55 =	vbroadcast v0, $0x0  }
0x224: {  	s26 =	sadd.s32 $0x3, s24;
	v61 =	vld.idx.msk [tilespmem:v11+s10+$0x0], $0xffff;
	[tilespmem:s6+$0x40] =	vst v7  }
0x225: {  	v2 =	vor.u32 v19, v4;
	v4 =	vmov s26;
	v62 =	vld.idx.msk [tilespmem:v12+s10+$0x0], $0xffff;
	v63 =	vor.u32 v13, v55;
	[tilespmem:s6+$0x60] =	vst v5  }
0x226: {  	s9 =	smov.u32 s24;
	s24 =	sadd.s32 $0x4, s24;
	v0 =	vor.u32 v14, v55;
	v1 =	vor.u32 v15, v55;
	v3 =	vor.u32 v9, v55;
	[tilespmem:s6+$0x70] =	vst v10  }
0x227: {  	[tilespmem:s6+$0x80] =	vst v48  }
0x228: {  	[tilespmem:s6+$0x90] =	vst v52  }
0x229: {  	[tilespmem:s6+$0xA0] =	vst v54  }
0x22a: {  	[tilespmem:s6+$0xB0] =	vst v53  }
0x22b: {  	[tilespmem:s6+$0xC0] =	vst v50  }
0x22c: {  	[tilespmem:s6+$0xD0] =	vst v49  }
0x22d: {  	[tilespmem:s6+$0xE0] =	vst v51  }
0x22e: {  	v5 =	vor.u32 v16, v55;
	v16 =	vld [tilespmem:$0x1FFA0];
	_ =	sdelay $0x1  }
0x22f: {  	v4 =	vand.u32 $0x1F, v4  }
0x230: {  	v4 =	vbroadcast v4, $0x0  }
0x231: {  	v2 =	vld.idx.msk [tilespmem:v2+s10+$0x0], $0xffff  }
0x232: {  	v48 =	vor.u32 v16, v4;
	v16 =	vld [tilespmem:$0x1FFB0];
	[tilespmem:s6+$0xFFFFFF00] =	vst v59  }
0x233: {  	v6 =	vld.idx.msk [tilespmem:v63+s10+$0x0], $0xffff;
	v7 =	vor.u32 v17, v55;
	[tilespmem:s6+$0xFFFFFF10] =	vst v60  }
0x234: {  	v0 =	vld.idx.msk [tilespmem:v0+s10+$0x0], $0xffff;
	v8 =	vor.u32 v18, v55;
	[tilespmem:s6+$0xFFFFFF20] =	vst v58  }
0x235: {  	v3 =	vld.idx.msk [tilespmem:v3+s10+$0x0], $0xffff;
	[tilespmem:s6+$0xFFFFFF30] =	vst v56  }
0x236: {  	v1 =	vld.idx.msk [tilespmem:v1+s10+$0x0], $0xffff;
	v52 =	vor.u32 v13, v4;
	[tilespmem:s6+$0xFFFFFF40] =	vst v57  }
0x237: {  	v10 =	vor.u32 v19, v4;
	v5 =	vld.idx.msk [tilespmem:v5+s10+$0x0], $0xffff;
	[tilespmem:s6+$0xFFFFFF50] =	vst v61  }
0x238: {  	v15 =	vmov v9;
	s1 =	sadd.s32 $0x2, s9;
	v11 =	vor.u32 v14, v4;
	v7 =	vld.idx.msk [tilespmem:v7+s10+$0x0], $0xffff;
	[tilespmem:s6+$0xFFFFFF60] =	vst v62  }
0x239: {  	v54 =	vmov s1;
	v12 =	vor.u32 v15, v4;
	v8 =	vld.idx.msk [tilespmem:v8+s10+$0x0], $0xffff;
	[tilespmem:s6+$0xFFFFFF70] =	vst v2  }
0x23a: {  	v49 =	vand.u32 $0x1E, v54;
	v2 =	vld [tilespmem:$0x1FFA0]  }
0x23b: {  	v49 =	vbroadcast v49, $0x0;
	v60 =	vor.u32 v17, v4;
	v9 =	vld.idx.msk [tilespmem:v52+s10+$0x0], $0xffff  }
0x23c: {  	v63 =	vor.u32 v19, v55;
	v10 =	vld.idx.msk [tilespmem:v10+s10+$0x0], $0xffff  }
0x23d: {  	v57 =	vor.u32 v13, v49;
	v11 =	vld.idx.msk [tilespmem:v11+s10+$0x0], $0xffff  }
0x23e: {  	v58 =	vor.u32 v14, v49;
	v12 =	vld.idx.msk [tilespmem:v12+s10+$0x0], $0xffff  }
0x23f: {  	v62 =	vor.u32 v17, v49;
	v48 =	vld.idx.msk [tilespmem:v48+s10+$0x0], $0xffff  }
0x240: {  	v59 =	vor.u32 v16, v4;
	v51 =	vld.idx.msk [tilespmem:v60+s10+$0x0], $0xffff  }
0x241: {  	s26 =	sadd.s32 $0x200, s6;
	v4 =	vor.u32 v18, v4;
	v60 =	vld.idx.msk [tilespmem:v63+s10+$0x0], $0xffff  }
0x242: {  	[tilespmem:s26+$0xFFFFFF80] =	vst v6;
	v6 =	vld.idx.msk [tilespmem:v57+s10+$0x0], $0xffff;
	v63 =	vor.u32 v18, v49  }
0x243: {  	[tilespmem:s26+$0xFFFFFF90] =	vst v0;
	v0 =	vld.idx.msk [tilespmem:v58+s10+$0x0], $0xffff;
	v2 =	vor.u32 v2, v49  }
0x244: {  	v61 =	vor.u32 v16, v49;
	[tilespmem:s26+$0xFFFFFFC0] =	vst v5;
	v5 =	vld.idx.msk [tilespmem:v62+s10+$0x0], $0xffff  }
0x245: {  	[tilespmem:s26+$0xFFFFFFA0] =	vst v3;
	v50 =	vld.idx.msk [tilespmem:v59+s10+$0x0], $0xffff;
	v59 =	vor.u32 v15, v49  }
0x246: {  	[tilespmem:s26+$0xFFFFFFB0] =	vst v1;
	v4 =	vld.idx.msk [tilespmem:v4+s10+$0x0], $0xffff;
	v49 =	vor.u32 v19, v49  }
0x247: {  	[tilespmem:s26+$0xFFFFFFD0] =	vst v7;
	v57 =	vld.idx.msk [tilespmem:v63+s10+$0x0], $0xffff  }
0x248: {  	[tilespmem:s26+$0xFFFFFFE0] =	vst v8;
	v1 =	vld.idx.msk [tilespmem:v2+s10+$0x0], $0xffff  }
0x249: {  	[tilespmem:s26+$0xF0] =	vst v10;
	v2 =	vld.idx.msk [tilespmem:v61+s10+$0x0], $0xffff  }
0x24a: {  	[tilespmem:s26+$0xFFFFFFF0] =	vst v60;
	v3 =	vld.idx.msk [tilespmem:v59+s10+$0x0], $0xffff  }
0x24b: {  	v7 =	vmov s9;
	v58 =	vld.idx.msk [tilespmem:v49+s10+$0x0], $0xffff;
	[tilespmem:s26+$0x0] =	vst v6  }
0x24c: {  	v7 =	vand.u32 $0x1C, v7;
	[tilespmem:s26+$0x10] =	vst v0  }
0x24d: {  	v7 =	vbroadcast v7, $0x0;
	[tilespmem:s26+$0x30] =	vst v1  }
0x24e: {  	[tilespmem:s26+$0x40] =	vst v2  }
0x24f: {  	v0 =	vor.u32 v13, v7;
	[tilespmem:s26+$0x20] =	vst v3  }
0x250: {  	v6 =	vor.u32 v17, v7;
	v2 =	vld [tilespmem:$0x1FFA0]  }
0x251: {  	v59 =	vor.u32 v18, v7;
	[tilespmem:s26+$0x50] =	vst v5  }
0x252: {  	v3 =	vor.u32 v14, v7;
	[tilespmem:s26+$0x60] =	vst v57  }
0x253: {  	v1 =	vor.u32 v15, v7;
	[tilespmem:s26+$0x70] =	vst v58  }
0x254: {  	v0 =	vld.idx.msk [tilespmem:v0+s10+$0x0], $0xffff;
	v5 =	vor.u32 v16, v7;
	[tilespmem:s26+$0x80] =	vst v9  }
0x255: {  	v6 =	vld.idx.msk [tilespmem:v6+s10+$0x0], $0xffff;
	[tilespmem:s26+$0x90] =	vst v11;
	v2 =	vor.u32 v2, v7  }
0x256: {  	v8 =	vld.idx.msk [tilespmem:v59+s10+$0x0], $0xffff;
	[tilespmem:s26+$0xA0] =	vst v12;
	v7 =	vor.u32 v19, v7  }
0x257: {  	[tilespmem:s26+$0xB0] =	vst v48;
	v3 =	vld.idx.msk [tilespmem:v3+s10+$0x0], $0xffff  }
0x258: {  	v1 =	vld.idx.msk [tilespmem:v1+s10+$0x0], $0xffff;
	[tilespmem:s26+$0xC0] =	vst v50  }
0x259: {  	[tilespmem:s26+$0xD0] =	vst v51;
	v5 =	vld.idx.msk [tilespmem:v5+s10+$0x0], $0xffff  }
0x25a: {  	[tilespmem:s26+$0xE0] =	vst v4;
	v2 =	vld.idx.msk [tilespmem:v2+s10+$0x0], $0xffff  }
0x25b: {  	v7 =	vld.idx.msk [tilespmem:v7+s10+$0x0], $0xffff;
	[tilespmem:s26+$0xFFFFFF00] =	vst v0  }
0x25c: {  	[tilespmem:s26+$0xFFFFFF10] =	vst v3  }
0x25d: {  	[tilespmem:s26+$0xFFFFFF20] =	vst v1  }
0x25e: {  	s24 =	smul.u32 $0x500000, s5;
	[tilespmem:s26+$0xFFFFFF40] =	vst v5  }
0x25f: {  	[tilespmem:s26+$0xFFFFFF50] =	vst v6  }
0x260: {  	s0 =	sadd.s32 s28, s24;
	[tilespmem:s26+$0xFFFFFF60] =	vst v8  }
0x261: {  	s6 =	sshrl.u32 s0, $0x3;
	[tilespmem:s26+$0xFFFFFF30] =	vst v2  }
0x262: {  	s9 =	sadd.s32 s2, s6;
	[tilespmem:s26+$0xFFFFFF70] =	vst v7;
	s26 =	sor.u32 $0x4000, s6  }
0x263: {  	[hbm4b:s9+s3] =	stream.linear.scatter [tilespmem:s13], [sflag:$0x3], $0x400, $0x38;
	[tilespmem:$0x18800] =	vst v63  }
0x264: {  	s0 =	sor.u32 $0x8000, s6;
	s1 =	sadd.s32 s2, s26  }
0x265: {  	[hbm4b:s1+s3] =	stream.linear.scatter [tilespmem:s14], [sflag:$0x3], $0x400, $0x38;
	[tilespmem:$0x18800] =	vst v63  }
0x266: {  	s9 =	sor.u32 $0xC000, s6;
	s1 =	sadd.s32 s2, s0  }
0x267: {  	[hbm4b:s1+s3] =	stream.linear.scatter [tilespmem:s15], [sflag:$0x3], $0x400, $0x38;
	[tilespmem:$0x18800] =	vst v63  }
0x268: {  	s1 =	sadd.s32 s2, s9  }
0x269: {  	[hbm4b:s1+s3] =	stream.linear.scatter [tilespmem:s16], [sflag:$0x3], $0x400, $0x38;
	[tilespmem:$0x18800] =	vst v63  }
0x26a: {  	s1 =	simm.s32 @!p0 $0x4  }
0x26b: {  	_ =	swait.ge @!p0 [sflag:s1], $0x400  }
0x26c: {  	[sflag:s1] =	ssyncset.done @!p0 $0x0  }
0x26d: {  	[sflag:s1] =	ssyncadd.s32 @!p0 $0xFFFFFC00  }
0x26e: {  	s26 =	simm.s32 $0x1;
	_ =	swait.ge @!p0 [sflag:s1], $0x400  }
0x26f: {  	v0 =	vmov s26;
	[sflag:s1] =	ssyncset.done @!p0 $0x0  }
0x270: {  	v0 =	vand.u32 $0x1D, v0;
	[sflag:s1] =	ssyncadd.s32 @!p0 $0xFFFFFC00  }
0x271: {  	s0 =	simm.s32 $0x3;
	v0 =	vbroadcast v0, $0x0;
	_ =	swait.ge @!p0 [sflag:s1], $0x400  }
0x272: {  	v5 =	vmov s0;
	[sflag:s1] =	ssyncset.done @!p0 $0x0  }
0x273: {  	v5 =	vand.u32 $0x1F, v5;
	v1 =	vor.u32 v20, v0;
	v13 =	vld [tilespmem:$0x1FF10];
	[sflag:s1] =	ssyncadd.s32 @!p0 $0xFFFFFC00  }
0x274: {  	v7 =	vor.u32 v21, v0;
	v5 =	vbroadcast v5, $0x0;
	_ =	swait.ge @!p0 [sflag:s1], $0x400  }
0x275: {  	v60 =	vor.u32 v22, v0;
	v14 =	vld [tilespmem:$0x1FF20]  }
0x276: {  	v61 =	vor.u32 v20, v5;
	[sflag:s1] =	ssyncset.done @!p0 $0x0;
	v15 =	vld [tilespmem:$0x1FF30]  }
0x277: {  	v62 =	vor.u32 v23, v5;
	v16 =	vld [tilespmem:$0x1FF40];
	[sflag:s1] =	ssyncadd.s32 @!p0 $0xFFFFFC00  }
0x278: {  	v2 =	vor.u32 v13, v0;
	v1 =	vld.idx.msk [tilespmem:v1+s10+$0x0], $0xffff  }
0x279: {  	v63 =	vor.u32 v13, v5;
	v7 =	vld.idx.msk [tilespmem:v7+s10+$0x0], $0xffff  }
0x27a: {  	v8 =	vld.idx.msk [tilespmem:v60+s10+$0x0], $0xffff;
	v60 =	vor.u32 v21, v5  }
0x27b: {  	v48 =	vld.idx.msk [tilespmem:v61+s10+$0x0], $0xffff;
	v3 =	vor.u32 v14, v0  }
0x27c: {  	v10 =	vld.idx.msk [tilespmem:v62+s10+$0x0], $0xffff;
	v4 =	vor.u32 v15, v0  }
0x27d: {  	v6 =	vor.u32 v16, v0;
	v2 =	vld.idx.msk [tilespmem:v2+s10+$0x0], $0xffff  }
0x27e: {  	s26 =	simm.s32 $0x2;
	v12 =	vor.u32 v14, v5;
	v52 =	vld.idx.msk [tilespmem:v63+s10+$0x0], $0xffff  }
0x27f: {  	v58 =	vmov s26;
	v57 =	vor.u32 v15, v5;
	v49 =	vld.idx.msk [tilespmem:v60+s10+$0x0], $0xffff  }
0x280: {  	v50 =	vand.u32 $0x1E, v58;
	v59 =	vor.u32 v16, v5;
	v3 =	vld.idx.msk [tilespmem:v3+s10+$0x0], $0xffff  }
0x281: {  	v55 =	vbroadcast v50, $0x0;
	v5 =	vor.u32 v22, v5;
	v4 =	vld.idx.msk [tilespmem:v4+s10+$0x0], $0xffff  }
0x282: {  	v0 =	vor.u32 v23, v0;
	v6 =	vld.idx.msk [tilespmem:v6+s10+$0x0], $0xffff  }
0x283: {  	v61 =	vor.u32 v20, v55;
	v54 =	vld.idx.msk [tilespmem:v12+s10+$0x0], $0xffff  }
0x284: {  	v53 =	vld.idx.msk [tilespmem:v57+s10+$0x0], $0xffff;
	v12 =	vor.u32 v13, v55  }
0x285: {  	s9 =	simm.s32 $0x17900;
	v62 =	vor.u32 v14, v55;
	v50 =	vld.idx.msk [tilespmem:v59+s10+$0x0], $0xffff  }
0x286: {  	s0 =	simm.s32 $0x0;
	v63 =	vor.u32 v15, v55;
	v51 =	vld.idx.msk [tilespmem:v5+s10+$0x0], $0xffff;
	[tilespmem:s9+$0xF0] =	vst v10  }
0x287: {  	v60 =	vmov s0;
	v0 =	vld.idx.msk [tilespmem:v0+s10+$0x0], $0xffff;
	v5 =	vor.u32 v16, v55;
	[tilespmem:s9+$0xFFFFFF80] =	vst v1  }
0x288: {  	v1 =	vld.idx.msk [tilespmem:v61+s10+$0x0], $0xffff;
	v61 =	vor.u32 v21, v55;
	v10 =	vand.u32 $0x1C, v60;
	[tilespmem:s9+$0xFFFFFFD0] =	vst v7  }
0x289: {  	v10 =	vbroadcast v10, $0x0;
	[tilespmem:s9+$0xFFFFFF90] =	vst v2;
	v2 =	vld.idx.msk [tilespmem:v12+s10+$0x0], $0xffff;
	v12 =	vor.u32 v22, v55  }
0x28a: {  	[tilespmem:s9+$0xFFFFFFA0] =	vst v3;
	v3 =	vld.idx.msk [tilespmem:v62+s10+$0x0], $0xffff;
	v62 =	vor.u32 v23, v55  }
0x28b: {  	v11 =	vor.u32 v14, v10;
	[tilespmem:s9+$0xFFFFFFB0] =	vst v4;
	v4 =	vld.idx.msk [tilespmem:v63+s10+$0x0], $0xffff  }
0x28c: {  	[tilespmem:s9+$0xFFFFFFC0] =	vst v6;
	v5 =	vld.idx.msk [tilespmem:v5+s10+$0x0], $0xffff;
	v6 =	vor.u32 v13, v10  }
0x28d: {  	[tilespmem:s9+$0xFFFFFFE0] =	vst v8;
	v63 =	vor.u32 v20, v10;
	v7 =	vld.idx.msk [tilespmem:v61+s10+$0x0], $0xffff  }
0x28e: {  	s26 =	simm.s32 $0x5;
	[tilespmem:s9+$0xFFFFFFF0] =	vst v0;
	v0 =	vor.u32 v16, v10;
	v8 =	vld.idx.msk [tilespmem:v12+s10+$0x0], $0xffff  }
0x28f: {  	v12 =	vor.u32 v15, v10;
	v9 =	vld.idx.msk [tilespmem:v62+s10+$0x0], $0xffff;
	[tilespmem:s9+$0x10] =	vst v2;
	v2 =	vmov s26  }
0x290: {  	v58 =	vld.idx.msk [tilespmem:v11+s10+$0x0], $0xffff;
	[tilespmem:s9+$0x0] =	vst v1;
	v1 =	vor.u32 v21, v10;
	v2 =	vand.u32 $0x1D, v2  }
0x291: {  	v60 =	vld.idx.msk [tilespmem:v6+s10+$0x0], $0xffff;
	v6 =	vor.u32 v22, v10;
	[tilespmem:s9+$0x20] =	vst v3;
	v55 =	vbroadcast v2, $0x0  }
0x292: {  	v59 =	vld.idx.msk [tilespmem:v63+s10+$0x0], $0xffff;
	[tilespmem:s9+$0x30] =	vst v4;
	v3 =	vor.u32 v23, v10  }
0x293: {  	[tilespmem:s9+$0x40] =	vst v5;
	v57 =	vld.idx.msk [tilespmem:v0+s10+$0x0], $0xffff;
	v63 =	vor.u32 v20, v55  }
0x294: {  	[tilespmem:s9+$0x50] =	vst v7;
	v0 =	vor.u32 v13, v55;
	v56 =	vld.idx.msk [tilespmem:v12+s10+$0x0], $0xffff  }
0x295: {  	s0 =	simm.s32 $0x7;
	v2 =	vor.u32 v14, v55;
	v61 =	vld.idx.msk [tilespmem:v1+s10+$0x0], $0xffff;
	[tilespmem:s9+$0x60] =	vst v8  }
0x296: {  	s1 =	simm.s32 $0x8;
	s26 =	simm.s32 $0x4;
	v4 =	vmov s0;
	v1 =	vor.u32 v15, v55;
	v62 =	vld.idx.msk [tilespmem:v6+s10+$0x0], $0xffff;
	[tilespmem:s9+$0x70] =	vst v9  }
.LBB2_8:
0x297: {  	p0 =	slt.u32 s1, $0x1C;
	v5 =	vor.u32 v16, v55;
	v4 =	vand.u32 $0x1F, v4;
	v3 =	vld.idx.msk [tilespmem:v3+s10+$0x0], $0xffff;
	[tilespmem:s9+$0x80] =	vst v48  }
0x298: {  	v7 =	vor.u32 v21, v55;
	v6 =	vld.idx.msk [tilespmem:v63+s10+$0x0], $0xffff;
	v4 =	vbroadcast v4, $0x0;
	[tilespmem:s9+$0x90] =	vst v52  }
0x299: {  	v8 =	vor.u32 v22, v55;
	v0 =	vld.idx.msk [tilespmem:v0+s10+$0x0], $0xffff;
	[tilespmem:s9+$0xA0] =	vst v54  }
0x29a: {  	v2 =	vld.idx.msk [tilespmem:v2+s10+$0x0], $0xffff;
	v9 =	vor.u32 v20, v4;
	[tilespmem:s9+$0xB0] =	vst v53  }
0x29b: {  	v10 =	vor.u32 v23, v4;
	v1 =	vld.idx.msk [tilespmem:v1+s10+$0x0], $0xffff;
	[tilespmem:s9+$0xC0] =	vst v50  }
0x29c: {  	v11 =	vor.u32 v13, v4;
	v5 =	vld.idx.msk [tilespmem:v5+s10+$0x0], $0xffff;
	[tilespmem:s9+$0xD0] =	vst v49  }
0x29d: {  	v12 =	vor.u32 v14, v4;
	v7 =	vld.idx.msk [tilespmem:v7+s10+$0x0], $0xffff;
	[tilespmem:s9+$0xE0] =	vst v51  }
0x29e: {  	s0 =	sadd.s32 $0x2, s26;
	v49 =	vor.u32 v15, v4;
	v8 =	vld.idx.msk [tilespmem:v8+s10+$0x0], $0xffff;
	[tilespmem:s9+$0xFFFFFF00] =	vst v59  }
0x29f: {  	v50 =	vmov s0;
	v48 =	vld.idx.msk [tilespmem:v9+s10+$0x0], $0xffff;
	v9 =	vor.u32 v16, v4;
	[tilespmem:s9+$0xFFFFFF10] =	vst v60  }
0x2a0: {  	v50 =	vand.u32 $0x1E, v50;
	v51 =	vor.u32 v21, v4;
	v10 =	vld.idx.msk [tilespmem:v10+s10+$0x0], $0xffff;
	[tilespmem:s9+$0xFFFFFF20] =	vst v58  }
0x2a1: {  	v4 =	vor.u32 v22, v4;
	v58 =	vbroadcast v50, $0x0;
	v52 =	vld.idx.msk [tilespmem:v11+s10+$0x0], $0xffff;
	[tilespmem:s9+$0xFFFFFF30] =	vst v56  }
0x2a2: {  	v11 =	vor.u32 v23, v55;
	v54 =	vld.idx.msk [tilespmem:v12+s10+$0x0], $0xffff;
	[tilespmem:s9+$0xFFFFFF40] =	vst v57  }
0x2a3: {  	v12 =	vor.u32 v20, v58;
	v53 =	vld.idx.msk [tilespmem:v49+s10+$0x0], $0xffff;
	[tilespmem:s9+$0xFFFFFF50] =	vst v61  }
0x2a4: {  	v55 =	vor.u32 v13, v58;
	v50 =	vld.idx.msk [tilespmem:v9+s10+$0x0], $0xffff;
	[tilespmem:s9+$0xFFFFFF60] =	vst v62  }
0x2a5: {  	v9 =	vor.u32 v14, v58;
	v49 =	vld.idx.msk [tilespmem:v51+s10+$0x0], $0xffff;
	[tilespmem:s9+$0xFFFFFF70] =	vst v3;
	s9 =	sadd.s32 $0x200, s9  }
0x2a6: {  	v3 =	vor.u32 v15, v58;
	v51 =	vld.idx.msk [tilespmem:v4+s10+$0x0], $0xffff;
	[tilespmem:s9+$0xF0] =	vst v10  }
0x2a7: {  	v4 =	vmov s26;
	s26 =	smov.u32 s1;
	v10 =	vld.idx.msk [tilespmem:v11+s10+$0x0], $0xffff;
	[tilespmem:s9+$0xFFFFFF80] =	vst v6;
	v6 =	vor.u32 v16, v58  }
0x2a8: {  	v4 =	vand.u32 $0x1C, v4;
	v11 =	vor.u32 v21, v58;
	[tilespmem:s9+$0xFFFFFF90] =	vst v0;
	v0 =	vld.idx.msk [tilespmem:v12+s10+$0x0], $0xffff  }
0x2a9: {  	v4 =	vbroadcast v4, $0x0;
	v12 =	vor.u32 v22, v58;
	[tilespmem:s9+$0xFFFFFFA0] =	vst v2;
	v2 =	vld.idx.msk [tilespmem:v55+s10+$0x0], $0xffff  }
0x2aa: {  	[tilespmem:s9+$0xFFFFFFB0] =	vst v1;
	v1 =	vld.idx.msk [tilespmem:v9+s10+$0x0], $0xffff;
	v9 =	vor.u32 v23, v58  }
0x2ab: {  	v55 =	vor.u32 v20, v4;
	[tilespmem:s9+$0xFFFFFFC0] =	vst v5;
	v5 =	vld.idx.msk [tilespmem:v3+s10+$0x0], $0xffff  }
0x2ac: {  	v3 =	vor.u32 v13, v4;
	[tilespmem:s9+$0xFFFFFFD0] =	vst v7;
	v6 =	vld.idx.msk [tilespmem:v6+s10+$0x0], $0xffff  }
0x2ad: {  	v7 =	vor.u32 v14, v4;
	[tilespmem:s9+$0xFFFFFFE0] =	vst v8;
	v8 =	vld.idx.msk [tilespmem:v11+s10+$0x0], $0xffff  }
0x2ae: {  	s0 =	sadd.s32 $0x1, s1;
	v11 =	vor.u32 v15, v4;
	[tilespmem:s9+$0xFFFFFFF0] =	vst v10;
	v10 =	vld.idx.msk [tilespmem:v12+s10+$0x0], $0xffff  }
0x2af: {  	v57 =	vor.u32 v16, v4;
	v12 =	vmov s0;
	v9 =	vld.idx.msk [tilespmem:v9+s10+$0x0], $0xffff;
	[tilespmem:s9+$0x0] =	vst v0  }
0x2b0: {  	v0 =	vand.u32 $0x1D, v12;
	v12 =	vor.u32 v21, v4;
	v59 =	vld.idx.msk [tilespmem:v55+s10+$0x0], $0xffff;
	[tilespmem:s9+$0x10] =	vst v2  }
0x2b1: {  	v62 =	vor.u32 v22, v4;
	v55 =	vbroadcast v0, $0x0;
	v60 =	vld.idx.msk [tilespmem:v3+s10+$0x0], $0xffff;
	[tilespmem:s9+$0x20] =	vst v1  }
.Ltmp2:
0x2b2: {  	v3 =	vor.u32 v23, v4;
	v58 =	vld.idx.msk [tilespmem:v7+s10+$0x0], $0xffff;
	[tilespmem:s9+$0x30] =	vst v5;
	(pc) =	sbr.rel @p0 .LBB2_8-.Ltmp2, $4  }
0x2b3: {  	v63 =	vor.u32 v20, v55;
	v56 =	vld.idx.msk [tilespmem:v11+s10+$0x0], $0xffff;
	[tilespmem:s9+$0x40] =	vst v6  }
0x2b4: {  	v0 =	vor.u32 v13, v55;
	v57 =	vld.idx.msk [tilespmem:v57+s10+$0x0], $0xffff;
	[tilespmem:s9+$0x50] =	vst v8  }
0x2b5: {  	s0 =	sadd.s32 $0x3, s1;
	v2 =	vor.u32 v14, v55;
	v61 =	vld.idx.msk [tilespmem:v12+s10+$0x0], $0xffff;
	[tilespmem:s9+$0x60] =	vst v10  }
0x2b6: {  	s1 =	sadd.s32 $0x4, s1;
	v4 =	vmov s0;
	v1 =	vor.u32 v15, v55;
	v62 =	vld.idx.msk [tilespmem:v62+s10+$0x0], $0xffff;
	[tilespmem:s9+$0x70] =	vst v9  }
0x2b7: {  	[tilespmem:s9+$0x80] =	vst v48  }
0x2b8: {  	[tilespmem:s9+$0x90] =	vst v52  }
0x2b9: {  	[tilespmem:s9+$0xA0] =	vst v54  }
0x2ba: {  	[tilespmem:s9+$0xB0] =	vst v53  }
0x2bb: {  	v5 =	vor.u32 v16, v55;
	v3 =	vld.idx.msk [tilespmem:v3+s10+$0x0], $0xffff;
	[tilespmem:s9+$0xC0] =	vst v50  }
0x2bc: {  	v4 =	vand.u32 $0x1F, v4;
	v6 =	vld.idx.msk [tilespmem:v63+s10+$0x0], $0xffff;
	v7 =	vor.u32 v21, v55;
	[tilespmem:s9+$0xD0] =	vst v49  }
0x2bd: {  	v0 =	vld.idx.msk [tilespmem:v0+s10+$0x0], $0xffff;
	v8 =	vor.u32 v22, v55;
	[tilespmem:s9+$0xE0] =	vst v51;
	v4 =	vbroadcast v4, $0x0  }
0x2be: {  	v2 =	vld.idx.msk [tilespmem:v2+s10+$0x0], $0xffff;
	[tilespmem:s9+$0xFFFFFF20] =	vst v58;
	v58 =	vor.u32 v23, v55  }
0x2bf: {  	v1 =	vld.idx.msk [tilespmem:v1+s10+$0x0], $0xffff;
	[tilespmem:s9+$0xFFFFFF00] =	vst v59;
	v9 =	vor.u32 v20, v4  }
0x2c0: {  	[tilespmem:s9+$0xFFFFFF10] =	vst v60;
	v10 =	vor.u32 v23, v4;
	v5 =	vld.idx.msk [tilespmem:v5+s10+$0x0], $0xffff  }
0x2c1: {  	[tilespmem:s9+$0xFFFFFF30] =	vst v56;
	v11 =	vor.u32 v13, v4;
	v7 =	vld.idx.msk [tilespmem:v7+s10+$0x0], $0xffff  }
0x2c2: {  	s0 =	sadd.s32 $0x2, s26;
	[tilespmem:s9+$0xFFFFFF40] =	vst v57;
	v12 =	vor.u32 v14, v4;
	v8 =	vld.idx.msk [tilespmem:v8+s10+$0x0], $0xffff  }
0x2c3: {  	v17 =	vmov s0;
	v63 =	vor.u32 v15, v4;
	[tilespmem:s9+$0xFFFFFF60] =	vst v62;
	v62 =	vld.idx.msk [tilespmem:v58+s10+$0x0], $0xffff  }
0x2c4: {  	v49 =	vand.u32 $0x1E, v17;
	v18 =	vor.u32 v16, v4;
	[tilespmem:s9+$0xFFFFFF50] =	vst v61;
	v9 =	vld.idx.msk [tilespmem:v9+s10+$0x0], $0xffff  }
0x2c5: {  	s1 =	sadd.s32 $0x200, s9;
	v19 =	vor.u32 v21, v4;
	v49 =	vbroadcast v49, $0x0;
	[tilespmem:s9+$0xFFFFFF70] =	vst v3;
	v10 =	vld.idx.msk [tilespmem:v10+s10+$0x0], $0xffff  }
0x2c6: {  	v4 =	vor.u32 v22, v4;
	[tilespmem:s1+$0xFFFFFF80] =	vst v6;
	v11 =	vld.idx.msk [tilespmem:v11+s10+$0x0], $0xffff  }
0x2c7: {  	v59 =	vor.u32 v20, v49;
	[tilespmem:s1+$0xFFFFFF90] =	vst v0;
	v12 =	vld.idx.msk [tilespmem:v12+s10+$0x0], $0xffff  }
0x2c8: {  	v60 =	vor.u32 v13, v49;
	[tilespmem:s1+$0xFFFFFFA0] =	vst v2;
	v48 =	vld.idx.msk [tilespmem:v63+s10+$0x0], $0xffff  }
0x2c9: {  	v61 =	vor.u32 v14, v49;
	[tilespmem:s1+$0xFFFFFFB0] =	vst v1;
	v50 =	vld.idx.msk [tilespmem:v18+s10+$0x0], $0xffff  }
0x2ca: {  	v3 =	vor.u32 v15, v49;
	v51 =	vld.idx.msk [tilespmem:v19+s10+$0x0], $0xffff;
	[tilespmem:s1+$0xFFFFFFC0] =	vst v5  }
0x2cb: {  	v17 =	vor.u32 v21, v49;
	v4 =	vld.idx.msk [tilespmem:v4+s10+$0x0], $0xffff;
	[tilespmem:s1+$0xFFFFFFD0] =	vst v7  }
0x2cc: {  	v63 =	vor.u32 v16, v49;
	v6 =	vld.idx.msk [tilespmem:v59+s10+$0x0], $0xffff;
	[tilespmem:s1+$0xFFFFFFE0] =	vst v8  }
0x2cd: {  	v18 =	vor.u32 v22, v49;
	v0 =	vld.idx.msk [tilespmem:v60+s10+$0x0], $0xffff;
	[tilespmem:s1+$0xFFFFFFF0] =	vst v62  }
0x2ce: {  	v49 =	vor.u32 v23, v49;
	v2 =	vld.idx.msk [tilespmem:v61+s10+$0x0], $0xffff;
	v7 =	vmov s26;
	[tilespmem:s1+$0xF0] =	vst v10  }
0x2cf: {  	v1 =	vld.idx.msk [tilespmem:v3+s10+$0x0], $0xffff;
	v7 =	vand.u32 $0x1C, v7;
	[tilespmem:s1+$0x80] =	vst v9  }
0x2d0: {  	v5 =	vld.idx.msk [tilespmem:v17+s10+$0x0], $0xffff;
	v7 =	vbroadcast v7, $0x0;
	[tilespmem:s1+$0x90] =	vst v11  }
0x2d1: {  	v3 =	vld.idx.msk [tilespmem:v63+s10+$0x0], $0xffff;
	[tilespmem:s1+$0xA0] =	vst v12  }
0x2d2: {  	v19 =	vld.idx.msk [tilespmem:v18+s10+$0x0], $0xffff;
	[tilespmem:s1+$0xB0] =	vst v48;
	v53 =	vor.u32 v22, v7  }
0x2d3: {  	v52 =	vld.idx.msk [tilespmem:v49+s10+$0x0], $0xffff;
	[tilespmem:s1+$0x10] =	vst v0;
	v0 =	vor.u32 v20, v7  }
0x2d4: {  	[tilespmem:s1+$0x20] =	vst v2;
	v2 =	vor.u32 v13, v7  }
0x2d5: {  	[tilespmem:s1+$0x30] =	vst v1;
	v1 =	vor.u32 v14, v7  }
0x2d6: {  	[tilespmem:s1+$0x50] =	vst v5;
	v5 =	vor.u32 v16, v7  }
0x2d7: {  	[tilespmem:s1+$0x0] =	vst v6;
	v6 =	vor.u32 v21, v7;
	v8 =	vld.idx.msk [tilespmem:v53+s10+$0x0], $0xffff  }
0x2d8: {  	[tilespmem:s1+$0x40] =	vst v3;
	v3 =	vor.u32 v15, v7;
	v0 =	vld.idx.msk [tilespmem:v0+s10+$0x0], $0xffff  }
0x2d9: {  	[tilespmem:s1+$0xC0] =	vst v50;
	v7 =	vor.u32 v23, v7;
	v2 =	vld.idx.msk [tilespmem:v2+s10+$0x0], $0xffff  }
0x2da: {  	[tilespmem:s1+$0xD0] =	vst v51;
	v1 =	vld.idx.msk [tilespmem:v1+s10+$0x0], $0xffff  }
0x2db: {  	[tilespmem:s1+$0xE0] =	vst v4;
	v5 =	vld.idx.msk [tilespmem:v5+s10+$0x0], $0xffff  }
0x2dc: {  	[tilespmem:s1+$0x60] =	vst v19;
	v6 =	vld.idx.msk [tilespmem:v6+s10+$0x0], $0xffff  }
0x2dd: {  	[tilespmem:s1+$0x70] =	vst v52;
	v3 =	vld.idx.msk [tilespmem:v3+s10+$0x0], $0xffff  }
0x2de: {  	v7 =	vld.idx.msk [tilespmem:v7+s10+$0x0], $0xffff;
	[tilespmem:s1+$0xFFFFFF60] =	vst v8  }
0x2df: {  	[tilespmem:s1+$0xFFFFFF00] =	vst v0  }
0x2e0: {  	[tilespmem:s1+$0xFFFFFF10] =	vst v2  }
0x2e1: {  	[tilespmem:s1+$0xFFFFFF20] =	vst v1  }
0x2e2: {  	[tilespmem:s1+$0xFFFFFF40] =	vst v5  }
0x2e3: {  	[tilespmem:s1+$0xFFFFFF50] =	vst v6  }
0x2e4: {  	s26 =	sor.u32 $0x10000, s6;
	[tilespmem:s1+$0xFFFFFF30] =	vst v3  }
0x2e5: {  	s9 =	sor.u32 $0x14000, s6;
	s0 =	sadd.s32 s2, s26;
	[tilespmem:s1+$0xFFFFFF70] =	vst v7;
	s1 =	simm.s32 $0x0  }
0x2e6: {  	[hbm4b:s0+s1] =	stream.linear.scatter [tilespmem:s17], [sflag:$0x4], $0x400, $0x38;
	[tilespmem:$0x18800] =	vst v63  }
0x2e7: {  	s26 =	sor.u32 $0x18000, s6;
	s0 =	sadd.s32 s2, s9  }
0x2e8: {  	[hbm4b:s0+s1] =	stream.linear.scatter [tilespmem:s18], [sflag:$0x4], $0x400, $0x38;
	[tilespmem:$0x18800] =	vst v63  }
0x2e9: {  	s6 =	sor.u32 $0x1C000, s6;
	s0 =	sadd.s32 s2, s26  }
0x2ea: {  	[hbm4b:s0+s1] =	stream.linear.scatter [tilespmem:s19], [sflag:$0x4], $0x400, $0x38;
	[tilespmem:$0x18800] =	vst v63  }
0x2eb: {  	s0 =	sadd.s32 s2, s6  }
0x2ec: {  	[hbm4b:s0+s1] =	stream.linear.scatter [tilespmem:s20], [sflag:$0x4], $0x400, $0x38;
	[tilespmem:$0x18800] =	vst v63  }
0x2ed: {  	_ =	swait.ge [sflag:s21], $0x400  }
0x2ee: {  	[sflag:s21] =	ssyncset.done $0x0  }
0x2ef: {  	s9 =	simm.s32 $0x1;
	[sflag:s21] =	ssyncadd.s32 $0xFFFFFC00  }
0x2f0: {  	v0 =	vmov s9;
	_ =	swait.ge [sflag:s21], $0x400  }
0x2f1: {  	v0 =	vand.u32 $0x1D, v0;
	[sflag:s21] =	ssyncset.done $0x0  }
0x2f2: {  	v0 =	vbroadcast v0, $0x0;
	[sflag:s21] =	ssyncadd.s32 $0xFFFFFC00  }
0x2f3: {  	_ =	swait.ge [sflag:s21], $0x400  }
0x2f4: {  	v1 =	vor.u32 v24, v0;
	[sflag:s21] =	ssyncset.done $0x0  }
0x2f5: {  	v2 =	vor.u32 v25, v0;
	[sflag:s21] =	ssyncadd.s32 $0xFFFFFC00  }
0x2f6: {  	s26 =	simm.s32 $0x3;
	v3 =	vor.u32 v26, v0;
	_ =	swait.ge [sflag:s21], $0x400  }
0x2f7: {  	v5 =	vmov s26;
	v4 =	vor.u32 v27, v0;
	[sflag:s21] =	ssyncset.done $0x0  }
0x2f8: {  	v5 =	vand.u32 $0x1F, v5;
	v6 =	vor.u32 v28, v0;
	[sflag:s21] =	ssyncadd.s32 $0xFFFFFC00  }
0x2f9: {  	v7 =	vor.u32 v29, v0;
	v5 =	vbroadcast v5, $0x0;
	v1 =	vld.idx.msk [tilespmem:v1+s10+$0x0], $0xffff  }
0x2fa: {  	v54 =	vor.u32 v30, v0;
	v2 =	vld.idx.msk [tilespmem:v2+s10+$0x0], $0xffff  }
0x2fb: {  	v55 =	vor.u32 v24, v5;
	v3 =	vld.idx.msk [tilespmem:v3+s10+$0x0], $0xffff  }
0x2fc: {  	v56 =	vor.u32 v31, v5;
	v4 =	vld.idx.msk [tilespmem:v4+s10+$0x0], $0xffff  }
0x2fd: {  	v57 =	vor.u32 v25, v5;
	v6 =	vld.idx.msk [tilespmem:v6+s10+$0x0], $0xffff  }
0x2fe: {  	v58 =	vor.u32 v26, v5;
	v7 =	vld.idx.msk [tilespmem:v7+s10+$0x0], $0xffff  }
0x2ff: {  	s6 =	simm.s32 $0x2;
	v59 =	vor.u32 v27, v5;
	v8 =	vld.idx.msk [tilespmem:v54+s10+$0x0], $0xffff  }
0x300: {  	v60 =	vmov s6;
	v61 =	vor.u32 v28, v5;
	v48 =	vld.idx.msk [tilespmem:v55+s10+$0x0], $0xffff  }
0x301: {  	v50 =	vand.u32 $0x1E, v60;
	v62 =	vor.u32 v29, v5;
	v10 =	vld.idx.msk [tilespmem:v56+s10+$0x0], $0xffff  }
0x302: {  	v63 =	vbroadcast v50, $0x0;
	v5 =	vor.u32 v30, v5;
	v52 =	vld.idx.msk [tilespmem:v57+s10+$0x0], $0xffff  }
0x303: {  	v0 =	vor.u32 v31, v0;
	v54 =	vld.idx.msk [tilespmem:v58+s10+$0x0], $0xffff  }
0x304: {  	v16 =	vor.u32 v24, v63;
	v53 =	vld.idx.msk [tilespmem:v59+s10+$0x0], $0xffff  }
0x305: {  	v17 =	vor.u32 v25, v63;
	v50 =	vld.idx.msk [tilespmem:v61+s10+$0x0], $0xffff  }
0x306: {  	s6 =	simm.s32 $0x16900;
	v18 =	vor.u32 v26, v63;
	v49 =	vld.idx.msk [tilespmem:v62+s10+$0x0], $0xffff  }
0x307: {  	v19 =	vor.u32 v27, v63;
	v51 =	vld.idx.msk [tilespmem:v5+s10+$0x0], $0xffff;
	[tilespmem:s6+$0xF0] =	vst v10  }
0x308: {  	v60 =	vmov s1;
	v0 =	vld.idx.msk [tilespmem:v0+s10+$0x0], $0xffff;
	v5 =	vor.u32 v28, v63;
	[tilespmem:s6+$0xFFFFFF80] =	vst v1  }
0x309: {  	v61 =	vor.u32 v29, v63;
	v1 =	vld.idx.msk [tilespmem:v16+s10+$0x0], $0xffff;
	v10 =	vand.u32 $0x1C, v60;
	[tilespmem:s6+$0xFFFFFF90] =	vst v2  }
0x30a: {  	v62 =	vor.u32 v30, v63;
	v2 =	vld.idx.msk [tilespmem:v17+s10+$0x0], $0xffff;
	[tilespmem:s6+$0xFFFFFFA0] =	vst v3;
	v10 =	vbroadcast v10, $0x0  }
0x30b: {  	v63 =	vor.u32 v31, v63;
	v3 =	vld.idx.msk [tilespmem:v18+s10+$0x0], $0xffff;
	[tilespmem:s6+$0xFFFFFFB0] =	vst v4  }
0x30c: {  	v4 =	vld.idx.msk [tilespmem:v19+s10+$0x0], $0xffff;
	[tilespmem:s6+$0xFFFFFFC0] =	vst v6;
	v16 =	vor.u32 v24, v10  }
0x30d: {  	v5 =	vld.idx.msk [tilespmem:v5+s10+$0x0], $0xffff;
	[tilespmem:s6+$0xFFFFFFD0] =	vst v7;
	v6 =	vor.u32 v25, v10  }
0x30e: {  	v7 =	vld.idx.msk [tilespmem:v61+s10+$0x0], $0xffff;
	[tilespmem:s6+$0xFFFFFFE0] =	vst v8;
	v17 =	vor.u32 v26, v10  }
0x30f: {  	s9 =	simm.s32 $0x5;
	v18 =	vld.idx.msk [tilespmem:v62+s10+$0x0], $0xffff;
	[tilespmem:s6+$0xFFFFFFF0] =	vst v0;
	v19 =	vor.u32 v27, v10  }
0x310: {  	v9 =	vld.idx.msk [tilespmem:v63+s10+$0x0], $0xffff;
	v0 =	vor.u32 v28, v10;
	[tilespmem:s6+$0x10] =	vst v2;
	v2 =	vmov s9  }
0x311: {  	[tilespmem:s6+$0x0] =	vst v1;
	v1 =	vor.u32 v29, v10;
	v2 =	vand.u32 $0x1D, v2;
	v59 =	vld.idx.msk [tilespmem:v16+s10+$0x0], $0xffff  }
0x312: {  	[tilespmem:s6+$0x20] =	vst v3;
	v55 =	vbroadcast v2, $0x0;
	v60 =	vld.idx.msk [tilespmem:v6+s10+$0x0], $0xffff;
	v6 =	vor.u32 v30, v10  }
0x313: {  	[tilespmem:s6+$0x30] =	vst v4;
	v3 =	vor.u32 v31, v10;
	v58 =	vld.idx.msk [tilespmem:v17+s10+$0x0], $0xffff  }
0x314: {  	[tilespmem:s6+$0x40] =	vst v5;
	v56 =	vld.idx.msk [tilespmem:v19+s10+$0x0], $0xffff;
	v63 =	vor.u32 v24, v55  }
0x315: {  	[tilespmem:s6+$0x50] =	vst v7;
	v57 =	vld.idx.msk [tilespmem:v0+s10+$0x0], $0xffff;
	v0 =	vor.u32 v25, v55  }
0x316: {  	s26 =	simm.s32 $0x7;
	[tilespmem:s6+$0x60] =	vst v18;
	v2 =	vor.u32 v26, v55;
	v61 =	vld.idx.msk [tilespmem:v1+s10+$0x0], $0xffff  }
0x317: {  	s1 =	simm.s32 $0x8;
	s9 =	simm.s32 $0x4;
	v4 =	vmov s26;
	[tilespmem:s6+$0x70] =	vst v9;
	v1 =	vor.u32 v27, v55;
	v62 =	vld.idx.msk [tilespmem:v6+s10+$0x0], $0xffff  }
.LBB2_10:
0x318: {  	p0 =	slt.u32 s1, $0x1C;
	v5 =	vor.u32 v28, v55;
	v4 =	vand.u32 $0x1F, v4;
	v3 =	vld.idx.msk [tilespmem:v3+s10+$0x0], $0xffff;
	[tilespmem:s6+$0x80] =	vst v48  }
0x319: {  	v7 =	vor.u32 v29, v55;
	v6 =	vld.idx.msk [tilespmem:v63+s10+$0x0], $0xffff;
	v4 =	vbroadcast v4, $0x0;
	[tilespmem:s6+$0x90] =	vst v52  }
0x31a: {  	v8 =	vor.u32 v30, v55;
	v0 =	vld.idx.msk [tilespmem:v0+s10+$0x0], $0xffff;
	[tilespmem:s6+$0xA0] =	vst v54  }
0x31b: {  	v2 =	vld.idx.msk [tilespmem:v2+s10+$0x0], $0xffff;
	v9 =	vor.u32 v24, v4;
	[tilespmem:s6+$0xB0] =	vst v53  }
0x31c: {  	v10 =	vor.u32 v31, v4;
	v1 =	vld.idx.msk [tilespmem:v1+s10+$0x0], $0xffff;
	[tilespmem:s6+$0xC0] =	vst v50  }
0x31d: {  	v11 =	vor.u32 v25, v4;
	v5 =	vld.idx.msk [tilespmem:v5+s10+$0x0], $0xffff;
	[tilespmem:s6+$0xD0] =	vst v49  }
0x31e: {  	v12 =	vor.u32 v26, v4;
	v7 =	vld.idx.msk [tilespmem:v7+s10+$0x0], $0xffff;
	[tilespmem:s6+$0xE0] =	vst v51  }
0x31f: {  	s0 =	sadd.s32 $0x2, s9;
	v49 =	vor.u32 v27, v4;
	v8 =	vld.idx.msk [tilespmem:v8+s10+$0x0], $0xffff;
	[tilespmem:s6+$0xFFFFFF00] =	vst v59  }
0x320: {  	v50 =	vmov s0;
	v48 =	vld.idx.msk [tilespmem:v9+s10+$0x0], $0xffff;
	v9 =	vor.u32 v28, v4;
	[tilespmem:s6+$0xFFFFFF10] =	vst v60  }
0x321: {  	v50 =	vand.u32 $0x1E, v50;
	v51 =	vor.u32 v29, v4;
	v10 =	vld.idx.msk [tilespmem:v10+s10+$0x0], $0xffff;
	[tilespmem:s6+$0xFFFFFF20] =	vst v58  }
0x322: {  	v4 =	vor.u32 v30, v4;
	v58 =	vbroadcast v50, $0x0;
	v52 =	vld.idx.msk [tilespmem:v11+s10+$0x0], $0xffff;
	[tilespmem:s6+$0xFFFFFF30] =	vst v56  }
0x323: {  	v11 =	vor.u32 v31, v55;
	v54 =	vld.idx.msk [tilespmem:v12+s10+$0x0], $0xffff;
	[tilespmem:s6+$0xFFFFFF40] =	vst v57  }
0x324: {  	v12 =	vor.u32 v24, v58;
	v53 =	vld.idx.msk [tilespmem:v49+s10+$0x0], $0xffff;
	[tilespmem:s6+$0xFFFFFF50] =	vst v61  }
0x325: {  	v55 =	vor.u32 v25, v58;
	v50 =	vld.idx.msk [tilespmem:v9+s10+$0x0], $0xffff;
	[tilespmem:s6+$0xFFFFFF60] =	vst v62  }
0x326: {  	v9 =	vor.u32 v26, v58;
	v49 =	vld.idx.msk [tilespmem:v51+s10+$0x0], $0xffff;
	[tilespmem:s6+$0xFFFFFF70] =	vst v3;
	s6 =	sadd.s32 $0x200, s6  }
0x327: {  	v3 =	vor.u32 v27, v58;
	v51 =	vld.idx.msk [tilespmem:v4+s10+$0x0], $0xffff;
	[tilespmem:s6+$0xF0] =	vst v10  }
0x328: {  	v4 =	vmov s9;
	s9 =	smov.u32 s1;
	v10 =	vld.idx.msk [tilespmem:v11+s10+$0x0], $0xffff;
	[tilespmem:s6+$0xFFFFFF80] =	vst v6;
	v6 =	vor.u32 v28, v58  }
0x329: {  	v4 =	vand.u32 $0x1C, v4;
	v11 =	vor.u32 v29, v58;
	[tilespmem:s6+$0xFFFFFF90] =	vst v0;
	v0 =	vld.idx.msk [tilespmem:v12+s10+$0x0], $0xffff  }
0x32a: {  	v4 =	vbroadcast v4, $0x0;
	v12 =	vor.u32 v30, v58;
	[tilespmem:s6+$0xFFFFFFA0] =	vst v2;
	v2 =	vld.idx.msk [tilespmem:v55+s10+$0x0], $0xffff  }
0x32b: {  	[tilespmem:s6+$0xFFFFFFB0] =	vst v1;
	v1 =	vld.idx.msk [tilespmem:v9+s10+$0x0], $0xffff;
	v9 =	vor.u32 v31, v58  }
0x32c: {  	v55 =	vor.u32 v24, v4;
	[tilespmem:s6+$0xFFFFFFC0] =	vst v5;
	v5 =	vld.idx.msk [tilespmem:v3+s10+$0x0], $0xffff  }
0x32d: {  	v3 =	vor.u32 v25, v4;
	[tilespmem:s6+$0xFFFFFFD0] =	vst v7;
	v6 =	vld.idx.msk [tilespmem:v6+s10+$0x0], $0xffff  }
0x32e: {  	v7 =	vor.u32 v26, v4;
	[tilespmem:s6+$0xFFFFFFE0] =	vst v8;
	v8 =	vld.idx.msk [tilespmem:v11+s10+$0x0], $0xffff  }
0x32f: {  	s0 =	sadd.s32 $0x1, s1;
	v11 =	vor.u32 v27, v4;
	[tilespmem:s6+$0xFFFFFFF0] =	vst v10;
	v10 =	vld.idx.msk [tilespmem:v12+s10+$0x0], $0xffff  }
0x330: {  	v57 =	vor.u32 v28, v4;
	v12 =	vmov s0;
	v9 =	vld.idx.msk [tilespmem:v9+s10+$0x0], $0xffff;
	[tilespmem:s6+$0x0] =	vst v0  }
0x331: {  	v0 =	vand.u32 $0x1D, v12;
	v12 =	vor.u32 v29, v4;
	v59 =	vld.idx.msk [tilespmem:v55+s10+$0x0], $0xffff;
	[tilespmem:s6+$0x10] =	vst v2  }
0x332: {  	v62 =	vor.u32 v30, v4;
	v55 =	vbroadcast v0, $0x0;
	v60 =	vld.idx.msk [tilespmem:v3+s10+$0x0], $0xffff;
	[tilespmem:s6+$0x20] =	vst v1  }
.Ltmp3:
0x333: {  	v3 =	vor.u32 v31, v4;
	v58 =	vld.idx.msk [tilespmem:v7+s10+$0x0], $0xffff;
	[tilespmem:s6+$0x30] =	vst v5;
	(pc) =	sbr.rel @p0 .LBB2_10-.Ltmp3, $4  }
0x334: {  	v63 =	vor.u32 v24, v55;
	v56 =	vld.idx.msk [tilespmem:v11+s10+$0x0], $0xffff;
	[tilespmem:s6+$0x40] =	vst v6  }
0x335: {  	v0 =	vor.u32 v25, v55;
	v57 =	vld.idx.msk [tilespmem:v57+s10+$0x0], $0xffff;
	[tilespmem:s6+$0x50] =	vst v8  }
0x336: {  	s0 =	sadd.s32 $0x3, s1;
	v2 =	vor.u32 v26, v55;
	v61 =	vld.idx.msk [tilespmem:v12+s10+$0x0], $0xffff;
	[tilespmem:s6+$0x60] =	vst v10  }
0x337: {  	s1 =	sadd.s32 $0x4, s1;
	v4 =	vmov s0;
	v1 =	vor.u32 v27, v55;
	v62 =	vld.idx.msk [tilespmem:v62+s10+$0x0], $0xffff;
	[tilespmem:s6+$0x70] =	vst v9  }
0x338: {  	[tilespmem:s6+$0x80] =	vst v48  }
0x339: {  	[tilespmem:s6+$0x90] =	vst v52  }
0x33a: {  	[tilespmem:s6+$0xA0] =	vst v54  }
0x33b: {  	[tilespmem:s6+$0xB0] =	vst v53  }
0x33c: {  	v5 =	vor.u32 v28, v55;
	v3 =	vld.idx.msk [tilespmem:v3+s10+$0x0], $0xffff;
	[tilespmem:s6+$0xC0] =	vst v50  }
0x33d: {  	v4 =	vand.u32 $0x1F, v4;
	v6 =	vld.idx.msk [tilespmem:v63+s10+$0x0], $0xffff;
	v7 =	vor.u32 v29, v55;
	[tilespmem:s6+$0xD0] =	vst v49  }
0x33e: {  	v0 =	vld.idx.msk [tilespmem:v0+s10+$0x0], $0xffff;
	v8 =	vor.u32 v30, v55;
	[tilespmem:s6+$0xE0] =	vst v51;
	v4 =	vbroadcast v4, $0x0  }
0x33f: {  	v2 =	vld.idx.msk [tilespmem:v2+s10+$0x0], $0xffff;
	[tilespmem:s6+$0xFFFFFF10] =	vst v60;
	v60 =	vor.u32 v31, v55  }
0x340: {  	v1 =	vld.idx.msk [tilespmem:v1+s10+$0x0], $0xffff;
	[tilespmem:s6+$0xFFFFFF00] =	vst v59;
	v9 =	vor.u32 v24, v4  }
0x341: {  	[tilespmem:s6+$0xFFFFFF20] =	vst v58;
	v10 =	vor.u32 v31, v4;
	v5 =	vld.idx.msk [tilespmem:v5+s10+$0x0], $0xffff  }
0x342: {  	[tilespmem:s6+$0xFFFFFF30] =	vst v56;
	v11 =	vor.u32 v25, v4;
	v7 =	vld.idx.msk [tilespmem:v7+s10+$0x0], $0xffff  }
0x343: {  	s0 =	sadd.s32 $0x2, s9;
	[tilespmem:s6+$0xFFFFFF40] =	vst v57;
	v12 =	vor.u32 v26, v4;
	v8 =	vld.idx.msk [tilespmem:v8+s10+$0x0], $0xffff  }
0x344: {  	v18 =	vmov s0;
	v17 =	vor.u32 v27, v4;
	[tilespmem:s6+$0xFFFFFF50] =	vst v61;
	v15 =	vld.idx.msk [tilespmem:v60+s10+$0x0], $0xffff  }
0x345: {  	v49 =	vand.u32 $0x1E, v18;
	v19 =	vor.u32 v28, v4;
	[tilespmem:s6+$0xFFFFFF60] =	vst v62;
	v9 =	vld.idx.msk [tilespmem:v9+s10+$0x0], $0xffff  }
0x346: {  	s1 =	sadd.s32 $0x200, s6;
	v59 =	vor.u32 v29, v4;
	v49 =	vbroadcast v49, $0x0;
	[tilespmem:s6+$0xFFFFFF70] =	vst v3;
	v10 =	vld.idx.msk [tilespmem:v10+s10+$0x0], $0xffff  }
0x347: {  	v4 =	vor.u32 v30, v4;
	[tilespmem:s1+$0xFFFFFF80] =	vst v6;
	v11 =	vld.idx.msk [tilespmem:v11+s10+$0x0], $0xffff  }
0x348: {  	v63 =	vor.u32 v24, v49;
	[tilespmem:s1+$0xFFFFFF90] =	vst v0;
	v12 =	vld.idx.msk [tilespmem:v12+s10+$0x0], $0xffff  }
0x349: {  	v13 =	vor.u32 v25, v49;
	[tilespmem:s1+$0xFFFFFFA0] =	vst v2;
	v48 =	vld.idx.msk [tilespmem:v17+s10+$0x0], $0xffff  }
0x34a: {  	v14 =	vor.u32 v26, v49;
	[tilespmem:s1+$0xFFFFFFB0] =	vst v1;
	v50 =	vld.idx.msk [tilespmem:v19+s10+$0x0], $0xffff  }
0x34b: {  	v3 =	vor.u32 v27, v49;
	v51 =	vld.idx.msk [tilespmem:v59+s10+$0x0], $0xffff;
	[tilespmem:s1+$0xFFFFFFC0] =	vst v5  }
0x34c: {  	v16 =	vor.u32 v28, v49;
	v4 =	vld.idx.msk [tilespmem:v4+s10+$0x0], $0xffff;
	[tilespmem:s1+$0xFFFFFFD0] =	vst v7  }
0x34d: {  	v18 =	vor.u32 v30, v49;
	v6 =	vld.idx.msk [tilespmem:v63+s10+$0x0], $0xffff;
	[tilespmem:s1+$0xFFFFFFE0] =	vst v8  }
0x34e: {  	v17 =	vor.u32 v29, v49;
	v0 =	vld.idx.msk [tilespmem:v13+s10+$0x0], $0xffff;
	[tilespmem:s1+$0xFFFFFFF0] =	vst v15  }
0x34f: {  	v49 =	vor.u32 v31, v49;
	v2 =	vld.idx.msk [tilespmem:v14+s10+$0x0], $0xffff;
	v7 =	vmov s9;
	[tilespmem:s1+$0xF0] =	vst v10  }
0x350: {  	v1 =	vld.idx.msk [tilespmem:v3+s10+$0x0], $0xffff;
	v7 =	vand.u32 $0x1C, v7;
	[tilespmem:s1+$0x80] =	vst v9  }
0x351: {  	v3 =	vld.idx.msk [tilespmem:v16+s10+$0x0], $0xffff;
	v7 =	vbroadcast v7, $0x0;
	[tilespmem:s1+$0x90] =	vst v11  }
0x352: {  	v19 =	vld.idx.msk [tilespmem:v18+s10+$0x0], $0xffff;
	[tilespmem:s1+$0xA0] =	vst v12  }
0x353: {  	v5 =	vld.idx.msk [tilespmem:v17+s10+$0x0], $0xffff;
	[tilespmem:s1+$0xB0] =	vst v48;
	v53 =	vor.u32 v30, v7  }
0x354: {  	v52 =	vld.idx.msk [tilespmem:v49+s10+$0x0], $0xffff;
	[tilespmem:s1+$0x10] =	vst v0;
	v0 =	vor.u32 v24, v7  }
0x355: {  	[tilespmem:s1+$0x20] =	vst v2;
	v2 =	vor.u32 v25, v7  }
0x356: {  	[tilespmem:s1+$0x30] =	vst v1;
	v1 =	vor.u32 v26, v7  }
0x357: {  	[tilespmem:s1+$0x40] =	vst v3;
	v3 =	vor.u32 v27, v7  }
0x358: {  	[tilespmem:s1+$0x0] =	vst v6;
	v6 =	vor.u32 v29, v7;
	v8 =	vld.idx.msk [tilespmem:v53+s10+$0x0], $0xffff  }
0x359: {  	[tilespmem:s1+$0x50] =	vst v5;
	v5 =	vor.u32 v28, v7;
	v0 =	vld.idx.msk [tilespmem:v0+s10+$0x0], $0xffff  }
0x35a: {  	[tilespmem:s1+$0xC0] =	vst v50;
	v7 =	vor.u32 v31, v7;
	v2 =	vld.idx.msk [tilespmem:v2+s10+$0x0], $0xffff  }
0x35b: {  	[tilespmem:s1+$0xD0] =	vst v51;
	v1 =	vld.idx.msk [tilespmem:v1+s10+$0x0], $0xffff  }
0x35c: {  	[tilespmem:s1+$0xE0] =	vst v4;
	v3 =	vld.idx.msk [tilespmem:v3+s10+$0x0], $0xffff  }
0x35d: {  	[tilespmem:s1+$0x60] =	vst v19;
	v6 =	vld.idx.msk [tilespmem:v6+s10+$0x0], $0xffff  }
0x35e: {  	[tilespmem:s1+$0x70] =	vst v52;
	v5 =	vld.idx.msk [tilespmem:v5+s10+$0x0], $0xffff  }
0x35f: {  	v7 =	vld.idx.msk [tilespmem:v7+s10+$0x0], $0xffff;
	[tilespmem:s1+$0xFFFFFF60] =	vst v8  }
0x360: {  	[tilespmem:s1+$0xFFFFFF00] =	vst v0  }
0x361: {  	[tilespmem:s1+$0xFFFFFF10] =	vst v2  }
0x362: {  	[tilespmem:s1+$0xFFFFFF20] =	vst v1  }
0x363: {  	[tilespmem:s1+$0xFFFFFF30] =	vst v3  }
0x364: {  	s9 =	sadd.s32 s29, s24;
	[tilespmem:s1+$0xFFFFFF50] =	vst v6  }
0x365: {  	s0 =	sshrl.u32 s9, $0x3;
	[tilespmem:s1+$0xFFFFFF40] =	vst v5  }
0x366: {  	s26 =	sadd.s32 s2, s0;
	s9 =	sor.u32 $0x4000, s0;
	[tilespmem:s1+$0xFFFFFF70] =	vst v7;
	s1 =	simm.s32 $0x0  }
0x367: {  	[hbm4b:s26+s1] =	stream.linear.scatter [tilespmem:s13], [sflag:$0x3], $0x400, $0x38;
	[tilespmem:$0x18800] =	vst v63  }
0x368: {  	s6 =	sadd.s32 s2, s9;
	s26 =	sor.u32 $0x8000, s0  }
0x369: {  	[hbm4b:s6+s1] =	stream.linear.scatter [tilespmem:s14], [sflag:$0x3], $0x400, $0x38;
	[tilespmem:$0x18800] =	vst v63  }
0x36a: {  	s0 =	sor.u32 $0xC000, s0;
	s6 =	sadd.s32 s2, s26  }
0x36b: {  	[hbm4b:s6+s1] =	stream.linear.scatter [tilespmem:s15], [sflag:$0x3], $0x400, $0x38;
	[tilespmem:$0x18800] =	vst v63  }
0x36c: {  	s0 =	sadd.s32 s2, s0  }
0x36d: {  	[hbm4b:s0+s1] =	stream.linear.scatter [tilespmem:s16], [sflag:$0x3], $0x400, $0x38;
	[tilespmem:$0x18800] =	vst v63  }
0x36e: {  	_ =	swait.ge [sflag:s22], $0x400  }
0x36f: {  	[sflag:s22] =	ssyncset.done $0x0  }
0x370: {  	s9 =	simm.s32 $0x1;
	[sflag:s22] =	ssyncadd.s32 $0xFFFFFC00  }
0x371: {  	v0 =	vmov s9;
	_ =	swait.ge [sflag:s22], $0x400  }
0x372: {  	v0 =	vand.u32 $0x1D, v0;
	[sflag:s22] =	ssyncset.done $0x0  }
0x373: {  	v0 =	vbroadcast v0, $0x0;
	[sflag:s22] =	ssyncadd.s32 $0xFFFFFC00  }
0x374: {  	_ =	swait.ge [sflag:s22], $0x400  }
0x375: {  	v1 =	vor.u32 v32, v0;
	[sflag:s22] =	ssyncset.done $0x0  }
0x376: {  	v2 =	vor.u32 v33, v0;
	[sflag:s22] =	ssyncadd.s32 $0xFFFFFC00  }
0x377: {  	v3 =	vor.u32 v34, v0;
	s26 =	simm.s32 $0x3;
	_ =	swait.ge [sflag:s22], $0x400  }
0x378: {  	v4 =	vor.u32 v35, v0;
	v5 =	vmov s26;
	[sflag:s22] =	ssyncset.done $0x0  }
0x379: {  	v6 =	vor.u32 v36, v0;
	v5 =	vand.u32 $0x1F, v5;
	[sflag:s22] =	ssyncadd.s32 $0xFFFFFC00  }
0x37a: {  	v7 =	vor.u32 v37, v0;
	v5 =	vbroadcast v5, $0x0;
	v1 =	vld.idx.msk [tilespmem:v1+s10+$0x0], $0xffff  }
0x37b: {  	v54 =	vor.u32 v38, v0;
	v2 =	vld.idx.msk [tilespmem:v2+s10+$0x0], $0xffff  }
0x37c: {  	v55 =	vor.u32 v32, v5;
	v3 =	vld.idx.msk [tilespmem:v3+s10+$0x0], $0xffff  }
0x37d: {  	v56 =	vor.u32 v39, v5;
	v4 =	vld.idx.msk [tilespmem:v4+s10+$0x0], $0xffff  }
0x37e: {  	v57 =	vor.u32 v33, v5;
	v6 =	vld.idx.msk [tilespmem:v6+s10+$0x0], $0xffff  }
0x37f: {  	v58 =	vor.u32 v34, v5;
	v7 =	vld.idx.msk [tilespmem:v7+s10+$0x0], $0xffff  }
0x380: {  	s6 =	simm.s32 $0x2;
	v59 =	vor.u32 v35, v5;
	v8 =	vld.idx.msk [tilespmem:v54+s10+$0x0], $0xffff  }
0x381: {  	v60 =	vmov s6;
	v61 =	vor.u32 v36, v5;
	v48 =	vld.idx.msk [tilespmem:v55+s10+$0x0], $0xffff  }
0x382: {  	v50 =	vand.u32 $0x1E, v60;
	v62 =	vor.u32 v37, v5;
	v10 =	vld.idx.msk [tilespmem:v56+s10+$0x0], $0xffff  }
0x383: {  	v63 =	vbroadcast v50, $0x0;
	v5 =	vor.u32 v38, v5;
	v52 =	vld.idx.msk [tilespmem:v57+s10+$0x0], $0xffff  }
0x384: {  	v0 =	vor.u32 v39, v0;
	v54 =	vld.idx.msk [tilespmem:v58+s10+$0x0], $0xffff  }
0x385: {  	v16 =	vor.u32 v32, v63;
	v53 =	vld.idx.msk [tilespmem:v59+s10+$0x0], $0xffff  }
0x386: {  	v17 =	vor.u32 v33, v63;
	v50 =	vld.idx.msk [tilespmem:v61+s10+$0x0], $0xffff  }
0x387: {  	s6 =	simm.s32 $0x17900;
	v18 =	vor.u32 v34, v63;
	v49 =	vld.idx.msk [tilespmem:v62+s10+$0x0], $0xffff  }
0x388: {  	v19 =	vor.u32 v35, v63;
	v51 =	vld.idx.msk [tilespmem:v5+s10+$0x0], $0xffff;
	[tilespmem:s6+$0xF0] =	vst v10  }
0x389: {  	v60 =	vmov s1;
	v0 =	vld.idx.msk [tilespmem:v0+s10+$0x0], $0xffff;
	v5 =	vor.u32 v36, v63;
	[tilespmem:s6+$0xFFFFFF80] =	vst v1  }
0x38a: {  	v61 =	vor.u32 v37, v63;
	v1 =	vld.idx.msk [tilespmem:v16+s10+$0x0], $0xffff;
	v10 =	vand.u32 $0x1C, v60;
	[tilespmem:s6+$0xFFFFFF90] =	vst v2  }
0x38b: {  	v62 =	vor.u32 v38, v63;
	v2 =	vld.idx.msk [tilespmem:v17+s10+$0x0], $0xffff;
	[tilespmem:s6+$0xFFFFFFA0] =	vst v3;
	v10 =	vbroadcast v10, $0x0  }
0x38c: {  	v63 =	vor.u32 v39, v63;
	v3 =	vld.idx.msk [tilespmem:v18+s10+$0x0], $0xffff;
	[tilespmem:s6+$0xFFFFFFB0] =	vst v4  }
0x38d: {  	v4 =	vld.idx.msk [tilespmem:v19+s10+$0x0], $0xffff;
	[tilespmem:s6+$0xFFFFFFC0] =	vst v6;
	v16 =	vor.u32 v32, v10  }
0x38e: {  	v5 =	vld.idx.msk [tilespmem:v5+s10+$0x0], $0xffff;
	[tilespmem:s6+$0xFFFFFFD0] =	vst v7;
	v6 =	vor.u32 v33, v10  }
0x38f: {  	v7 =	vld.idx.msk [tilespmem:v61+s10+$0x0], $0xffff;
	[tilespmem:s6+$0xFFFFFFE0] =	vst v8;
	v17 =	vor.u32 v34, v10  }
0x390: {  	s9 =	simm.s32 $0x5;
	v18 =	vld.idx.msk [tilespmem:v62+s10+$0x0], $0xffff;
	[tilespmem:s6+$0xFFFFFFF0] =	vst v0;
	v19 =	vor.u32 v35, v10  }
0x391: {  	v9 =	vld.idx.msk [tilespmem:v63+s10+$0x0], $0xffff;
	v0 =	vor.u32 v36, v10;
	[tilespmem:s6+$0x10] =	vst v2;
	v2 =	vmov s9  }
0x392: {  	[tilespmem:s6+$0x0] =	vst v1;
	v1 =	vor.u32 v37, v10;
	v2 =	vand.u32 $0x1D, v2;
	v59 =	vld.idx.msk [tilespmem:v16+s10+$0x0], $0xffff  }
0x393: {  	[tilespmem:s6+$0x20] =	vst v3;
	v55 =	vbroadcast v2, $0x0;
	v60 =	vld.idx.msk [tilespmem:v6+s10+$0x0], $0xffff;
	v6 =	vor.u32 v38, v10  }
0x394: {  	[tilespmem:s6+$0x30] =	vst v4;
	v3 =	vor.u32 v39, v10;
	v58 =	vld.idx.msk [tilespmem:v17+s10+$0x0], $0xffff  }
0x395: {  	[tilespmem:s6+$0x40] =	vst v5;
	v56 =	vld.idx.msk [tilespmem:v19+s10+$0x0], $0xffff;
	v63 =	vor.u32 v32, v55  }
0x396: {  	[tilespmem:s6+$0x50] =	vst v7;
	v57 =	vld.idx.msk [tilespmem:v0+s10+$0x0], $0xffff;
	v0 =	vor.u32 v33, v55  }
0x397: {  	s26 =	simm.s32 $0x7;
	[tilespmem:s6+$0x60] =	vst v18;
	v2 =	vor.u32 v34, v55;
	v61 =	vld.idx.msk [tilespmem:v1+s10+$0x0], $0xffff  }
0x398: {  	s1 =	simm.s32 $0x8;
	s9 =	simm.s32 $0x4;
	v4 =	vmov s26;
	[tilespmem:s6+$0x70] =	vst v9;
	v1 =	vor.u32 v35, v55;
	v62 =	vld.idx.msk [tilespmem:v6+s10+$0x0], $0xffff  }
.LBB2_12:
0x399: {  	p0 =	slt.u32 s1, $0x1C;
	v5 =	vor.u32 v36, v55;
	v4 =	vand.u32 $0x1F, v4;
	v3 =	vld.idx.msk [tilespmem:v3+s10+$0x0], $0xffff;
	[tilespmem:s6+$0x80] =	vst v48  }
0x39a: {  	v7 =	vor.u32 v37, v55;
	v6 =	vld.idx.msk [tilespmem:v63+s10+$0x0], $0xffff;
	v4 =	vbroadcast v4, $0x0;
	[tilespmem:s6+$0x90] =	vst v52  }
0x39b: {  	v8 =	vor.u32 v38, v55;
	v0 =	vld.idx.msk [tilespmem:v0+s10+$0x0], $0xffff;
	[tilespmem:s6+$0xA0] =	vst v54  }
0x39c: {  	v2 =	vld.idx.msk [tilespmem:v2+s10+$0x0], $0xffff;
	v9 =	vor.u32 v32, v4;
	[tilespmem:s6+$0xB0] =	vst v53  }
0x39d: {  	v10 =	vor.u32 v39, v4;
	v1 =	vld.idx.msk [tilespmem:v1+s10+$0x0], $0xffff;
	[tilespmem:s6+$0xC0] =	vst v50  }
0x39e: {  	v11 =	vor.u32 v33, v4;
	v5 =	vld.idx.msk [tilespmem:v5+s10+$0x0], $0xffff;
	[tilespmem:s6+$0xD0] =	vst v49  }
0x39f: {  	v12 =	vor.u32 v34, v4;
	v7 =	vld.idx.msk [tilespmem:v7+s10+$0x0], $0xffff;
	[tilespmem:s6+$0xE0] =	vst v51  }
0x3a0: {  	s0 =	sadd.s32 $0x2, s9;
	v49 =	vor.u32 v35, v4;
	v8 =	vld.idx.msk [tilespmem:v8+s10+$0x0], $0xffff;
	[tilespmem:s6+$0xFFFFFF00] =	vst v59  }
0x3a1: {  	v50 =	vmov s0;
	v48 =	vld.idx.msk [tilespmem:v9+s10+$0x0], $0xffff;
	v9 =	vor.u32 v36, v4;
	[tilespmem:s6+$0xFFFFFF10] =	vst v60  }
0x3a2: {  	v50 =	vand.u32 $0x1E, v50;
	v51 =	vor.u32 v37, v4;
	v10 =	vld.idx.msk [tilespmem:v10+s10+$0x0], $0xffff;
	[tilespmem:s6+$0xFFFFFF20] =	vst v58  }
0x3a3: {  	v4 =	vor.u32 v38, v4;
	v58 =	vbroadcast v50, $0x0;
	v52 =	vld.idx.msk [tilespmem:v11+s10+$0x0], $0xffff;
	[tilespmem:s6+$0xFFFFFF30] =	vst v56  }
0x3a4: {  	v11 =	vor.u32 v39, v55;
	v54 =	vld.idx.msk [tilespmem:v12+s10+$0x0], $0xffff;
	[tilespmem:s6+$0xFFFFFF40] =	vst v57  }
0x3a5: {  	v12 =	vor.u32 v32, v58;
	v53 =	vld.idx.msk [tilespmem:v49+s10+$0x0], $0xffff;
	[tilespmem:s6+$0xFFFFFF50] =	vst v61  }
0x3a6: {  	v55 =	vor.u32 v33, v58;
	v50 =	vld.idx.msk [tilespmem:v9+s10+$0x0], $0xffff;
	[tilespmem:s6+$0xFFFFFF60] =	vst v62  }
0x3a7: {  	v9 =	vor.u32 v34, v58;
	v49 =	vld.idx.msk [tilespmem:v51+s10+$0x0], $0xffff;
	[tilespmem:s6+$0xFFFFFF70] =	vst v3;
	s6 =	sadd.s32 $0x200, s6  }
0x3a8: {  	v3 =	vor.u32 v35, v58;
	v51 =	vld.idx.msk [tilespmem:v4+s10+$0x0], $0xffff;
	[tilespmem:s6+$0xF0] =	vst v10  }
0x3a9: {  	v4 =	vmov s9;
	s9 =	smov.u32 s1;
	v10 =	vld.idx.msk [tilespmem:v11+s10+$0x0], $0xffff;
	[tilespmem:s6+$0xFFFFFF80] =	vst v6;
	v6 =	vor.u32 v36, v58  }
0x3aa: {  	v4 =	vand.u32 $0x1C, v4;
	v11 =	vor.u32 v37, v58;
	[tilespmem:s6+$0xFFFFFF90] =	vst v0;
	v0 =	vld.idx.msk [tilespmem:v12+s10+$0x0], $0xffff  }
0x3ab: {  	v4 =	vbroadcast v4, $0x0;
	v12 =	vor.u32 v38, v58;
	[tilespmem:s6+$0xFFFFFFA0] =	vst v2;
	v2 =	vld.idx.msk [tilespmem:v55+s10+$0x0], $0xffff  }
0x3ac: {  	[tilespmem:s6+$0xFFFFFFB0] =	vst v1;
	v1 =	vld.idx.msk [tilespmem:v9+s10+$0x0], $0xffff;
	v9 =	vor.u32 v39, v58  }
0x3ad: {  	v55 =	vor.u32 v32, v4;
	[tilespmem:s6+$0xFFFFFFC0] =	vst v5;
	v5 =	vld.idx.msk [tilespmem:v3+s10+$0x0], $0xffff  }
0x3ae: {  	v3 =	vor.u32 v33, v4;
	[tilespmem:s6+$0xFFFFFFD0] =	vst v7;
	v6 =	vld.idx.msk [tilespmem:v6+s10+$0x0], $0xffff  }
0x3af: {  	v7 =	vor.u32 v34, v4;
	[tilespmem:s6+$0xFFFFFFE0] =	vst v8;
	v8 =	vld.idx.msk [tilespmem:v11+s10+$0x0], $0xffff  }
0x3b0: {  	s0 =	sadd.s32 $0x1, s1;
	v11 =	vor.u32 v35, v4;
	[tilespmem:s6+$0xFFFFFFF0] =	vst v10;
	v10 =	vld.idx.msk [tilespmem:v12+s10+$0x0], $0xffff  }
0x3b1: {  	v57 =	vor.u32 v36, v4;
	v12 =	vmov s0;
	v9 =	vld.idx.msk [tilespmem:v9+s10+$0x0], $0xffff;
	[tilespmem:s6+$0x0] =	vst v0  }
0x3b2: {  	v0 =	vand.u32 $0x1D, v12;
	v12 =	vor.u32 v37, v4;
	v59 =	vld.idx.msk [tilespmem:v55+s10+$0x0], $0xffff;
	[tilespmem:s6+$0x10] =	vst v2  }
0x3b3: {  	v62 =	vor.u32 v38, v4;
	v55 =	vbroadcast v0, $0x0;
	v60 =	vld.idx.msk [tilespmem:v3+s10+$0x0], $0xffff;
	[tilespmem:s6+$0x20] =	vst v1  }
.Ltmp4:
0x3b4: {  	v3 =	vor.u32 v39, v4;
	v58 =	vld.idx.msk [tilespmem:v7+s10+$0x0], $0xffff;
	[tilespmem:s6+$0x30] =	vst v5;
	(pc) =	sbr.rel @p0 .LBB2_12-.Ltmp4, $4  }
0x3b5: {  	v63 =	vor.u32 v32, v55;
	v56 =	vld.idx.msk [tilespmem:v11+s10+$0x0], $0xffff;
	[tilespmem:s6+$0x40] =	vst v6  }
0x3b6: {  	v0 =	vor.u32 v33, v55;
	v57 =	vld.idx.msk [tilespmem:v57+s10+$0x0], $0xffff;
	[tilespmem:s6+$0x50] =	vst v8  }
0x3b7: {  	s0 =	sadd.s32 $0x3, s1;
	v2 =	vor.u32 v34, v55;
	v61 =	vld.idx.msk [tilespmem:v12+s10+$0x0], $0xffff;
	[tilespmem:s6+$0x60] =	vst v10  }
0x3b8: {  	s1 =	sadd.s32 $0x4, s1;
	v4 =	vmov s0;
	v1 =	vor.u32 v35, v55;
	v62 =	vld.idx.msk [tilespmem:v62+s10+$0x0], $0xffff;
	[tilespmem:s6+$0x70] =	vst v9  }
0x3b9: {  	[tilespmem:s6+$0x80] =	vst v48  }
0x3ba: {  	[tilespmem:s6+$0x90] =	vst v52  }
0x3bb: {  	[tilespmem:s6+$0xA0] =	vst v54  }
0x3bc: {  	[tilespmem:s6+$0xB0] =	vst v53  }
0x3bd: {  	v5 =	vor.u32 v36, v55;
	v3 =	vld.idx.msk [tilespmem:v3+s10+$0x0], $0xffff;
	[tilespmem:s6+$0xC0] =	vst v50  }
0x3be: {  	v4 =	vand.u32 $0x1F, v4;
	v6 =	vld.idx.msk [tilespmem:v63+s10+$0x0], $0xffff;
	v7 =	vor.u32 v37, v55;
	[tilespmem:s6+$0xD0] =	vst v49  }
0x3bf: {  	v0 =	vld.idx.msk [tilespmem:v0+s10+$0x0], $0xffff;
	v8 =	vor.u32 v38, v55;
	[tilespmem:s6+$0xE0] =	vst v51;
	v4 =	vbroadcast v4, $0x0  }
0x3c0: {  	v2 =	vld.idx.msk [tilespmem:v2+s10+$0x0], $0xffff;
	[tilespmem:s6+$0xFFFFFF10] =	vst v60;
	v60 =	vor.u32 v39, v55  }
0x3c1: {  	v1 =	vld.idx.msk [tilespmem:v1+s10+$0x0], $0xffff;
	[tilespmem:s6+$0xFFFFFF00] =	vst v59;
	v9 =	vor.u32 v32, v4  }
0x3c2: {  	[tilespmem:s6+$0xFFFFFF20] =	vst v58;
	v10 =	vor.u32 v39, v4;
	v5 =	vld.idx.msk [tilespmem:v5+s10+$0x0], $0xffff  }
0x3c3: {  	[tilespmem:s6+$0xFFFFFF30] =	vst v56;
	v11 =	vor.u32 v33, v4;
	v7 =	vld.idx.msk [tilespmem:v7+s10+$0x0], $0xffff  }
0x3c4: {  	s0 =	sadd.s32 $0x2, s9;
	[tilespmem:s6+$0xFFFFFF40] =	vst v57;
	v12 =	vor.u32 v34, v4;
	v8 =	vld.idx.msk [tilespmem:v8+s10+$0x0], $0xffff  }
0x3c5: {  	v18 =	vmov s0;
	v17 =	vor.u32 v35, v4;
	[tilespmem:s6+$0xFFFFFF50] =	vst v61;
	v15 =	vld.idx.msk [tilespmem:v60+s10+$0x0], $0xffff  }
0x3c6: {  	v49 =	vand.u32 $0x1E, v18;
	v19 =	vor.u32 v36, v4;
	[tilespmem:s6+$0xFFFFFF60] =	vst v62;
	v9 =	vld.idx.msk [tilespmem:v9+s10+$0x0], $0xffff  }
0x3c7: {  	s1 =	sadd.s32 $0x200, s6;
	v59 =	vor.u32 v37, v4;
	v49 =	vbroadcast v49, $0x0;
	[tilespmem:s6+$0xFFFFFF70] =	vst v3;
	v10 =	vld.idx.msk [tilespmem:v10+s10+$0x0], $0xffff  }
0x3c8: {  	v4 =	vor.u32 v38, v4;
	[tilespmem:s1+$0xFFFFFF80] =	vst v6;
	v11 =	vld.idx.msk [tilespmem:v11+s10+$0x0], $0xffff  }
0x3c9: {  	v63 =	vor.u32 v32, v49;
	[tilespmem:s1+$0xFFFFFF90] =	vst v0;
	v12 =	vld.idx.msk [tilespmem:v12+s10+$0x0], $0xffff  }
0x3ca: {  	v13 =	vor.u32 v33, v49;
	[tilespmem:s1+$0xFFFFFFA0] =	vst v2;
	v48 =	vld.idx.msk [tilespmem:v17+s10+$0x0], $0xffff  }
0x3cb: {  	v14 =	vor.u32 v34, v49;
	[tilespmem:s1+$0xFFFFFFB0] =	vst v1;
	v50 =	vld.idx.msk [tilespmem:v19+s10+$0x0], $0xffff  }
0x3cc: {  	v3 =	vor.u32 v35, v49;
	v51 =	vld.idx.msk [tilespmem:v59+s10+$0x0], $0xffff;
	[tilespmem:s1+$0xFFFFFFC0] =	vst v5  }
0x3cd: {  	v16 =	vor.u32 v36, v49;
	v4 =	vld.idx.msk [tilespmem:v4+s10+$0x0], $0xffff;
	[tilespmem:s1+$0xFFFFFFD0] =	vst v7  }
0x3ce: {  	v18 =	vor.u32 v38, v49;
	v6 =	vld.idx.msk [tilespmem:v63+s10+$0x0], $0xffff;
	[tilespmem:s1+$0xFFFFFFE0] =	vst v8  }
0x3cf: {  	v17 =	vor.u32 v37, v49;
	v0 =	vld.idx.msk [tilespmem:v13+s10+$0x0], $0xffff;
	[tilespmem:s1+$0xFFFFFFF0] =	vst v15  }
0x3d0: {  	v49 =	vor.u32 v39, v49;
	v2 =	vld.idx.msk [tilespmem:v14+s10+$0x0], $0xffff;
	v7 =	vmov s9;
	[tilespmem:s1+$0xF0] =	vst v10  }
0x3d1: {  	v1 =	vld.idx.msk [tilespmem:v3+s10+$0x0], $0xffff;
	v7 =	vand.u32 $0x1C, v7;
	[tilespmem:s1+$0x80] =	vst v9  }
0x3d2: {  	v3 =	vld.idx.msk [tilespmem:v16+s10+$0x0], $0xffff;
	v7 =	vbroadcast v7, $0x0;
	[tilespmem:s1+$0x90] =	vst v11  }
0x3d3: {  	v19 =	vld.idx.msk [tilespmem:v18+s10+$0x0], $0xffff;
	[tilespmem:s1+$0xA0] =	vst v12  }
0x3d4: {  	v5 =	vld.idx.msk [tilespmem:v17+s10+$0x0], $0xffff;
	[tilespmem:s1+$0xB0] =	vst v48;
	v53 =	vor.u32 v38, v7  }
0x3d5: {  	v52 =	vld.idx.msk [tilespmem:v49+s10+$0x0], $0xffff;
	[tilespmem:s1+$0x10] =	vst v0;
	v0 =	vor.u32 v32, v7  }
0x3d6: {  	[tilespmem:s1+$0x20] =	vst v2;
	v2 =	vor.u32 v33, v7  }
0x3d7: {  	[tilespmem:s1+$0x30] =	vst v1;
	v1 =	vor.u32 v34, v7  }
0x3d8: {  	[tilespmem:s1+$0x40] =	vst v3;
	v3 =	vor.u32 v35, v7  }
0x3d9: {  	[tilespmem:s1+$0x0] =	vst v6;
	v6 =	vor.u32 v37, v7;
	v8 =	vld.idx.msk [tilespmem:v53+s10+$0x0], $0xffff  }
0x3da: {  	[tilespmem:s1+$0x50] =	vst v5;
	v5 =	vor.u32 v36, v7;
	v0 =	vld.idx.msk [tilespmem:v0+s10+$0x0], $0xffff  }
0x3db: {  	[tilespmem:s1+$0xC0] =	vst v50;
	v7 =	vor.u32 v39, v7;
	v2 =	vld.idx.msk [tilespmem:v2+s10+$0x0], $0xffff  }
0x3dc: {  	[tilespmem:s1+$0xD0] =	vst v51;
	v1 =	vld.idx.msk [tilespmem:v1+s10+$0x0], $0xffff  }
0x3dd: {  	[tilespmem:s1+$0xE0] =	vst v4;
	v3 =	vld.idx.msk [tilespmem:v3+s10+$0x0], $0xffff  }
0x3de: {  	[tilespmem:s1+$0x60] =	vst v19;
	v6 =	vld.idx.msk [tilespmem:v6+s10+$0x0], $0xffff  }
0x3df: {  	[tilespmem:s1+$0x70] =	vst v52;
	v5 =	vld.idx.msk [tilespmem:v5+s10+$0x0], $0xffff  }
0x3e0: {  	v7 =	vld.idx.msk [tilespmem:v7+s10+$0x0], $0xffff;
	[tilespmem:s1+$0xFFFFFF60] =	vst v8  }
0x3e1: {  	[tilespmem:s1+$0xFFFFFF00] =	vst v0  }
0x3e2: {  	[tilespmem:s1+$0xFFFFFF10] =	vst v2  }
0x3e3: {  	[tilespmem:s1+$0xFFFFFF20] =	vst v1  }
0x3e4: {  	[tilespmem:s1+$0xFFFFFF30] =	vst v3  }
0x3e5: {  	s9 =	sadd.s32 s30, s24;
	[tilespmem:s1+$0xFFFFFF50] =	vst v6  }
0x3e6: {  	s0 =	sshrl.u32 s9, $0x3;
	[tilespmem:s1+$0xFFFFFF40] =	vst v5  }
0x3e7: {  	s26 =	sadd.s32 s2, s0;
	s9 =	sor.u32 $0x4000, s0;
	[tilespmem:s1+$0xFFFFFF70] =	vst v7;
	s1 =	simm.s32 $0x0  }
0x3e8: {  	[hbm4b:s26+s1] =	stream.linear.scatter [tilespmem:s17], [sflag:$0x4], $0x400, $0x38;
	[tilespmem:$0x18800] =	vst v63  }
0x3e9: {  	s6 =	sadd.s32 s2, s9;
	s26 =	sor.u32 $0x8000, s0  }
0x3ea: {  	[hbm4b:s6+s1] =	stream.linear.scatter [tilespmem:s18], [sflag:$0x4], $0x400, $0x38;
	[tilespmem:$0x18800] =	vst v63  }
0x3eb: {  	s0 =	sor.u32 $0xC000, s0;
	s6 =	sadd.s32 s2, s26  }
0x3ec: {  	[hbm4b:s6+s1] =	stream.linear.scatter [tilespmem:s19], [sflag:$0x4], $0x400, $0x38;
	[tilespmem:$0x18800] =	vst v63  }
0x3ed: {  	s0 =	sadd.s32 s2, s0  }
0x3ee: {  	[hbm4b:s0+s1] =	stream.linear.scatter [tilespmem:s20], [sflag:$0x4], $0x400, $0x38;
	[tilespmem:$0x18800] =	vst v63  }
0x3ef: {  	_ =	swait.ge [sflag:s21], $0x400  }
0x3f0: {  	[sflag:s21] =	ssyncset.done $0x0  }
0x3f1: {  	s9 =	simm.s32 $0x1;
	[sflag:s21] =	ssyncadd.s32 $0xFFFFFC00  }
0x3f2: {  	v0 =	vmov s9;
	_ =	swait.ge [sflag:s21], $0x400  }
0x3f3: {  	v0 =	vand.u32 $0x1D, v0;
	[sflag:s21] =	ssyncset.done $0x0  }
0x3f4: {  	v0 =	vbroadcast v0, $0x0;
	[sflag:s21] =	ssyncadd.s32 $0xFFFFFC00  }
0x3f5: {  	_ =	swait.ge [sflag:s21], $0x400  }
0x3f6: {  	v1 =	vor.u32 v40, v0;
	[sflag:s21] =	ssyncset.done $0x0  }
0x3f7: {  	v2 =	vor.u32 v41, v0;
	[sflag:s21] =	ssyncadd.s32 $0xFFFFFC00  }
0x3f8: {  	v3 =	vor.u32 v42, v0;
	s26 =	simm.s32 $0x3;
	_ =	swait.ge [sflag:s21], $0x400  }
0x3f9: {  	v4 =	vor.u32 v43, v0;
	v5 =	vmov s26;
	[sflag:s21] =	ssyncset.done $0x0  }
0x3fa: {  	v6 =	vor.u32 v44, v0;
	v5 =	vand.u32 $0x1F, v5;
	[sflag:s21] =	ssyncadd.s32 $0xFFFFFC00  }
0x3fb: {  	v7 =	vor.u32 v45, v0;
	v5 =	vbroadcast v5, $0x0;
	v1 =	vld.idx.msk [tilespmem:v1+s10+$0x0], $0xffff  }
0x3fc: {  	v54 =	vor.u32 v46, v0;
	v2 =	vld.idx.msk [tilespmem:v2+s10+$0x0], $0xffff  }
0x3fd: {  	v55 =	vor.u32 v40, v5;
	v3 =	vld.idx.msk [tilespmem:v3+s10+$0x0], $0xffff  }
0x3fe: {  	v56 =	vor.u32 v47, v5;
	v4 =	vld.idx.msk [tilespmem:v4+s10+$0x0], $0xffff  }
0x3ff: {  	v57 =	vor.u32 v41, v5;
	v6 =	vld.idx.msk [tilespmem:v6+s10+$0x0], $0xffff  }
0x400: {  	v58 =	vor.u32 v42, v5;
	v7 =	vld.idx.msk [tilespmem:v7+s10+$0x0], $0xffff  }
0x401: {  	s6 =	simm.s32 $0x2;
	v59 =	vor.u32 v43, v5;
	v8 =	vld.idx.msk [tilespmem:v54+s10+$0x0], $0xffff  }
0x402: {  	v60 =	vmov s6;
	v61 =	vor.u32 v44, v5;
	v48 =	vld.idx.msk [tilespmem:v55+s10+$0x0], $0xffff  }
0x403: {  	v50 =	vand.u32 $0x1E, v60;
	v62 =	vor.u32 v45, v5;
	v10 =	vld.idx.msk [tilespmem:v56+s10+$0x0], $0xffff  }
0x404: {  	v63 =	vbroadcast v50, $0x0;
	v5 =	vor.u32 v46, v5;
	v52 =	vld.idx.msk [tilespmem:v57+s10+$0x0], $0xffff  }
0x405: {  	v0 =	vor.u32 v47, v0;
	v54 =	vld.idx.msk [tilespmem:v58+s10+$0x0], $0xffff  }
0x406: {  	v16 =	vor.u32 v40, v63;
	v53 =	vld.idx.msk [tilespmem:v59+s10+$0x0], $0xffff  }
0x407: {  	v17 =	vor.u32 v41, v63;
	v50 =	vld.idx.msk [tilespmem:v61+s10+$0x0], $0xffff  }
0x408: {  	s6 =	simm.s32 $0x16900;
	v18 =	vor.u32 v42, v63;
	v49 =	vld.idx.msk [tilespmem:v62+s10+$0x0], $0xffff  }
0x409: {  	v19 =	vor.u32 v43, v63;
	v51 =	vld.idx.msk [tilespmem:v5+s10+$0x0], $0xffff;
	[tilespmem:s6+$0xF0] =	vst v10  }
0x40a: {  	v60 =	vmov s1;
	v0 =	vld.idx.msk [tilespmem:v0+s10+$0x0], $0xffff;
	v5 =	vor.u32 v44, v63;
	[tilespmem:s6+$0xFFFFFF80] =	vst v1  }
0x40b: {  	v61 =	vor.u32 v45, v63;
	v1 =	vld.idx.msk [tilespmem:v16+s10+$0x0], $0xffff;
	v10 =	vand.u32 $0x1C, v60;
	[tilespmem:s6+$0xFFFFFF90] =	vst v2  }
0x40c: {  	v62 =	vor.u32 v46, v63;
	v2 =	vld.idx.msk [tilespmem:v17+s10+$0x0], $0xffff;
	[tilespmem:s6+$0xFFFFFFA0] =	vst v3;
	v10 =	vbroadcast v10, $0x0  }
0x40d: {  	v63 =	vor.u32 v47, v63;
	v3 =	vld.idx.msk [tilespmem:v18+s10+$0x0], $0xffff;
	[tilespmem:s6+$0xFFFFFFB0] =	vst v4  }
0x40e: {  	v4 =	vld.idx.msk [tilespmem:v19+s10+$0x0], $0xffff;
	[tilespmem:s6+$0xFFFFFFC0] =	vst v6;
	v16 =	vor.u32 v40, v10  }
0x40f: {  	v5 =	vld.idx.msk [tilespmem:v5+s10+$0x0], $0xffff;
	[tilespmem:s6+$0xFFFFFFD0] =	vst v7;
	v6 =	vor.u32 v41, v10  }
0x410: {  	v7 =	vld.idx.msk [tilespmem:v61+s10+$0x0], $0xffff;
	[tilespmem:s6+$0xFFFFFFE0] =	vst v8;
	v17 =	vor.u32 v42, v10  }
0x411: {  	s9 =	simm.s32 $0x5;
	v18 =	vld.idx.msk [tilespmem:v62+s10+$0x0], $0xffff;
	[tilespmem:s6+$0xFFFFFFF0] =	vst v0;
	v19 =	vor.u32 v43, v10  }
0x412: {  	v9 =	vld.idx.msk [tilespmem:v63+s10+$0x0], $0xffff;
	v0 =	vor.u32 v44, v10;
	[tilespmem:s6+$0x10] =	vst v2;
	v2 =	vmov s9  }
0x413: {  	[tilespmem:s6+$0x0] =	vst v1;
	v1 =	vor.u32 v45, v10;
	v2 =	vand.u32 $0x1D, v2;
	v59 =	vld.idx.msk [tilespmem:v16+s10+$0x0], $0xffff  }
0x414: {  	[tilespmem:s6+$0x20] =	vst v3;
	v55 =	vbroadcast v2, $0x0;
	v60 =	vld.idx.msk [tilespmem:v6+s10+$0x0], $0xffff;
	v6 =	vor.u32 v46, v10  }
0x415: {  	[tilespmem:s6+$0x30] =	vst v4;
	v3 =	vor.u32 v47, v10;
	v58 =	vld.idx.msk [tilespmem:v17+s10+$0x0], $0xffff  }
0x416: {  	[tilespmem:s6+$0x40] =	vst v5;
	v56 =	vld.idx.msk [tilespmem:v19+s10+$0x0], $0xffff;
	v63 =	vor.u32 v40, v55  }
0x417: {  	[tilespmem:s6+$0x50] =	vst v7;
	v57 =	vld.idx.msk [tilespmem:v0+s10+$0x0], $0xffff;
	v0 =	vor.u32 v41, v55  }
0x418: {  	s26 =	simm.s32 $0x7;
	[tilespmem:s6+$0x60] =	vst v18;
	v2 =	vor.u32 v42, v55;
	v61 =	vld.idx.msk [tilespmem:v1+s10+$0x0], $0xffff  }
0x419: {  	s1 =	simm.s32 $0x8;
	s9 =	simm.s32 $0x4;
	v4 =	vmov s26;
	[tilespmem:s6+$0x70] =	vst v9;
	v1 =	vor.u32 v43, v55;
	v62 =	vld.idx.msk [tilespmem:v6+s10+$0x0], $0xffff  }
.LBB2_14:
0x41a: {  	p0 =	slt.u32 s1, $0x1C;
	v5 =	vor.u32 v44, v55;
	v4 =	vand.u32 $0x1F, v4;
	v3 =	vld.idx.msk [tilespmem:v3+s10+$0x0], $0xffff;
	[tilespmem:s6+$0x80] =	vst v48  }
0x41b: {  	v7 =	vor.u32 v45, v55;
	v6 =	vld.idx.msk [tilespmem:v63+s10+$0x0], $0xffff;
	v4 =	vbroadcast v4, $0x0;
	[tilespmem:s6+$0x90] =	vst v52  }
0x41c: {  	v8 =	vor.u32 v46, v55;
	v0 =	vld.idx.msk [tilespmem:v0+s10+$0x0], $0xffff;
	[tilespmem:s6+$0xA0] =	vst v54  }
0x41d: {  	v2 =	vld.idx.msk [tilespmem:v2+s10+$0x0], $0xffff;
	v9 =	vor.u32 v40, v4;
	[tilespmem:s6+$0xB0] =	vst v53  }
0x41e: {  	v10 =	vor.u32 v47, v4;
	v1 =	vld.idx.msk [tilespmem:v1+s10+$0x0], $0xffff;
	[tilespmem:s6+$0xC0] =	vst v50  }
0x41f: {  	v11 =	vor.u32 v41, v4;
	v5 =	vld.idx.msk [tilespmem:v5+s10+$0x0], $0xffff;
	[tilespmem:s6+$0xD0] =	vst v49  }
0x420: {  	v12 =	vor.u32 v42, v4;
	v7 =	vld.idx.msk [tilespmem:v7+s10+$0x0], $0xffff;
	[tilespmem:s6+$0xE0] =	vst v51  }
0x421: {  	s0 =	sadd.s32 $0x2, s9;
	v49 =	vor.u32 v43, v4;
	v8 =	vld.idx.msk [tilespmem:v8+s10+$0x0], $0xffff;
	[tilespmem:s6+$0xFFFFFF00] =	vst v59  }
0x422: {  	v50 =	vmov s0;
	v48 =	vld.idx.msk [tilespmem:v9+s10+$0x0], $0xffff;
	v9 =	vor.u32 v44, v4;
	[tilespmem:s6+$0xFFFFFF10] =	vst v60  }
0x423: {  	v50 =	vand.u32 $0x1E, v50;
	v51 =	vor.u32 v45, v4;
	v10 =	vld.idx.msk [tilespmem:v10+s10+$0x0], $0xffff;
	[tilespmem:s6+$0xFFFFFF20] =	vst v58  }
0x424: {  	v4 =	vor.u32 v46, v4;
	v58 =	vbroadcast v50, $0x0;
	v52 =	vld.idx.msk [tilespmem:v11+s10+$0x0], $0xffff;
	[tilespmem:s6+$0xFFFFFF30] =	vst v56  }
0x425: {  	v11 =	vor.u32 v47, v55;
	v54 =	vld.idx.msk [tilespmem:v12+s10+$0x0], $0xffff;
	[tilespmem:s6+$0xFFFFFF40] =	vst v57  }
0x426: {  	v12 =	vor.u32 v40, v58;
	v53 =	vld.idx.msk [tilespmem:v49+s10+$0x0], $0xffff;
	[tilespmem:s6+$0xFFFFFF50] =	vst v61  }
0x427: {  	v55 =	vor.u32 v41, v58;
	v50 =	vld.idx.msk [tilespmem:v9+s10+$0x0], $0xffff;
	[tilespmem:s6+$0xFFFFFF60] =	vst v62  }
0x428: {  	v9 =	vor.u32 v42, v58;
	v49 =	vld.idx.msk [tilespmem:v51+s10+$0x0], $0xffff;
	[tilespmem:s6+$0xFFFFFF70] =	vst v3;
	s6 =	sadd.s32 $0x200, s6  }
0x429: {  	v3 =	vor.u32 v43, v58;
	v51 =	vld.idx.msk [tilespmem:v4+s10+$0x0], $0xffff;
	[tilespmem:s6+$0xF0] =	vst v10  }
0x42a: {  	v4 =	vmov s9;
	s9 =	smov.u32 s1;
	v10 =	vld.idx.msk [tilespmem:v11+s10+$0x0], $0xffff;
	[tilespmem:s6+$0xFFFFFF80] =	vst v6;
	v6 =	vor.u32 v44, v58  }
0x42b: {  	v4 =	vand.u32 $0x1C, v4;
	v11 =	vor.u32 v45, v58;
	[tilespmem:s6+$0xFFFFFF90] =	vst v0;
	v0 =	vld.idx.msk [tilespmem:v12+s10+$0x0], $0xffff  }
0x42c: {  	v4 =	vbroadcast v4, $0x0;
	v12 =	vor.u32 v46, v58;
	[tilespmem:s6+$0xFFFFFFA0] =	vst v2;
	v2 =	vld.idx.msk [tilespmem:v55+s10+$0x0], $0xffff  }
0x42d: {  	[tilespmem:s6+$0xFFFFFFB0] =	vst v1;
	v1 =	vld.idx.msk [tilespmem:v9+s10+$0x0], $0xffff;
	v9 =	vor.u32 v47, v58  }
0x42e: {  	v55 =	vor.u32 v40, v4;
	[tilespmem:s6+$0xFFFFFFC0] =	vst v5;
	v5 =	vld.idx.msk [tilespmem:v3+s10+$0x0], $0xffff  }
0x42f: {  	v3 =	vor.u32 v41, v4;
	[tilespmem:s6+$0xFFFFFFD0] =	vst v7;
	v6 =	vld.idx.msk [tilespmem:v6+s10+$0x0], $0xffff  }
0x430: {  	v7 =	vor.u32 v42, v4;
	[tilespmem:s6+$0xFFFFFFE0] =	vst v8;
	v8 =	vld.idx.msk [tilespmem:v11+s10+$0x0], $0xffff  }
0x431: {  	s0 =	sadd.s32 $0x1, s1;
	v11 =	vor.u32 v43, v4;
	[tilespmem:s6+$0xFFFFFFF0] =	vst v10;
	v10 =	vld.idx.msk [tilespmem:v12+s10+$0x0], $0xffff  }
0x432: {  	v57 =	vor.u32 v44, v4;
	v12 =	vmov s0;
	v9 =	vld.idx.msk [tilespmem:v9+s10+$0x0], $0xffff;
	[tilespmem:s6+$0x0] =	vst v0  }
0x433: {  	v0 =	vand.u32 $0x1D, v12;
	v12 =	vor.u32 v45, v4;
	v59 =	vld.idx.msk [tilespmem:v55+s10+$0x0], $0xffff;
	[tilespmem:s6+$0x10] =	vst v2  }
0x434: {  	v62 =	vor.u32 v46, v4;
	v55 =	vbroadcast v0, $0x0;
	v60 =	vld.idx.msk [tilespmem:v3+s10+$0x0], $0xffff;
	[tilespmem:s6+$0x20] =	vst v1  }
.Ltmp5:
0x435: {  	v3 =	vor.u32 v47, v4;
	v58 =	vld.idx.msk [tilespmem:v7+s10+$0x0], $0xffff;
	[tilespmem:s6+$0x30] =	vst v5;
	(pc) =	sbr.rel @p0 .LBB2_14-.Ltmp5, $4  }
0x436: {  	v63 =	vor.u32 v40, v55;
	v56 =	vld.idx.msk [tilespmem:v11+s10+$0x0], $0xffff;
	[tilespmem:s6+$0x40] =	vst v6  }
0x437: {  	v0 =	vor.u32 v41, v55;
	v57 =	vld.idx.msk [tilespmem:v57+s10+$0x0], $0xffff;
	[tilespmem:s6+$0x50] =	vst v8  }
0x438: {  	s0 =	sadd.s32 $0x3, s1;
	v2 =	vor.u32 v42, v55;
	v61 =	vld.idx.msk [tilespmem:v12+s10+$0x0], $0xffff;
	[tilespmem:s6+$0x60] =	vst v10  }
0x439: {  	s1 =	sadd.s32 $0x4, s1;
	v4 =	vmov s0;
	v1 =	vor.u32 v43, v55;
	v62 =	vld.idx.msk [tilespmem:v62+s10+$0x0], $0xffff;
	[tilespmem:s6+$0x70] =	vst v9  }
0x43a: {  	[tilespmem:s6+$0x80] =	vst v48  }
0x43b: {  	[tilespmem:s6+$0x90] =	vst v52  }
0x43c: {  	[tilespmem:s6+$0xA0] =	vst v54  }
0x43d: {  	[tilespmem:s6+$0xB0] =	vst v53  }
0x43e: {  	v5 =	vor.u32 v44, v55;
	v4 =	vand.u32 $0x1F, v4;
	v3 =	vld.idx.msk [tilespmem:v3+s10+$0x0], $0xffff;
	[tilespmem:s6+$0xC0] =	vst v50  }
0x43f: {  	v6 =	vld.idx.msk [tilespmem:v63+s10+$0x0], $0xffff;
	v7 =	vor.u32 v45, v55;
	[tilespmem:s6+$0xD0] =	vst v49;
	v4 =	vbroadcast v4, $0x0  }
0x440: {  	v0 =	vld.idx.msk [tilespmem:v0+s10+$0x0], $0xffff;
	v8 =	vor.u32 v46, v55;
	[tilespmem:s6+$0xE0] =	vst v51  }
0x441: {  	v2 =	vld.idx.msk [tilespmem:v2+s10+$0x0], $0xffff;
	[tilespmem:s6+$0xFFFFFF00] =	vst v59;
	v9 =	vor.u32 v40, v4  }
0x442: {  	v1 =	vld.idx.msk [tilespmem:v1+s10+$0x0], $0xffff;
	[tilespmem:s6+$0xFFFFFF10] =	vst v60;
	v10 =	vor.u32 v47, v4  }
0x443: {  	[tilespmem:s6+$0xFFFFFF20] =	vst v58;
	v60 =	vor.u32 v45, v4;
	v5 =	vld.idx.msk [tilespmem:v5+s10+$0x0], $0xffff  }
0x444: {  	v63 =	vor.u32 v47, v55;
	[tilespmem:s6+$0xFFFFFF30] =	vst v56;
	v7 =	vld.idx.msk [tilespmem:v7+s10+$0x0], $0xffff  }
0x445: {  	s0 =	sadd.s32 $0x2, s9;
	[tilespmem:s6+$0xFFFFFF40] =	vst v57;
	v11 =	vor.u32 v41, v4;
	v8 =	vld.idx.msk [tilespmem:v8+s10+$0x0], $0xffff  }
0x446: {  	v54 =	vmov s0;
	v12 =	vor.u32 v42, v4;
	[tilespmem:s6+$0xFFFFFF50] =	vst v61;
	v9 =	vld.idx.msk [tilespmem:v9+s10+$0x0], $0xffff  }
0x447: {  	v49 =	vand.u32 $0x1E, v54;
	v48 =	vor.u32 v43, v4;
	[tilespmem:s6+$0xFFFFFF60] =	vst v62;
	v10 =	vld.idx.msk [tilespmem:v10+s10+$0x0], $0xffff  }
0x448: {  	s1 =	sadd.s32 $0x200, s6;
	v59 =	vor.u32 v44, v4;
	v49 =	vbroadcast v49, $0x0;
	[tilespmem:s6+$0xFFFFFF70] =	vst v3;
	v51 =	vld.idx.msk [tilespmem:v60+s10+$0x0], $0xffff  }
0x449: {  	v4 =	vor.u32 v46, v4;
	v60 =	vld.idx.msk [tilespmem:v63+s10+$0x0], $0xffff;
	[tilespmem:s1+$0xFFFFFF80] =	vst v6  }
0x44a: {  	v57 =	vor.u32 v40, v49;
	v11 =	vld.idx.msk [tilespmem:v11+s10+$0x0], $0xffff;
	[tilespmem:s1+$0xFFFFFF90] =	vst v0  }
0x44b: {  	v58 =	vor.u32 v41, v49;
	v12 =	vld.idx.msk [tilespmem:v12+s10+$0x0], $0xffff;
	[tilespmem:s1+$0xFFFFFFA0] =	vst v2  }
0x44c: {  	v3 =	vor.u32 v43, v49;
	v48 =	vld.idx.msk [tilespmem:v48+s10+$0x0], $0xffff;
	[tilespmem:s1+$0xFFFFFFB0] =	vst v1  }
0x44d: {  	v61 =	vor.u32 v44, v49;
	v50 =	vld.idx.msk [tilespmem:v59+s10+$0x0], $0xffff;
	[tilespmem:s1+$0xFFFFFFC0] =	vst v5  }
0x44e: {  	v62 =	vor.u32 v45, v49;
	v4 =	vld.idx.msk [tilespmem:v4+s10+$0x0], $0xffff;
	[tilespmem:s1+$0xFFFFFFD0] =	vst v7  }
0x44f: {  	v59 =	vor.u32 v42, v49;
	v6 =	vld.idx.msk [tilespmem:v57+s10+$0x0], $0xffff;
	[tilespmem:s1+$0xFFFFFFE0] =	vst v8  }
0x450: {  	v63 =	vor.u32 v46, v49;
	v0 =	vld.idx.msk [tilespmem:v58+s10+$0x0], $0xffff;
	[tilespmem:s1+$0xF0] =	vst v10  }
0x451: {  	v49 =	vor.u32 v47, v49;
	v1 =	vld.idx.msk [tilespmem:v3+s10+$0x0], $0xffff;
	v7 =	vmov s9;
	[tilespmem:s1+$0xFFFFFFF0] =	vst v60  }
0x452: {  	v3 =	vld.idx.msk [tilespmem:v61+s10+$0x0], $0xffff;
	v7 =	vand.u32 $0x1C, v7;
	[tilespmem:s1+$0x80] =	vst v9  }
0x453: {  	v5 =	vld.idx.msk [tilespmem:v62+s10+$0x0], $0xffff;
	v7 =	vbroadcast v7, $0x0;
	[tilespmem:s1+$0x90] =	vst v11  }
0x454: {  	v2 =	vld.idx.msk [tilespmem:v59+s10+$0x0], $0xffff;
	[tilespmem:s1+$0xA0] =	vst v12  }
0x455: {  	v57 =	vld.idx.msk [tilespmem:v63+s10+$0x0], $0xffff;
	[tilespmem:s1+$0xB0] =	vst v48;
	v59 =	vor.u32 v46, v7  }
0x456: {  	v58 =	vld.idx.msk [tilespmem:v49+s10+$0x0], $0xffff;
	[tilespmem:s1+$0x10] =	vst v0;
	v0 =	vor.u32 v40, v7  }
0x457: {  	[tilespmem:s1+$0x30] =	vst v1;
	v1 =	vor.u32 v42, v7  }
0x458: {  	[tilespmem:s1+$0x40] =	vst v3;
	v3 =	vor.u32 v43, v7  }
0x459: {  	[tilespmem:s1+$0x50] =	vst v5;
	v5 =	vor.u32 v44, v7  }
0x45a: {  	[tilespmem:s1+$0x0] =	vst v6;
	v6 =	vor.u32 v45, v7;
	v8 =	vld.idx.msk [tilespmem:v59+s10+$0x0], $0xffff  }
0x45b: {  	[tilespmem:s1+$0x20] =	vst v2;
	v2 =	vor.u32 v41, v7;
	v0 =	vld.idx.msk [tilespmem:v0+s10+$0x0], $0xffff  }
0x45c: {  	[tilespmem:s1+$0xC0] =	vst v50;
	v7 =	vor.u32 v47, v7;
	v1 =	vld.idx.msk [tilespmem:v1+s10+$0x0], $0xffff  }
0x45d: {  	[tilespmem:s1+$0xD0] =	vst v51;
	v3 =	vld.idx.msk [tilespmem:v3+s10+$0x0], $0xffff  }
0x45e: {  	[tilespmem:s1+$0xE0] =	vst v4;
	v5 =	vld.idx.msk [tilespmem:v5+s10+$0x0], $0xffff  }
0x45f: {  	[tilespmem:s1+$0x60] =	vst v57;
	v6 =	vld.idx.msk [tilespmem:v6+s10+$0x0], $0xffff  }
0x460: {  	[tilespmem:s1+$0x70] =	vst v58;
	v2 =	vld.idx.msk [tilespmem:v2+s10+$0x0], $0xffff  }
0x461: {  	v7 =	vld.idx.msk [tilespmem:v7+s10+$0x0], $0xffff;
	[tilespmem:s1+$0xFFFFFF60] =	vst v8  }
0x462: {  	[tilespmem:s1+$0xFFFFFF00] =	vst v0  }
0x463: {  	[tilespmem:s1+$0xFFFFFF20] =	vst v1  }
0x464: {  	[tilespmem:s1+$0xFFFFFF30] =	vst v3  }
0x465: {  	[tilespmem:s1+$0xFFFFFF40] =	vst v5  }
0x466: {  	s6 =	sadd.s32 s31, s24;
	[tilespmem:s1+$0xFFFFFF50] =	vst v6  }
0x467: {  	s0 =	sshrl.u32 s6, $0x3;
	[tilespmem:s1+$0xFFFFFF10] =	vst v2  }
0x468: {  	s24 =	sor.u32 $0x4000, s0;
	s9 =	sadd.s32 s2, s0;
	[tilespmem:s1+$0xFFFFFF70] =	vst v7  }
0x469: {  	[hbm4b:s9+s3] =	stream.linear.scatter [tilespmem:s13], [sflag:$0x3], $0x400, $0x38;
	[tilespmem:$0x18800] =	vst v63  }
0x46a: {  	s26 =	sor.u32 $0x8000, s0;
	s1 =	sadd.s32 s2, s24  }
0x46b: {  	[hbm4b:s1+s3] =	stream.linear.scatter [tilespmem:s14], [sflag:$0x3], $0x400, $0x38;
	[tilespmem:$0x18800] =	vst v63  }
0x46c: {  	s0 =	sor.u32 $0xC000, s0;
	s1 =	sadd.s32 s2, s26  }
0x46d: {  	[hbm4b:s1+s3] =	stream.linear.scatter [tilespmem:s15], [sflag:$0x3], $0x400, $0x38;
	[tilespmem:$0x18800] =	vst v63  }
0x46e: {  	s6 =	sor.u32 $0x1, s8;
	s0 =	sadd.s32 s2, s0  }
0x46f: {  	[hbm4b:s0+s3] =	stream.linear.scatter [tilespmem:s16], [sflag:$0x3], $0x400, $0x38;
	[tilespmem:$0x18800] =	vst v63  }
0x470: {  	p0 =	sgt.u32 s6, $0x8;
	s0 =	rddreg [dreg:$0x8]  }
0x471: {  	s0 =	sadd.s32 @!p0 s7, s0  }
0x472: {  	s0 =	sshll.u32 @!p0 s0, $0x7  }
0x473: {  	s0 =	sand.u32 @!p0 $0x3FFFFF80, s0  }
0x474: {  	s1 =	simm.s32 @!p0 $0x280;
	s7 =	simm.s32 @!p0 $0xC800;
	s0 =	sadd.s32 @!p0 $0x6400, s0  }
0x475: {  	[tilespmem:s7], [sflag:$0x1] =	stream.indirect.gather @!p0 [hbm4b:s4+s1], $0x20, s0, s1, $0xb8;
	[tilespmem:$0x18800] =	vst v63  }
0x476: {  	_ =	swait.ge [sflag:s23], $0x5000  }
0x477: {  	[sflag:s23] =	ssyncset.done $0x0  }
0x478: {  	[sflag:s23] =	ssyncadd.s32 $0xFFFFB000  }
0x479: {  	_ =	swait.ge [sflag:s22], $0x400  }
0x47a: {  	[sflag:s22] =	ssyncset.done $0x0  }
0x47b: {  	[sflag:s22] =	ssyncadd.s32 $0xFFFFFC00  }
0x47c: {  	_ =	swait.ge [sflag:s22], $0x400  }
0x47d: {  	[sflag:s22] =	ssyncset.done $0x0  }
0x47e: {  	[sflag:s22] =	ssyncadd.s32 $0xFFFFFC00  }
0x47f: {  	_ =	swait.ge [sflag:s22], $0x400  }
0x480: {  	s1 =	simm.s32 $0x1;
	v13 =	vld [tilespmem:$0x1FF60]  }
0x481: {  	v0 =	vmov s1;
	[sflag:s22] =	ssyncset.done $0x0;
	v14 =	vld [tilespmem:$0x1FF90]  }
0x482: {  	s7 =	simm.s32 $0x3;
	v0 =	vand.u32 $0x1D, v0;
	[sflag:s22] =	ssyncadd.s32 $0xFFFFFC00  }
0x483: {  	v5 =	vmov s7;
	v0 =	vbroadcast v0, $0x0;
	_ =	swait.ge [sflag:s22], $0x400  }
0x484: {  	v5 =	vand.u32 $0x1F, v5;
	v15 =	vld [tilespmem:$0x1FF00]  }
0x485: {  	v5 =	vbroadcast v5, $0x0;
	v16 =	vld [tilespmem:$0x1FFA0];
	v1 =	vor.u32 v13, v0  }
0x486: {  	v17 =	vld [tilespmem:$0x1FFB0];
	v2 =	vor.u32 v14, v0  }
0x487: {  	v18 =	vld [tilespmem:$0x1FFC0];
	v61 =	vor.u32 v13, v5  }
0x488: {  	[sflag:s22] =	ssyncset.done $0x0;
	v19 =	vld [tilespmem:$0x1FFD0];
	v63 =	vor.u32 v14, v5  }
0x489: {  	v20 =	vld [tilespmem:$0x1FFE0];
	[sflag:s22] =	ssyncadd.s32 $0xFFFFFC00;
	v3 =	vor.u32 v15, v0  }
0x48a: {  	v4 =	vor.u32 v16, v0;
	v1 =	vld.idx.msk [tilespmem:v1+s11+$0x0], $0xffff  }
0x48b: {  	v6 =	vor.u32 v17, v0;
	v2 =	vld.idx.msk [tilespmem:v2+s11+$0x0], $0xffff  }
0x48c: {  	v7 =	vor.u32 v18, v0;
	v48 =	vld.idx.msk [tilespmem:v61+s11+$0x0], $0xffff  }
0x48d: {  	v60 =	vor.u32 v19, v0;
	v52 =	vld.idx.msk [tilespmem:v63+s11+$0x0], $0xffff  }
0x48e: {  	s8 =	simm.s32 $0x2;
	v62 =	vor.u32 v20, v5;
	v3 =	vld.idx.msk [tilespmem:v3+s11+$0x0], $0xffff  }
0x48f: {  	v58 =	vmov s8;
	v12 =	vor.u32 v15, v5;
	v4 =	vld.idx.msk [tilespmem:v4+s11+$0x0], $0xffff  }
0x490: {  	v50 =	vand.u32 $0x1E, v58;
	v57 =	vor.u32 v16, v5;
	v6 =	vld.idx.msk [tilespmem:v6+s11+$0x0], $0xffff  }
0x491: {  	v55 =	vbroadcast v50, $0x0;
	v59 =	vor.u32 v17, v5;
	v7 =	vld.idx.msk [tilespmem:v7+s11+$0x0], $0xffff  }
0x492: {  	v0 =	vor.u32 v20, v0;
	v8 =	vld.idx.msk [tilespmem:v60+s11+$0x0], $0xffff  }
0x493: {  	v61 =	vor.u32 v13, v55;
	v10 =	vld.idx.msk [tilespmem:v62+s11+$0x0], $0xffff  }
0x494: {  	v60 =	vor.u32 v18, v5;
	v54 =	vld.idx.msk [tilespmem:v12+s11+$0x0], $0xffff  }
0x495: {  	v5 =	vor.u32 v19, v5;
	v53 =	vld.idx.msk [tilespmem:v57+s11+$0x0], $0xffff  }
0x496: {  	v12 =	vor.u32 v14, v55;
	v50 =	vld.idx.msk [tilespmem:v59+s11+$0x0], $0xffff  }
0x497: {  	s7 =	simm.s32 $0x17900;
	v62 =	vor.u32 v15, v55;
	v0 =	vld.idx.msk [tilespmem:v0+s11+$0x0], $0xffff  }
0x498: {  	s9 =	simm.s32 $0x0;
	v63 =	vor.u32 v16, v55;
	[tilespmem:s7+$0xFFFFFF80] =	vst v1;
	v1 =	vld.idx.msk [tilespmem:v61+s11+$0x0], $0xffff  }
0x499: {  	v61 =	vor.u32 v18, v55;
	[tilespmem:s7+$0xFFFFFF90] =	vst v2;
	v49 =	vld.idx.msk [tilespmem:v60+s11+$0x0], $0xffff;
	v60 =	vmov s9  }
0x49a: {  	v51 =	vld.idx.msk [tilespmem:v5+s11+$0x0], $0xffff;
	[tilespmem:s7+$0xF0] =	vst v10;
	v5 =	vor.u32 v17, v55;
	v10 =	vand.u32 $0x1C, v60  }
0x49b: {  	v2 =	vld.idx.msk [tilespmem:v12+s11+$0x0], $0xffff;
	v12 =	vor.u32 v19, v55;
	[tilespmem:s7+$0xFFFFFFA0] =	vst v3;
	v10 =	vbroadcast v10, $0x0  }
0x49c: {  	v3 =	vld.idx.msk [tilespmem:v62+s11+$0x0], $0xffff;
	v62 =	vor.u32 v20, v55;
	[tilespmem:s7+$0xFFFFFFB0] =	vst v4  }
0x49d: {  	v4 =	vld.idx.msk [tilespmem:v63+s11+$0x0], $0xffff;
	[tilespmem:s7+$0xFFFFFFC0] =	vst v6;
	v63 =	vor.u32 v13, v10  }
0x49e: {  	[tilespmem:s7+$0xFFFFFFD0] =	vst v7;
	v7 =	vld.idx.msk [tilespmem:v61+s11+$0x0], $0xffff;
	v6 =	vor.u32 v14, v10  }
0x49f: {  	[tilespmem:s7+$0xFFFFFFE0] =	vst v8;
	v11 =	vor.u32 v15, v10;
	v5 =	vld.idx.msk [tilespmem:v5+s11+$0x0], $0xffff  }
0x4a0: {  	s24 =	simm.s32 $0x5;
	[tilespmem:s7+$0xFFFFFFF0] =	vst v0;
	v0 =	vor.u32 v17, v10;
	v8 =	vld.idx.msk [tilespmem:v12+s11+$0x0], $0xffff  }
0x4a1: {  	v12 =	vor.u32 v16, v10;
	v9 =	vld.idx.msk [tilespmem:v62+s11+$0x0], $0xffff;
	[tilespmem:s7+$0x10] =	vst v2;
	v2 =	vmov s24  }
0x4a2: {  	[tilespmem:s7+$0x0] =	vst v1;
	v1 =	vor.u32 v18, v10;
	v2 =	vand.u32 $0x1D, v2;
	v59 =	vld.idx.msk [tilespmem:v63+s11+$0x0], $0xffff  }
0x4a3: {  	[tilespmem:s7+$0x20] =	vst v3;
	v55 =	vbroadcast v2, $0x0;
	v60 =	vld.idx.msk [tilespmem:v6+s11+$0x0], $0xffff;
	v6 =	vor.u32 v19, v10  }
0x4a4: {  	[tilespmem:s7+$0x30] =	vst v4;
	v3 =	vor.u32 v20, v10;
	v58 =	vld.idx.msk [tilespmem:v11+s11+$0x0], $0xffff  }
0x4a5: {  	[tilespmem:s7+$0x50] =	vst v7;
	v57 =	vld.idx.msk [tilespmem:v0+s11+$0x0], $0xffff;
	v63 =	vor.u32 v13, v55  }
0x4a6: {  	v0 =	vor.u32 v14, v55;
	v56 =	vld.idx.msk [tilespmem:v12+s11+$0x0], $0xffff;
	[tilespmem:s7+$0x40] =	vst v5  }
0x4a7: {  	s26 =	simm.s32 $0x7;
	v2 =	vor.u32 v15, v55;
	v61 =	vld.idx.msk [tilespmem:v1+s11+$0x0], $0xffff;
	[tilespmem:s7+$0x60] =	vst v8  }
0x4a8: {  	s8 =	simm.s32 $0x4;
	s1 =	simm.s32 $0x8;
	v4 =	vmov s26;
	v1 =	vor.u32 v16, v55;
	[tilespmem:s7+$0x70] =	vst v9;
	v62 =	vld.idx.msk [tilespmem:v6+s11+$0x0], $0xffff  }
.LBB2_16:
0x4a9: {  	p0 =	slt.u32 s1, $0x1C;
	v5 =	vor.u32 v17, v55;
	v4 =	vand.u32 $0x1F, v4;
	v3 =	vld.idx.msk [tilespmem:v3+s11+$0x0], $0xffff;
	[tilespmem:s7+$0x80] =	vst v48  }
0x4aa: {  	v7 =	vor.u32 v18, v55;
	v6 =	vld.idx.msk [tilespmem:v63+s11+$0x0], $0xffff;
	v4 =	vbroadcast v4, $0x0;
	[tilespmem:s7+$0x90] =	vst v52  }
0x4ab: {  	v8 =	vor.u32 v19, v55;
	v0 =	vld.idx.msk [tilespmem:v0+s11+$0x0], $0xffff;
	[tilespmem:s7+$0xA0] =	vst v54  }
0x4ac: {  	v2 =	vld.idx.msk [tilespmem:v2+s11+$0x0], $0xffff;
	v9 =	vor.u32 v13, v4;
	[tilespmem:s7+$0xB0] =	vst v53  }
0x4ad: {  	v10 =	vor.u32 v20, v4;
	v1 =	vld.idx.msk [tilespmem:v1+s11+$0x0], $0xffff;
	[tilespmem:s7+$0xC0] =	vst v50  }
0x4ae: {  	v11 =	vor.u32 v14, v4;
	v5 =	vld.idx.msk [tilespmem:v5+s11+$0x0], $0xffff;
	[tilespmem:s7+$0xD0] =	vst v49  }
0x4af: {  	v12 =	vor.u32 v15, v4;
	v7 =	vld.idx.msk [tilespmem:v7+s11+$0x0], $0xffff;
	[tilespmem:s7+$0xE0] =	vst v51  }
0x4b0: {  	s0 =	sadd.s32 $0x2, s8;
	v49 =	vor.u32 v16, v4;
	v8 =	vld.idx.msk [tilespmem:v8+s11+$0x0], $0xffff;
	[tilespmem:s7+$0xFFFFFF00] =	vst v59  }
0x4b1: {  	v50 =	vmov s0;
	v48 =	vld.idx.msk [tilespmem:v9+s11+$0x0], $0xffff;
	v9 =	vor.u32 v17, v4;
	[tilespmem:s7+$0xFFFFFF10] =	vst v60  }
0x4b2: {  	v50 =	vand.u32 $0x1E, v50;
	v51 =	vor.u32 v18, v4;
	v10 =	vld.idx.msk [tilespmem:v10+s11+$0x0], $0xffff;
	[tilespmem:s7+$0xFFFFFF20] =	vst v58  }
0x4b3: {  	v4 =	vor.u32 v19, v4;
	v58 =	vbroadcast v50, $0x0;
	v52 =	vld.idx.msk [tilespmem:v11+s11+$0x0], $0xffff;
	[tilespmem:s7+$0xFFFFFF30] =	vst v56  }
0x4b4: {  	v11 =	vor.u32 v20, v55;
	v54 =	vld.idx.msk [tilespmem:v12+s11+$0x0], $0xffff;
	[tilespmem:s7+$0xFFFFFF40] =	vst v57  }
0x4b5: {  	v12 =	vor.u32 v13, v58;
	v53 =	vld.idx.msk [tilespmem:v49+s11+$0x0], $0xffff;
	[tilespmem:s7+$0xFFFFFF50] =	vst v61  }
0x4b6: {  	v55 =	vor.u32 v14, v58;
	v50 =	vld.idx.msk [tilespmem:v9+s11+$0x0], $0xffff;
	[tilespmem:s7+$0xFFFFFF60] =	vst v62  }
0x4b7: {  	v9 =	vor.u32 v15, v58;
	v49 =	vld.idx.msk [tilespmem:v51+s11+$0x0], $0xffff;
	[tilespmem:s7+$0xFFFFFF70] =	vst v3;
	s7 =	sadd.s32 $0x200, s7  }
0x4b8: {  	v3 =	vor.u32 v16, v58;
	v51 =	vld.idx.msk [tilespmem:v4+s11+$0x0], $0xffff;
	[tilespmem:s7+$0xF0] =	vst v10  }
0x4b9: {  	v4 =	vmov s8;
	s8 =	smov.u32 s1;
	v10 =	vld.idx.msk [tilespmem:v11+s11+$0x0], $0xffff;
	[tilespmem:s7+$0xFFFFFF80] =	vst v6;
	v6 =	vor.u32 v17, v58  }
0x4ba: {  	v4 =	vand.u32 $0x1C, v4;
	v11 =	vor.u32 v18, v58;
	[tilespmem:s7+$0xFFFFFF90] =	vst v0;
	v0 =	vld.idx.msk [tilespmem:v12+s11+$0x0], $0xffff  }
0x4bb: {  	v4 =	vbroadcast v4, $0x0;
	v12 =	vor.u32 v19, v58;
	[tilespmem:s7+$0xFFFFFFA0] =	vst v2;
	v2 =	vld.idx.msk [tilespmem:v55+s11+$0x0], $0xffff  }
0x4bc: {  	[tilespmem:s7+$0xFFFFFFB0] =	vst v1;
	v1 =	vld.idx.msk [tilespmem:v9+s11+$0x0], $0xffff;
	v9 =	vor.u32 v20, v58  }
0x4bd: {  	v55 =	vor.u32 v13, v4;
	[tilespmem:s7+$0xFFFFFFC0] =	vst v5;
	v5 =	vld.idx.msk [tilespmem:v3+s11+$0x0], $0xffff  }
0x4be: {  	v3 =	vor.u32 v14, v4;
	[tilespmem:s7+$0xFFFFFFD0] =	vst v7;
	v6 =	vld.idx.msk [tilespmem:v6+s11+$0x0], $0xffff  }
0x4bf: {  	v7 =	vor.u32 v15, v4;
	[tilespmem:s7+$0xFFFFFFE0] =	vst v8;
	v8 =	vld.idx.msk [tilespmem:v11+s11+$0x0], $0xffff  }
0x4c0: {  	s0 =	sadd.s32 $0x1, s1;
	v11 =	vor.u32 v16, v4;
	[tilespmem:s7+$0xFFFFFFF0] =	vst v10;
	v10 =	vld.idx.msk [tilespmem:v12+s11+$0x0], $0xffff  }
0x4c1: {  	v57 =	vor.u32 v17, v4;
	v12 =	vmov s0;
	v9 =	vld.idx.msk [tilespmem:v9+s11+$0x0], $0xffff;
	[tilespmem:s7+$0x0] =	vst v0  }
0x4c2: {  	v0 =	vand.u32 $0x1D, v12;
	v12 =	vor.u32 v18, v4;
	v59 =	vld.idx.msk [tilespmem:v55+s11+$0x0], $0xffff;
	[tilespmem:s7+$0x10] =	vst v2  }
0x4c3: {  	v62 =	vor.u32 v19, v4;
	v55 =	vbroadcast v0, $0x0;
	v60 =	vld.idx.msk [tilespmem:v3+s11+$0x0], $0xffff;
	[tilespmem:s7+$0x20] =	vst v1  }
.Ltmp6:
0x4c4: {  	v3 =	vor.u32 v20, v4;
	v58 =	vld.idx.msk [tilespmem:v7+s11+$0x0], $0xffff;
	[tilespmem:s7+$0x30] =	vst v5;
	(pc) =	sbr.rel @p0 .LBB2_16-.Ltmp6, $4  }
0x4c5: {  	v63 =	vor.u32 v13, v55;
	v56 =	vld.idx.msk [tilespmem:v11+s11+$0x0], $0xffff;
	[tilespmem:s7+$0x40] =	vst v6  }
0x4c6: {  	v0 =	vor.u32 v14, v55;
	v57 =	vld.idx.msk [tilespmem:v57+s11+$0x0], $0xffff;
	[tilespmem:s7+$0x50] =	vst v8  }
0x4c7: {  	s0 =	sadd.s32 $0x3, s1;
	v2 =	vor.u32 v15, v55;
	v61 =	vld.idx.msk [tilespmem:v12+s11+$0x0], $0xffff;
	[tilespmem:s7+$0x60] =	vst v10  }
0x4c8: {  	s1 =	sadd.s32 $0x4, s1;
	v4 =	vmov s0;
	v1 =	vor.u32 v16, v55;
	v62 =	vld.idx.msk [tilespmem:v62+s11+$0x0], $0xffff;
	[tilespmem:s7+$0x70] =	vst v9  }
0x4c9: {  	[tilespmem:s7+$0x80] =	vst v48  }
0x4ca: {  	[tilespmem:s7+$0x90] =	vst v52  }
0x4cb: {  	[tilespmem:s7+$0xA0] =	vst v54  }
0x4cc: {  	[tilespmem:s7+$0xB0] =	vst v53  }
0x4cd: {  	v5 =	vor.u32 v17, v55;
	v4 =	vand.u32 $0x1F, v4;
	v3 =	vld.idx.msk [tilespmem:v3+s11+$0x0], $0xffff;
	[tilespmem:s7+$0xC0] =	vst v50  }
0x4ce: {  	v6 =	vld.idx.msk [tilespmem:v63+s11+$0x0], $0xffff;
	v7 =	vor.u32 v18, v55;
	[tilespmem:s7+$0xD0] =	vst v49;
	v4 =	vbroadcast v4, $0x0  }
0x4cf: {  	v0 =	vld.idx.msk [tilespmem:v0+s11+$0x0], $0xffff;
	v8 =	vor.u32 v19, v55;
	[tilespmem:s7+$0xE0] =	vst v51  }
0x4d0: {  	v2 =	vld.idx.msk [tilespmem:v2+s11+$0x0], $0xffff;
	[tilespmem:s7+$0xFFFFFF00] =	vst v59;
	v9 =	vor.u32 v13, v4  }
0x4d1: {  	v1 =	vld.idx.msk [tilespmem:v1+s11+$0x0], $0xffff;
	[tilespmem:s7+$0xFFFFFF10] =	vst v60;
	v10 =	vor.u32 v20, v4  }
0x4d2: {  	[tilespmem:s7+$0xFFFFFF20] =	vst v58;
	v60 =	vor.u32 v18, v4;
	v5 =	vld.idx.msk [tilespmem:v5+s11+$0x0], $0xffff  }
0x4d3: {  	v63 =	vor.u32 v20, v55;
	[tilespmem:s7+$0xFFFFFF30] =	vst v56;
	v7 =	vld.idx.msk [tilespmem:v7+s11+$0x0], $0xffff  }
0x4d4: {  	s0 =	sadd.s32 $0x2, s8;
	[tilespmem:s7+$0xFFFFFF40] =	vst v57;
	v11 =	vor.u32 v14, v4;
	v8 =	vld.idx.msk [tilespmem:v8+s11+$0x0], $0xffff  }
0x4d5: {  	v54 =	vmov s0;
	v12 =	vor.u32 v15, v4;
	[tilespmem:s7+$0xFFFFFF50] =	vst v61;
	v9 =	vld.idx.msk [tilespmem:v9+s11+$0x0], $0xffff  }
0x4d6: {  	v49 =	vand.u32 $0x1E, v54;
	v48 =	vor.u32 v16, v4;
	[tilespmem:s7+$0xFFFFFF60] =	vst v62;
	v10 =	vld.idx.msk [tilespmem:v10+s11+$0x0], $0xffff  }
0x4d7: {  	s1 =	sadd.s32 $0x200, s7;
	v59 =	vor.u32 v17, v4;
	v49 =	vbroadcast v49, $0x0;
	[tilespmem:s7+$0xFFFFFF70] =	vst v3;
	v51 =	vld.idx.msk [tilespmem:v60+s11+$0x0], $0xffff  }
0x4d8: {  	v4 =	vor.u32 v19, v4;
	v60 =	vld.idx.msk [tilespmem:v63+s11+$0x0], $0xffff;
	[tilespmem:s1+$0xFFFFFF80] =	vst v6  }
0x4d9: {  	v57 =	vor.u32 v13, v49;
	v11 =	vld.idx.msk [tilespmem:v11+s11+$0x0], $0xffff;
	[tilespmem:s1+$0xFFFFFF90] =	vst v0  }
0x4da: {  	v58 =	vor.u32 v14, v49;
	v12 =	vld.idx.msk [tilespmem:v12+s11+$0x0], $0xffff;
	[tilespmem:s1+$0xFFFFFFA0] =	vst v2  }
0x4db: {  	v3 =	vor.u32 v16, v49;
	v48 =	vld.idx.msk [tilespmem:v48+s11+$0x0], $0xffff;
	[tilespmem:s1+$0xFFFFFFB0] =	vst v1  }
0x4dc: {  	v61 =	vor.u32 v17, v49;
	v50 =	vld.idx.msk [tilespmem:v59+s11+$0x0], $0xffff;
	[tilespmem:s1+$0xFFFFFFC0] =	vst v5  }
0x4dd: {  	v62 =	vor.u32 v18, v49;
	v4 =	vld.idx.msk [tilespmem:v4+s11+$0x0], $0xffff;
	[tilespmem:s1+$0xFFFFFFD0] =	vst v7  }
0x4de: {  	v59 =	vor.u32 v15, v49;
	v6 =	vld.idx.msk [tilespmem:v57+s11+$0x0], $0xffff;
	[tilespmem:s1+$0xFFFFFFE0] =	vst v8  }
0x4df: {  	v63 =	vor.u32 v19, v49;
	v0 =	vld.idx.msk [tilespmem:v58+s11+$0x0], $0xffff;
	[tilespmem:s1+$0xF0] =	vst v10  }
0x4e0: {  	v49 =	vor.u32 v20, v49;
	v1 =	vld.idx.msk [tilespmem:v3+s11+$0x0], $0xffff;
	v7 =	vmov s8;
	[tilespmem:s1+$0xFFFFFFF0] =	vst v60  }
0x4e1: {  	v3 =	vld.idx.msk [tilespmem:v61+s11+$0x0], $0xffff;
	v7 =	vand.u32 $0x1C, v7;
	[tilespmem:s1+$0x80] =	vst v9  }
0x4e2: {  	v5 =	vld.idx.msk [tilespmem:v62+s11+$0x0], $0xffff;
	v7 =	vbroadcast v7, $0x0;
	[tilespmem:s1+$0x90] =	vst v11  }
0x4e3: {  	v2 =	vld.idx.msk [tilespmem:v59+s11+$0x0], $0xffff;
	[tilespmem:s1+$0xA0] =	vst v12  }
0x4e4: {  	v57 =	vld.idx.msk [tilespmem:v63+s11+$0x0], $0xffff;
	[tilespmem:s1+$0xB0] =	vst v48;
	v59 =	vor.u32 v19, v7  }
0x4e5: {  	v58 =	vld.idx.msk [tilespmem:v49+s11+$0x0], $0xffff;
	[tilespmem:s1+$0x10] =	vst v0;
	v0 =	vor.u32 v13, v7  }
0x4e6: {  	[tilespmem:s1+$0x30] =	vst v1;
	v1 =	vor.u32 v15, v7  }
0x4e7: {  	[tilespmem:s1+$0x40] =	vst v3;
	v3 =	vor.u32 v16, v7  }
0x4e8: {  	[tilespmem:s1+$0x50] =	vst v5;
	v5 =	vor.u32 v17, v7  }
0x4e9: {  	[tilespmem:s1+$0x0] =	vst v6;
	v6 =	vor.u32 v18, v7;
	v8 =	vld.idx.msk [tilespmem:v59+s11+$0x0], $0xffff  }
0x4ea: {  	[tilespmem:s1+$0x20] =	vst v2;
	v2 =	vor.u32 v14, v7;
	v0 =	vld.idx.msk [tilespmem:v0+s11+$0x0], $0xffff  }
0x4eb: {  	[tilespmem:s1+$0xC0] =	vst v50;
	v7 =	vor.u32 v20, v7;
	v1 =	vld.idx.msk [tilespmem:v1+s11+$0x0], $0xffff  }
0x4ec: {  	[tilespmem:s1+$0xD0] =	vst v51;
	v3 =	vld.idx.msk [tilespmem:v3+s11+$0x0], $0xffff  }
0x4ed: {  	[tilespmem:s1+$0xE0] =	vst v4;
	v5 =	vld.idx.msk [tilespmem:v5+s11+$0x0], $0xffff  }
0x4ee: {  	[tilespmem:s1+$0x60] =	vst v57;
	v6 =	vld.idx.msk [tilespmem:v6+s11+$0x0], $0xffff  }
0x4ef: {  	[tilespmem:s1+$0x70] =	vst v58;
	v2 =	vld.idx.msk [tilespmem:v2+s11+$0x0], $0xffff  }
0x4f0: {  	v7 =	vld.idx.msk [tilespmem:v7+s11+$0x0], $0xffff;
	[tilespmem:s1+$0xFFFFFF60] =	vst v8  }
0x4f1: {  	[tilespmem:s1+$0xFFFFFF00] =	vst v0  }
0x4f2: {  	[tilespmem:s1+$0xFFFFFF20] =	vst v1  }
0x4f3: {  	s7 =	smul.u32 $0x280000, s6;
	[tilespmem:s1+$0xFFFFFF30] =	vst v3  }
0x4f4: {  	[tilespmem:s1+$0xFFFFFF40] =	vst v5  }
0x4f5: {  	s8 =	sadd.s32 s28, s7;
	[tilespmem:s1+$0xFFFFFF50] =	vst v6  }
0x4f6: {  	s0 =	sshrl.u32 s8, $0x3;
	[tilespmem:s1+$0xFFFFFF10] =	vst v2  }
0x4f7: {  	s9 =	sadd.s32 s2, s0;
	s24 =	sor.u32 $0x4000, s0;
	[tilespmem:s1+$0xFFFFFF70] =	vst v7;
	s1 =	simm.s32 $0x0  }
0x4f8: {  	[hbm4b:s9+s1] =	stream.linear.scatter [tilespmem:s17], [sflag:$0x4], $0x400, $0x38;
	[tilespmem:$0x18800] =	vst v63  }
0x4f9: {  	s26 =	sor.u32 $0x8000, s0;
	s6 =	sadd.s32 s2, s24  }
0x4fa: {  	[hbm4b:s6+s1] =	stream.linear.scatter [tilespmem:s18], [sflag:$0x4], $0x400, $0x38;
	[tilespmem:$0x18800] =	vst v63  }
0x4fb: {  	s0 =	sor.u32 $0xC000, s0;
	s6 =	sadd.s32 s2, s26  }
0x4fc: {  	[hbm4b:s6+s1] =	stream.linear.scatter [tilespmem:s19], [sflag:$0x4], $0x400, $0x38;
	[tilespmem:$0x18800] =	vst v63  }
0x4fd: {  	s0 =	sadd.s32 s2, s0  }
0x4fe: {  	[hbm4b:s0+s1] =	stream.linear.scatter [tilespmem:s20], [sflag:$0x4], $0x400, $0x38;
	[tilespmem:$0x18800] =	vst v63  }
0x4ff: {  	_ =	swait.ge [sflag:s21], $0x400  }
0x500: {  	[sflag:s21] =	ssyncset.done $0x0  }
0x501: {  	[sflag:s21] =	ssyncadd.s32 $0xFFFFFC00  }
0x502: {  	_ =	swait.ge [sflag:s21], $0x400  }
0x503: {  	s6 =	simm.s32 $0x1;
	[sflag:s21] =	ssyncset.done $0x0  }
0x504: {  	v0 =	vmov s6;
	[sflag:s21] =	ssyncadd.s32 $0xFFFFFC00  }
0x505: {  	s8 =	simm.s32 $0x3;
	v0 =	vand.u32 $0x1D, v0;
	_ =	swait.ge [sflag:s21], $0x400  }
0x506: {  	v5 =	vmov s8;
	v0 =	vbroadcast v0, $0x0;
	v12 =	vld [tilespmem:$0x1FFF0]  }
0x507: {  	v5 =	vand.u32 $0x1F, v5;
	[sflag:s21] =	ssyncset.done $0x0;
	v14 =	vld [tilespmem:$0x1FF10]  }
0x508: {  	v5 =	vbroadcast v5, $0x0;
	v7 =	vor.u32 v21, v0;
	[sflag:s21] =	ssyncadd.s32 $0xFFFFFC00  }
0x509: {  	v60 =	vor.u32 v22, v0;
	_ =	swait.ge [sflag:s21], $0x400  }
0x50a: {  	v62 =	vor.u32 v23, v5;
	v19 =	vld [tilespmem:$0x1FF20]  }
0x50b: {  	[sflag:s21] =	ssyncset.done $0x0;
	v13 =	vld [tilespmem:$0x1FF30];
	v1 =	vor.u32 v12, v0  }
0x50c: {  	v17 =	vld [tilespmem:$0x1FF40];
	[sflag:s21] =	ssyncadd.s32 $0xFFFFFC00;
	v2 =	vor.u32 v14, v0  }
0x50d: {  	v61 =	vor.u32 v12, v5;
	v7 =	vld.idx.msk [tilespmem:v7+s11+$0x0], $0xffff  }
0x50e: {  	v63 =	vor.u32 v14, v5;
	v8 =	vld.idx.msk [tilespmem:v60+s11+$0x0], $0xffff  }
0x50f: {  	v60 =	vor.u32 v21, v5;
	v10 =	vld.idx.msk [tilespmem:v62+s11+$0x0], $0xffff  }
0x510: {  	v3 =	vor.u32 v19, v0;
	v1 =	vld.idx.msk [tilespmem:v1+s11+$0x0], $0xffff  }
0x511: {  	v4 =	vor.u32 v13, v0;
	v2 =	vld.idx.msk [tilespmem:v2+s11+$0x0], $0xffff  }
0x512: {  	v6 =	vor.u32 v17, v0;
	v48 =	vld.idx.msk [tilespmem:v61+s11+$0x0], $0xffff  }
0x513: {  	s9 =	simm.s32 $0x2;
	v15 =	vor.u32 v19, v5;
	v52 =	vld.idx.msk [tilespmem:v63+s11+$0x0], $0xffff  }
0x514: {  	v58 =	vmov s9;
	v57 =	vor.u32 v13, v5;
	v49 =	vld.idx.msk [tilespmem:v60+s11+$0x0], $0xffff  }
0x515: {  	v50 =	vand.u32 $0x1E, v58;
	v59 =	vor.u32 v17, v5;
	v3 =	vld.idx.msk [tilespmem:v3+s11+$0x0], $0xffff  }
0x516: {  	v55 =	vbroadcast v50, $0x0;
	v5 =	vor.u32 v22, v5;
	v4 =	vld.idx.msk [tilespmem:v4+s11+$0x0], $0xffff  }
0x517: {  	v0 =	vor.u32 v23, v0;
	v6 =	vld.idx.msk [tilespmem:v6+s11+$0x0], $0xffff  }
0x518: {  	v61 =	vor.u32 v12, v55;
	v54 =	vld.idx.msk [tilespmem:v15+s11+$0x0], $0xffff  }
0x519: {  	v53 =	vld.idx.msk [tilespmem:v57+s11+$0x0], $0xffff;
	v15 =	vor.u32 v14, v55  }
0x51a: {  	s6 =	simm.s32 $0x16900;
	v62 =	vor.u32 v19, v55;
	v50 =	vld.idx.msk [tilespmem:v59+s11+$0x0], $0xffff  }
0x51b: {  	v63 =	vor.u32 v13, v55;
	v51 =	vld.idx.msk [tilespmem:v5+s11+$0x0], $0xffff;
	[tilespmem:s6+$0xF0] =	vst v10  }
0x51c: {  	v60 =	vmov s1;
	v0 =	vld.idx.msk [tilespmem:v0+s11+$0x0], $0xffff;
	v5 =	vor.u32 v17, v55;
	[tilespmem:s6+$0xFFFFFFD0] =	vst v7  }
0x51d: {  	v10 =	vand.u32 $0x1C, v60;
	[tilespmem:s6+$0xFFFFFF80] =	vst v1;
	v1 =	vld.idx.msk [tilespmem:v61+s11+$0x0], $0xffff;
	v61 =	vor.u32 v21, v55  }
0x51e: {  	v10 =	vbroadcast v10, $0x0;
	[tilespmem:s6+$0xFFFFFF90] =	vst v2;
	v2 =	vld.idx.msk [tilespmem:v15+s11+$0x0], $0xffff;
	v15 =	vor.u32 v22, v55  }
0x51f: {  	[tilespmem:s6+$0xFFFFFFA0] =	vst v3;
	v3 =	vld.idx.msk [tilespmem:v62+s11+$0x0], $0xffff;
	v62 =	vor.u32 v23, v55  }
0x520: {  	v11 =	vor.u32 v19, v10;
	[tilespmem:s6+$0xFFFFFFB0] =	vst v4;
	v4 =	vld.idx.msk [tilespmem:v63+s11+$0x0], $0xffff  }
0x521: {  	[tilespmem:s6+$0xFFFFFFC0] =	vst v6;
	v5 =	vld.idx.msk [tilespmem:v5+s11+$0x0], $0xffff;
	v6 =	vor.u32 v14, v10  }
0x522: {  	[tilespmem:s6+$0xFFFFFFE0] =	vst v8;
	v63 =	vor.u32 v12, v10;
	v7 =	vld.idx.msk [tilespmem:v61+s11+$0x0], $0xffff  }
0x523: {  	s24 =	simm.s32 $0x5;
	[tilespmem:s6+$0xFFFFFFF0] =	vst v0;
	v0 =	vor.u32 v17, v10;
	v8 =	vld.idx.msk [tilespmem:v15+s11+$0x0], $0xffff  }
0x524: {  	v15 =	vor.u32 v13, v10;
	v9 =	vld.idx.msk [tilespmem:v62+s11+$0x0], $0xffff;
	[tilespmem:s6+$0x10] =	vst v2;
	v2 =	vmov s24  }
0x525: {  	v58 =	vld.idx.msk [tilespmem:v11+s11+$0x0], $0xffff;
	[tilespmem:s6+$0x0] =	vst v1;
	v1 =	vor.u32 v21, v10;
	v2 =	vand.u32 $0x1D, v2  }
0x526: {  	v60 =	vld.idx.msk [tilespmem:v6+s11+$0x0], $0xffff;
	v6 =	vor.u32 v22, v10;
	[tilespmem:s6+$0x20] =	vst v3;
	v55 =	vbroadcast v2, $0x0  }
0x527: {  	v59 =	vld.idx.msk [tilespmem:v63+s11+$0x0], $0xffff;
	[tilespmem:s6+$0x30] =	vst v4;
	v3 =	vor.u32 v23, v10  }
0x528: {  	[tilespmem:s6+$0x40] =	vst v5;
	v57 =	vld.idx.msk [tilespmem:v0+s11+$0x0], $0xffff;
	v63 =	vor.u32 v12, v55  }
0x529: {  	[tilespmem:s6+$0x50] =	vst v7;
	v0 =	vor.u32 v14, v55;
	v56 =	vld.idx.msk [tilespmem:v15+s11+$0x0], $0xffff  }
0x52a: {  	s26 =	simm.s32 $0x7;
	v2 =	vor.u32 v19, v55;
	v61 =	vld.idx.msk [tilespmem:v1+s11+$0x0], $0xffff;
	[tilespmem:s6+$0x60] =	vst v8;
	v1 =	vor.u32 v13, v55  }
0x52b: {  	s8 =	simm.s32 $0x4;
	s1 =	simm.s32 $0x8;
	v4 =	vmov s26;
	v62 =	vld.idx.msk [tilespmem:v6+s11+$0x0], $0xffff;
	[tilespmem:s6+$0x70] =	vst v9;
	v15 =	vmovc v16;
	v16 =	vmovc v19;
	v19 =	vmov v20;
	v20 =	vmov v12  }
.LBB2_18:
0x52c: {  	p0 =	slt.u32 s1, $0x1C;
	v5 =	vor.u32 v17, v55;
	v4 =	vand.u32 $0x1F, v4;
	v3 =	vld.idx.msk [tilespmem:v3+s11+$0x0], $0xffff;
	[tilespmem:s6+$0x80] =	vst v48  }
0x52d: {  	v7 =	vor.u32 v21, v55;
	v6 =	vld.idx.msk [tilespmem:v63+s11+$0x0], $0xffff;
	v4 =	vbroadcast v4, $0x0;
	[tilespmem:s6+$0x90] =	vst v52  }
0x52e: {  	v8 =	vor.u32 v22, v55;
	v0 =	vld.idx.msk [tilespmem:v0+s11+$0x0], $0xffff;
	[tilespmem:s6+$0xA0] =	vst v54  }
0x52f: {  	v2 =	vld.idx.msk [tilespmem:v2+s11+$0x0], $0xffff;
	v9 =	vor.u32 v20, v4;
	[tilespmem:s6+$0xB0] =	vst v53  }
0x530: {  	v10 =	vor.u32 v23, v4;
	v1 =	vld.idx.msk [tilespmem:v1+s11+$0x0], $0xffff;
	[tilespmem:s6+$0xC0] =	vst v50  }
0x531: {  	v11 =	vor.u32 v14, v4;
	v5 =	vld.idx.msk [tilespmem:v5+s11+$0x0], $0xffff;
	[tilespmem:s6+$0xD0] =	vst v49  }
0x532: {  	v12 =	vor.u32 v16, v4;
	v7 =	vld.idx.msk [tilespmem:v7+s11+$0x0], $0xffff;
	[tilespmem:s6+$0xE0] =	vst v51  }
0x533: {  	s0 =	sadd.s32 $0x2, s8;
	v49 =	vor.u32 v13, v4;
	v8 =	vld.idx.msk [tilespmem:v8+s11+$0x0], $0xffff;
	[tilespmem:s6+$0xFFFFFF00] =	vst v59  }
0x534: {  	v50 =	vmov s0;
	v48 =	vld.idx.msk [tilespmem:v9+s11+$0x0], $0xffff;
	v9 =	vor.u32 v17, v4;
	[tilespmem:s6+$0xFFFFFF10] =	vst v60  }
0x535: {  	v50 =	vand.u32 $0x1E, v50;
	v51 =	vor.u32 v21, v4;
	v10 =	vld.idx.msk [tilespmem:v10+s11+$0x0], $0xffff;
	[tilespmem:s6+$0xFFFFFF20] =	vst v58  }
0x536: {  	v4 =	vor.u32 v22, v4;
	v58 =	vbroadcast v50, $0x0;
	v52 =	vld.idx.msk [tilespmem:v11+s11+$0x0], $0xffff;
	[tilespmem:s6+$0xFFFFFF30] =	vst v56  }
0x537: {  	v11 =	vor.u32 v23, v55;
	v54 =	vld.idx.msk [tilespmem:v12+s11+$0x0], $0xffff;
	[tilespmem:s6+$0xFFFFFF40] =	vst v57  }
0x538: {  	v12 =	vor.u32 v20, v58;
	v53 =	vld.idx.msk [tilespmem:v49+s11+$0x0], $0xffff;
	[tilespmem:s6+$0xFFFFFF50] =	vst v61  }
0x539: {  	v55 =	vor.u32 v14, v58;
	v50 =	vld.idx.msk [tilespmem:v9+s11+$0x0], $0xffff;
	[tilespmem:s6+$0xFFFFFF60] =	vst v62  }
0x53a: {  	v9 =	vor.u32 v16, v58;
	v49 =	vld.idx.msk [tilespmem:v51+s11+$0x0], $0xffff;
	[tilespmem:s6+$0xFFFFFF70] =	vst v3;
	s6 =	sadd.s32 $0x200, s6  }
0x53b: {  	v3 =	vor.u32 v13, v58;
	v51 =	vld.idx.msk [tilespmem:v4+s11+$0x0], $0xffff;
	[tilespmem:s6+$0xF0] =	vst v10  }
0x53c: {  	v4 =	vmov s8;
	s8 =	smov.u32 s1;
	v10 =	vld.idx.msk [tilespmem:v11+s11+$0x0], $0xffff;
	[tilespmem:s6+$0xFFFFFF80] =	vst v6;
	v6 =	vor.u32 v17, v58  }
0x53d: {  	v4 =	vand.u32 $0x1C, v4;
	v11 =	vor.u32 v21, v58;
	[tilespmem:s6+$0xFFFFFF90] =	vst v0;
	v0 =	vld.idx.msk [tilespmem:v12+s11+$0x0], $0xffff  }
0x53e: {  	v4 =	vbroadcast v4, $0x0;
	v12 =	vor.u32 v22, v58;
	[tilespmem:s6+$0xFFFFFFA0] =	vst v2;
	v2 =	vld.idx.msk [tilespmem:v55+s11+$0x0], $0xffff  }
0x53f: {  	[tilespmem:s6+$0xFFFFFFB0] =	vst v1;
	v1 =	vld.idx.msk [tilespmem:v9+s11+$0x0], $0xffff;
	v9 =	vor.u32 v23, v58  }
0x540: {  	v55 =	vor.u32 v20, v4;
	[tilespmem:s6+$0xFFFFFFC0] =	vst v5;
	v5 =	vld.idx.msk [tilespmem:v3+s11+$0x0], $0xffff  }
0x541: {  	v3 =	vor.u32 v14, v4;
	[tilespmem:s6+$0xFFFFFFD0] =	vst v7;
	v6 =	vld.idx.msk [tilespmem:v6+s11+$0x0], $0xffff  }
0x542: {  	v7 =	vor.u32 v16, v4;
	[tilespmem:s6+$0xFFFFFFE0] =	vst v8;
	v8 =	vld.idx.msk [tilespmem:v11+s11+$0x0], $0xffff  }
0x543: {  	s0 =	sadd.s32 $0x1, s1;
	v11 =	vor.u32 v13, v4;
	[tilespmem:s6+$0xFFFFFFF0] =	vst v10;
	v10 =	vld.idx.msk [tilespmem:v12+s11+$0x0], $0xffff  }
0x544: {  	v57 =	vor.u32 v17, v4;
	v12 =	vmov s0;
	v9 =	vld.idx.msk [tilespmem:v9+s11+$0x0], $0xffff;
	[tilespmem:s6+$0x0] =	vst v0  }
0x545: {  	v0 =	vand.u32 $0x1D, v12;
	v12 =	vor.u32 v21, v4;
	v59 =	vld.idx.msk [tilespmem:v55+s11+$0x0], $0xffff;
	[tilespmem:s6+$0x10] =	vst v2  }
0x546: {  	v62 =	vor.u32 v22, v4;
	v55 =	vbroadcast v0, $0x0;
	v60 =	vld.idx.msk [tilespmem:v3+s11+$0x0], $0xffff;
	[tilespmem:s6+$0x20] =	vst v1  }
.Ltmp7:
0x547: {  	v3 =	vor.u32 v23, v4;
	v58 =	vld.idx.msk [tilespmem:v7+s11+$0x0], $0xffff;
	[tilespmem:s6+$0x30] =	vst v5;
	(pc) =	sbr.rel @p0 .LBB2_18-.Ltmp7, $4  }
0x548: {  	v63 =	vor.u32 v20, v55;
	v56 =	vld.idx.msk [tilespmem:v11+s11+$0x0], $0xffff;
	[tilespmem:s6+$0x40] =	vst v6  }
0x549: {  	v0 =	vor.u32 v14, v55;
	v57 =	vld.idx.msk [tilespmem:v57+s11+$0x0], $0xffff;
	[tilespmem:s6+$0x50] =	vst v8  }
0x54a: {  	s0 =	sadd.s32 $0x3, s1;
	v2 =	vor.u32 v16, v55;
	v61 =	vld.idx.msk [tilespmem:v12+s11+$0x0], $0xffff;
	[tilespmem:s6+$0x60] =	vst v10  }
0x54b: {  	s1 =	sadd.s32 $0x4, s1;
	v4 =	vmov s0;
	v1 =	vor.u32 v13, v55;
	v62 =	vld.idx.msk [tilespmem:v62+s11+$0x0], $0xffff;
	[tilespmem:s6+$0x70] =	vst v9  }
0x54c: {  	[tilespmem:s6+$0x80] =	vst v48  }
0x54d: {  	[tilespmem:s6+$0x90] =	vst v52  }
0x54e: {  	[tilespmem:s6+$0xA0] =	vst v54  }
0x54f: {  	[tilespmem:s6+$0xB0] =	vst v53  }
0x550: {  	v5 =	vor.u32 v17, v55;
	v4 =	vand.u32 $0x1F, v4;
	v3 =	vld.idx.msk [tilespmem:v3+s11+$0x0], $0xffff;
	[tilespmem:s6+$0xC0] =	vst v50  }
0x551: {  	v6 =	vld.idx.msk [tilespmem:v63+s11+$0x0], $0xffff;
	v7 =	vor.u32 v21, v55;
	[tilespmem:s6+$0xD0] =	vst v49;
	v4 =	vbroadcast v4, $0x0  }
0x552: {  	v0 =	vld.idx.msk [tilespmem:v0+s11+$0x0], $0xffff;
	v8 =	vor.u32 v22, v55;
	[tilespmem:s6+$0xE0] =	vst v51  }
0x553: {  	v2 =	vld.idx.msk [tilespmem:v2+s11+$0x0], $0xffff;
	[tilespmem:s6+$0xFFFFFF00] =	vst v59;
	v9 =	vor.u32 v20, v4  }
0x554: {  	v1 =	vld.idx.msk [tilespmem:v1+s11+$0x0], $0xffff;
	[tilespmem:s6+$0xFFFFFF10] =	vst v60;
	v10 =	vor.u32 v23, v4  }
0x555: {  	[tilespmem:s6+$0xFFFFFF20] =	vst v58;
	v60 =	vor.u32 v21, v4;
	v5 =	vld.idx.msk [tilespmem:v5+s11+$0x0], $0xffff  }
0x556: {  	v63 =	vor.u32 v23, v55;
	[tilespmem:s6+$0xFFFFFF30] =	vst v56;
	v7 =	vld.idx.msk [tilespmem:v7+s11+$0x0], $0xffff  }
0x557: {  	s0 =	sadd.s32 $0x2, s8;
	[tilespmem:s6+$0xFFFFFF40] =	vst v57;
	v11 =	vor.u32 v14, v4;
	v8 =	vld.idx.msk [tilespmem:v8+s11+$0x0], $0xffff  }
0x558: {  	v54 =	vmov s0;
	v12 =	vor.u32 v16, v4;
	[tilespmem:s6+$0xFFFFFF50] =	vst v61;
	v9 =	vld.idx.msk [tilespmem:v9+s11+$0x0], $0xffff  }
0x559: {  	v49 =	vand.u32 $0x1E, v54;
	v48 =	vor.u32 v13, v4;
	[tilespmem:s6+$0xFFFFFF60] =	vst v62;
	v10 =	vld.idx.msk [tilespmem:v10+s11+$0x0], $0xffff  }
0x55a: {  	s1 =	sadd.s32 $0x200, s6;
	v59 =	vor.u32 v17, v4;
	v49 =	vbroadcast v49, $0x0;
	[tilespmem:s6+$0xFFFFFF70] =	vst v3;
	v51 =	vld.idx.msk [tilespmem:v60+s11+$0x0], $0xffff  }
0x55b: {  	v4 =	vor.u32 v22, v4;
	v60 =	vld.idx.msk [tilespmem:v63+s11+$0x0], $0xffff;
	[tilespmem:s1+$0xFFFFFF80] =	vst v6  }
0x55c: {  	v57 =	vor.u32 v20, v49;
	v11 =	vld.idx.msk [tilespmem:v11+s11+$0x0], $0xffff;
	[tilespmem:s1+$0xFFFFFF90] =	vst v0  }
0x55d: {  	v58 =	vor.u32 v14, v49;
	v12 =	vld.idx.msk [tilespmem:v12+s11+$0x0], $0xffff;
	[tilespmem:s1+$0xFFFFFFA0] =	vst v2  }
0x55e: {  	v3 =	vor.u32 v13, v49;
	v48 =	vld.idx.msk [tilespmem:v48+s11+$0x0], $0xffff;
	[tilespmem:s1+$0xFFFFFFB0] =	vst v1  }
0x55f: {  	v61 =	vor.u32 v17, v49;
	v50 =	vld.idx.msk [tilespmem:v59+s11+$0x0], $0xffff;
	[tilespmem:s1+$0xFFFFFFC0] =	vst v5  }
0x560: {  	v62 =	vor.u32 v21, v49;
	v4 =	vld.idx.msk [tilespmem:v4+s11+$0x0], $0xffff;
	[tilespmem:s1+$0xFFFFFFD0] =	vst v7  }
0x561: {  	v59 =	vor.u32 v16, v49;
	v6 =	vld.idx.msk [tilespmem:v57+s11+$0x0], $0xffff;
	[tilespmem:s1+$0xFFFFFFE0] =	vst v8  }
0x562: {  	v63 =	vor.u32 v22, v49;
	v0 =	vld.idx.msk [tilespmem:v58+s11+$0x0], $0xffff;
	[tilespmem:s1+$0xF0] =	vst v10  }
0x563: {  	v49 =	vor.u32 v23, v49;
	v1 =	vld.idx.msk [tilespmem:v3+s11+$0x0], $0xffff;
	v7 =	vmov s8;
	[tilespmem:s1+$0xFFFFFFF0] =	vst v60  }
0x564: {  	v3 =	vld.idx.msk [tilespmem:v61+s11+$0x0], $0xffff;
	v7 =	vand.u32 $0x1C, v7;
	[tilespmem:s1+$0x80] =	vst v9  }
0x565: {  	v5 =	vld.idx.msk [tilespmem:v62+s11+$0x0], $0xffff;
	v7 =	vbroadcast v7, $0x0;
	[tilespmem:s1+$0x90] =	vst v11  }
0x566: {  	v2 =	vld.idx.msk [tilespmem:v59+s11+$0x0], $0xffff;
	[tilespmem:s1+$0xA0] =	vst v12  }
0x567: {  	v57 =	vld.idx.msk [tilespmem:v63+s11+$0x0], $0xffff;
	[tilespmem:s1+$0xB0] =	vst v48;
	v59 =	vor.u32 v22, v7  }
0x568: {  	v58 =	vld.idx.msk [tilespmem:v49+s11+$0x0], $0xffff;
	[tilespmem:s1+$0x10] =	vst v0;
	v0 =	vor.u32 v20, v7  }
0x569: {  	[tilespmem:s1+$0x30] =	vst v1;
	v1 =	vor.u32 v16, v7  }
0x56a: {  	[tilespmem:s1+$0x40] =	vst v3;
	v3 =	vor.u32 v13, v7  }
0x56b: {  	[tilespmem:s1+$0x50] =	vst v5;
	v5 =	vor.u32 v17, v7  }
0x56c: {  	[tilespmem:s1+$0x0] =	vst v6;
	v6 =	vor.u32 v21, v7;
	v8 =	vld.idx.msk [tilespmem:v59+s11+$0x0], $0xffff  }
0x56d: {  	[tilespmem:s1+$0x20] =	vst v2;
	v2 =	vor.u32 v14, v7;
	v0 =	vld.idx.msk [tilespmem:v0+s11+$0x0], $0xffff  }
0x56e: {  	[tilespmem:s1+$0xC0] =	vst v50;
	v7 =	vor.u32 v23, v7;
	v1 =	vld.idx.msk [tilespmem:v1+s11+$0x0], $0xffff  }
0x56f: {  	[tilespmem:s1+$0xD0] =	vst v51;
	v3 =	vld.idx.msk [tilespmem:v3+s11+$0x0], $0xffff  }
0x570: {  	[tilespmem:s1+$0xE0] =	vst v4;
	v5 =	vld.idx.msk [tilespmem:v5+s11+$0x0], $0xffff  }
0x571: {  	[tilespmem:s1+$0x60] =	vst v57;
	v6 =	vld.idx.msk [tilespmem:v6+s11+$0x0], $0xffff  }
0x572: {  	[tilespmem:s1+$0x70] =	vst v58;
	v2 =	vld.idx.msk [tilespmem:v2+s11+$0x0], $0xffff  }
0x573: {  	v7 =	vld.idx.msk [tilespmem:v7+s11+$0x0], $0xffff;
	[tilespmem:s1+$0xFFFFFF00] =	vst v0  }
0x574: {  	[tilespmem:s1+$0xFFFFFF20] =	vst v1  }
0x575: {  	[tilespmem:s1+$0xFFFFFF30] =	vst v3  }
0x576: {  	[tilespmem:s1+$0xFFFFFF40] =	vst v5  }
0x577: {  	[tilespmem:s1+$0xFFFFFF50] =	vst v6  }
0x578: {  	[tilespmem:s1+$0xFFFFFF10] =	vst v2  }
0x579: {  	s8 =	rddreg [dreg:$0x9]  }
0x57a: {  	s0 =	sadd.s32 s8, s7  }
0x57b: {  	[tilespmem:s1+$0xFFFFFF60] =	vst v8;
	s0 =	sshrl.u32 s0, $0x3  }
0x57c: {  	[tilespmem:s1+$0xFFFFFF70] =	vst v7;
	s1 =	simm.s32 $0x0;
	s9 =	sadd.s32 s2, s0;
	s24 =	sor.u32 $0x4000, s0  }
0x57d: {  	[hbm4b:s9+s1] =	stream.linear.scatter [tilespmem:s13], [sflag:$0x3], $0x400, $0x38;
	[tilespmem:$0x18800] =	vst v63  }
0x57e: {  	s26 =	sor.u32 $0x8000, s0;
	s6 =	sadd.s32 s2, s24  }
0x57f: {  	[hbm4b:s6+s1] =	stream.linear.scatter [tilespmem:s14], [sflag:$0x3], $0x400, $0x38;
	[tilespmem:$0x18800] =	vst v63  }
0x580: {  	s0 =	sor.u32 $0xC000, s0;
	s6 =	sadd.s32 s2, s26  }
0x581: {  	[hbm4b:s6+s1] =	stream.linear.scatter [tilespmem:s15], [sflag:$0x3], $0x400, $0x38;
	[tilespmem:$0x18800] =	vst v63  }
0x582: {  	s0 =	sadd.s32 s2, s0  }
0x583: {  	[hbm4b:s0+s1] =	stream.linear.scatter [tilespmem:s16], [sflag:$0x3], $0x400, $0x38;
	[tilespmem:$0x18800] =	vst v63  }
0x584: {  	_ =	swait.ge [sflag:s22], $0x400  }
0x585: {  	[sflag:s22] =	ssyncset.done $0x0  }
0x586: {  	s6 =	simm.s32 $0x1;
	[sflag:s22] =	ssyncadd.s32 $0xFFFFFC00  }
0x587: {  	v0 =	vmov s6;
	_ =	swait.ge [sflag:s22], $0x400  }
0x588: {  	v0 =	vand.u32 $0x1D, v0;
	[sflag:s22] =	ssyncset.done $0x0  }
0x589: {  	v0 =	vbroadcast v0, $0x0;
	[sflag:s22] =	ssyncadd.s32 $0xFFFFFC00  }
0x58a: {  	_ =	swait.ge [sflag:s22], $0x400  }
0x58b: {  	v1 =	vor.u32 v24, v0;
	[sflag:s22] =	ssyncset.done $0x0  }
0x58c: {  	v2 =	vor.u32 v25, v0;
	[sflag:s22] =	ssyncadd.s32 $0xFFFFFC00  }
0x58d: {  	s8 =	simm.s32 $0x3;
	v3 =	vor.u32 v26, v0;
	_ =	swait.ge [sflag:s22], $0x400  }
0x58e: {  	v5 =	vmov s8;
	v4 =	vor.u32 v27, v0;
	[sflag:s22] =	ssyncset.done $0x0  }
0x58f: {  	v5 =	vand.u32 $0x1F, v5;
	v6 =	vor.u32 v28, v0;
	[sflag:s22] =	ssyncadd.s32 $0xFFFFFC00  }
0x590: {  	v5 =	vbroadcast v5, $0x0;
	v7 =	vor.u32 v29, v0;
	v1 =	vld.idx.msk [tilespmem:v1+s11+$0x0], $0xffff  }
0x591: {  	v60 =	vor.u32 v30, v0;
	v2 =	vld.idx.msk [tilespmem:v2+s11+$0x0], $0xffff  }
0x592: {  	v61 =	vor.u32 v24, v5;
	v3 =	vld.idx.msk [tilespmem:v3+s11+$0x0], $0xffff  }
0x593: {  	v62 =	vor.u32 v31, v5;
	v4 =	vld.idx.msk [tilespmem:v4+s11+$0x0], $0xffff  }
0x594: {  	v63 =	vor.u32 v25, v5;
	v6 =	vld.idx.msk [tilespmem:v6+s11+$0x0], $0xffff  }
0x595: {  	v12 =	vor.u32 v26, v5;
	v7 =	vld.idx.msk [tilespmem:v7+s11+$0x0], $0xffff  }
0x596: {  	s9 =	simm.s32 $0x2;
	v57 =	vor.u32 v27, v5;
	v8 =	vld.idx.msk [tilespmem:v60+s11+$0x0], $0xffff  }
0x597: {  	v58 =	vmov s9;
	v59 =	vor.u32 v28, v5;
	v48 =	vld.idx.msk [tilespmem:v61+s11+$0x0], $0xffff  }
0x598: {  	v50 =	vand.u32 $0x1E, v58;
	v60 =	vor.u32 v29, v5;
	v10 =	vld.idx.msk [tilespmem:v62+s11+$0x0], $0xffff  }
0x599: {  	v55 =	vbroadcast v50, $0x0;
	v52 =	vld.idx.msk [tilespmem:v63+s11+$0x0], $0xffff;
	v5 =	vor.u32 v30, v5  }
0x59a: {  	v0 =	vor.u32 v31, v0;
	v54 =	vld.idx.msk [tilespmem:v12+s11+$0x0], $0xffff  }
0x59b: {  	v61 =	vor.u32 v24, v55;
	v53 =	vld.idx.msk [tilespmem:v57+s11+$0x0], $0xffff  }
0x59c: {  	v12 =	vor.u32 v25, v55;
	v50 =	vld.idx.msk [tilespmem:v59+s11+$0x0], $0xffff  }
0x59d: {  	s6 =	simm.s32 $0x17900;
	v62 =	vor.u32 v26, v55;
	v49 =	vld.idx.msk [tilespmem:v60+s11+$0x0], $0xffff  }
0x59e: {  	v63 =	vor.u32 v27, v55;
	v51 =	vld.idx.msk [tilespmem:v5+s11+$0x0], $0xffff;
	[tilespmem:s6+$0xF0] =	vst v10  }
0x59f: {  	v0 =	vld.idx.msk [tilespmem:v0+s11+$0x0], $0xffff;
	v5 =	vor.u32 v28, v55;
	v60 =	vmov s1;
	[tilespmem:s6+$0xFFFFFF80] =	vst v1  }
0x5a0: {  	v1 =	vld.idx.msk [tilespmem:v61+s11+$0x0], $0xffff;
	v61 =	vor.u32 v29, v55;
	[tilespmem:s6+$0xFFFFFF90] =	vst v2;
	v10 =	vand.u32 $0x1C, v60  }
0x5a1: {  	v2 =	vld.idx.msk [tilespmem:v12+s11+$0x0], $0xffff;
	v12 =	vor.u32 v30, v55;
	[tilespmem:s6+$0xFFFFFFA0] =	vst v3;
	v10 =	vbroadcast v10, $0x0  }
0x5a2: {  	v3 =	vld.idx.msk [tilespmem:v62+s11+$0x0], $0xffff;
	v62 =	vor.u32 v31, v55;
	[tilespmem:s6+$0xFFFFFFB0] =	vst v4  }
0x5a3: {  	v4 =	vld.idx.msk [tilespmem:v63+s11+$0x0], $0xffff;
	[tilespmem:s6+$0xFFFFFFC0] =	vst v6;
	v63 =	vor.u32 v24, v10  }
0x5a4: {  	[tilespmem:s6+$0xFFFFFFD0] =	vst v7;
	v6 =	vor.u32 v25, v10;
	v5 =	vld.idx.msk [tilespmem:v5+s11+$0x0], $0xffff  }
0x5a5: {  	[tilespmem:s6+$0xFFFFFFE0] =	vst v8;
	v11 =	vor.u32 v26, v10;
	v7 =	vld.idx.msk [tilespmem:v61+s11+$0x0], $0xffff  }
0x5a6: {  	s24 =	simm.s32 $0x5;
	[tilespmem:s6+$0xFFFFFFF0] =	vst v0;
	v0 =	vor.u32 v28, v10;
	v8 =	vld.idx.msk [tilespmem:v12+s11+$0x0], $0xffff  }
0x5a7: {  	v12 =	vor.u32 v27, v10;
	v9 =	vld.idx.msk [tilespmem:v62+s11+$0x0], $0xffff;
	[tilespmem:s6+$0x10] =	vst v2;
	v2 =	vmov s24  }
0x5a8: {  	[tilespmem:s6+$0x0] =	vst v1;
	v1 =	vor.u32 v29, v10;
	v2 =	vand.u32 $0x1D, v2;
	v59 =	vld.idx.msk [tilespmem:v63+s11+$0x0], $0xffff  }
0x5a9: {  	[tilespmem:s6+$0x20] =	vst v3;
	v55 =	vbroadcast v2, $0x0;
	v60 =	vld.idx.msk [tilespmem:v6+s11+$0x0], $0xffff;
	v6 =	vor.u32 v30, v10  }
0x5aa: {  	[tilespmem:s6+$0x30] =	vst v4;
	v3 =	vor.u32 v31, v10;
	v58 =	vld.idx.msk [tilespmem:v11+s11+$0x0], $0xffff  }
0x5ab: {  	v57 =	vld.idx.msk [tilespmem:v0+s11+$0x0], $0xffff;
	v63 =	vor.u32 v24, v55;
	[tilespmem:s6+$0x40] =	vst v5  }
0x5ac: {  	v0 =	vor.u32 v25, v55;
	v56 =	vld.idx.msk [tilespmem:v12+s11+$0x0], $0xffff;
	[tilespmem:s6+$0x50] =	vst v7  }
0x5ad: {  	s26 =	simm.s32 $0x7;
	v2 =	vor.u32 v26, v55;
	v61 =	vld.idx.msk [tilespmem:v1+s11+$0x0], $0xffff;
	[tilespmem:s6+$0x60] =	vst v8  }
0x5ae: {  	s8 =	simm.s32 $0x4;
	s1 =	simm.s32 $0x8;
	v4 =	vmov s26;
	v1 =	vor.u32 v27, v55;
	[tilespmem:s6+$0x70] =	vst v9;
	v62 =	vld.idx.msk [tilespmem:v6+s11+$0x0], $0xffff  }
.LBB2_20:
0x5af: {  	p0 =	slt.u32 s1, $0x1C;
	v5 =	vor.u32 v28, v55;
	v4 =	vand.u32 $0x1F, v4;
	v3 =	vld.idx.msk [tilespmem:v3+s11+$0x0], $0xffff;
	[tilespmem:s6+$0x80] =	vst v48  }
0x5b0: {  	v7 =	vor.u32 v29, v55;
	v6 =	vld.idx.msk [tilespmem:v63+s11+$0x0], $0xffff;
	v4 =	vbroadcast v4, $0x0;
	[tilespmem:s6+$0x90] =	vst v52  }
0x5b1: {  	v8 =	vor.u32 v30, v55;
	v0 =	vld.idx.msk [tilespmem:v0+s11+$0x0], $0xffff;
	[tilespmem:s6+$0xA0] =	vst v54  }
0x5b2: {  	v2 =	vld.idx.msk [tilespmem:v2+s11+$0x0], $0xffff;
	v9 =	vor.u32 v24, v4;
	[tilespmem:s6+$0xB0] =	vst v53  }
0x5b3: {  	v10 =	vor.u32 v31, v4;
	v1 =	vld.idx.msk [tilespmem:v1+s11+$0x0], $0xffff;
	[tilespmem:s6+$0xC0] =	vst v50  }
0x5b4: {  	v11 =	vor.u32 v25, v4;
	v5 =	vld.idx.msk [tilespmem:v5+s11+$0x0], $0xffff;
	[tilespmem:s6+$0xD0] =	vst v49  }
0x5b5: {  	v12 =	vor.u32 v26, v4;
	v7 =	vld.idx.msk [tilespmem:v7+s11+$0x0], $0xffff;
	[tilespmem:s6+$0xE0] =	vst v51  }
0x5b6: {  	s0 =	sadd.s32 $0x2, s8;
	v49 =	vor.u32 v27, v4;
	v8 =	vld.idx.msk [tilespmem:v8+s11+$0x0], $0xffff;
	[tilespmem:s6+$0xFFFFFF00] =	vst v59  }
0x5b7: {  	v50 =	vmov s0;
	v48 =	vld.idx.msk [tilespmem:v9+s11+$0x0], $0xffff;
	v9 =	vor.u32 v28, v4;
	[tilespmem:s6+$0xFFFFFF10] =	vst v60  }
0x5b8: {  	v50 =	vand.u32 $0x1E, v50;
	v51 =	vor.u32 v29, v4;
	v10 =	vld.idx.msk [tilespmem:v10+s11+$0x0], $0xffff;
	[tilespmem:s6+$0xFFFFFF20] =	vst v58  }
0x5b9: {  	v4 =	vor.u32 v30, v4;
	v58 =	vbroadcast v50, $0x0;
	v52 =	vld.idx.msk [tilespmem:v11+s11+$0x0], $0xffff;
	[tilespmem:s6+$0xFFFFFF30] =	vst v56  }
0x5ba: {  	v11 =	vor.u32 v31, v55;
	v54 =	vld.idx.msk [tilespmem:v12+s11+$0x0], $0xffff;
	[tilespmem:s6+$0xFFFFFF40] =	vst v57  }
0x5bb: {  	v12 =	vor.u32 v24, v58;
	v53 =	vld.idx.msk [tilespmem:v49+s11+$0x0], $0xffff;
	[tilespmem:s6+$0xFFFFFF50] =	vst v61  }
0x5bc: {  	v55 =	vor.u32 v25, v58;
	v50 =	vld.idx.msk [tilespmem:v9+s11+$0x0], $0xffff;
	[tilespmem:s6+$0xFFFFFF60] =	vst v62  }
0x5bd: {  	v9 =	vor.u32 v26, v58;
	v49 =	vld.idx.msk [tilespmem:v51+s11+$0x0], $0xffff;
	[tilespmem:s6+$0xFFFFFF70] =	vst v3;
	s6 =	sadd.s32 $0x200, s6  }
0x5be: {  	v3 =	vor.u32 v27, v58;
	v51 =	vld.idx.msk [tilespmem:v4+s11+$0x0], $0xffff;
	[tilespmem:s6+$0xF0] =	vst v10  }
0x5bf: {  	v4 =	vmov s8;
	s8 =	smov.u32 s1;
	v10 =	vld.idx.msk [tilespmem:v11+s11+$0x0], $0xffff;
	[tilespmem:s6+$0xFFFFFF80] =	vst v6;
	v6 =	vor.u32 v28, v58  }
0x5c0: {  	v4 =	vand.u32 $0x1C, v4;
	v11 =	vor.u32 v29, v58;
	[tilespmem:s6+$0xFFFFFF90] =	vst v0;
	v0 =	vld.idx.msk [tilespmem:v12+s11+$0x0], $0xffff  }
0x5c1: {  	v4 =	vbroadcast v4, $0x0;
	v12 =	vor.u32 v30, v58;
	[tilespmem:s6+$0xFFFFFFA0] =	vst v2;
	v2 =	vld.idx.msk [tilespmem:v55+s11+$0x0], $0xffff  }
0x5c2: {  	[tilespmem:s6+$0xFFFFFFB0] =	vst v1;
	v1 =	vld.idx.msk [tilespmem:v9+s11+$0x0], $0xffff;
	v9 =	vor.u32 v31, v58  }
0x5c3: {  	v55 =	vor.u32 v24, v4;
	[tilespmem:s6+$0xFFFFFFC0] =	vst v5;
	v5 =	vld.idx.msk [tilespmem:v3+s11+$0x0], $0xffff  }
0x5c4: {  	v3 =	vor.u32 v25, v4;
	[tilespmem:s6+$0xFFFFFFD0] =	vst v7;
	v6 =	vld.idx.msk [tilespmem:v6+s11+$0x0], $0xffff  }
0x5c5: {  	v7 =	vor.u32 v26, v4;
	[tilespmem:s6+$0xFFFFFFE0] =	vst v8;
	v8 =	vld.idx.msk [tilespmem:v11+s11+$0x0], $0xffff  }
0x5c6: {  	s0 =	sadd.s32 $0x1, s1;
	v11 =	vor.u32 v27, v4;
	[tilespmem:s6+$0xFFFFFFF0] =	vst v10;
	v10 =	vld.idx.msk [tilespmem:v12+s11+$0x0], $0xffff  }
0x5c7: {  	v57 =	vor.u32 v28, v4;
	v12 =	vmov s0;
	v9 =	vld.idx.msk [tilespmem:v9+s11+$0x0], $0xffff;
	[tilespmem:s6+$0x0] =	vst v0  }
0x5c8: {  	v0 =	vand.u32 $0x1D, v12;
	v12 =	vor.u32 v29, v4;
	v59 =	vld.idx.msk [tilespmem:v55+s11+$0x0], $0xffff;
	[tilespmem:s6+$0x10] =	vst v2  }
0x5c9: {  	v62 =	vor.u32 v30, v4;
	v55 =	vbroadcast v0, $0x0;
	v60 =	vld.idx.msk [tilespmem:v3+s11+$0x0], $0xffff;
	[tilespmem:s6+$0x20] =	vst v1  }
.Ltmp8:
0x5ca: {  	v3 =	vor.u32 v31, v4;
	v58 =	vld.idx.msk [tilespmem:v7+s11+$0x0], $0xffff;
	[tilespmem:s6+$0x30] =	vst v5;
	(pc) =	sbr.rel @p0 .LBB2_20-.Ltmp8, $4  }
0x5cb: {  	v63 =	vor.u32 v24, v55;
	v56 =	vld.idx.msk [tilespmem:v11+s11+$0x0], $0xffff;
	[tilespmem:s6+$0x40] =	vst v6  }
0x5cc: {  	v0 =	vor.u32 v25, v55;
	v57 =	vld.idx.msk [tilespmem:v57+s11+$0x0], $0xffff;
	[tilespmem:s6+$0x50] =	vst v8  }
0x5cd: {  	s0 =	sadd.s32 $0x3, s1;
	v2 =	vor.u32 v26, v55;
	v61 =	vld.idx.msk [tilespmem:v12+s11+$0x0], $0xffff;
	[tilespmem:s6+$0x60] =	vst v10  }
0x5ce: {  	s1 =	sadd.s32 $0x4, s1;
	v4 =	vmov s0;
	v1 =	vor.u32 v27, v55;
	v62 =	vld.idx.msk [tilespmem:v62+s11+$0x0], $0xffff;
	[tilespmem:s6+$0x70] =	vst v9  }
0x5cf: {  	[tilespmem:s6+$0x80] =	vst v48  }
0x5d0: {  	[tilespmem:s6+$0x90] =	vst v52  }
0x5d1: {  	[tilespmem:s6+$0xA0] =	vst v54  }
0x5d2: {  	[tilespmem:s6+$0xB0] =	vst v53  }
0x5d3: {  	v5 =	vor.u32 v28, v55;
	v4 =	vand.u32 $0x1F, v4;
	v3 =	vld.idx.msk [tilespmem:v3+s11+$0x0], $0xffff;
	[tilespmem:s6+$0xC0] =	vst v50  }
0x5d4: {  	v6 =	vld.idx.msk [tilespmem:v63+s11+$0x0], $0xffff;
	v7 =	vor.u32 v29, v55;
	[tilespmem:s6+$0xD0] =	vst v49;
	v4 =	vbroadcast v4, $0x0  }
0x5d5: {  	v0 =	vld.idx.msk [tilespmem:v0+s11+$0x0], $0xffff;
	v8 =	vor.u32 v30, v55;
	[tilespmem:s6+$0xE0] =	vst v51  }
0x5d6: {  	v2 =	vld.idx.msk [tilespmem:v2+s11+$0x0], $0xffff;
	[tilespmem:s6+$0xFFFFFF00] =	vst v59;
	v9 =	vor.u32 v24, v4  }
0x5d7: {  	v1 =	vld.idx.msk [tilespmem:v1+s11+$0x0], $0xffff;
	[tilespmem:s6+$0xFFFFFF10] =	vst v60;
	v10 =	vor.u32 v31, v4  }
0x5d8: {  	[tilespmem:s6+$0xFFFFFF20] =	vst v58;
	v60 =	vor.u32 v29, v4;
	v5 =	vld.idx.msk [tilespmem:v5+s11+$0x0], $0xffff  }
0x5d9: {  	v63 =	vor.u32 v31, v55;
	[tilespmem:s6+$0xFFFFFF30] =	vst v56;
	v7 =	vld.idx.msk [tilespmem:v7+s11+$0x0], $0xffff  }
0x5da: {  	s0 =	sadd.s32 $0x2, s8;
	[tilespmem:s6+$0xFFFFFF40] =	vst v57;
	v11 =	vor.u32 v25, v4;
	v8 =	vld.idx.msk [tilespmem:v8+s11+$0x0], $0xffff  }
0x5db: {  	v54 =	vmov s0;
	v12 =	vor.u32 v26, v4;
	[tilespmem:s6+$0xFFFFFF50] =	vst v61;
	v9 =	vld.idx.msk [tilespmem:v9+s11+$0x0], $0xffff  }
0x5dc: {  	v49 =	vand.u32 $0x1E, v54;
	v48 =	vor.u32 v27, v4;
	[tilespmem:s6+$0xFFFFFF60] =	vst v62;
	v10 =	vld.idx.msk [tilespmem:v10+s11+$0x0], $0xffff  }
0x5dd: {  	s1 =	sadd.s32 $0x200, s6;
	v59 =	vor.u32 v28, v4;
	v49 =	vbroadcast v49, $0x0;
	[tilespmem:s6+$0xFFFFFF70] =	vst v3;
	v51 =	vld.idx.msk [tilespmem:v60+s11+$0x0], $0xffff  }
0x5de: {  	v4 =	vor.u32 v30, v4;
	v60 =	vld.idx.msk [tilespmem:v63+s11+$0x0], $0xffff;
	[tilespmem:s1+$0xFFFFFF80] =	vst v6  }
0x5df: {  	v57 =	vor.u32 v24, v49;
	v11 =	vld.idx.msk [tilespmem:v11+s11+$0x0], $0xffff;
	[tilespmem:s1+$0xFFFFFF90] =	vst v0  }
0x5e0: {  	v58 =	vor.u32 v25, v49;
	v12 =	vld.idx.msk [tilespmem:v12+s11+$0x0], $0xffff;
	[tilespmem:s1+$0xFFFFFFA0] =	vst v2  }
0x5e1: {  	v3 =	vor.u32 v27, v49;
	v48 =	vld.idx.msk [tilespmem:v48+s11+$0x0], $0xffff;
	[tilespmem:s1+$0xFFFFFFB0] =	vst v1  }
0x5e2: {  	v61 =	vor.u32 v28, v49;
	v50 =	vld.idx.msk [tilespmem:v59+s11+$0x0], $0xffff;
	[tilespmem:s1+$0xFFFFFFC0] =	vst v5  }
0x5e3: {  	v62 =	vor.u32 v29, v49;
	v4 =	vld.idx.msk [tilespmem:v4+s11+$0x0], $0xffff;
	[tilespmem:s1+$0xFFFFFFD0] =	vst v7  }
0x5e4: {  	v59 =	vor.u32 v26, v49;
	v6 =	vld.idx.msk [tilespmem:v57+s11+$0x0], $0xffff;
	[tilespmem:s1+$0xFFFFFFE0] =	vst v8  }
0x5e5: {  	v63 =	vor.u32 v30, v49;
	v0 =	vld.idx.msk [tilespmem:v58+s11+$0x0], $0xffff;
	[tilespmem:s1+$0xF0] =	vst v10  }
0x5e6: {  	v49 =	vor.u32 v31, v49;
	v1 =	vld.idx.msk [tilespmem:v3+s11+$0x0], $0xffff;
	v7 =	vmov s8;
	[tilespmem:s1+$0xFFFFFFF0] =	vst v60  }
0x5e7: {  	v3 =	vld.idx.msk [tilespmem:v61+s11+$0x0], $0xffff;
	v7 =	vand.u32 $0x1C, v7;
	[tilespmem:s1+$0x80] =	vst v9  }
0x5e8: {  	v5 =	vld.idx.msk [tilespmem:v62+s11+$0x0], $0xffff;
	v7 =	vbroadcast v7, $0x0;
	[tilespmem:s1+$0x90] =	vst v11  }
0x5e9: {  	v2 =	vld.idx.msk [tilespmem:v59+s11+$0x0], $0xffff;
	[tilespmem:s1+$0xA0] =	vst v12  }
0x5ea: {  	v57 =	vld.idx.msk [tilespmem:v63+s11+$0x0], $0xffff;
	[tilespmem:s1+$0xB0] =	vst v48;
	v59 =	vor.u32 v30, v7  }
0x5eb: {  	v58 =	vld.idx.msk [tilespmem:v49+s11+$0x0], $0xffff;
	[tilespmem:s1+$0x10] =	vst v0;
	v0 =	vor.u32 v24, v7  }
0x5ec: {  	[tilespmem:s1+$0x30] =	vst v1;
	v1 =	vor.u32 v26, v7  }
0x5ed: {  	[tilespmem:s1+$0x40] =	vst v3;
	v3 =	vor.u32 v27, v7  }
0x5ee: {  	[tilespmem:s1+$0x50] =	vst v5;
	v5 =	vor.u32 v28, v7  }
0x5ef: {  	[tilespmem:s1+$0x0] =	vst v6;
	v6 =	vor.u32 v29, v7;
	v8 =	vld.idx.msk [tilespmem:v59+s11+$0x0], $0xffff  }
0x5f0: {  	[tilespmem:s1+$0x20] =	vst v2;
	v2 =	vor.u32 v25, v7;
	v0 =	vld.idx.msk [tilespmem:v0+s11+$0x0], $0xffff  }
0x5f1: {  	[tilespmem:s1+$0xC0] =	vst v50;
	v7 =	vor.u32 v31, v7;
	v1 =	vld.idx.msk [tilespmem:v1+s11+$0x0], $0xffff  }
0x5f2: {  	[tilespmem:s1+$0xD0] =	vst v51;
	v3 =	vld.idx.msk [tilespmem:v3+s11+$0x0], $0xffff  }
0x5f3: {  	[tilespmem:s1+$0xE0] =	vst v4;
	v5 =	vld.idx.msk [tilespmem:v5+s11+$0x0], $0xffff  }
0x5f4: {  	[tilespmem:s1+$0x60] =	vst v57;
	v6 =	vld.idx.msk [tilespmem:v6+s11+$0x0], $0xffff  }
0x5f5: {  	[tilespmem:s1+$0x70] =	vst v58;
	v2 =	vld.idx.msk [tilespmem:v2+s11+$0x0], $0xffff  }
0x5f6: {  	v7 =	vld.idx.msk [tilespmem:v7+s11+$0x0], $0xffff;
	[tilespmem:s1+$0xFFFFFF60] =	vst v8  }
0x5f7: {  	[tilespmem:s1+$0xFFFFFF00] =	vst v0  }
0x5f8: {  	[tilespmem:s1+$0xFFFFFF20] =	vst v1  }
0x5f9: {  	[tilespmem:s1+$0xFFFFFF30] =	vst v3  }
0x5fa: {  	[tilespmem:s1+$0xFFFFFF40] =	vst v5  }
0x5fb: {  	s8 =	sadd.s32 s29, s7;
	[tilespmem:s1+$0xFFFFFF50] =	vst v6  }
0x5fc: {  	s0 =	sshrl.u32 s8, $0x3;
	[tilespmem:s1+$0xFFFFFF10] =	vst v2  }
0x5fd: {  	s9 =	sadd.s32 s2, s0;
	s24 =	sor.u32 $0x4000, s0;
	[tilespmem:s1+$0xFFFFFF70] =	vst v7;
	s1 =	simm.s32 $0x0  }
0x5fe: {  	[hbm4b:s9+s1] =	stream.linear.scatter [tilespmem:s17], [sflag:$0x4], $0x400, $0x38;
	[tilespmem:$0x18800] =	vst v63  }
0x5ff: {  	s26 =	sor.u32 $0x8000, s0;
	s6 =	sadd.s32 s2, s24  }
0x600: {  	[hbm4b:s6+s1] =	stream.linear.scatter [tilespmem:s18], [sflag:$0x4], $0x400, $0x38;
	[tilespmem:$0x18800] =	vst v63  }
0x601: {  	s0 =	sor.u32 $0xC000, s0;
	s6 =	sadd.s32 s2, s26  }
0x602: {  	[hbm4b:s6+s1] =	stream.linear.scatter [tilespmem:s19], [sflag:$0x4], $0x400, $0x38;
	[tilespmem:$0x18800] =	vst v63  }
0x603: {  	s0 =	sadd.s32 s2, s0  }
0x604: {  	[hbm4b:s0+s1] =	stream.linear.scatter [tilespmem:s20], [sflag:$0x4], $0x400, $0x38;
	[tilespmem:$0x18800] =	vst v63  }
0x605: {  	_ =	swait.ge [sflag:s21], $0x400  }
0x606: {  	[sflag:s21] =	ssyncset.done $0x0  }
0x607: {  	s6 =	simm.s32 $0x1;
	[sflag:s21] =	ssyncadd.s32 $0xFFFFFC00  }
0x608: {  	v0 =	vmov s6;
	_ =	swait.ge [sflag:s21], $0x400  }
0x609: {  	v0 =	vand.u32 $0x1D, v0;
	[sflag:s21] =	ssyncset.done $0x0  }
0x60a: {  	v0 =	vbroadcast v0, $0x0;
	[sflag:s21] =	ssyncadd.s32 $0xFFFFFC00  }
0x60b: {  	_ =	swait.ge [sflag:s21], $0x400  }
0x60c: {  	v1 =	vor.u32 v32, v0;
	[sflag:s21] =	ssyncset.done $0x0  }
0x60d: {  	v2 =	vor.u32 v33, v0;
	[sflag:s21] =	ssyncadd.s32 $0xFFFFFC00  }
0x60e: {  	s8 =	simm.s32 $0x3;
	v3 =	vor.u32 v34, v0;
	_ =	swait.ge [sflag:s21], $0x400  }
0x60f: {  	v5 =	vmov s8;
	v4 =	vor.u32 v35, v0;
	[sflag:s21] =	ssyncset.done $0x0  }
0x610: {  	v5 =	vand.u32 $0x1F, v5;
	v6 =	vor.u32 v36, v0;
	[sflag:s21] =	ssyncadd.s32 $0xFFFFFC00  }
0x611: {  	v5 =	vbroadcast v5, $0x0;
	v7 =	vor.u32 v37, v0;
	v1 =	vld.idx.msk [tilespmem:v1+s11+$0x0], $0xffff  }
0x612: {  	v60 =	vor.u32 v38, v0;
	v2 =	vld.idx.msk [tilespmem:v2+s11+$0x0], $0xffff  }
0x613: {  	v61 =	vor.u32 v32, v5;
	v3 =	vld.idx.msk [tilespmem:v3+s11+$0x0], $0xffff  }
0x614: {  	v62 =	vor.u32 v39, v5;
	v4 =	vld.idx.msk [tilespmem:v4+s11+$0x0], $0xffff  }
0x615: {  	v63 =	vor.u32 v33, v5;
	v6 =	vld.idx.msk [tilespmem:v6+s11+$0x0], $0xffff  }
0x616: {  	v12 =	vor.u32 v34, v5;
	v7 =	vld.idx.msk [tilespmem:v7+s11+$0x0], $0xffff  }
0x617: {  	s9 =	simm.s32 $0x2;
	v57 =	vor.u32 v35, v5;
	v8 =	vld.idx.msk [tilespmem:v60+s11+$0x0], $0xffff  }
0x618: {  	v59 =	vor.u32 v36, v5;
	v58 =	vmov s9;
	v48 =	vld.idx.msk [tilespmem:v61+s11+$0x0], $0xffff  }
0x619: {  	v50 =	vand.u32 $0x1E, v58;
	v60 =	vor.u32 v37, v5;
	v10 =	vld.idx.msk [tilespmem:v62+s11+$0x0], $0xffff  }
0x61a: {  	v55 =	vbroadcast v50, $0x0;
	v52 =	vld.idx.msk [tilespmem:v63+s11+$0x0], $0xffff;
	v5 =	vor.u32 v38, v5  }
0x61b: {  	v0 =	vor.u32 v39, v0;
	v54 =	vld.idx.msk [tilespmem:v12+s11+$0x0], $0xffff  }
0x61c: {  	v61 =	vor.u32 v32, v55;
	v53 =	vld.idx.msk [tilespmem:v57+s11+$0x0], $0xffff  }
0x61d: {  	v12 =	vor.u32 v33, v55;
	v50 =	vld.idx.msk [tilespmem:v59+s11+$0x0], $0xffff  }
0x61e: {  	s6 =	simm.s32 $0x16900;
	v62 =	vor.u32 v34, v55;
	v49 =	vld.idx.msk [tilespmem:v60+s11+$0x0], $0xffff  }
0x61f: {  	v63 =	vor.u32 v35, v55;
	v51 =	vld.idx.msk [tilespmem:v5+s11+$0x0], $0xffff;
	[tilespmem:s6+$0xF0] =	vst v10  }
0x620: {  	v0 =	vld.idx.msk [tilespmem:v0+s11+$0x0], $0xffff;
	v5 =	vor.u32 v36, v55;
	[tilespmem:s6+$0xFFFFFF80] =	vst v1  }
0x621: {  	v60 =	vmov s1;
	v1 =	vld.idx.msk [tilespmem:v61+s11+$0x0], $0xffff;
	v61 =	vor.u32 v37, v55;
	[tilespmem:s6+$0xFFFFFF90] =	vst v2  }
0x622: {  	v2 =	vld.idx.msk [tilespmem:v12+s11+$0x0], $0xffff;
	v12 =	vor.u32 v38, v55;
	[tilespmem:s6+$0xFFFFFFA0] =	vst v3;
	v10 =	vand.u32 $0x1C, v60  }
0x623: {  	v3 =	vld.idx.msk [tilespmem:v62+s11+$0x0], $0xffff;
	v62 =	vor.u32 v39, v55;
	[tilespmem:s6+$0xFFFFFFB0] =	vst v4;
	v10 =	vbroadcast v10, $0x0  }
0x624: {  	v4 =	vld.idx.msk [tilespmem:v63+s11+$0x0], $0xffff;
	[tilespmem:s6+$0xFFFFFFC0] =	vst v6  }
0x625: {  	[tilespmem:s6+$0xFFFFFFD0] =	vst v7;
	v63 =	vor.u32 v32, v10;
	v5 =	vld.idx.msk [tilespmem:v5+s11+$0x0], $0xffff  }
0x626: {  	[tilespmem:s6+$0xFFFFFFE0] =	vst v8;
	v6 =	vor.u32 v33, v10;
	v7 =	vld.idx.msk [tilespmem:v61+s11+$0x0], $0xffff  }
0x627: {  	[tilespmem:s6+$0xFFFFFFF0] =	vst v0;
	v11 =	vor.u32 v34, v10;
	v8 =	vld.idx.msk [tilespmem:v12+s11+$0x0], $0xffff  }
0x628: {  	v0 =	vor.u32 v36, v10;
	v9 =	vld.idx.msk [tilespmem:v62+s11+$0x0], $0xffff;
	[tilespmem:s6+$0x0] =	vst v1  }
0x629: {  	v12 =	vor.u32 v35, v10;
	[tilespmem:s6+$0x10] =	vst v2  }
0x62a: {  	v1 =	vor.u32 v37, v10;
	[tilespmem:s6+$0x20] =	vst v3;
	v59 =	vld.idx.msk [tilespmem:v63+s11+$0x0], $0xffff  }
0x62b: {  	s24 =	simm.s32 $0x5;
	[tilespmem:s6+$0x30] =	vst v4;
	v60 =	vld.idx.msk [tilespmem:v6+s11+$0x0], $0xffff  }
0x62c: {  	v2 =	vmov s24;
	v58 =	vld.idx.msk [tilespmem:v11+s11+$0x0], $0xffff;
	[tilespmem:s6+$0x40] =	vst v5  }
0x62d: {  	v2 =	vand.u32 $0x1D, v2;
	v57 =	vld.idx.msk [tilespmem:v0+s11+$0x0], $0xffff;
	[tilespmem:s6+$0x50] =	vst v7  }
0x62e: {  	v55 =	vbroadcast v2, $0x0;
	v6 =	vor.u32 v38, v10;
	v56 =	vld.idx.msk [tilespmem:v12+s11+$0x0], $0xffff;
	[tilespmem:s6+$0x60] =	vst v8  }
0x62f: {  	v3 =	vor.u32 v39, v10;
	v61 =	vld.idx.msk [tilespmem:v1+s11+$0x0], $0xffff;
	[tilespmem:s6+$0x70] =	vst v9  }
0x630: {  	v63 =	vor.u32 v32, v55;
	v16 =	vld [tilespmem:$0x1FFB0]  }
0x631: {  	v0 =	vor.u32 v33, v55;
	v18 =	vld [tilespmem:$0x1FFD0]  }
0x632: {  	s26 =	simm.s32 $0x7;
	v2 =	vor.u32 v34, v55;
	v17 =	vld [tilespmem:$0x1FFC0]  }
0x633: {  	s8 =	simm.s32 $0x4;
	s1 =	simm.s32 $0x8;
	v4 =	vmov s26;
	v1 =	vor.u32 v35, v55;
	v62 =	vld.idx.msk [tilespmem:v6+s11+$0x0], $0xffff  }
.LBB2_22:
0x634: {  	p0 =	slt.u32 s1, $0x1C;
	v5 =	vor.u32 v36, v55;
	v4 =	vand.u32 $0x1F, v4;
	v3 =	vld.idx.msk [tilespmem:v3+s11+$0x0], $0xffff;
	[tilespmem:s6+$0x80] =	vst v48  }
0x635: {  	v7 =	vor.u32 v37, v55;
	v6 =	vld.idx.msk [tilespmem:v63+s11+$0x0], $0xffff;
	v4 =	vbroadcast v4, $0x0;
	[tilespmem:s6+$0x90] =	vst v52  }
0x636: {  	v8 =	vor.u32 v38, v55;
	v0 =	vld.idx.msk [tilespmem:v0+s11+$0x0], $0xffff;
	[tilespmem:s6+$0xA0] =	vst v54  }
0x637: {  	v2 =	vld.idx.msk [tilespmem:v2+s11+$0x0], $0xffff;
	v9 =	vor.u32 v32, v4;
	[tilespmem:s6+$0xB0] =	vst v53  }
0x638: {  	v10 =	vor.u32 v39, v4;
	v1 =	vld.idx.msk [tilespmem:v1+s11+$0x0], $0xffff;
	[tilespmem:s6+$0xC0] =	vst v50  }
0x639: {  	v11 =	vor.u32 v33, v4;
	v5 =	vld.idx.msk [tilespmem:v5+s11+$0x0], $0xffff;
	[tilespmem:s6+$0xD0] =	vst v49  }
0x63a: {  	v12 =	vor.u32 v34, v4;
	v7 =	vld.idx.msk [tilespmem:v7+s11+$0x0], $0xffff;
	[tilespmem:s6+$0xE0] =	vst v51  }
0x63b: {  	s0 =	sadd.s32 $0x2, s8;
	v49 =	vor.u32 v35, v4;
	v8 =	vld.idx.msk [tilespmem:v8+s11+$0x0], $0xffff;
	[tilespmem:s6+$0xFFFFFF00] =	vst v59  }
0x63c: {  	v50 =	vmov s0;
	v48 =	vld.idx.msk [tilespmem:v9+s11+$0x0], $0xffff;
	v9 =	vor.u32 v36, v4;
	[tilespmem:s6+$0xFFFFFF10] =	vst v60  }
0x63d: {  	v50 =	vand.u32 $0x1E, v50;
	v51 =	vor.u32 v37, v4;
	v10 =	vld.idx.msk [tilespmem:v10+s11+$0x0], $0xffff;
	[tilespmem:s6+$0xFFFFFF20] =	vst v58  }
0x63e: {  	v4 =	vor.u32 v38, v4;
	v58 =	vbroadcast v50, $0x0;
	v52 =	vld.idx.msk [tilespmem:v11+s11+$0x0], $0xffff;
	[tilespmem:s6+$0xFFFFFF30] =	vst v56  }
0x63f: {  	v11 =	vor.u32 v39, v55;
	v54 =	vld.idx.msk [tilespmem:v12+s11+$0x0], $0xffff;
	[tilespmem:s6+$0xFFFFFF40] =	vst v57  }
0x640: {  	v12 =	vor.u32 v32, v58;
	v53 =	vld.idx.msk [tilespmem:v49+s11+$0x0], $0xffff;
	[tilespmem:s6+$0xFFFFFF50] =	vst v61  }
0x641: {  	v55 =	vor.u32 v33, v58;
	v50 =	vld.idx.msk [tilespmem:v9+s11+$0x0], $0xffff;
	[tilespmem:s6+$0xFFFFFF60] =	vst v62  }
0x642: {  	v9 =	vor.u32 v34, v58;
	v49 =	vld.idx.msk [tilespmem:v51+s11+$0x0], $0xffff;
	[tilespmem:s6+$0xFFFFFF70] =	vst v3;
	s6 =	sadd.s32 $0x200, s6  }
0x643: {  	v3 =	vor.u32 v35, v58;
	v51 =	vld.idx.msk [tilespmem:v4+s11+$0x0], $0xffff;
	[tilespmem:s6+$0xF0] =	vst v10  }
0x644: {  	v4 =	vmov s8;
	s8 =	smov.u32 s1;
	v10 =	vld.idx.msk [tilespmem:v11+s11+$0x0], $0xffff;
	[tilespmem:s6+$0xFFFFFF80] =	vst v6;
	v6 =	vor.u32 v36, v58  }
0x645: {  	v4 =	vand.u32 $0x1C, v4;
	v11 =	vor.u32 v37, v58;
	[tilespmem:s6+$0xFFFFFF90] =	vst v0;
	v0 =	vld.idx.msk [tilespmem:v12+s11+$0x0], $0xffff  }
0x646: {  	v4 =	vbroadcast v4, $0x0;
	v12 =	vor.u32 v38, v58;
	[tilespmem:s6+$0xFFFFFFA0] =	vst v2;
	v2 =	vld.idx.msk [tilespmem:v55+s11+$0x0], $0xffff  }
0x647: {  	[tilespmem:s6+$0xFFFFFFB0] =	vst v1;
	v1 =	vld.idx.msk [tilespmem:v9+s11+$0x0], $0xffff;
	v9 =	vor.u32 v39, v58  }
0x648: {  	v55 =	vor.u32 v32, v4;
	[tilespmem:s6+$0xFFFFFFC0] =	vst v5;
	v5 =	vld.idx.msk [tilespmem:v3+s11+$0x0], $0xffff  }
0x649: {  	v3 =	vor.u32 v33, v4;
	[tilespmem:s6+$0xFFFFFFD0] =	vst v7;
	v6 =	vld.idx.msk [tilespmem:v6+s11+$0x0], $0xffff  }
0x64a: {  	v7 =	vor.u32 v34, v4;
	[tilespmem:s6+$0xFFFFFFE0] =	vst v8;
	v8 =	vld.idx.msk [tilespmem:v11+s11+$0x0], $0xffff  }
0x64b: {  	s0 =	sadd.s32 $0x1, s1;
	v11 =	vor.u32 v35, v4;
	[tilespmem:s6+$0xFFFFFFF0] =	vst v10;
	v10 =	vld.idx.msk [tilespmem:v12+s11+$0x0], $0xffff  }
0x64c: {  	v57 =	vor.u32 v36, v4;
	v12 =	vmov s0;
	v9 =	vld.idx.msk [tilespmem:v9+s11+$0x0], $0xffff;
	[tilespmem:s6+$0x0] =	vst v0  }
0x64d: {  	v0 =	vand.u32 $0x1D, v12;
	v12 =	vor.u32 v37, v4;
	v59 =	vld.idx.msk [tilespmem:v55+s11+$0x0], $0xffff;
	[tilespmem:s6+$0x10] =	vst v2  }
0x64e: {  	v62 =	vor.u32 v38, v4;
	v55 =	vbroadcast v0, $0x0;
	v60 =	vld.idx.msk [tilespmem:v3+s11+$0x0], $0xffff;
	[tilespmem:s6+$0x20] =	vst v1  }
.Ltmp9:
0x64f: {  	v3 =	vor.u32 v39, v4;
	v58 =	vld.idx.msk [tilespmem:v7+s11+$0x0], $0xffff;
	[tilespmem:s6+$0x30] =	vst v5;
	(pc) =	sbr.rel @p0 .LBB2_22-.Ltmp9, $4  }
0x650: {  	v63 =	vor.u32 v32, v55;
	v56 =	vld.idx.msk [tilespmem:v11+s11+$0x0], $0xffff;
	[tilespmem:s6+$0x40] =	vst v6  }
0x651: {  	v0 =	vor.u32 v33, v55;
	v57 =	vld.idx.msk [tilespmem:v57+s11+$0x0], $0xffff;
	[tilespmem:s6+$0x50] =	vst v8  }
0x652: {  	s0 =	sadd.s32 $0x3, s1;
	v2 =	vor.u32 v34, v55;
	v61 =	vld.idx.msk [tilespmem:v12+s11+$0x0], $0xffff;
	[tilespmem:s6+$0x60] =	vst v10  }
0x653: {  	s1 =	sadd.s32 $0x4, s1;
	v4 =	vmov s0;
	v1 =	vor.u32 v35, v55;
	v62 =	vld.idx.msk [tilespmem:v62+s11+$0x0], $0xffff;
	[tilespmem:s6+$0x70] =	vst v9  }
0x654: {  	[tilespmem:s6+$0x80] =	vst v48  }
0x655: {  	[tilespmem:s6+$0x90] =	vst v52  }
0x656: {  	[tilespmem:s6+$0xA0] =	vst v54  }
0x657: {  	[tilespmem:s6+$0xB0] =	vst v53  }
0x658: {  	v5 =	vor.u32 v36, v55;
	v4 =	vand.u32 $0x1F, v4;
	v3 =	vld.idx.msk [tilespmem:v3+s11+$0x0], $0xffff;
	[tilespmem:s6+$0xC0] =	vst v50  }
0x659: {  	v6 =	vld.idx.msk [tilespmem:v63+s11+$0x0], $0xffff;
	v7 =	vor.u32 v37, v55;
	[tilespmem:s6+$0xD0] =	vst v49;
	v4 =	vbroadcast v4, $0x0  }
0x65a: {  	v0 =	vld.idx.msk [tilespmem:v0+s11+$0x0], $0xffff;
	v8 =	vor.u32 v38, v55;
	[tilespmem:s6+$0xE0] =	vst v51  }
0x65b: {  	v2 =	vld.idx.msk [tilespmem:v2+s11+$0x0], $0xffff;
	[tilespmem:s6+$0xFFFFFF00] =	vst v59;
	v9 =	vor.u32 v32, v4  }
0x65c: {  	v1 =	vld.idx.msk [tilespmem:v1+s11+$0x0], $0xffff;
	[tilespmem:s6+$0xFFFFFF10] =	vst v60;
	v10 =	vor.u32 v39, v4  }
0x65d: {  	[tilespmem:s6+$0xFFFFFF20] =	vst v58;
	v60 =	vor.u32 v37, v4;
	v5 =	vld.idx.msk [tilespmem:v5+s11+$0x0], $0xffff  }
0x65e: {  	v63 =	vor.u32 v39, v55;
	[tilespmem:s6+$0xFFFFFF30] =	vst v56;
	v7 =	vld.idx.msk [tilespmem:v7+s11+$0x0], $0xffff  }
0x65f: {  	s0 =	sadd.s32 $0x2, s8;
	[tilespmem:s6+$0xFFFFFF40] =	vst v57;
	v11 =	vor.u32 v33, v4;
	v8 =	vld.idx.msk [tilespmem:v8+s11+$0x0], $0xffff  }
0x660: {  	v54 =	vmov s0;
	v12 =	vor.u32 v34, v4;
	[tilespmem:s6+$0xFFFFFF50] =	vst v61;
	v9 =	vld.idx.msk [tilespmem:v9+s11+$0x0], $0xffff  }
0x661: {  	v49 =	vand.u32 $0x1E, v54;
	v48 =	vor.u32 v35, v4;
	[tilespmem:s6+$0xFFFFFF60] =	vst v62;
	v10 =	vld.idx.msk [tilespmem:v10+s11+$0x0], $0xffff  }
0x662: {  	s1 =	sadd.s32 $0x200, s6;
	v59 =	vor.u32 v36, v4;
	v49 =	vbroadcast v49, $0x0;
	[tilespmem:s6+$0xFFFFFF70] =	vst v3;
	v51 =	vld.idx.msk [tilespmem:v60+s11+$0x0], $0xffff  }
0x663: {  	v4 =	vor.u32 v38, v4;
	v60 =	vld.idx.msk [tilespmem:v63+s11+$0x0], $0xffff;
	[tilespmem:s1+$0xFFFFFF80] =	vst v6  }
0x664: {  	v57 =	vor.u32 v32, v49;
	v11 =	vld.idx.msk [tilespmem:v11+s11+$0x0], $0xffff;
	[tilespmem:s1+$0xFFFFFF90] =	vst v0  }
0x665: {  	v58 =	vor.u32 v33, v49;
	v12 =	vld.idx.msk [tilespmem:v12+s11+$0x0], $0xffff;
	[tilespmem:s1+$0xFFFFFFA0] =	vst v2  }
0x666: {  	v3 =	vor.u32 v35, v49;
	v48 =	vld.idx.msk [tilespmem:v48+s11+$0x0], $0xffff;
	[tilespmem:s1+$0xFFFFFFB0] =	vst v1  }
0x667: {  	v61 =	vor.u32 v36, v49;
	v50 =	vld.idx.msk [tilespmem:v59+s11+$0x0], $0xffff;
	[tilespmem:s1+$0xFFFFFFC0] =	vst v5  }
0x668: {  	v62 =	vor.u32 v37, v49;
	v4 =	vld.idx.msk [tilespmem:v4+s11+$0x0], $0xffff;
	[tilespmem:s1+$0xFFFFFFD0] =	vst v7  }
0x669: {  	v59 =	vor.u32 v34, v49;
	v6 =	vld.idx.msk [tilespmem:v57+s11+$0x0], $0xffff;
	[tilespmem:s1+$0xFFFFFFE0] =	vst v8  }
0x66a: {  	v63 =	vor.u32 v38, v49;
	v0 =	vld.idx.msk [tilespmem:v58+s11+$0x0], $0xffff;
	[tilespmem:s1+$0xF0] =	vst v10  }
0x66b: {  	v49 =	vor.u32 v39, v49;
	v1 =	vld.idx.msk [tilespmem:v3+s11+$0x0], $0xffff;
	v7 =	vmov s8;
	[tilespmem:s1+$0xFFFFFFF0] =	vst v60  }
0x66c: {  	v3 =	vld.idx.msk [tilespmem:v61+s11+$0x0], $0xffff;
	v7 =	vand.u32 $0x1C, v7;
	[tilespmem:s1+$0x80] =	vst v9  }
0x66d: {  	v5 =	vld.idx.msk [tilespmem:v62+s11+$0x0], $0xffff;
	v7 =	vbroadcast v7, $0x0;
	[tilespmem:s1+$0x90] =	vst v11  }
0x66e: {  	v2 =	vld.idx.msk [tilespmem:v59+s11+$0x0], $0xffff;
	[tilespmem:s1+$0xA0] =	vst v12  }
0x66f: {  	v57 =	vld.idx.msk [tilespmem:v63+s11+$0x0], $0xffff;
	[tilespmem:s1+$0xB0] =	vst v48;
	v59 =	vor.u32 v38, v7  }
0x670: {  	v58 =	vld.idx.msk [tilespmem:v49+s11+$0x0], $0xffff;
	[tilespmem:s1+$0x10] =	vst v0;
	v0 =	vor.u32 v32, v7  }
0x671: {  	[tilespmem:s1+$0x30] =	vst v1;
	v1 =	vor.u32 v34, v7  }
0x672: {  	[tilespmem:s1+$0x40] =	vst v3;
	v3 =	vor.u32 v35, v7  }
0x673: {  	[tilespmem:s1+$0x50] =	vst v5;
	v5 =	vor.u32 v36, v7  }
0x674: {  	[tilespmem:s1+$0x0] =	vst v6;
	v6 =	vor.u32 v37, v7;
	v8 =	vld.idx.msk [tilespmem:v59+s11+$0x0], $0xffff  }
0x675: {  	[tilespmem:s1+$0x20] =	vst v2;
	v2 =	vor.u32 v33, v7;
	v0 =	vld.idx.msk [tilespmem:v0+s11+$0x0], $0xffff  }
0x676: {  	[tilespmem:s1+$0xC0] =	vst v50;
	v7 =	vor.u32 v39, v7;
	v1 =	vld.idx.msk [tilespmem:v1+s11+$0x0], $0xffff  }
0x677: {  	[tilespmem:s1+$0xD0] =	vst v51;
	v3 =	vld.idx.msk [tilespmem:v3+s11+$0x0], $0xffff  }
0x678: {  	[tilespmem:s1+$0xE0] =	vst v4;
	v5 =	vld.idx.msk [tilespmem:v5+s11+$0x0], $0xffff  }
0x679: {  	[tilespmem:s1+$0x60] =	vst v57;
	v6 =	vld.idx.msk [tilespmem:v6+s11+$0x0], $0xffff  }
0x67a: {  	[tilespmem:s1+$0x70] =	vst v58;
	v2 =	vld.idx.msk [tilespmem:v2+s11+$0x0], $0xffff  }
0x67b: {  	v7 =	vld.idx.msk [tilespmem:v7+s11+$0x0], $0xffff;
	[tilespmem:s1+$0xFFFFFF60] =	vst v8  }
0x67c: {  	[tilespmem:s1+$0xFFFFFF00] =	vst v0  }
0x67d: {  	[tilespmem:s1+$0xFFFFFF20] =	vst v1  }
0x67e: {  	[tilespmem:s1+$0xFFFFFF30] =	vst v3  }
0x67f: {  	[tilespmem:s1+$0xFFFFFF40] =	vst v5  }
0x680: {  	s8 =	sadd.s32 s30, s7;
	[tilespmem:s1+$0xFFFFFF50] =	vst v6  }
0x681: {  	s0 =	sshrl.u32 s8, $0x3;
	[tilespmem:s1+$0xFFFFFF10] =	vst v2  }
0x682: {  	s9 =	sadd.s32 s2, s0;
	s24 =	sor.u32 $0x4000, s0;
	[tilespmem:s1+$0xFFFFFF70] =	vst v7;
	s1 =	simm.s32 $0x0  }
0x683: {  	[hbm4b:s9+s1] =	stream.linear.scatter [tilespmem:s13], [sflag:$0x3], $0x400, $0x38;
	[tilespmem:$0x18800] =	vst v63  }
0x684: {  	s26 =	sor.u32 $0x8000, s0;
	s6 =	sadd.s32 s2, s24  }
0x685: {  	[hbm4b:s6+s1] =	stream.linear.scatter [tilespmem:s14], [sflag:$0x3], $0x400, $0x38;
	[tilespmem:$0x18800] =	vst v63  }
0x686: {  	s0 =	sor.u32 $0xC000, s0;
	s6 =	sadd.s32 s2, s26  }
0x687: {  	[hbm4b:s6+s1] =	stream.linear.scatter [tilespmem:s15], [sflag:$0x3], $0x400, $0x38;
	[tilespmem:$0x18800] =	vst v63  }
0x688: {  	s0 =	sadd.s32 s2, s0  }
0x689: {  	[hbm4b:s0+s1] =	stream.linear.scatter [tilespmem:s16], [sflag:$0x3], $0x400, $0x38;
	[tilespmem:$0x18800] =	vst v63  }
0x68a: {  	_ =	swait.ge [sflag:s22], $0x400  }
0x68b: {  	[sflag:s22] =	ssyncset.done $0x0  }
0x68c: {  	s6 =	simm.s32 $0x1;
	[sflag:s22] =	ssyncadd.s32 $0xFFFFFC00  }
0x68d: {  	v0 =	vmov s6;
	_ =	swait.ge [sflag:s22], $0x400  }
0x68e: {  	v0 =	vand.u32 $0x1D, v0;
	[sflag:s22] =	ssyncset.done $0x0  }
0x68f: {  	v0 =	vbroadcast v0, $0x0;
	[sflag:s22] =	ssyncadd.s32 $0xFFFFFC00  }
0x690: {  	_ =	swait.ge [sflag:s22], $0x400  }
0x691: {  	v1 =	vor.u32 v40, v0;
	[sflag:s22] =	ssyncset.done $0x0  }
0x692: {  	v2 =	vor.u32 v41, v0;
	[sflag:s22] =	ssyncadd.s32 $0xFFFFFC00  }
0x693: {  	s8 =	simm.s32 $0x3;
	v3 =	vor.u32 v42, v0;
	_ =	swait.ge [sflag:s22], $0x400  }
0x694: {  	v5 =	vmov s8;
	v4 =	vor.u32 v43, v0;
	[sflag:s22] =	ssyncset.done $0x0  }
0x695: {  	v5 =	vand.u32 $0x1F, v5;
	v6 =	vor.u32 v44, v0;
	[sflag:s22] =	ssyncadd.s32 $0xFFFFFC00  }
0x696: {  	v5 =	vbroadcast v5, $0x0;
	v7 =	vor.u32 v45, v0;
	v1 =	vld.idx.msk [tilespmem:v1+s11+$0x0], $0xffff  }
0x697: {  	v60 =	vor.u32 v46, v0;
	v2 =	vld.idx.msk [tilespmem:v2+s11+$0x0], $0xffff  }
0x698: {  	v61 =	vor.u32 v40, v5;
	v3 =	vld.idx.msk [tilespmem:v3+s11+$0x0], $0xffff  }
0x699: {  	v62 =	vor.u32 v47, v5;
	v4 =	vld.idx.msk [tilespmem:v4+s11+$0x0], $0xffff  }
0x69a: {  	v63 =	vor.u32 v41, v5;
	v6 =	vld.idx.msk [tilespmem:v6+s11+$0x0], $0xffff  }
0x69b: {  	v12 =	vor.u32 v42, v5;
	v7 =	vld.idx.msk [tilespmem:v7+s11+$0x0], $0xffff  }
0x69c: {  	s9 =	simm.s32 $0x2;
	v57 =	vor.u32 v43, v5;
	v8 =	vld.idx.msk [tilespmem:v60+s11+$0x0], $0xffff  }
0x69d: {  	v59 =	vor.u32 v44, v5;
	v58 =	vmov s9;
	v48 =	vld.idx.msk [tilespmem:v61+s11+$0x0], $0xffff  }
0x69e: {  	v50 =	vand.u32 $0x1E, v58;
	v60 =	vor.u32 v45, v5;
	v10 =	vld.idx.msk [tilespmem:v62+s11+$0x0], $0xffff  }
0x69f: {  	v55 =	vbroadcast v50, $0x0;
	v52 =	vld.idx.msk [tilespmem:v63+s11+$0x0], $0xffff;
	v5 =	vor.u32 v46, v5  }
0x6a0: {  	v0 =	vor.u32 v47, v0;
	v54 =	vld.idx.msk [tilespmem:v12+s11+$0x0], $0xffff  }
0x6a1: {  	v61 =	vor.u32 v40, v55;
	v53 =	vld.idx.msk [tilespmem:v57+s11+$0x0], $0xffff  }
0x6a2: {  	v12 =	vor.u32 v41, v55;
	v50 =	vld.idx.msk [tilespmem:v59+s11+$0x0], $0xffff  }
0x6a3: {  	s6 =	simm.s32 $0x17900;
	v62 =	vor.u32 v42, v55;
	v49 =	vld.idx.msk [tilespmem:v60+s11+$0x0], $0xffff  }
0x6a4: {  	v63 =	vor.u32 v43, v55;
	v51 =	vld.idx.msk [tilespmem:v5+s11+$0x0], $0xffff;
	[tilespmem:s6+$0xF0] =	vst v10  }
0x6a5: {  	v0 =	vld.idx.msk [tilespmem:v0+s11+$0x0], $0xffff;
	v5 =	vor.u32 v44, v55;
	v60 =	vmov s1;
	[tilespmem:s6+$0xFFFFFF80] =	vst v1  }
0x6a6: {  	v1 =	vld.idx.msk [tilespmem:v61+s11+$0x0], $0xffff;
	v61 =	vor.u32 v45, v55;
	[tilespmem:s6+$0xFFFFFF90] =	vst v2;
	v10 =	vand.u32 $0x1C, v60  }
0x6a7: {  	v2 =	vld.idx.msk [tilespmem:v12+s11+$0x0], $0xffff;
	v12 =	vor.u32 v46, v55;
	[tilespmem:s6+$0xFFFFFFA0] =	vst v3;
	v10 =	vbroadcast v10, $0x0  }
0x6a8: {  	v3 =	vld.idx.msk [tilespmem:v62+s11+$0x0], $0xffff;
	v62 =	vor.u32 v47, v55;
	[tilespmem:s6+$0xFFFFFFB0] =	vst v4  }
0x6a9: {  	v4 =	vld.idx.msk [tilespmem:v63+s11+$0x0], $0xffff;
	[tilespmem:s6+$0xFFFFFFC0] =	vst v6;
	v63 =	vor.u32 v40, v10  }
0x6aa: {  	[tilespmem:s6+$0xFFFFFFD0] =	vst v7;
	v6 =	vor.u32 v41, v10;
	v5 =	vld.idx.msk [tilespmem:v5+s11+$0x0], $0xffff  }
0x6ab: {  	[tilespmem:s6+$0xFFFFFFE0] =	vst v8;
	v11 =	vor.u32 v42, v10;
	v7 =	vld.idx.msk [tilespmem:v61+s11+$0x0], $0xffff  }
0x6ac: {  	s24 =	simm.s32 $0x5;
	[tilespmem:s6+$0xFFFFFFF0] =	vst v0;
	v0 =	vor.u32 v44, v10;
	v8 =	vld.idx.msk [tilespmem:v12+s11+$0x0], $0xffff  }
0x6ad: {  	v12 =	vor.u32 v43, v10;
	v9 =	vld.idx.msk [tilespmem:v62+s11+$0x0], $0xffff;
	[tilespmem:s6+$0x10] =	vst v2;
	v2 =	vmov s24  }
0x6ae: {  	[tilespmem:s6+$0x0] =	vst v1;
	v1 =	vor.u32 v45, v10;
	v2 =	vand.u32 $0x1D, v2;
	v59 =	vld.idx.msk [tilespmem:v63+s11+$0x0], $0xffff  }
0x6af: {  	[tilespmem:s6+$0x20] =	vst v3;
	v55 =	vbroadcast v2, $0x0;
	v60 =	vld.idx.msk [tilespmem:v6+s11+$0x0], $0xffff;
	v6 =	vor.u32 v46, v10  }
0x6b0: {  	[tilespmem:s6+$0x30] =	vst v4;
	v3 =	vor.u32 v47, v10;
	v58 =	vld.idx.msk [tilespmem:v11+s11+$0x0], $0xffff  }
0x6b1: {  	v57 =	vld.idx.msk [tilespmem:v0+s11+$0x0], $0xffff;
	v63 =	vor.u32 v40, v55;
	[tilespmem:s6+$0x40] =	vst v5  }
0x6b2: {  	v0 =	vor.u32 v41, v55;
	v56 =	vld.idx.msk [tilespmem:v12+s11+$0x0], $0xffff;
	[tilespmem:s6+$0x50] =	vst v7  }
0x6b3: {  	s26 =	simm.s32 $0x7;
	v2 =	vor.u32 v42, v55;
	v61 =	vld.idx.msk [tilespmem:v1+s11+$0x0], $0xffff;
	[tilespmem:s6+$0x60] =	vst v8  }
0x6b4: {  	s8 =	simm.s32 $0x4;
	s1 =	simm.s32 $0x8;
	v4 =	vmov s26;
	v1 =	vor.u32 v43, v55;
	[tilespmem:s6+$0x70] =	vst v9;
	v62 =	vld.idx.msk [tilespmem:v6+s11+$0x0], $0xffff  }
.LBB2_24:
0x6b5: {  	p0 =	slt.u32 s1, $0x1C;
	v5 =	vor.u32 v44, v55;
	v4 =	vand.u32 $0x1F, v4;
	v3 =	vld.idx.msk [tilespmem:v3+s11+$0x0], $0xffff;
	[tilespmem:s6+$0x80] =	vst v48  }
0x6b6: {  	v7 =	vor.u32 v45, v55;
	v6 =	vld.idx.msk [tilespmem:v63+s11+$0x0], $0xffff;
	v4 =	vbroadcast v4, $0x0;
	[tilespmem:s6+$0x90] =	vst v52  }
0x6b7: {  	v8 =	vor.u32 v46, v55;
	v0 =	vld.idx.msk [tilespmem:v0+s11+$0x0], $0xffff;
	[tilespmem:s6+$0xA0] =	vst v54  }
0x6b8: {  	v2 =	vld.idx.msk [tilespmem:v2+s11+$0x0], $0xffff;
	v9 =	vor.u32 v40, v4;
	[tilespmem:s6+$0xB0] =	vst v53  }
0x6b9: {  	v10 =	vor.u32 v47, v4;
	v1 =	vld.idx.msk [tilespmem:v1+s11+$0x0], $0xffff;
	[tilespmem:s6+$0xC0] =	vst v50  }
0x6ba: {  	v11 =	vor.u32 v41, v4;
	v5 =	vld.idx.msk [tilespmem:v5+s11+$0x0], $0xffff;
	[tilespmem:s6+$0xD0] =	vst v49  }
0x6bb: {  	v12 =	vor.u32 v42, v4;
	v7 =	vld.idx.msk [tilespmem:v7+s11+$0x0], $0xffff;
	[tilespmem:s6+$0xE0] =	vst v51  }
0x6bc: {  	s0 =	sadd.s32 $0x2, s8;
	v49 =	vor.u32 v43, v4;
	v8 =	vld.idx.msk [tilespmem:v8+s11+$0x0], $0xffff;
	[tilespmem:s6+$0xFFFFFF00] =	vst v59  }
0x6bd: {  	v50 =	vmov s0;
	v48 =	vld.idx.msk [tilespmem:v9+s11+$0x0], $0xffff;
	v9 =	vor.u32 v44, v4;
	[tilespmem:s6+$0xFFFFFF10] =	vst v60  }
0x6be: {  	v50 =	vand.u32 $0x1E, v50;
	v51 =	vor.u32 v45, v4;
	v10 =	vld.idx.msk [tilespmem:v10+s11+$0x0], $0xffff;
	[tilespmem:s6+$0xFFFFFF20] =	vst v58  }
0x6bf: {  	v4 =	vor.u32 v46, v4;
	v58 =	vbroadcast v50, $0x0;
	v52 =	vld.idx.msk [tilespmem:v11+s11+$0x0], $0xffff;
	[tilespmem:s6+$0xFFFFFF30] =	vst v56  }
0x6c0: {  	v11 =	vor.u32 v47, v55;
	v54 =	vld.idx.msk [tilespmem:v12+s11+$0x0], $0xffff;
	[tilespmem:s6+$0xFFFFFF40] =	vst v57  }
0x6c1: {  	v12 =	vor.u32 v40, v58;
	v53 =	vld.idx.msk [tilespmem:v49+s11+$0x0], $0xffff;
	[tilespmem:s6+$0xFFFFFF50] =	vst v61  }
0x6c2: {  	v55 =	vor.u32 v41, v58;
	v50 =	vld.idx.msk [tilespmem:v9+s11+$0x0], $0xffff;
	[tilespmem:s6+$0xFFFFFF60] =	vst v62  }
0x6c3: {  	v9 =	vor.u32 v42, v58;
	v49 =	vld.idx.msk [tilespmem:v51+s11+$0x0], $0xffff;
	[tilespmem:s6+$0xFFFFFF70] =	vst v3;
	s6 =	sadd.s32 $0x200, s6  }
0x6c4: {  	v3 =	vor.u32 v43, v58;
	v51 =	vld.idx.msk [tilespmem:v4+s11+$0x0], $0xffff;
	[tilespmem:s6+$0xF0] =	vst v10  }
0x6c5: {  	v4 =	vmov s8;
	s8 =	smov.u32 s1;
	v10 =	vld.idx.msk [tilespmem:v11+s11+$0x0], $0xffff;
	[tilespmem:s6+$0xFFFFFF80] =	vst v6;
	v6 =	vor.u32 v44, v58  }
0x6c6: {  	v4 =	vand.u32 $0x1C, v4;
	v11 =	vor.u32 v45, v58;
	[tilespmem:s6+$0xFFFFFF90] =	vst v0;
	v0 =	vld.idx.msk [tilespmem:v12+s11+$0x0], $0xffff  }
0x6c7: {  	v4 =	vbroadcast v4, $0x0;
	v12 =	vor.u32 v46, v58;
	[tilespmem:s6+$0xFFFFFFA0] =	vst v2;
	v2 =	vld.idx.msk [tilespmem:v55+s11+$0x0], $0xffff  }
0x6c8: {  	[tilespmem:s6+$0xFFFFFFB0] =	vst v1;
	v1 =	vld.idx.msk [tilespmem:v9+s11+$0x0], $0xffff;
	v9 =	vor.u32 v47, v58  }
0x6c9: {  	v55 =	vor.u32 v40, v4;
	[tilespmem:s6+$0xFFFFFFC0] =	vst v5;
	v5 =	vld.idx.msk [tilespmem:v3+s11+$0x0], $0xffff  }
0x6ca: {  	v3 =	vor.u32 v41, v4;
	[tilespmem:s6+$0xFFFFFFD0] =	vst v7;
	v6 =	vld.idx.msk [tilespmem:v6+s11+$0x0], $0xffff  }
0x6cb: {  	v7 =	vor.u32 v42, v4;
	[tilespmem:s6+$0xFFFFFFE0] =	vst v8;
	v8 =	vld.idx.msk [tilespmem:v11+s11+$0x0], $0xffff  }
0x6cc: {  	s0 =	sadd.s32 $0x1, s1;
	v11 =	vor.u32 v43, v4;
	[tilespmem:s6+$0xFFFFFFF0] =	vst v10;
	v10 =	vld.idx.msk [tilespmem:v12+s11+$0x0], $0xffff  }
0x6cd: {  	v57 =	vor.u32 v44, v4;
	v12 =	vmov s0;
	v9 =	vld.idx.msk [tilespmem:v9+s11+$0x0], $0xffff;
	[tilespmem:s6+$0x0] =	vst v0  }
0x6ce: {  	v0 =	vand.u32 $0x1D, v12;
	v12 =	vor.u32 v45, v4;
	v59 =	vld.idx.msk [tilespmem:v55+s11+$0x0], $0xffff;
	[tilespmem:s6+$0x10] =	vst v2  }
0x6cf: {  	v62 =	vor.u32 v46, v4;
	v55 =	vbroadcast v0, $0x0;
	v60 =	vld.idx.msk [tilespmem:v3+s11+$0x0], $0xffff;
	[tilespmem:s6+$0x20] =	vst v1  }
.Ltmp10:
0x6d0: {  	v3 =	vor.u32 v47, v4;
	v58 =	vld.idx.msk [tilespmem:v7+s11+$0x0], $0xffff;
	[tilespmem:s6+$0x30] =	vst v5;
	(pc) =	sbr.rel @p0 .LBB2_24-.Ltmp10, $4  }
0x6d1: {  	v63 =	vor.u32 v40, v55;
	v56 =	vld.idx.msk [tilespmem:v11+s11+$0x0], $0xffff;
	[tilespmem:s6+$0x40] =	vst v6  }
0x6d2: {  	v0 =	vor.u32 v41, v55;
	v57 =	vld.idx.msk [tilespmem:v57+s11+$0x0], $0xffff;
	[tilespmem:s6+$0x50] =	vst v8  }
0x6d3: {  	s0 =	sadd.s32 $0x3, s1;
	v2 =	vor.u32 v42, v55;
	v61 =	vld.idx.msk [tilespmem:v12+s11+$0x0], $0xffff;
	[tilespmem:s6+$0x60] =	vst v10  }
0x6d4: {  	s1 =	sadd.s32 $0x4, s1;
	v4 =	vmov s0;
	v1 =	vor.u32 v43, v55;
	v62 =	vld.idx.msk [tilespmem:v62+s11+$0x0], $0xffff;
	[tilespmem:s6+$0x70] =	vst v9  }
0x6d5: {  	_ =	sdelay $0x3  }
0x6d6: {  	v5 =	vor.u32 v44, v55;
	v4 =	vand.u32 $0x1F, v4;
	v3 =	vld.idx.msk [tilespmem:v3+s11+$0x0], $0xffff;
	[tilespmem:s6+$0x80] =	vst v48  }
0x6d7: {  	v6 =	vld.idx.msk [tilespmem:v63+s11+$0x0], $0xffff;
	v7 =	vor.u32 v45, v55;
	[tilespmem:s6+$0x90] =	vst v52;
	v4 =	vbroadcast v4, $0x0  }
0x6d8: {  	v0 =	vld.idx.msk [tilespmem:v0+s11+$0x0], $0xffff;
	v8 =	vor.u32 v46, v55;
	[tilespmem:s6+$0xA0] =	vst v54  }
0x6d9: {  	v2 =	vld.idx.msk [tilespmem:v2+s11+$0x0], $0xffff;
	[tilespmem:s6+$0xB0] =	vst v53;
	v9 =	vor.u32 v40, v4  }
0x6da: {  	v1 =	vld.idx.msk [tilespmem:v1+s11+$0x0], $0xffff;
	[tilespmem:s6+$0xC0] =	vst v50;
	v10 =	vor.u32 v47, v4  }
0x6db: {  	[tilespmem:s6+$0xD0] =	vst v49;
	v11 =	vor.u32 v41, v4;
	v5 =	vld.idx.msk [tilespmem:v5+s11+$0x0], $0xffff  }
0x6dc: {  	[tilespmem:s6+$0xE0] =	vst v51;
	v12 =	vor.u32 v42, v4;
	v7 =	vld.idx.msk [tilespmem:v7+s11+$0x0], $0xffff  }
0x6dd: {  	[tilespmem:s6+$0xFFFFFF00] =	vst v59;
	v48 =	vor.u32 v43, v4;
	v8 =	vld.idx.msk [tilespmem:v8+s11+$0x0], $0xffff  }
0x6de: {  	[tilespmem:s6+$0xFFFFFF10] =	vst v60;
	v50 =	vor.u32 v44, v4;
	v9 =	vld.idx.msk [tilespmem:v9+s11+$0x0], $0xffff  }
0x6df: {  	s0 =	sadd.s32 $0x2, s8;
	[tilespmem:s6+$0xFFFFFF20] =	vst v58;
	v63 =	vor.u32 v45, v4;
	v10 =	vld.idx.msk [tilespmem:v10+s11+$0x0], $0xffff  }
0x6e0: {  	v59 =	vmov s0;
	[tilespmem:s6+$0xFFFFFF30] =	vst v56;
	v4 =	vor.u32 v46, v4;
	v11 =	vld.idx.msk [tilespmem:v11+s11+$0x0], $0xffff  }
0x6e1: {  	v49 =	vand.u32 $0x1E, v59;
	v59 =	vor.u32 v47, v55;
	[tilespmem:s6+$0xFFFFFF40] =	vst v57;
	v12 =	vld.idx.msk [tilespmem:v12+s11+$0x0], $0xffff  }
0x6e2: {  	[tilespmem:s6+$0xFFFFFF50] =	vst v61;
	v48 =	vld.idx.msk [tilespmem:v48+s11+$0x0], $0xffff  }
0x6e3: {  	v49 =	vbroadcast v49, $0x0;
	[tilespmem:s6+$0xFFFFFF60] =	vst v62;
	v50 =	vld.idx.msk [tilespmem:v50+s11+$0x0], $0xffff  }
0x6e4: {  	s1 =	sadd.s32 $0x200, s6;
	[tilespmem:s6+$0xFFFFFF70] =	vst v3;
	v51 =	vld.idx.msk [tilespmem:v63+s11+$0x0], $0xffff  }
0x6e5: {  	v60 =	vor.u32 v40, v49;
	v4 =	vld.idx.msk [tilespmem:v4+s11+$0x0], $0xffff;
	[tilespmem:s1+$0xF0] =	vst v10  }
0x6e6: {  	v61 =	vor.u32 v41, v49;
	v10 =	vld.idx.msk [tilespmem:v59+s11+$0x0], $0xffff;
	[tilespmem:s1+$0xFFFFFF80] =	vst v6  }
0x6e7: {  	[tilespmem:s1+$0xFFFFFF90] =	vst v0  }
0x6e8: {  	v57 =	vor.u32 v44, v49;
	[tilespmem:s1+$0xFFFFFFA0] =	vst v2  }
0x6e9: {  	v62 =	vor.u32 v42, v49;
	[tilespmem:s1+$0xFFFFFFB0] =	vst v1  }
0x6ea: {  	v63 =	vor.u32 v43, v49;
	v58 =	vld.idx.msk [tilespmem:v60+s11+$0x0], $0xffff;
	[tilespmem:s1+$0xFFFFFFC0] =	vst v5  }
0x6eb: {  	v60 =	vld.idx.msk [tilespmem:v61+s11+$0x0], $0xffff;
	v61 =	vor.u32 v46, v49;
	[tilespmem:s1+$0xFFFFFFD0] =	vst v7  }
0x6ec: {  	v59 =	vor.u32 v45, v49;
	[tilespmem:s1+$0xFFFFFFE0] =	vst v8  }
0x6ed: {  	v55 =	vld.idx.msk [tilespmem:v57+s11+$0x0], $0xffff;
	v57 =	vmov s8;
	v49 =	vor.u32 v47, v49;
	[tilespmem:s1+$0x80] =	vst v9  }
0x6ee: {  	v62 =	vld.idx.msk [tilespmem:v62+s11+$0x0], $0xffff;
	v7 =	vand.u32 $0x1C, v57;
	[tilespmem:s1+$0x90] =	vst v11  }
0x6ef: {  	v63 =	vld.idx.msk [tilespmem:v63+s11+$0x0], $0xffff;
	[tilespmem:s1+$0xA0] =	vst v12;
	v7 =	vbroadcast v7, $0x0  }
0x6f0: {  	[tilespmem:s1+$0xB0] =	vst v48;
	v8 =	vld.idx.msk [tilespmem:v61+s11+$0x0], $0xffff  }
0x6f1: {  	v61 =	vor.u32 v43, v7;
	v56 =	vld.idx.msk [tilespmem:v59+s11+$0x0], $0xffff;
	[tilespmem:s1+$0xFFFFFFF0] =	vst v10  }
0x6f2: {  	v10 =	vld.idx.msk [tilespmem:v49+s11+$0x0], $0xffff;
	[tilespmem:s1+$0x0] =	vst v58;
	v58 =	vor.u32 v40, v7  }
0x6f3: {  	[tilespmem:s1+$0xC0] =	vst v50;
	v59 =	vor.u32 v41, v7  }
0x6f4: {  	[tilespmem:s1+$0x10] =	vst v60;
	v60 =	vor.u32 v42, v7  }
0x6f5: {  	[tilespmem:s1+$0x20] =	vst v62;
	v62 =	vor.u32 v44, v7  }
0x6f6: {  	[tilespmem:s1+$0x30] =	vst v63;
	v63 =	vor.u32 v45, v7;
	v3 =	vld.idx.msk [tilespmem:v61+s11+$0x0], $0xffff  }
0x6f7: {  	[tilespmem:s1+$0x60] =	vst v8;
	v8 =	vor.u32 v46, v7;
	v0 =	vld.idx.msk [tilespmem:v58+s11+$0x0], $0xffff  }
0x6f8: {  	[tilespmem:s1+$0xD0] =	vst v51;
	v7 =	vor.u32 v47, v7;
	v2 =	vld.idx.msk [tilespmem:v59+s11+$0x0], $0xffff  }
0x6f9: {  	[tilespmem:s1+$0xE0] =	vst v4;
	v1 =	vld.idx.msk [tilespmem:v60+s11+$0x0], $0xffff  }
0x6fa: {  	[tilespmem:s1+$0x40] =	vst v55;
	v5 =	vld.idx.msk [tilespmem:v62+s11+$0x0], $0xffff  }
0x6fb: {  	[tilespmem:s1+$0x50] =	vst v56;
	v6 =	vld.idx.msk [tilespmem:v63+s11+$0x0], $0xffff  }
0x6fc: {  	[tilespmem:s1+$0x70] =	vst v10;
	v8 =	vld.idx.msk [tilespmem:v8+s11+$0x0], $0xffff  }
0x6fd: {  	v7 =	vld.idx.msk [tilespmem:v7+s11+$0x0], $0xffff;
	[tilespmem:s1+$0xFFFFFF30] =	vst v3  }
0x6fe: {  	[tilespmem:s1+$0xFFFFFF00] =	vst v0  }
0x6ff: {  	[tilespmem:s1+$0xFFFFFF10] =	vst v2  }
0x700: {  	[tilespmem:s1+$0xFFFFFF20] =	vst v1  }
0x701: {  	[tilespmem:s1+$0xFFFFFF40] =	vst v5  }
0x702: {  	s8 =	sadd.s32 s31, s7;
	[tilespmem:s1+$0xFFFFFF50] =	vst v6  }
0x703: {  	s0 =	sshrl.u32 s8, $0x3;
	[tilespmem:s1+$0xFFFFFF60] =	vst v8  }
0x704: {  	s5 =	sadd.s32 $0x1, s5;
	s9 =	sadd.s32 s2, s0;
	s24 =	sor.u32 $0x4000, s0;
	[tilespmem:s1+$0xFFFFFF70] =	vst v7  }
0x705: {  	[hbm4b:s9+s3] =	stream.linear.scatter [tilespmem:s17], [sflag:$0x4], $0x400, $0x38;
	[tilespmem:$0x18800] =	vst v63  }
0x706: {  	p0 =	sne.s32 s5, $0x5;
	s1 =	sadd.s32 s2, s24  }
0x707: {  	[hbm4b:s1+s3] =	stream.linear.scatter [tilespmem:s18], [sflag:$0x4], $0x400, $0x38;
	[tilespmem:$0x18800] =	vst v63  }
.Ltmp11:
0x708: {  	s26 =	sor.u32 $0x8000, s0;
	(pc) =	sbr.rel @p0 .LBB2_5-.Ltmp11, $4  }
0x709: {  	s0 =	sor.u32 $0xC000, s0;
	s1 =	sadd.s32 s2, s26  }
0x70a: {  	v13 =	vld [tilespmem:$0x1FF60];
	[hbm4b:s1+s3] =	stream.linear.scatter [tilespmem:s19], [sflag:$0x4], $0x400, $0x38  }
0x70b: {  	s0 =	sadd.s32 s2, s0;
	v14 =	vld [tilespmem:$0x1FF90]  }
0x70c: {  	v9 =	vld [tilespmem:$0x1FF00];
	[hbm4b:s0+s3] =	stream.linear.scatter [tilespmem:s20], [sflag:$0x4], $0x400, $0x38  }
0x70d: {  	_ =	swait.ge [sflag:s21], $0x400  }
0x70e: {  	[sflag:s21] =	ssyncset.done $0x0  }
0x70f: {  	[sflag:s21] =	ssyncadd.s32 $0xFFFFFC00  }
0x710: {  	_ =	swait.ge [sflag:s21], $0x400  }
0x711: {  	[sflag:s21] =	ssyncset.done $0x0  }
0x712: {  	[sflag:s21] =	ssyncadd.s32 $0xFFFFFC00  }
0x713: {  	_ =	swait.ge [sflag:s21], $0x400  }
0x714: {  	[sflag:s21] =	ssyncset.done $0x0  }
0x715: {  	[sflag:s21] =	ssyncadd.s32 $0xFFFFFC00  }
0x716: {  	_ =	swait.ge [sflag:s21], $0x400  }
0x717: {  	[sflag:s21] =	ssyncset.done $0x0  }
0x718: {  	[sflag:s21] =	ssyncadd.s32 $0xFFFFFC00  }
0x719: {  	_ =	swait.ge [sflag:s22], $0x400  }
0x71a: {  	[sflag:s22] =	ssyncset.done $0x0  }
0x71b: {  	[sflag:s22] =	ssyncadd.s32 $0xFFFFFC00  }
0x71c: {  	_ =	swait.ge [sflag:s22], $0x400  }
0x71d: {  	[sflag:s22] =	ssyncset.done $0x0  }
0x71e: {  	s25 =	sadd.s32 $0x1, s25;
	[sflag:s22] =	ssyncadd.s32 $0xFFFFFC00  }
0x71f: {  	p0 =	sne.s32 s25, $0x4;
	_ =	swait.ge [sflag:s22], $0x400  }
.Ltmp12:
0x720: {  	[sflag:s22] =	ssyncset.done $0x0;
	(pc) =	sbr.rel @p0 .LBB2_4-.Ltmp12, $4  }
0x721: {  	[sflag:s22] =	ssyncadd.s32 $0xFFFFFC00  }
0x722: {  	_ =	swait.ge [sflag:s22], $0x400  }
0x723: {  	[sflag:s22] =	ssyncset.done $0x0  }
0x724: {  	[sflag:s22] =	ssyncadd.s32 $0xFFFFFC00  }
0x725: {  	s1 =	rddreg [dreg:$0x6]  }
0x726: {  	s0 =	rddreg [dreg:$0x5];
	s1 =	sadd.s32 $0x1, s1  }
0x727: {  	p0 =	sne.s32 s1, s0  }
.Ltmp13:
0x728: {  	_ = 	snop;
	(pc) =	sbr.rel @p0 .LBB2_1-.Ltmp13, $4  }
0x729: {  	_ = 	snop  }
0x72a: {  	v4 =	vld [tilespmem:$0x1FF50]  }
0x72b: {  	v12 =	vld [tilespmem:$0x1FF70]  }
0x72c: {  	v8 =	vld [tilespmem:$0x1FF80]  }
0x72d: {  	_ =	sfence.sel $0x180000  }
0x72e: {  	[bflag:$0x0] =	sbarrier.arrive $0xFFFF  }
0x72f: {  	_ =	strace $0x90000047  }
0x730: {  	s0 =	stileid.u32;
	[bflag:$0x2] =	sbarrier.arrive $0xFFFF  }
0x731: {  	p0 =	sne.s32 s0, $0x0;
	s0 =	rddreg [dreg:$0x2]  }
0x732: {  	s0 =	sadd.s32 @!p0 $0x100000, s0  }
0x733: {  	[sflag:s0] =	ssyncadd.tile.s32 @!p0 $0x1;
	_ =	shalt  }
.Lfunc_end2:
_tile_overlayer_lowered:
.L_overlay_start_2:
0x734: {  	(tag) =	ssettag $0x2  }
0x735: {  	s0 =	rddreg [dreg:$0x0];
	s2 =	stileid.u32  }
0x736: {  	s1 =	rddreg [dreg:$0x1];
	p0 =	sne.s32 s2, $0x0  }
0x737: {  	s3 =	rddreg [dreg:$0x2];
	[bflag:$0x3] =	sbarrier.arrive $0xFFFF;
	s2 =	simm.s32 @!p0 $0x1C05  }
0x738: {  	[timem:s3], [sflag:s2] =	dma.local @!p0 [hbm:s0], s1  }
0x739: {  	s0 =	simm.s32 @!p0 $0x5  }
0x73a: {  	_ =	swait.ge @!p0 [sflag:s0], s1  }
0x73b: {  	s1 =	ssub.s32 @!p0 $0x0, s1;
	[sflag:s0] =	ssyncset.done @!p0 $0x0  }
0x73c: {  	[sflag:s0] =	ssyncadd.s32 @!p0 s1  }
0x73d: {  	[bflag:$0x3] =	sbarrier.arrive $0xFFFF  }
0x73e: {  	_ =	shalt  }

</sc_bundles>
